<compile_context>
chip_gen: v7x
topology: tpu7x:2x2x1
jax: 0.10.2.dev20260603
libtpu: 0.0.44.dev20260713+nightly
codegen_flags: <defaults>
</compile_context>

<pallas_src>
import functools

import jax
import jax.numpy as jnp
from jax import lax
from jax.experimental import pallas as pl
from jax.experimental.pallas import tpu as pltpu
from jax.experimental.pallas import tpu_sc as plsc

VOCAB = 1000000
SEG = 64
DIM = 64
B, S = 1024, 200
N = B * S
NC, NS, L = 2, 16, 16
NW = NC * NS
TOK_PER_W = N // NW
CHUNK = 128
NCHUNK = TOK_PER_W // CHUNK
CW = 2 * DIM


def _sc_kernel(word_hbm, cidx_hbm, w_hbm, c_hbm, out_hbm,
               widx_all, cidx_all,
               crows0, crows1, crows2, obuf0, obuf1, obuf2,
               sem_c0, sem_c1, sem_c2, sem_g0, sem_g1, sem_g2,
               sem_o0, sem_o1, sem_o2):
    wid = lax.axis_index("s") * NC + lax.axis_index("c")
    base = wid * TOK_PER_W

    crows = (crows0, crows1, crows2)
    obuf = (obuf0, obuf1, obuf2)
    sem_c = (sem_c0, sem_c1, sem_c2)
    sem_g = (sem_g0, sem_g1, sem_g2)
    sem_o = (sem_o0, sem_o1, sem_o2)

    pltpu.sync_copy(word_hbm.at[pl.ds(base, TOK_PER_W)], widx_all)
    pltpu.sync_copy(cidx_hbm.at[pl.ds(base, TOK_PER_W)], cidx_all)

    def prefetch(k, b):
        pltpu.async_copy(c_hbm.at[cidx_all.at[pl.ds(k * CHUNK, CHUNK)]],
                         crows[b], sem_c[b])

        def fire(t16, c2):
            v = widx_all[pl.ds(k * CHUNK + t16 * L, L)]
            for j in range(L):
                pltpu.async_copy(w_hbm.at[v[j]], obuf[b].at[t16 * L + j],
                                 sem_g[b])
            return c2
        lax.fori_loop(0, CHUNK // L, fire, 0)

    def drain_gather(b):
        pltpu.make_async_copy(w_hbm.at[pl.ds(0, CHUNK)], obuf[b],
                              sem_g[b]).wait()
        pltpu.make_async_copy(c_hbm.at[pl.ds(0, CHUNK)], crows[b],
                              sem_c[b]).wait()

    def compute(b):
        def tok_body(t, c2):
            for c in range(DIM // L):
                sl = pl.ds(c * L, L)
                plsc.addupdate(obuf[b].at[t, sl], crows[b][t, sl])
            return c2
        lax.fori_loop(0, CHUNK, tok_body, 0, unroll=4)

    def store(k, b):
        pltpu.async_copy(obuf[b], out_hbm.at[pl.ds(base + k * CHUNK, CHUNK)],
                         sem_o[b])

    def wait_store(b):
        pltpu.make_async_copy(out_hbm.at[pl.ds(0, CHUNK)], obuf[b],
                              sem_o[b]).wait()

    prefetch(0, 0)
    prefetch(1, 1)

    def chunk_body(k, carry):
        b = lax.rem(k, 3)
        for p in range(3):
            pn = (p + 2) % 3

            @pl.when((b == p) & (k + 2 < NCHUNK))
            def _():
                @pl.when(k >= 1)
                def _():
                    wait_store(pn)
                prefetch(k + 2, pn)

        for p in range(3):
            @pl.when(b == p)
            def _():
                drain_gather(p)
                compute(p)
                store(k, p)
        return carry

    lax.fori_loop(0, NCHUNK, chunk_body, 0)
    wait_store(0)
    wait_store(1)
    wait_store(2)


@jax.jit
def _run(word_flat, cidx_flat, W, Cpad):
    mesh = plsc.VectorSubcoreMesh(core_axis_name="c", subcore_axis_name="s")
    f = functools.partial(
        pl.kernel,
        mesh=mesh,
        compiler_params=pltpu.CompilerParams(use_tc_tiling_on_sc=True),
        out_type=jax.ShapeDtypeStruct((N, DIM), jnp.float32),
        scratch_types=[
            pltpu.VMEM((TOK_PER_W,), jnp.int32),
            pltpu.VMEM((TOK_PER_W,), jnp.int32),
            pltpu.VMEM((CHUNK, CW), jnp.float32),
            pltpu.VMEM((CHUNK, CW), jnp.float32),
            pltpu.VMEM((CHUNK, CW), jnp.float32),
            pltpu.VMEM((CHUNK, DIM), jnp.float32),
            pltpu.VMEM((CHUNK, DIM), jnp.float32),
            pltpu.VMEM((CHUNK, DIM), jnp.float32),
            pltpu.SemaphoreType.DMA,
            pltpu.SemaphoreType.DMA,
            pltpu.SemaphoreType.DMA,
            pltpu.SemaphoreType.DMA,
            pltpu.SemaphoreType.DMA,
            pltpu.SemaphoreType.DMA,
            pltpu.SemaphoreType.DMA,
            pltpu.SemaphoreType.DMA,
            pltpu.SemaphoreType.DMA,
        ],
    )(_sc_kernel)
    return f(word_flat, cidx_flat, W, Cpad)


def kernel(word_ids, mask_ids, W, P, Sg):
    word_flat = word_ids.reshape(-1).astype(jnp.int32)
    mask_flat = mask_ids.reshape(-1).astype(jnp.int32)
    pos_flat = jnp.broadcast_to(jnp.arange(S, dtype=jnp.int32),
                                (B, S)).reshape(-1)
    cidx_flat = mask_flat * S + pos_flat
    C = (Sg[:, None, :] + P[None, :S, :]).reshape(SEG * S, DIM)
    Cpad = jnp.pad(C, ((0, 0), (0, CW - DIM)))
    out = _run(word_flat, cidx_flat, W, Cpad)
    return out.reshape(B, S, DIM)

# --- scband reference (transcript-rebuilt; emitter-appended) ---
"""Pipeline reference for scband-multi-embedding-79121887527031 (READ-ONLY COPY).

The authoritative reference and input builder live on the scoring server;
editing this copy changes nothing except your own understanding.
"""

import jax, jax.numpy as jnp
import numpy as np

VOCAB = 1000000
POS = 1024
SEG = 64
DIM = 64
B, S = 1024, 200

def setup_inputs(seed: int = 0) -> dict:
    key = jax.random.key(seed)
    k1, k2, k3, k4, k5 = jax.random.split(key, 5)
    word_ids = jax.random.randint(k1, (B, S), 0, VOCAB, dtype=jnp.int64) if jax.config.jax_enable_x64 else jax.random.randint(k1, (B, S), 0, VOCAB).astype(jnp.int32)
    mask_ids = jax.random.randint(k2, (B, S), 0, SEG).astype(word_ids.dtype)
    W = jax.random.normal(k3, (VOCAB, DIM), dtype=jnp.float32)
    P = jax.random.normal(k4, (POS, DIM), dtype=jnp.float32)
    Sg = jax.random.normal(k5, (SEG, DIM), dtype=jnp.float32)
    return {"word_ids": word_ids, "mask_ids": mask_ids, "W": W, "P": P, "Sg": Sg}

def reference(word_ids, mask_ids, W, P, Sg):
    seq_len = word_ids.shape[1]
    word_embd = jnp.take(W, word_ids, axis=0)
    pos_ids = jnp.broadcast_to(jnp.arange(seq_len), word_ids.shape)
    pos_embd = jnp.take(P, pos_ids, axis=0)
    mask_embd = jnp.take(Sg, mask_ids, axis=0)
    embd = word_embd + mask_embd + pos_embd
    # dropout treated as identity (eval/deterministic mode)
    return embd

if __name__ == "__main__":
    import jax
    _d = setup_inputs()
    print(jax.jit(kernel)(*tuple(_d.values())))

</pallas_src>

<mosaic_0001>
#map = affine_map<(d0, d1) -> (0)>
#map1 = affine_map<(d0, d1) -> (0, 0)>
module attributes {stable_mosaic.version = 14 : i64} {
  func.func @_sc_kernel(%arg0: i32, %arg1: i32, %arg2: memref<204800xi32, #tpu.memory_space<hbm>>, %arg3: memref<204800xi32, #tpu.memory_space<hbm>>, %arg4: memref<1000000x64xf32, #tpu.memory_space<hbm>>, %arg5: memref<12800x128xf32, #tpu.memory_space<hbm>>, %arg6: memref<204800x64xf32, #tpu.memory_space<hbm>>, %arg7: memref<6400xi32, #tpu.memory_space<vmem>>, %arg8: memref<6400xi32, #tpu.memory_space<vmem>>, %arg9: memref<128x128xf32, #tpu.memory_space<vmem>>, %arg10: memref<128x128xf32, #tpu.memory_space<vmem>>, %arg11: memref<128x128xf32, #tpu.memory_space<vmem>>, %arg12: memref<128x64xf32, #tpu.memory_space<vmem>>, %arg13: memref<128x64xf32, #tpu.memory_space<vmem>>, %arg14: memref<128x64xf32, #tpu.memory_space<vmem>>, %arg15: memref<!tpu.dma_semaphore, #tpu.memory_space<semaphore_mem>>, %arg16: memref<!tpu.dma_semaphore, #tpu.memory_space<semaphore_mem>>, %arg17: memref<!tpu.dma_semaphore, #tpu.memory_space<semaphore_mem>>, %arg18: memref<!tpu.dma_semaphore, #tpu.memory_space<semaphore_mem>>, %arg19: memref<!tpu.dma_semaphore, #tpu.memory_space<semaphore_mem>>, %arg20: memref<!tpu.dma_semaphore, #tpu.memory_space<semaphore_mem>>, %arg21: memref<!tpu.dma_semaphore, #tpu.memory_space<semaphore_mem>>, %arg22: memref<!tpu.dma_semaphore, #tpu.memory_space<semaphore_mem>>, %arg23: memref<!tpu.dma_semaphore, #tpu.memory_space<semaphore_mem>>) attributes {dimension_semantics = [#tpu.dimension_semantics<core_parallel>, #tpu.dimension_semantics<subcore_parallel>], iteration_bounds = array<i64: 2, 16>, scalar_prefetch = 0 : i64, scratch_operands = 17 : i64, tpu.core_type = #tpu.core_type<sc_vector_subcore>, window_params = [{transform_indices = #map}, {transform_indices = #map}, {transform_indices = #map1}, {transform_indices = #map1}, {transform_indices = #map1}]} {
    %mul3A = arith.constant 2 : i32
    %mul3A_0 = arith.muli %arg1, %mul3A : i32
    %add3A = arith.addi %mul3A_0, %arg0 : i32
    %mul3A_1 = arith.constant 6400 : i32
    %mul3A_2 = arith.muli %add3A, %mul3A_1 : i32
    "tpu.region"() ({
      %run_scoped3A = tpu.sem_alloc : memref<!tpu.dma_semaphore, #tpu.memory_space<semaphore_mem>>
      %dma_start3A_46 = tpu.memref_slice %arg2[%mul3A_2] : memref<204800xi32, #tpu.memory_space<hbm>> -> memref<6400xi32, #tpu.memory_space<hbm>>
      %dma_start3A_47 = tpu.memref_slice %arg2[%mul3A_2] : memref<204800xi32, #tpu.memory_space<hbm>> -> memref<6400xi32, #tpu.memory_space<hbm>>
      tpu.enqueue_dma source(%dma_start3A_47 : memref<6400xi32, #tpu.memory_space<hbm>>) target(%arg7 : memref<6400xi32, #tpu.memory_space<vmem>>) target_semaphore(%run_scoped3A : memref<!tpu.dma_semaphore, #tpu.memory_space<semaphore_mem>>)
      %dma_wait3A_48 = tpu.memref_slice %arg2[%mul3A_2] : memref<204800xi32, #tpu.memory_space<hbm>> -> memref<6400xi32, #tpu.memory_space<hbm>>
      %dma_wait3A_49 = tpu.memref_slice %arg2[%mul3A_2] : memref<204800xi32, #tpu.memory_space<hbm>> -> memref<6400xi32, #tpu.memory_space<hbm>>
      tpu.wait_dma2 semaphore(%run_scoped3A : memref<!tpu.dma_semaphore, #tpu.memory_space<semaphore_mem>>) src(%dma_wait3A_49 : memref<6400xi32, #tpu.memory_space<hbm>>) dst(%arg7 : memref<6400xi32, #tpu.memory_space<vmem>>)
      tpu.yield
    }) : () -> ()
    "tpu.region"() ({
      %run_scoped3A = tpu.sem_alloc : memref<!tpu.dma_semaphore, #tpu.memory_space<semaphore_mem>>
      %dma_start3A_46 = tpu.memref_slice %arg3[%mul3A_2] : memref<204800xi32, #tpu.memory_space<hbm>> -> memref<6400xi32, #tpu.memory_space<hbm>>
      %dma_start3A_47 = tpu.memref_slice %arg3[%mul3A_2] : memref<204800xi32, #tpu.memory_space<hbm>> -> memref<6400xi32, #tpu.memory_space<hbm>>
      tpu.enqueue_dma source(%dma_start3A_47 : memref<6400xi32, #tpu.memory_space<hbm>>) target(%arg8 : memref<6400xi32, #tpu.memory_space<vmem>>) target_semaphore(%run_scoped3A : memref<!tpu.dma_semaphore, #tpu.memory_space<semaphore_mem>>)
      %dma_wait3A_48 = tpu.memref_slice %arg3[%mul3A_2] : memref<204800xi32, #tpu.memory_space<hbm>> -> memref<6400xi32, #tpu.memory_space<hbm>>
      %dma_wait3A_49 = tpu.memref_slice %arg3[%mul3A_2] : memref<204800xi32, #tpu.memory_space<hbm>> -> memref<6400xi32, #tpu.memory_space<hbm>>
      tpu.wait_dma2 semaphore(%run_scoped3A : memref<!tpu.dma_semaphore, #tpu.memory_space<semaphore_mem>>) src(%dma_wait3A_49 : memref<6400xi32, #tpu.memory_space<hbm>>) dst(%arg8 : memref<6400xi32, #tpu.memory_space<vmem>>)
      tpu.yield
    }) : () -> ()
    %dma_start3A = arith.constant 0 : i32
    %dma_start3A_3 = tpu.memref_slice %arg8[%dma_start3A] : memref<6400xi32, #tpu.memory_space<vmem>> -> memref<128xi32, #tpu.memory_space<vmem>>
    %dma_start3A_4 = arith.constant 0 : i32
    %dma_start3A_5 = arith.constant 0 : i32
    %dma_start3A_6 = tpu.memref_slice %arg5[%dma_start3A_4, %dma_start3A_5] : memref<12800x128xf32, #tpu.memory_space<hbm>> -> memref<12800x128xf32, #tpu.memory_space<hbm>>
    tpu.enqueue_indirect_dma source(%dma_start3A_6 : memref<12800x128xf32, #tpu.memory_space<hbm>>) target(%arg9 : memref<128x128xf32, #tpu.memory_space<vmem>>) offsets(%dma_start3A_3 : memref<128xi32, #tpu.memory_space<vmem>>) semaphore(%arg15 : memref<!tpu.dma_semaphore, #tpu.memory_space<semaphore_mem>>)
    %scan3A = arith.constant 0 : i32
    %scan3A_7 = arith.constant 0 : i32
    %scan3A_8 = arith.constant 8 : i32
    %scan3A_9 = arith.addi %scan3A_7, %scan3A_8 : i32
    %scan3A_10 = arith.constant 1 : i32
    scf.for %scan3A_46 = %scan3A_7 to %scan3A_9 step %scan3A_10  : i32 {
      %mul3A_47 = arith.constant 16 : i32
      %mul3A_48 = arith.muli %scan3A_46, %mul3A_47 : i32
      %add3A_49 = arith.constant 0 : i32
      %add3A_50 = arith.addi %add3A_49, %mul3A_48 : i32
      %get3A = arith.index_cast %add3A_50 : i32 to index
      %get3A_51 = tpu.vector_load %arg7[%get3A] {strides = array<i32>} : memref<6400xi32, #tpu.memory_space<vmem>>, vector<16xi32>,
      %get3A_52 = vector.shape_cast %get3A_51 : vector<16xi32> to vector<16xi32>
      %slice3A = vector.extract_strided_slice %get3A_52 {offsets = [0], sizes = [1], strides = [1]} : vector<16xi32> to vector<1xi32>
      %squeeze3A = vector.extract %slice3A[0] : i32 from vector<1xi32>
      %mul3A_53 = arith.constant 16 : i32
      %mul3A_54 = arith.muli %scan3A_46, %mul3A_53 : i32
      %add3A_55 = arith.constant 0 : i32
      %add3A_56 = arith.addi %mul3A_54, %add3A_55 : i32
      %dma_start3A_57 = arith.constant 0 : i32
      %dma_start3A_58 = tpu.memref_slice %arg12[%add3A_56, %dma_start3A_57] : memref<128x64xf32, #tpu.memory_space<vmem>> -> memref<1x64xf32, #tpu.memory_space<vmem>>
      %dma_start3A_59 = tpu.memref_squeeze %dma_start3A_58 : memref<1x64xf32, #tpu.memory_space<vmem>> -> memref<64xf32, #tpu.memory_space<vmem>>
      %dma_start3A_60 = arith.constant 0 : i32
      %dma_start3A_61 = tpu.memref_slice %arg4[%squeeze3A, %dma_start3A_60] : memref<1000000x64xf32, #tpu.memory_space<hbm>> -> memref<1x64xf32, #tpu.memory_space<hbm>>
      %dma_start3A_62 = tpu.memref_squeeze %dma_start3A_61 : memref<1x64xf32, #tpu.memory_space<hbm>> -> memref<64xf32, #tpu.memory_space<hbm>>
      %dma_start3A_63 = arith.constant 0 : i32
      %dma_start3A_64 = tpu.memref_slice %arg12[%add3A_56, %dma_start3A_63] : memref<128x64xf32, #tpu.memory_space<vmem>> -> memref<1x64xf32, #tpu.memory_space<vmem>>
      %dma_start3A_65 = tpu.memref_squeeze %dma_start3A_64 : memref<1x64xf32, #tpu.memory_space<vmem>> -> memref<64xf32, #tpu.memory_space<vmem>>
      %dma_start3A_66 = arith.constant 0 : i32
      %dma_start3A_67 = tpu.memref_slice %arg4[%squeeze3A, %dma_start3A_66] : memref<1000000x64xf32, #tpu.memory_space<hbm>> -> memref<1x64xf32, #tpu.memory_space<hbm>>
      %dma_start3A_68 = tpu.memref_squeeze %dma_start3A_67 : memref<1x64xf32, #tpu.memory_space<hbm>> -> memref<64xf32, #tpu.memory_space<hbm>>
      tpu.enqueue_dma source(%dma_start3A_68 : memref<64xf32, #tpu.memory_space<hbm>>) target(%dma_start3A_65 : memref<64xf32, #tpu.memory_space<vmem>>) target_semaphore(%arg18 : memref<!tpu.dma_semaphore, #tpu.memory_space<semaphore_mem>>)
      %slice3A_69 = vector.extract_strided_slice %get3A_52 {offsets = [1], sizes = [1], strides = [1]} : vector<16xi32> to vector<1xi32>
      %squeeze3A_70 = vector.extract %slice3A_69[0] : i32 from vector<1xi32>
      %mul3A_71 = arith.constant 16 : i32
      %mul3A_72 = arith.muli %scan3A_46, %mul3A_71 : i32
      %add3A_73 = arith.constant 1 : i32
      %add3A_74 = arith.addi %mul3A_72, %add3A_73 : i32
      %dma_start3A_75 = arith.constant 0 : i32
      %dma_start3A_76 = tpu.memref_slice %arg12[%add3A_74, %dma_start3A_75] : memref<128x64xf32, #tpu.memory_space<vmem>> -> memref<1x64xf32, #tpu.memory_space<vmem>>
      %dma_start3A_77 = tpu.memref_squeeze %dma_start3A_76 : memref<1x64xf32, #tpu.memory_space<vmem>> -> memref<64xf32, #tpu.memory_space<vmem>>
      %dma_start3A_78 = arith.constant 0 : i32
      %dma_start3A_79 = tpu.memref_slice %arg4[%squeeze3A_70, %dma_start3A_78] : memref<1000000x64xf32, #tpu.memory_space<hbm>> -> memref<1x64xf32, #tpu.memory_space<hbm>>
      %dma_start3A_80 = tpu.memref_squeeze %dma_start3A_79 : memref<1x64xf32, #tpu.memory_space<hbm>> -> memref<64xf32, #tpu.memory_space<hbm>>
      %dma_start3A_81 = arith.constant 0 : i32
      %dma_start3A_82 = tpu.memref_slice %arg12[%add3A_74, %dma_start3A_81] : memref<128x64xf32, #tpu.memory_space<vmem>> -> memref<1x64xf32, #tpu.memory_space<vmem>>
      %dma_start3A_83 = tpu.memref_squeeze %dma_start3A_82 : memref<1x64xf32, #tpu.memory_space<vmem>> -> memref<64xf32, #tpu.memory_space<vmem>>
      %dma_start3A_84 = arith.constant 0 : i32
      %dma_start3A_85 = tpu.memref_slice %arg4[%squeeze3A_70, %dma_start3A_84] : memref<1000000x64xf32, #tpu.memory_space<hbm>> -> memref<1x64xf32, #tpu.memory_space<hbm>>
      %dma_start3A_86 = tpu.memref_squeeze %dma_start3A_85 : memref<1x64xf32, #tpu.memory_space<hbm>> -> memref<64xf32, #tpu.memory_space<hbm>>
      tpu.enqueue_dma source(%dma_start3A_86 : memref<64xf32, #tpu.memory_space<hbm>>) target(%dma_start3A_83 : memref<64xf32, #tpu.memory_space<vmem>>) target_semaphore(%arg18 : memref<!tpu.dma_semaphore, #tpu.memory_space<semaphore_mem>>)
      %slice3A_87 = vector.extract_strided_slice %get3A_52 {offsets = [2], sizes = [1], strides = [1]} : vector<16xi32> to vector<1xi32>
      %squeeze3A_88 = vector.extract %slice3A_87[0] : i32 from vector<1xi32>
      %mul3A_89 = arith.constant 16 : i32
      %mul3A_90 = arith.muli %scan3A_46, %mul3A_89 : i32
      %add3A_91 = arith.constant 2 : i32
      %add3A_92 = arith.addi %mul3A_90, %add3A_91 : i32
      %dma_start3A_93 = arith.constant 0 : i32
      %dma_start3A_94 = tpu.memref_slice %arg12[%add3A_92, %dma_start3A_93] : memref<128x64xf32, #tpu.memory_space<vmem>> -> memref<1x64xf32, #tpu.memory_space<vmem>>
      %dma_start3A_95 = tpu.memref_squeeze %dma_start3A_94 : memref<1x64xf32, #tpu.memory_space<vmem>> -> memref<64xf32, #tpu.memory_space<vmem>>
      %dma_start3A_96 = arith.constant 0 : i32
      %dma_start3A_97 = tpu.memref_slice %arg4[%squeeze3A_88, %dma_start3A_96] : memref<1000000x64xf32, #tpu.memory_space<hbm>> -> memref<1x64xf32, #tpu.memory_space<hbm>>
      %dma_start3A_98 = tpu.memref_squeeze %dma_start3A_97 : memref<1x64xf32, #tpu.memory_space<hbm>> -> memref<64xf32, #tpu.memory_space<hbm>>
      %dma_start3A_99 = arith.constant 0 : i32
      %dma_start3A_100 = tpu.memref_slice %arg12[%add3A_92, %dma_start3A_99] : memref<128x64xf32, #tpu.memory_space<vmem>> -> memref<1x64xf32, #tpu.memory_space<vmem>>
      %dma_start3A_101 = tpu.memref_squeeze %dma_start3A_100 : memref<1x64xf32, #tpu.memory_space<vmem>> -> memref<64xf32, #tpu.memory_space<vmem>>
      %dma_start3A_102 = arith.constant 0 : i32
      %dma_start3A_103 = tpu.memref_slice %arg4[%squeeze3A_88, %dma_start3A_102] : memref<1000000x64xf32, #tpu.memory_space<hbm>> -> memref<1x64xf32, #tpu.memory_space<hbm>>
      %dma_start3A_104 = tpu.memref_squeeze %dma_start3A_103 : memref<1x64xf32, #tpu.memory_space<hbm>> -> memref<64xf32, #tpu.memory_space<hbm>>
      tpu.enqueue_dma source(%dma_start3A_104 : memref<64xf32, #tpu.memory_space<hbm>>) target(%dma_start3A_101 : memref<64xf32, #tpu.memory_space<vmem>>) target_semaphore(%arg18 : memref<!tpu.dma_semaphore, #tpu.memory_space<semaphore_mem>>)
      %slice3A_105 = vector.extract_strided_slice %get3A_52 {offsets = [3], sizes = [1], strides = [1]} : vector<16xi32> to vector<1xi32>
      %squeeze3A_106 = vector.extract %slice3A_105[0] : i32 from vector<1xi32>
      %mul3A_107 = arith.constant 16 : i32
      %mul3A_108 = arith.muli %scan3A_46, %mul3A_107 : i32
      %add3A_109 = arith.constant 3 : i32
      %add3A_110 = arith.addi %mul3A_108, %add3A_109 : i32
      %dma_start3A_111 = arith.constant 0 : i32
      %dma_start3A_112 = tpu.memref_slice %arg12[%add3A_110, %dma_start3A_111] : memref<128x64xf32, #tpu.memory_space<vmem>> -> memref<1x64xf32, #tpu.memory_space<vmem>>
      %dma_start3A_113 = tpu.memref_squeeze %dma_start3A_112 : memref<1x64xf32, #tpu.memory_space<vmem>> -> memref<64xf32, #tpu.memory_space<vmem>>
      %dma_start3A_114 = arith.constant 0 : i32
      %dma_start3A_115 = tpu.memref_slice %arg4[%squeeze3A_106, %dma_start3A_114] : memref<1000000x64xf32, #tpu.memory_space<hbm>> -> memref<1x64xf32, #tpu.memory_space<hbm>>
      %dma_start3A_116 = tpu.memref_squeeze %dma_start3A_115 : memref<1x64xf32, #tpu.memory_space<hbm>> -> memref<64xf32, #tpu.memory_space<hbm>>
      %dma_start3A_117 = arith.constant 0 : i32
      %dma_start3A_118 = tpu.memref_slice %arg12[%add3A_110, %dma_start3A_117] : memref<128x64xf32, #tpu.memory_space<vmem>> -> memref<1x64xf32, #tpu.memory_space<vmem>>
      %dma_start3A_119 = tpu.memref_squeeze %dma_start3A_118 : memref<1x64xf32, #tpu.memory_space<vmem>> -> memref<64xf32, #tpu.memory_space<vmem>>
      %dma_start3A_120 = arith.constant 0 : i32
      %dma_start3A_121 = tpu.memref_slice %arg4[%squeeze3A_106, %dma_start3A_120] : memref<1000000x64xf32, #tpu.memory_space<hbm>> -> memref<1x64xf32, #tpu.memory_space<hbm>>
      %dma_start3A_122 = tpu.memref_squeeze %dma_start3A_121 : memref<1x64xf32, #tpu.memory_space<hbm>> -> memref<64xf32, #tpu.memory_space<hbm>>
      tpu.enqueue_dma source(%dma_start3A_122 : memref<64xf32, #tpu.memory_space<hbm>>) target(%dma_start3A_119 : memref<64xf32, #tpu.memory_space<vmem>>) target_semaphore(%arg18 : memref<!tpu.dma_semaphore, #tpu.memory_space<semaphore_mem>>)
      %slice3A_123 = vector.extract_strided_slice %get3A_52 {offsets = [4], sizes = [1], strides = [1]} : vector<16xi32> to vector<1xi32>
      %squeeze3A_124 = vector.extract %slice3A_123[0] : i32 from vector<1xi32>
      %mul3A_125 = arith.constant 16 : i32
      %mul3A_126 = arith.muli %scan3A_46, %mul3A_125 : i32
      %add3A_127 = arith.constant 4 : i32
      %add3A_128 = arith.addi %mul3A_126, %add3A_127 : i32
      %dma_start3A_129 = arith.constant 0 : i32
      %dma_start3A_130 = tpu.memref_slice %arg12[%add3A_128, %dma_start3A_129] : memref<128x64xf32, #tpu.memory_space<vmem>> -> memref<1x64xf32, #tpu.memory_space<vmem>>
      %dma_start3A_131 = tpu.memref_squeeze %dma_start3A_130 : memref<1x64xf32, #tpu.memory_space<vmem>> -> memref<64xf32, #tpu.memory_space<vmem>>
      %dma_start3A_132 = arith.constant 0 : i32
      %dma_start3A_133 = tpu.memref_slice %arg4[%squeeze3A_124, %dma_start3A_132] : memref<1000000x64xf32, #tpu.memory_space<hbm>> -> memref<1x64xf32, #tpu.memory_space<hbm>>
      %dma_start3A_134 = tpu.memref_squeeze %dma_start3A_133 : memref<1x64xf32, #tpu.memory_space<hbm>> -> memref<64xf32, #tpu.memory_space<hbm>>
      %dma_start3A_135 = arith.constant 0 : i32
      %dma_start3A_136 = tpu.memref_slice %arg12[%add3A_128, %dma_start3A_135] : memref<128x64xf32, #tpu.memory_space<vmem>> -> memref<1x64xf32, #tpu.memory_space<vmem>>
      %dma_start3A_137 = tpu.memref_squeeze %dma_start3A_136 : memref<1x64xf32, #tpu.memory_space<vmem>> -> memref<64xf32, #tpu.memory_space<vmem>>
      %dma_start3A_138 = arith.constant 0 : i32
      %dma_start3A_139 = tpu.memref_slice %arg4[%squeeze3A_124, %dma_start3A_138] : memref<1000000x64xf32, #tpu.memory_space<hbm>> -> memref<1x64xf32, #tpu.memory_space<hbm>>
      %dma_start3A_140 = tpu.memref_squeeze %dma_start3A_139 : memref<1x64xf32, #tpu.memory_space<hbm>> -> memref<64xf32, #tpu.memory_space<hbm>>
      tpu.enqueue_dma source(%dma_start3A_140 : memref<64xf32, #tpu.memory_space<hbm>>) target(%dma_start3A_137 : memref<64xf32, #tpu.memory_space<vmem>>) target_semaphore(%arg18 : memref<!tpu.dma_semaphore, #tpu.memory_space<semaphore_mem>>)
      %slice3A_141 = vector.extract_strided_slice %get3A_52 {offsets = [5], sizes = [1], strides = [1]} : vector<16xi32> to vector<1xi32>
      %squeeze3A_142 = vector.extract %slice3A_141[0] : i32 from vector<1xi32>
      %mul3A_143 = arith.constant 16 : i32
      %mul3A_144 = arith.muli %scan3A_46, %mul3A_143 : i32
      %add3A_145 = arith.constant 5 : i32
      %add3A_146 = arith.addi %mul3A_144, %add3A_145 : i32
      %dma_start3A_147 = arith.constant 0 : i32
      %dma_start3A_148 = tpu.memref_slice %arg12[%add3A_146, %dma_start3A_147] : memref<128x64xf32, #tpu.memory_space<vmem>> -> memref<1x64xf32, #tpu.memory_space<vmem>>
      %dma_start3A_149 = tpu.memref_squeeze %dma_start3A_148 : memref<1x64xf32, #tpu.memory_space<vmem>> -> memref<64xf32, #tpu.memory_space<vmem>>
      %dma_start3A_150 = arith.constant 0 : i32
      %dma_start3A_151 = tpu.memref_slice %arg4[%squeeze3A_142, %dma_start3A_150] : memref<1000000x64xf32, #tpu.memory_space<hbm>> -> memref<1x64xf32, #tpu.memory_space<hbm>>
      %dma_start3A_152 = tpu.memref_squeeze %dma_start3A_151 : memref<1x64xf32, #tpu.memory_space<hbm>> -> memref<64xf32, #tpu.memory_space<hbm>>
      %dma_start3A_153 = arith.constant 0 : i32
      %dma_start3A_154 = tpu.memref_slice %arg12[%add3A_146, %dma_start3A_153] : memref<128x64xf32, #tpu.memory_space<vmem>> -> memref<1x64xf32, #tpu.memory_space<vmem>>
      %dma_start3A_155 = tpu.memref_squeeze %dma_start3A_154 : memref<1x64xf32, #tpu.memory_space<vmem>> -> memref<64xf32, #tpu.memory_space<vmem>>
      %dma_start3A_156 = arith.constant 0 : i32
      %dma_start3A_157 = tpu.memref_slice %arg4[%squeeze3A_142, %dma_start3A_156] : memref<1000000x64xf32, #tpu.memory_space<hbm>> -> memref<1x64xf32, #tpu.memory_space<hbm>>
      %dma_start3A_158 = tpu.memref_squeeze %dma_start3A_157 : memref<1x64xf32, #tpu.memory_space<hbm>> -> memref<64xf32, #tpu.memory_space<hbm>>
      tpu.enqueue_dma source(%dma_start3A_158 : memref<64xf32, #tpu.memory_space<hbm>>) target(%dma_start3A_155 : memref<64xf32, #tpu.memory_space<vmem>>) target_semaphore(%arg18 : memref<!tpu.dma_semaphore, #tpu.memory_space<semaphore_mem>>)
      %slice3A_159 = vector.extract_strided_slice %get3A_52 {offsets = [6], sizes = [1], strides = [1]} : vector<16xi32> to vector<1xi32>
      %squeeze3A_160 = vector.extract %slice3A_159[0] : i32 from vector<1xi32>
      %mul3A_161 = arith.constant 16 : i32
      %mul3A_162 = arith.muli %scan3A_46, %mul3A_161 : i32
      %add3A_163 = arith.constant 6 : i32
      %add3A_164 = arith.addi %mul3A_162, %add3A_163 : i32
      %dma_start3A_165 = arith.constant 0 : i32
      %dma_start3A_166 = tpu.memref_slice %arg12[%add3A_164, %dma_start3A_165] : memref<128x64xf32, #tpu.memory_space<vmem>> -> memref<1x64xf32, #tpu.memory_space<vmem>>
      %dma_start3A_167 = tpu.memref_squeeze %dma_start3A_166 : memref<1x64xf32, #tpu.memory_space<vmem>> -> memref<64xf32, #tpu.memory_space<vmem>>
      %dma_start3A_168 = arith.constant 0 : i32
      %dma_start3A_169 = tpu.memref_slice %arg4[%squeeze3A_160, %dma_start3A_168] : memref<1000000x64xf32, #tpu.memory_space<hbm>> -> memref<1x64xf32, #tpu.memory_space<hbm>>
      %dma_start3A_170 = tpu.memref_squeeze %dma_start3A_169 : memref<1x64xf32, #tpu.memory_space<hbm>> -> memref<64xf32, #tpu.memory_space<hbm>>
      %dma_start3A_171 = arith.constant 0 : i32
      %dma_start3A_172 = tpu.memref_slice %arg12[%add3A_164, %dma_start3A_171] : memref<128x64xf32, #tpu.memory_space<vmem>> -> memref<1x64xf32, #tpu.memory_space<vmem>>
      %dma_start3A_173 = tpu.memref_squeeze %dma_start3A_172 : memref<1x64xf32, #tpu.memory_space<vmem>> -> memref<64xf32, #tpu.memory_space<vmem>>
      %dma_start3A_174 = arith.constant 0 : i32
      %dma_start3A_175 = tpu.memref_slice %arg4[%squeeze3A_160, %dma_start3A_174] : memref<1000000x64xf32, #tpu.memory_space<hbm>> -> memref<1x64xf32, #tpu.memory_space<hbm>>
      %dma_start3A_176 = tpu.memref_squeeze %dma_start3A_175 : memref<1x64xf32, #tpu.memory_space<hbm>> -> memref<64xf32, #tpu.memory_space<hbm>>
      tpu.enqueue_dma source(%dma_start3A_176 : memref<64xf32, #tpu.memory_space<hbm>>) target(%dma_start3A_173 : memref<64xf32, #tpu.memory_space<vmem>>) target_semaphore(%arg18 : memref<!tpu.dma_semaphore, #tpu.memory_space<semaphore_mem>>)
      %slice3A_177 = vector.extract_strided_slice %get3A_52 {offsets = [7], sizes = [1], strides = [1]} : vector<16xi32> to vector<1xi32>
      %squeeze3A_178 = vector.extract %slice3A_177[0] : i32 from vector<1xi32>
      %mul3A_179 = arith.constant 16 : i32
      %mul3A_180 = arith.muli %scan3A_46, %mul3A_179 : i32
      %add3A_181 = arith.constant 7 : i32
      %add3A_182 = arith.addi %mul3A_180, %add3A_181 : i32
      %dma_start3A_183 = arith.constant 0 : i32
      %dma_start3A_184 = tpu.memref_slice %arg12[%add3A_182, %dma_start3A_183] : memref<128x64xf32, #tpu.memory_space<vmem>> -> memref<1x64xf32, #tpu.memory_space<vmem>>
      %dma_start3A_185 = tpu.memref_squeeze %dma_start3A_184 : memref<1x64xf32, #tpu.memory_space<vmem>> -> memref<64xf32, #tpu.memory_space<vmem>>
      %dma_start3A_186 = arith.constant 0 : i32
      %dma_start3A_187 = tpu.memref_slice %arg4[%squeeze3A_178, %dma_start3A_186] : memref<1000000x64xf32, #tpu.memory_space<hbm>> -> memref<1x64xf32, #tpu.memory_space<hbm>>
      %dma_start3A_188 = tpu.memref_squeeze %dma_start3A_187 : memref<1x64xf32, #tpu.memory_space<hbm>> -> memref<64xf32, #tpu.memory_space<hbm>>
      %dma_start3A_189 = arith.constant 0 : i32
      %dma_start3A_190 = tpu.memref_slice %arg12[%add3A_182, %dma_start3A_189] : memref<128x64xf32, #tpu.memory_space<vmem>> -> memref<1x64xf32, #tpu.memory_space<vmem>>
      %dma_start3A_191 = tpu.memref_squeeze %dma_start3A_190 : memref<1x64xf32, #tpu.memory_space<vmem>> -> memref<64xf32, #tpu.memory_space<vmem>>
      %dma_start3A_192 = arith.constant 0 : i32
      %dma_start3A_193 = tpu.memref_slice %arg4[%squeeze3A_178, %dma_start3A_192] : memref<1000000x64xf32, #tpu.memory_space<hbm>> -> memref<1x64xf32, #tpu.memory_space<hbm>>
      %dma_start3A_194 = tpu.memref_squeeze %dma_start3A_193 : memref<1x64xf32, #tpu.memory_space<hbm>> -> memref<64xf32, #tpu.memory_space<hbm>>
      tpu.enqueue_dma source(%dma_start3A_194 : memref<64xf32, #tpu.memory_space<hbm>>) target(%dma_start3A_191 : memref<64xf32, #tpu.memory_space<vmem>>) target_semaphore(%arg18 : memref<!tpu.dma_semaphore, #tpu.memory_space<semaphore_mem>>)
      %slice3A_195 = vector.extract_strided_slice %get3A_52 {offsets = [8], sizes = [1], strides = [1]} : vector<16xi32> to vector<1xi32>
      %squeeze3A_196 = vector.extract %slice3A_195[0] : i32 from vector<1xi32>
      %mul3A_197 = arith.constant 16 : i32
      %mul3A_198 = arith.muli %scan3A_46, %mul3A_197 : i32
      %add3A_199 = arith.constant 8 : i32
      %add3A_200 = arith.addi %mul3A_198, %add3A_199 : i32
      %dma_start3A_201 = arith.constant 0 : i32
      %dma_start3A_202 = tpu.memref_slice %arg12[%add3A_200, %dma_start3A_201] : memref<128x64xf32, #tpu.memory_space<vmem>> -> memref<1x64xf32, #tpu.memory_space<vmem>>
      %dma_start3A_203 = tpu.memref_squeeze %dma_start3A_202 : memref<1x64xf32, #tpu.memory_space<vmem>> -> memref<64xf32, #tpu.memory_space<vmem>>
      %dma_start3A_204 = arith.constant 0 : i32
      %dma_start3A_205 = tpu.memref_slice %arg4[%squeeze3A_196, %dma_start3A_204] : memref<1000000x64xf32, #tpu.memory_space<hbm>> -> memref<1x64xf32, #tpu.memory_space<hbm>>
      %dma_start3A_206 = tpu.memref_squeeze %dma_start3A_205 : memref<1x64xf32, #tpu.memory_space<hbm>> -> memref<64xf32, #tpu.memory_space<hbm>>
      %dma_start3A_207 = arith.constant 0 : i32
      %dma_start3A_208 = tpu.memref_slice %arg12[%add3A_200, %dma_start3A_207] : memref<128x64xf32, #tpu.memory_space<vmem>> -> memref<1x64xf32, #tpu.memory_space<vmem>>
      %dma_start3A_209 = tpu.memref_squeeze %dma_start3A_208 : memref<1x64xf32, #tpu.memory_space<vmem>> -> memref<64xf32, #tpu.memory_space<vmem>>
      %dma_start3A_210 = arith.constant 0 : i32
      %dma_start3A_211 = tpu.memref_slice %arg4[%squeeze3A_196, %dma_start3A_210] : memref<1000000x64xf32, #tpu.memory_space<hbm>> -> memref<1x64xf32, #tpu.memory_space<hbm>>
      %dma_start3A_212 = tpu.memref_squeeze %dma_start3A_211 : memref<1x64xf32, #tpu.memory_space<hbm>> -> memref<64xf32, #tpu.memory_space<hbm>>
      tpu.enqueue_dma source(%dma_start3A_212 : memref<64xf32, #tpu.memory_space<hbm>>) target(%dma_start3A_209 : memref<64xf32, #tpu.memory_space<vmem>>) target_semaphore(%arg18 : memref<!tpu.dma_semaphore, #tpu.memory_space<semaphore_mem>>)
      %slice3A_213 = vector.extract_strided_slice %get3A_52 {offsets = [9], sizes = [1], strides = [1]} : vector<16xi32> to vector<1xi32>
      %squeeze3A_214 = vector.extract %slice3A_213[0] : i32 from vector<1xi32>
      %mul3A_215 = arith.constant 16 : i32
      %mul3A_216 = arith.muli %scan3A_46, %mul3A_215 : i32
      %add3A_217 = arith.constant 9 : i32
      %add3A_218 = arith.addi %mul3A_216, %add3A_217 : i32
      %dma_start3A_219 = arith.constant 0 : i32
      %dma_start3A_220 = tpu.memref_slice %arg12[%add3A_218, %dma_start3A_219] : memref<128x64xf32, #tpu.memory_space<vmem>> -> memref<1x64xf32, #tpu.memory_space<vmem>>
      %dma_start3A_221 = tpu.memref_squeeze %dma_start3A_220 : memref<1x64xf32, #tpu.memory_space<vmem>> -> memref<64xf32, #tpu.memory_space<vmem>>
      %dma_start3A_222 = arith.constant 0 : i32
      %dma_start3A_223 = tpu.memref_slice %arg4[%squeeze3A_214, %dma_start3A_222] : memref<1000000x64xf32, #tpu.memory_space<hbm>> -> memref<1x64xf32, #tpu.memory_space<hbm>>
      %dma_start3A_224 = tpu.memref_squeeze %dma_start3A_223 : memref<1x64xf32, #tpu.memory_space<hbm>> -> memref<64xf32, #tpu.memory_space<hbm>>
      %dma_start3A_225 = arith.constant 0 : i32
      %dma_start3A_226 = tpu.memref_slice %arg12[%add3A_218, %dma_start3A_225] : memref<128x64xf32, #tpu.memory_space<vmem>> -> memref<1x64xf32, #tpu.memory_space<vmem>>
      %dma_start3A_227 = tpu.memref_squeeze %dma_start3A_226 : memref<1x64xf32, #tpu.memory_space<vmem>> -> memref<64xf32, #tpu.memory_space<vmem>>
      %dma_start3A_228 = arith.constant 0 : i32
      %dma_start3A_229 = tpu.memref_slice %arg4[%squeeze3A_214, %dma_start3A_228] : memref<1000000x64xf32, #tpu.memory_space<hbm>> -> memref<1x64xf32, #tpu.memory_space<hbm>>
      %dma_start3A_230 = tpu.memref_squeeze %dma_start3A_229 : memref<1x64xf32, #tpu.memory_space<hbm>> -> memref<64xf32, #tpu.memory_space<hbm>>
      tpu.enqueue_dma source(%dma_start3A_230 : memref<64xf32, #tpu.memory_space<hbm>>) target(%dma_start3A_227 : memref<64xf32, #tpu.memory_space<vmem>>) target_semaphore(%arg18 : memref<!tpu.dma_semaphore, #tpu.memory_space<semaphore_mem>>)
      %slice3A_231 = vector.extract_strided_slice %get3A_52 {offsets = [10], sizes = [1], strides = [1]} : vector<16xi32> to vector<1xi32>
      %squeeze3A_232 = vector.extract %slice3A_231[0] : i32 from vector<1xi32>
      %mul3A_233 = arith.constant 16 : i32
      %mul3A_234 = arith.muli %scan3A_46, %mul3A_233 : i32
      %add3A_235 = arith.constant 10 : i32
      %add3A_236 = arith.addi %mul3A_234, %add3A_235 : i32
      %dma_start3A_237 = arith.constant 0 : i32
      %dma_start3A_238 = tpu.memref_slice %arg12[%add3A_236, %dma_start3A_237] : memref<128x64xf32, #tpu.memory_space<vmem>> -> memref<1x64xf32, #tpu.memory_space<vmem>>
      %dma_start3A_239 = tpu.memref_squeeze %dma_start3A_238 : memref<1x64xf32, #tpu.memory_space<vmem>> -> memref<64xf32, #tpu.memory_space<vmem>>
      %dma_start3A_240 = arith.constant 0 : i32
      %dma_start3A_241 = tpu.memref_slice %arg4[%squeeze3A_232, %dma_start3A_240] : memref<1000000x64xf32, #tpu.memory_space<hbm>> -> memref<1x64xf32, #tpu.memory_space<hbm>>
      %dma_start3A_242 = tpu.memref_squeeze %dma_start3A_241 : memref<1x64xf32, #tpu.memory_space<hbm>> -> memref<64xf32, #tpu.memory_space<hbm>>
      %dma_start3A_243 = arith.constant 0 : i32
      %dma_start3A_244 = tpu.memref_slice %arg12[%add3A_236, %dma_start3A_243] : memref<128x64xf32, #tpu.memory_space<vmem>> -> memref<1x64xf32, #tpu.memory_space<vmem>>
      %dma_start3A_245 = tpu.memref_squeeze %dma_start3A_244 : memref<1x64xf32, #tpu.memory_space<vmem>> -> memref<64xf32, #tpu.memory_space<vmem>>
      %dma_start3A_246 = arith.constant 0 : i32
      %dma_start3A_247 = tpu.memref_slice %arg4[%squeeze3A_232, %dma_start3A_246] : memref<1000000x64xf32, #tpu.memory_space<hbm>> -> memref<1x64xf32, #tpu.memory_space<hbm>>
      %dma_start3A_248 = tpu.memref_squeeze %dma_start3A_247 : memref<1x64xf32, #tpu.memory_space<hbm>> -> memref<64xf32, #tpu.memory_space<hbm>>
      tpu.enqueue_dma source(%dma_start3A_248 : memref<64xf32, #tpu.memory_space<hbm>>) target(%dma_start3A_245 : memref<64xf32, #tpu.memory_space<vmem>>) target_semaphore(%arg18 : memref<!tpu.dma_semaphore, #tpu.memory_space<semaphore_mem>>)
      %slice3A_249 = vector.extract_strided_slice %get3A_52 {offsets = [11], sizes = [1], strides = [1]} : vector<16xi32> to vector<1xi32>
      %squeeze3A_250 = vector.extract %slice3A_249[0] : i32 from vector<1xi32>
      %mul3A_251 = arith.constant 16 : i32
      %mul3A_252 = arith.muli %scan3A_46, %mul3A_251 : i32
      %add3A_253 = arith.constant 11 : i32
      %add3A_254 = arith.addi %mul3A_252, %add3A_253 : i32
      %dma_start3A_255 = arith.constant 0 : i32
      %dma_start3A_256 = tpu.memref_slice %arg12[%add3A_254, %dma_start3A_255] : memref<128x64xf32, #tpu.memory_space<vmem>> -> memref<1x64xf32, #tpu.memory_space<vmem>>
      %dma_start3A_257 = tpu.memref_squeeze %dma_start3A_256 : memref<1x64xf32, #tpu.memory_space<vmem>> -> memref<64xf32, #tpu.memory_space<vmem>>
      %dma_start3A_258 = arith.constant 0 : i32
      %dma_start3A_259 = tpu.memref_slice %arg4[%squeeze3A_250, %dma_start3A_258] : memref<1000000x64xf32, #tpu.memory_space<hbm>> -> memref<1x64xf32, #tpu.memory_space<hbm>>
      %dma_start3A_260 = tpu.memref_squeeze %dma_start3A_259 : memref<1x64xf32, #tpu.memory_space<hbm>> -> memref<64xf32, #tpu.memory_space<hbm>>
      %dma_start3A_261 = arith.constant 0 : i32
      %dma_start3A_262 = tpu.memref_slice %arg12[%add3A_254, %dma_start3A_261] : memref<128x64xf32, #tpu.memory_space<vmem>> -> memref<1x64xf32, #tpu.memory_space<vmem>>
      %dma_start3A_263 = tpu.memref_squeeze %dma_start3A_262 : memref<1x64xf32, #tpu.memory_space<vmem>> -> memref<64xf32, #tpu.memory_space<vmem>>
      %dma_start3A_264 = arith.constant 0 : i32
      %dma_start3A_265 = tpu.memref_slice %arg4[%squeeze3A_250, %dma_start3A_264] : memref<1000000x64xf32, #tpu.memory_space<hbm>> -> memref<1x64xf32, #tpu.memory_space<hbm>>
      %dma_start3A_266 = tpu.memref_squeeze %dma_start3A_265 : memref<1x64xf32, #tpu.memory_space<hbm>> -> memref<64xf32, #tpu.memory_space<hbm>>
      tpu.enqueue_dma source(%dma_start3A_266 : memref<64xf32, #tpu.memory_space<hbm>>) target(%dma_start3A_263 : memref<64xf32, #tpu.memory_space<vmem>>) target_semaphore(%arg18 : memref<!tpu.dma_semaphore, #tpu.memory_space<semaphore_mem>>)
      %slice3A_267 = vector.extract_strided_slice %get3A_52 {offsets = [12], sizes = [1], strides = [1]} : vector<16xi32> to vector<1xi32>
      %squeeze3A_268 = vector.extract %slice3A_267[0] : i32 from vector<1xi32>
      %mul3A_269 = arith.constant 16 : i32
      %mul3A_270 = arith.muli %scan3A_46, %mul3A_269 : i32
      %add3A_271 = arith.constant 12 : i32
      %add3A_272 = arith.addi %mul3A_270, %add3A_271 : i32
      %dma_start3A_273 = arith.constant 0 : i32
      %dma_start3A_274 = tpu.memref_slice %arg12[%add3A_272, %dma_start3A_273] : memref<128x64xf32, #tpu.memory_space<vmem>> -> memref<1x64xf32, #tpu.memory_space<vmem>>
      %dma_start3A_275 = tpu.memref_squeeze %dma_start3A_274 : memref<1x64xf32, #tpu.memory_space<vmem>> -> memref<64xf32, #tpu.memory_space<vmem>>
      %dma_start3A_276 = arith.constant 0 : i32
      %dma_start3A_277 = tpu.memref_slice %arg4[%squeeze3A_268, %dma_start3A_276] : memref<1000000x64xf32, #tpu.memory_space<hbm>> -> memref<1x64xf32, #tpu.memory_space<hbm>>
      %dma_start3A_278 = tpu.memref_squeeze %dma_start3A_277 : memref<1x64xf32, #tpu.memory_space<hbm>> -> memref<64xf32, #tpu.memory_space<hbm>>
      %dma_start3A_279 = arith.constant 0 : i32
      %dma_start3A_280 = tpu.memref_slice %arg12[%add3A_272, %dma_start3A_279] : memref<128x64xf32, #tpu.memory_space<vmem>> -> memref<1x64xf32, #tpu.memory_space<vmem>>
      %dma_start3A_281 = tpu.memref_squeeze %dma_start3A_280 : memref<1x64xf32, #tpu.memory_space<vmem>> -> memref<64xf32, #tpu.memory_space<vmem>>
      %dma_start3A_282 = arith.constant 0 : i32
      %dma_start3A_283 = tpu.memref_slice %arg4[%squeeze3A_268, %dma_start3A_282] : memref<1000000x64xf32, #tpu.memory_space<hbm>> -> memref<1x64xf32, #tpu.memory_space<hbm>>
      %dma_start3A_284 = tpu.memref_squeeze %dma_start3A_283 : memref<1x64xf32, #tpu.memory_space<hbm>> -> memref<64xf32, #tpu.memory_space<hbm>>
      tpu.enqueue_dma source(%dma_start3A_284 : memref<64xf32, #tpu.memory_space<hbm>>) target(%dma_start3A_281 : memref<64xf32, #tpu.memory_space<vmem>>) target_semaphore(%arg18 : memref<!tpu.dma_semaphore, #tpu.memory_space<semaphore_mem>>)
      %slice3A_285 = vector.extract_strided_slice %get3A_52 {offsets = [13], sizes = [1], strides = [1]} : vector<16xi32> to vector<1xi32>
      %squeeze3A_286 = vector.extract %slice3A_285[0] : i32 from vector<1xi32>
      %mul3A_287 = arith.constant 16 : i32
      %mul3A_288 = arith.muli %scan3A_46, %mul3A_287 : i32
      %add3A_289 = arith.constant 13 : i32
      %add3A_290 = arith.addi %mul3A_288, %add3A_289 : i32
      %dma_start3A_291 = arith.constant 0 : i32
      %dma_start3A_292 = tpu.memref_slice %arg12[%add3A_290, %dma_start3A_291] : memref<128x64xf32, #tpu.memory_space<vmem>> -> memref<1x64xf32, #tpu.memory_space<vmem>>
      %dma_start3A_293 = tpu.memref_squeeze %dma_start3A_292 : memref<1x64xf32, #tpu.memory_space<vmem>> -> memref<64xf32, #tpu.memory_space<vmem>>
      %dma_start3A_294 = arith.constant 0 : i32
      %dma_start3A_295 = tpu.memref_slice %arg4[%squeeze3A_286, %dma_start3A_294] : memref<1000000x64xf32, #tpu.memory_space<hbm>> -> memref<1x64xf32, #tpu.memory_space<hbm>>
      %dma_start3A_296 = tpu.memref_squeeze %dma_start3A_295 : memref<1x64xf32, #tpu.memory_space<hbm>> -> memref<64xf32, #tpu.memory_space<hbm>>
      %dma_start3A_297 = arith.constant 0 : i32
      %dma_start3A_298 = tpu.memref_slice %arg12[%add3A_290, %dma_start3A_297] : memref<128x64xf32, #tpu.memory_space<vmem>> -> memref<1x64xf32, #tpu.memory_space<vmem>>
      %dma_start3A_299 = tpu.memref_squeeze %dma_start3A_298 : memref<1x64xf32, #tpu.memory_space<vmem>> -> memref<64xf32, #tpu.memory_space<vmem>>
      %dma_start3A_300 = arith.constant 0 : i32
      %dma_start3A_301 = tpu.memref_slice %arg4[%squeeze3A_286, %dma_start3A_300] : memref<1000000x64xf32, #tpu.memory_space<hbm>> -> memref<1x64xf32, #tpu.memory_space<hbm>>
      %dma_start3A_302 = tpu.memref_squeeze %dma_start3A_301 : memref<1x64xf32, #tpu.memory_space<hbm>> -> memref<64xf32, #tpu.memory_space<hbm>>
      tpu.enqueue_dma source(%dma_start3A_302 : memref<64xf32, #tpu.memory_space<hbm>>) target(%dma_start3A_299 : memref<64xf32, #tpu.memory_space<vmem>>) target_semaphore(%arg18 : memref<!tpu.dma_semaphore, #tpu.memory_space<semaphore_mem>>)
      %slice3A_303 = vector.extract_strided_slice %get3A_52 {offsets = [14], sizes = [1], strides = [1]} : vector<16xi32> to vector<1xi32>
      %squeeze3A_304 = vector.extract %slice3A_303[0] : i32 from vector<1xi32>
      %mul3A_305 = arith.constant 16 : i32
      %mul3A_306 = arith.muli %scan3A_46, %mul3A_305 : i32
      %add3A_307 = arith.constant 14 : i32
      %add3A_308 = arith.addi %mul3A_306, %add3A_307 : i32
      %dma_start3A_309 = arith.constant 0 : i32
      %dma_start3A_310 = tpu.memref_slice %arg12[%add3A_308, %dma_start3A_309] : memref<128x64xf32, #tpu.memory_space<vmem>> -> memref<1x64xf32, #tpu.memory_space<vmem>>
      %dma_start3A_311 = tpu.memref_squeeze %dma_start3A_310 : memref<1x64xf32, #tpu.memory_space<vmem>> -> memref<64xf32, #tpu.memory_space<vmem>>
      %dma_start3A_312 = arith.constant 0 : i32
      %dma_start3A_313 = tpu.memref_slice %arg4[%squeeze3A_304, %dma_start3A_312] : memref<1000000x64xf32, #tpu.memory_space<hbm>> -> memref<1x64xf32, #tpu.memory_space<hbm>>
      %dma_start3A_314 = tpu.memref_squeeze %dma_start3A_313 : memref<1x64xf32, #tpu.memory_space<hbm>> -> memref<64xf32, #tpu.memory_space<hbm>>
      %dma_start3A_315 = arith.constant 0 : i32
      %dma_start3A_316 = tpu.memref_slice %arg12[%add3A_308, %dma_start3A_315] : memref<128x64xf32, #tpu.memory_space<vmem>> -> memref<1x64xf32, #tpu.memory_space<vmem>>
      %dma_start3A_317 = tpu.memref_squeeze %dma_start3A_316 : memref<1x64xf32, #tpu.memory_space<vmem>> -> memref<64xf32, #tpu.memory_space<vmem>>
      %dma_start3A_318 = arith.constant 0 : i32
      %dma_start3A_319 = tpu.memref_slice %arg4[%squeeze3A_304, %dma_start3A_318] : memref<1000000x64xf32, #tpu.memory_space<hbm>> -> memref<1x64xf32, #tpu.memory_space<hbm>>
      %dma_start3A_320 = tpu.memref_squeeze %dma_start3A_319 : memref<1x64xf32, #tpu.memory_space<hbm>> -> memref<64xf32, #tpu.memory_space<hbm>>
      tpu.enqueue_dma source(%dma_start3A_320 : memref<64xf32, #tpu.memory_space<hbm>>) target(%dma_start3A_317 : memref<64xf32, #tpu.memory_space<vmem>>) target_semaphore(%arg18 : memref<!tpu.dma_semaphore, #tpu.memory_space<semaphore_mem>>)
      %slice3A_321 = vector.extract_strided_slice %get3A_52 {offsets = [15], sizes = [1], strides = [1]} : vector<16xi32> to vector<1xi32>
      %squeeze3A_322 = vector.extract %slice3A_321[0] : i32 from vector<1xi32>
      %mul3A_323 = arith.constant 16 : i32
      %mul3A_324 = arith.muli %scan3A_46, %mul3A_323 : i32
      %add3A_325 = arith.constant 15 : i32
      %add3A_326 = arith.addi %mul3A_324, %add3A_325 : i32
      %dma_start3A_327 = arith.constant 0 : i32
      %dma_start3A_328 = tpu.memref_slice %arg12[%add3A_326, %dma_start3A_327] : memref<128x64xf32, #tpu.memory_space<vmem>> -> memref<1x64xf32, #tpu.memory_space<vmem>>
      %dma_start3A_329 = tpu.memref_squeeze %dma_start3A_328 : memref<1x64xf32, #tpu.memory_space<vmem>> -> memref<64xf32, #tpu.memory_space<vmem>>
      %dma_start3A_330 = arith.constant 0 : i32
      %dma_start3A_331 = tpu.memref_slice %arg4[%squeeze3A_322, %dma_start3A_330] : memref<1000000x64xf32, #tpu.memory_space<hbm>> -> memref<1x64xf32, #tpu.memory_space<hbm>>
      %dma_start3A_332 = tpu.memref_squeeze %dma_start3A_331 : memref<1x64xf32, #tpu.memory_space<hbm>> -> memref<64xf32, #tpu.memory_space<hbm>>
      %dma_start3A_333 = arith.constant 0 : i32
      %dma_start3A_334 = tpu.memref_slice %arg12[%add3A_326, %dma_start3A_333] : memref<128x64xf32, #tpu.memory_space<vmem>> -> memref<1x64xf32, #tpu.memory_space<vmem>>
      %dma_start3A_335 = tpu.memref_squeeze %dma_start3A_334 : memref<1x64xf32, #tpu.memory_space<vmem>> -> memref<64xf32, #tpu.memory_space<vmem>>
      %dma_start3A_336 = arith.constant 0 : i32
      %dma_start3A_337 = tpu.memref_slice %arg4[%squeeze3A_322, %dma_start3A_336] : memref<1000000x64xf32, #tpu.memory_space<hbm>> -> memref<1x64xf32, #tpu.memory_space<hbm>>
      %dma_start3A_338 = tpu.memref_squeeze %dma_start3A_337 : memref<1x64xf32, #tpu.memory_space<hbm>> -> memref<64xf32, #tpu.memory_space<hbm>>
      tpu.enqueue_dma source(%dma_start3A_338 : memref<64xf32, #tpu.memory_space<hbm>>) target(%dma_start3A_335 : memref<64xf32, #tpu.memory_space<vmem>>) target_semaphore(%arg18 : memref<!tpu.dma_semaphore, #tpu.memory_space<semaphore_mem>>)
    }
    %scan3A_11 = arith.constant 8 : i32
    %dma_start3A_12 = arith.constant 128 : i32
    %dma_start3A_13 = tpu.memref_slice %arg8[%dma_start3A_12] : memref<6400xi32, #tpu.memory_space<vmem>> -> memref<128xi32, #tpu.memory_space<vmem>>
    %dma_start3A_14 = arith.constant 0 : i32
    %dma_start3A_15 = arith.constant 0 : i32
    %dma_start3A_16 = tpu.memref_slice %arg5[%dma_start3A_14, %dma_start3A_15] : memref<12800x128xf32, #tpu.memory_space<hbm>> -> memref<12800x128xf32, #tpu.memory_space<hbm>>
    tpu.enqueue_indirect_dma source(%dma_start3A_16 : memref<12800x128xf32, #tpu.memory_space<hbm>>) target(%arg10 : memref<128x128xf32, #tpu.memory_space<vmem>>) offsets(%dma_start3A_13 : memref<128xi32, #tpu.memory_space<vmem>>) semaphore(%arg16 : memref<!tpu.dma_semaphore, #tpu.memory_space<semaphore_mem>>)
    %scan3A_17 = arith.constant 0 : i32
    %scan3A_18 = arith.constant 0 : i32
    %scan3A_19 = arith.constant 8 : i32
    %scan3A_20 = arith.addi %scan3A_18, %scan3A_19 : i32
    %scan3A_21 = arith.constant 1 : i32
    scf.for %scan3A_46 = %scan3A_18 to %scan3A_20 step %scan3A_21  : i32 {
      %mul3A_47 = arith.constant 16 : i32
      %mul3A_48 = arith.muli %scan3A_46, %mul3A_47 : i32
      %add3A_49 = arith.constant 128 : i32
      %add3A_50 = arith.addi %add3A_49, %mul3A_48 : i32
      %get3A = arith.index_cast %add3A_50 : i32 to index
      %get3A_51 = tpu.vector_load %arg7[%get3A] {strides = array<i32>} : memref<6400xi32, #tpu.memory_space<vmem>>, vector<16xi32>,
      %get3A_52 = vector.shape_cast %get3A_51 : vector<16xi32> to vector<16xi32>
      %slice3A = vector.extract_strided_slice %get3A_52 {offsets = [0], sizes = [1], strides = [1]} : vector<16xi32> to vector<1xi32>
      %squeeze3A = vector.extract %slice3A[0] : i32 from vector<1xi32>
      %mul3A_53 = arith.constant 16 : i32
      %mul3A_54 = arith.muli %scan3A_46, %mul3A_53 : i32
      %add3A_55 = arith.constant 0 : i32
      %add3A_56 = arith.addi %mul3A_54, %add3A_55 : i32
      %dma_start3A_57 = arith.constant 0 : i32
      %dma_start3A_58 = tpu.memref_slice %arg13[%add3A_56, %dma_start3A_57] : memref<128x64xf32, #tpu.memory_space<vmem>> -> memref<1x64xf32, #tpu.memory_space<vmem>>
      %dma_start3A_59 = tpu.memref_squeeze %dma_start3A_58 : memref<1x64xf32, #tpu.memory_space<vmem>> -> memref<64xf32, #tpu.memory_space<vmem>>
      %dma_start3A_60 = arith.constant 0 : i32
      %dma_start3A_61 = tpu.memref_slice %arg4[%squeeze3A, %dma_start3A_60] : memref<1000000x64xf32, #tpu.memory_space<hbm>> -> memref<1x64xf32, #tpu.memory_space<hbm>>
      %dma_start3A_62 = tpu.memref_squeeze %dma_start3A_61 : memref<1x64xf32, #tpu.memory_space<hbm>> -> memref<64xf32, #tpu.memory_space<hbm>>
      %dma_start3A_63 = arith.constant 0 : i32
      %dma_start3A_64 = tpu.memref_slice %arg13[%add3A_56, %dma_start3A_63] : memref<128x64xf32, #tpu.memory_space<vmem>> -> memref<1x64xf32, #tpu.memory_space<vmem>>
      %dma_start3A_65 = tpu.memref_squeeze %dma_start3A_64 : memref<1x64xf32, #tpu.memory_space<vmem>> -> memref<64xf32, #tpu.memory_space<vmem>>
      %dma_start3A_66 = arith.constant 0 : i32
      %dma_start3A_67 = tpu.memref_slice %arg4[%squeeze3A, %dma_start3A_66] : memref<1000000x64xf32, #tpu.memory_space<hbm>> -> memref<1x64xf32, #tpu.memory_space<hbm>>
      %dma_start3A_68 = tpu.memref_squeeze %dma_start3A_67 : memref<1x64xf32, #tpu.memory_space<hbm>> -> memref<64xf32, #tpu.memory_space<hbm>>
      tpu.enqueue_dma source(%dma_start3A_68 : memref<64xf32, #tpu.memory_space<hbm>>) target(%dma_start3A_65 : memref<64xf32, #tpu.memory_space<vmem>>) target_semaphore(%arg19 : memref<!tpu.dma_semaphore, #tpu.memory_space<semaphore_mem>>)
      %slice3A_69 = vector.extract_strided_slice %get3A_52 {offsets = [1], sizes = [1], strides = [1]} : vector<16xi32> to vector<1xi32>
      %squeeze3A_70 = vector.extract %slice3A_69[0] : i32 from vector<1xi32>
      %mul3A_71 = arith.constant 16 : i32
      %mul3A_72 = arith.muli %scan3A_46, %mul3A_71 : i32
      %add3A_73 = arith.constant 1 : i32
      %add3A_74 = arith.addi %mul3A_72, %add3A_73 : i32
      %dma_start3A_75 = arith.constant 0 : i32
      %dma_start3A_76 = tpu.memref_slice %arg13[%add3A_74, %dma_start3A_75] : memref<128x64xf32, #tpu.memory_space<vmem>> -> memref<1x64xf32, #tpu.memory_space<vmem>>
      %dma_start3A_77 = tpu.memref_squeeze %dma_start3A_76 : memref<1x64xf32, #tpu.memory_space<vmem>> -> memref<64xf32, #tpu.memory_space<vmem>>
      %dma_start3A_78 = arith.constant 0 : i32
      %dma_start3A_79 = tpu.memref_slice %arg4[%squeeze3A_70, %dma_start3A_78] : memref<1000000x64xf32, #tpu.memory_space<hbm>> -> memref<1x64xf32, #tpu.memory_space<hbm>>
      %dma_start3A_80 = tpu.memref_squeeze %dma_start3A_79 : memref<1x64xf32, #tpu.memory_space<hbm>> -> memref<64xf32, #tpu.memory_space<hbm>>
      %dma_start3A_81 = arith.constant 0 : i32
      %dma_start3A_82 = tpu.memref_slice %arg13[%add3A_74, %dma_start3A_81] : memref<128x64xf32, #tpu.memory_space<vmem>> -> memref<1x64xf32, #tpu.memory_space<vmem>>
      %dma_start3A_83 = tpu.memref_squeeze %dma_start3A_82 : memref<1x64xf32, #tpu.memory_space<vmem>> -> memref<64xf32, #tpu.memory_space<vmem>>
      %dma_start3A_84 = arith.constant 0 : i32
      %dma_start3A_85 = tpu.memref_slice %arg4[%squeeze3A_70, %dma_start3A_84] : memref<1000000x64xf32, #tpu.memory_space<hbm>> -> memref<1x64xf32, #tpu.memory_space<hbm>>
      %dma_start3A_86 = tpu.memref_squeeze %dma_start3A_85 : memref<1x64xf32, #tpu.memory_space<hbm>> -> memref<64xf32, #tpu.memory_space<hbm>>
      tpu.enqueue_dma source(%dma_start3A_86 : memref<64xf32, #tpu.memory_space<hbm>>) target(%dma_start3A_83 : memref<64xf32, #tpu.memory_space<vmem>>) target_semaphore(%arg19 : memref<!tpu.dma_semaphore, #tpu.memory_space<semaphore_mem>>)
      %slice3A_87 = vector.extract_strided_slice %get3A_52 {offsets = [2], sizes = [1], strides = [1]} : vector<16xi32> to vector<1xi32>
      %squeeze3A_88 = vector.extract %slice3A_87[0] : i32 from vector<1xi32>
      %mul3A_89 = arith.constant 16 : i32
      %mul3A_90 = arith.muli %scan3A_46, %mul3A_89 : i32
      %add3A_91 = arith.constant 2 : i32
      %add3A_92 = arith.addi %mul3A_90, %add3A_91 : i32
      %dma_start3A_93 = arith.constant 0 : i32
      %dma_start3A_94 = tpu.memref_slice %arg13[%add3A_92, %dma_start3A_93] : memref<128x64xf32, #tpu.memory_space<vmem>> -> memref<1x64xf32, #tpu.memory_space<vmem>>
      %dma_start3A_95 = tpu.memref_squeeze %dma_start3A_94 : memref<1x64xf32, #tpu.memory_space<vmem>> -> memref<64xf32, #tpu.memory_space<vmem>>
      %dma_start3A_96 = arith.constant 0 : i32
      %dma_start3A_97 = tpu.memref_slice %arg4[%squeeze3A_88, %dma_start3A_96] : memref<1000000x64xf32, #tpu.memory_space<hbm>> -> memref<1x64xf32, #tpu.memory_space<hbm>>
      %dma_start3A_98 = tpu.memref_squeeze %dma_start3A_97 : memref<1x64xf32, #tpu.memory_space<hbm>> -> memref<64xf32, #tpu.memory_space<hbm>>
      %dma_start3A_99 = arith.constant 0 : i32
      %dma_start3A_100 = tpu.memref_slice %arg13[%add3A_92, %dma_start3A_99] : memref<128x64xf32, #tpu.memory_space<vmem>> -> memref<1x64xf32, #tpu.memory_space<vmem>>
      %dma_start3A_101 = tpu.memref_squeeze %dma_start3A_100 : memref<1x64xf32, #tpu.memory_space<vmem>> -> memref<64xf32, #tpu.memory_space<vmem>>
      %dma_start3A_102 = arith.constant 0 : i32
      %dma_start3A_103 = tpu.memref_slice %arg4[%squeeze3A_88, %dma_start3A_102] : memref<1000000x64xf32, #tpu.memory_space<hbm>> -> memref<1x64xf32, #tpu.memory_space<hbm>>
      %dma_start3A_104 = tpu.memref_squeeze %dma_start3A_103 : memref<1x64xf32, #tpu.memory_space<hbm>> -> memref<64xf32, #tpu.memory_space<hbm>>
      tpu.enqueue_dma source(%dma_start3A_104 : memref<64xf32, #tpu.memory_space<hbm>>) target(%dma_start3A_101 : memref<64xf32, #tpu.memory_space<vmem>>) target_semaphore(%arg19 : memref<!tpu.dma_semaphore, #tpu.memory_space<semaphore_mem>>)
      %slice3A_105 = vector.extract_strided_slice %get3A_52 {offsets = [3], sizes = [1], strides = [1]} : vector<16xi32> to vector<1xi32>
      %squeeze3A_106 = vector.extract %slice3A_105[0] : i32 from vector<1xi32>
      %mul3A_107 = arith.constant 16 : i32
      %mul3A_108 = arith.muli %scan3A_46, %mul3A_107 : i32
      %add3A_109 = arith.constant 3 : i32
      %add3A_110 = arith.addi %mul3A_108, %add3A_109 : i32
      %dma_start3A_111 = arith.constant 0 : i32
      %dma_start3A_112 = tpu.memref_slice %arg13[%add3A_110, %dma_start3A_111] : memref<128x64xf32, #tpu.memory_space<vmem>> -> memref<1x64xf32, #tpu.memory_space<vmem>>
      %dma_start3A_113 = tpu.memref_squeeze %dma_start3A_112 : memref<1x64xf32, #tpu.memory_space<vmem>> -> memref<64xf32, #tpu.memory_space<vmem>>
      %dma_start3A_114 = arith.constant 0 : i32
      %dma_start3A_115 = tpu.memref_slice %arg4[%squeeze3A_106, %dma_start3A_114] : memref<1000000x64xf32, #tpu.memory_space<hbm>> -> memref<1x64xf32, #tpu.memory_space<hbm>>
      %dma_start3A_116 = tpu.memref_squeeze %dma_start3A_115 : memref<1x64xf32, #tpu.memory_space<hbm>> -> memref<64xf32, #tpu.memory_space<hbm>>
      %dma_start3A_117 = arith.constant 0 : i32
      %dma_start3A_118 = tpu.memref_slice %arg13[%add3A_110, %dma_start3A_117] : memref<128x64xf32, #tpu.memory_space<vmem>> -> memref<1x64xf32, #tpu.memory_space<vmem>>
      %dma_start3A_119 = tpu.memref_squeeze %dma_start3A_118 : memref<1x64xf32, #tpu.memory_space<vmem>> -> memref<64xf32, #tpu.memory_space<vmem>>
      %dma_start3A_120 = arith.constant 0 : i32
      %dma_start3A_121 = tpu.memref_slice %arg4[%squeeze3A_106, %dma_start3A_120] : memref<1000000x64xf32, #tpu.memory_space<hbm>> -> memref<1x64xf32, #tpu.memory_space<hbm>>
      %dma_start3A_122 = tpu.memref_squeeze %dma_start3A_121 : memref<1x64xf32, #tpu.memory_space<hbm>> -> memref<64xf32, #tpu.memory_space<hbm>>
      tpu.enqueue_dma source(%dma_start3A_122 : memref<64xf32, #tpu.memory_space<hbm>>) target(%dma_start3A_119 : memref<64xf32, #tpu.memory_space<vmem>>) target_semaphore(%arg19 : memref<!tpu.dma_semaphore, #tpu.memory_space<semaphore_mem>>)
      %slice3A_123 = vector.extract_strided_slice %get3A_52 {offsets = [4], sizes = [1], strides = [1]} : vector<16xi32> to vector<1xi32>
      %squeeze3A_124 = vector.extract %slice3A_123[0] : i32 from vector<1xi32>
      %mul3A_125 = arith.constant 16 : i32
      %mul3A_126 = arith.muli %scan3A_46, %mul3A_125 : i32
      %add3A_127 = arith.constant 4 : i32
      %add3A_128 = arith.addi %mul3A_126, %add3A_127 : i32
      %dma_start3A_129 = arith.constant 0 : i32
      %dma_start3A_130 = tpu.memref_slice %arg13[%add3A_128, %dma_start3A_129] : memref<128x64xf32, #tpu.memory_space<vmem>> -> memref<1x64xf32, #tpu.memory_space<vmem>>
      %dma_start3A_131 = tpu.memref_squeeze %dma_start3A_130 : memref<1x64xf32, #tpu.memory_space<vmem>> -> memref<64xf32, #tpu.memory_space<vmem>>
      %dma_start3A_132 = arith.constant 0 : i32
      %dma_start3A_133 = tpu.memref_slice %arg4[%squeeze3A_124, %dma_start3A_132] : memref<1000000x64xf32, #tpu.memory_space<hbm>> -> memref<1x64xf32, #tpu.memory_space<hbm>>
      %dma_start3A_134 = tpu.memref_squeeze %dma_start3A_133 : memref<1x64xf32, #tpu.memory_space<hbm>> -> memref<64xf32, #tpu.memory_space<hbm>>
      %dma_start3A_135 = arith.constant 0 : i32
      %dma_start3A_136 = tpu.memref_slice %arg13[%add3A_128, %dma_start3A_135] : memref<128x64xf32, #tpu.memory_space<vmem>> -> memref<1x64xf32, #tpu.memory_space<vmem>>
      %dma_start3A_137 = tpu.memref_squeeze %dma_start3A_136 : memref<1x64xf32, #tpu.memory_space<vmem>> -> memref<64xf32, #tpu.memory_space<vmem>>
      %dma_start3A_138 = arith.constant 0 : i32
      %dma_start3A_139 = tpu.memref_slice %arg4[%squeeze3A_124, %dma_start3A_138] : memref<1000000x64xf32, #tpu.memory_space<hbm>> -> memref<1x64xf32, #tpu.memory_space<hbm>>
      %dma_start3A_140 = tpu.memref_squeeze %dma_start3A_139 : memref<1x64xf32, #tpu.memory_space<hbm>> -> memref<64xf32, #tpu.memory_space<hbm>>
      tpu.enqueue_dma source(%dma_start3A_140 : memref<64xf32, #tpu.memory_space<hbm>>) target(%dma_start3A_137 : memref<64xf32, #tpu.memory_space<vmem>>) target_semaphore(%arg19 : memref<!tpu.dma_semaphore, #tpu.memory_space<semaphore_mem>>)
      %slice3A_141 = vector.extract_strided_slice %get3A_52 {offsets = [5], sizes = [1], strides = [1]} : vector<16xi32> to vector<1xi32>
      %squeeze3A_142 = vector.extract %slice3A_141[0] : i32 from vector<1xi32>
      %mul3A_143 = arith.constant 16 : i32
      %mul3A_144 = arith.muli %scan3A_46, %mul3A_143 : i32
      %add3A_145 = arith.constant 5 : i32
      %add3A_146 = arith.addi %mul3A_144, %add3A_145 : i32
      %dma_start3A_147 = arith.constant 0 : i32
      %dma_start3A_148 = tpu.memref_slice %arg13[%add3A_146, %dma_start3A_147] : memref<128x64xf32, #tpu.memory_space<vmem>> -> memref<1x64xf32, #tpu.memory_space<vmem>>
      %dma_start3A_149 = tpu.memref_squeeze %dma_start3A_148 : memref<1x64xf32, #tpu.memory_space<vmem>> -> memref<64xf32, #tpu.memory_space<vmem>>
      %dma_start3A_150 = arith.constant 0 : i32
      %dma_start3A_151 = tpu.memref_slice %arg4[%squeeze3A_142, %dma_start3A_150] : memref<1000000x64xf32, #tpu.memory_space<hbm>> -> memref<1x64xf32, #tpu.memory_space<hbm>>
      %dma_start3A_152 = tpu.memref_squeeze %dma_start3A_151 : memref<1x64xf32, #tpu.memory_space<hbm>> -> memref<64xf32, #tpu.memory_space<hbm>>
      %dma_start3A_153 = arith.constant 0 : i32
      %dma_start3A_154 = tpu.memref_slice %arg13[%add3A_146, %dma_start3A_153] : memref<128x64xf32, #tpu.memory_space<vmem>> -> memref<1x64xf32, #tpu.memory_space<vmem>>
      %dma_start3A_155 = tpu.memref_squeeze %dma_start3A_154 : memref<1x64xf32, #tpu.memory_space<vmem>> -> memref<64xf32, #tpu.memory_space<vmem>>
      %dma_start3A_156 = arith.constant 0 : i32
      %dma_start3A_157 = tpu.memref_slice %arg4[%squeeze3A_142, %dma_start3A_156] : memref<1000000x64xf32, #tpu.memory_space<hbm>> -> memref<1x64xf32, #tpu.memory_space<hbm>>
      %dma_start3A_158 = tpu.memref_squeeze %dma_start3A_157 : memref<1x64xf32, #tpu.memory_space<hbm>> -> memref<64xf32, #tpu.memory_space<hbm>>
      tpu.enqueue_dma source(%dma_start3A_158 : memref<64xf32, #tpu.memory_space<hbm>>) target(%dma_start3A_155 : memref<64xf32, #tpu.memory_space<vmem>>) target_semaphore(%arg19 : memref<!tpu.dma_semaphore, #tpu.memory_space<semaphore_mem>>)
      %slice3A_159 = vector.extract_strided_slice %get3A_52 {offsets = [6], sizes = [1], strides = [1]} : vector<16xi32> to vector<1xi32>
      %squeeze3A_160 = vector.extract %slice3A_159[0] : i32 from vector<1xi32>
      %mul3A_161 = arith.constant 16 : i32
      %mul3A_162 = arith.muli %scan3A_46, %mul3A_161 : i32
      %add3A_163 = arith.constant 6 : i32
      %add3A_164 = arith.addi %mul3A_162, %add3A_163 : i32
      %dma_start3A_165 = arith.constant 0 : i32
      %dma_start3A_166 = tpu.memref_slice %arg13[%add3A_164, %dma_start3A_165] : memref<128x64xf32, #tpu.memory_space<vmem>> -> memref<1x64xf32, #tpu.memory_space<vmem>>
      %dma_start3A_167 = tpu.memref_squeeze %dma_start3A_166 : memref<1x64xf32, #tpu.memory_space<vmem>> -> memref<64xf32, #tpu.memory_space<vmem>>
      %dma_start3A_168 = arith.constant 0 : i32
      %dma_start3A_169 = tpu.memref_slice %arg4[%squeeze3A_160, %dma_start3A_168] : memref<1000000x64xf32, #tpu.memory_space<hbm>> -> memref<1x64xf32, #tpu.memory_space<hbm>>
      %dma_start3A_170 = tpu.memref_squeeze %dma_start3A_169 : memref<1x64xf32, #tpu.memory_space<hbm>> -> memref<64xf32, #tpu.memory_space<hbm>>
      %dma_start3A_171 = arith.constant 0 : i32
      %dma_start3A_172 = tpu.memref_slice %arg13[%add3A_164, %dma_start3A_171] : memref<128x64xf32, #tpu.memory_space<vmem>> -> memref<1x64xf32, #tpu.memory_space<vmem>>
      %dma_start3A_173 = tpu.memref_squeeze %dma_start3A_172 : memref<1x64xf32, #tpu.memory_space<vmem>> -> memref<64xf32, #tpu.memory_space<vmem>>
      %dma_start3A_174 = arith.constant 0 : i32
      %dma_start3A_175 = tpu.memref_slice %arg4[%squeeze3A_160, %dma_start3A_174] : memref<1000000x64xf32, #tpu.memory_space<hbm>> -> memref<1x64xf32, #tpu.memory_space<hbm>>
      %dma_start3A_176 = tpu.memref_squeeze %dma_start3A_175 : memref<1x64xf32, #tpu.memory_space<hbm>> -> memref<64xf32, #tpu.memory_space<hbm>>
      tpu.enqueue_dma source(%dma_start3A_176 : memref<64xf32, #tpu.memory_space<hbm>>) target(%dma_start3A_173 : memref<64xf32, #tpu.memory_space<vmem>>) target_semaphore(%arg19 : memref<!tpu.dma_semaphore, #tpu.memory_space<semaphore_mem>>)
      %slice3A_177 = vector.extract_strided_slice %get3A_52 {offsets = [7], sizes = [1], strides = [1]} : vector<16xi32> to vector<1xi32>
      %squeeze3A_178 = vector.extract %slice3A_177[0] : i32 from vector<1xi32>
      %mul3A_179 = arith.constant 16 : i32
      %mul3A_180 = arith.muli %scan3A_46, %mul3A_179 : i32
      %add3A_181 = arith.constant 7 : i32
      %add3A_182 = arith.addi %mul3A_180, %add3A_181 : i32
      %dma_start3A_183 = arith.constant 0 : i32
      %dma_start3A_184 = tpu.memref_slice %arg13[%add3A_182, %dma_start3A_183] : memref<128x64xf32, #tpu.memory_space<vmem>> -> memref<1x64xf32, #tpu.memory_space<vmem>>
      %dma_start3A_185 = tpu.memref_squeeze %dma_start3A_184 : memref<1x64xf32, #tpu.memory_space<vmem>> -> memref<64xf32, #tpu.memory_space<vmem>>
      %dma_start3A_186 = arith.constant 0 : i32
      %dma_start3A_187 = tpu.memref_slice %arg4[%squeeze3A_178, %dma_start3A_186] : memref<1000000x64xf32, #tpu.memory_space<hbm>> -> memref<1x64xf32, #tpu.memory_space<hbm>>
      %dma_start3A_188 = tpu.memref_squeeze %dma_start3A_187 : memref<1x64xf32, #tpu.memory_space<hbm>> -> memref<64xf32, #tpu.memory_space<hbm>>
      %dma_start3A_189 = arith.constant 0 : i32
      %dma_start3A_190 = tpu.memref_slice %arg13[%add3A_182, %dma_start3A_189] : memref<128x64xf32, #tpu.memory_space<vmem>> -> memref<1x64xf32, #tpu.memory_space<vmem>>
      %dma_start3A_191 = tpu.memref_squeeze %dma_start3A_190 : memref<1x64xf32, #tpu.memory_space<vmem>> -> memref<64xf32, #tpu.memory_space<vmem>>
      %dma_start3A_192 = arith.constant 0 : i32
      %dma_start3A_193 = tpu.memref_slice %arg4[%squeeze3A_178, %dma_start3A_192] : memref<1000000x64xf32, #tpu.memory_space<hbm>> -> memref<1x64xf32, #tpu.memory_space<hbm>>
      %dma_start3A_194 = tpu.memref_squeeze %dma_start3A_193 : memref<1x64xf32, #tpu.memory_space<hbm>> -> memref<64xf32, #tpu.memory_space<hbm>>
      tpu.enqueue_dma source(%dma_start3A_194 : memref<64xf32, #tpu.memory_space<hbm>>) target(%dma_start3A_191 : memref<64xf32, #tpu.memory_space<vmem>>) target_semaphore(%arg19 : memref<!tpu.dma_semaphore, #tpu.memory_space<semaphore_mem>>)
      %slice3A_195 = vector.extract_strided_slice %get3A_52 {offsets = [8], sizes = [1], strides = [1]} : vector<16xi32> to vector<1xi32>
      %squeeze3A_196 = vector.extract %slice3A_195[0] : i32 from vector<1xi32>
      %mul3A_197 = arith.constant 16 : i32
      %mul3A_198 = arith.muli %scan3A_46, %mul3A_197 : i32
      %add3A_199 = arith.constant 8 : i32
      %add3A_200 = arith.addi %mul3A_198, %add3A_199 : i32
      %dma_start3A_201 = arith.constant 0 : i32
      %dma_start3A_202 = tpu.memref_slice %arg13[%add3A_200, %dma_start3A_201] : memref<128x64xf32, #tpu.memory_space<vmem>> -> memref<1x64xf32, #tpu.memory_space<vmem>>
      %dma_start3A_203 = tpu.memref_squeeze %dma_start3A_202 : memref<1x64xf32, #tpu.memory_space<vmem>> -> memref<64xf32, #tpu.memory_space<vmem>>
      %dma_start3A_204 = arith.constant 0 : i32
      %dma_start3A_205 = tpu.memref_slice %arg4[%squeeze3A_196, %dma_start3A_204] : memref<1000000x64xf32, #tpu.memory_space<hbm>> -> memref<1x64xf32, #tpu.memory_space<hbm>>
      %dma_start3A_206 = tpu.memref_squeeze %dma_start3A_205 : memref<1x64xf32, #tpu.memory_space<hbm>> -> memref<64xf32, #tpu.memory_space<hbm>>
      %dma_start3A_207 = arith.constant 0 : i32
      %dma_start3A_208 = tpu.memref_slice %arg13[%add3A_200, %dma_start3A_207] : memref<128x64xf32, #tpu.memory_space<vmem>> -> memref<1x64xf32, #tpu.memory_space<vmem>>
      %dma_start3A_209 = tpu.memref_squeeze %dma_start3A_208 : memref<1x64xf32, #tpu.memory_space<vmem>> -> memref<64xf32, #tpu.memory_space<vmem>>
      %dma_start3A_210 = arith.constant 0 : i32
      %dma_start3A_211 = tpu.memref_slice %arg4[%squeeze3A_196, %dma_start3A_210] : memref<1000000x64xf32, #tpu.memory_space<hbm>> -> memref<1x64xf32, #tpu.memory_space<hbm>>
      %dma_start3A_212 = tpu.memref_squeeze %dma_start3A_211 : memref<1x64xf32, #tpu.memory_space<hbm>> -> memref<64xf32, #tpu.memory_space<hbm>>
      tpu.enqueue_dma source(%dma_start3A_212 : memref<64xf32, #tpu.memory_space<hbm>>) target(%dma_start3A_209 : memref<64xf32, #tpu.memory_space<vmem>>) target_semaphore(%arg19 : memref<!tpu.dma_semaphore, #tpu.memory_space<semaphore_mem>>)
      %slice3A_213 = vector.extract_strided_slice %get3A_52 {offsets = [9], sizes = [1], strides = [1]} : vector<16xi32> to vector<1xi32>
      %squeeze3A_214 = vector.extract %slice3A_213[0] : i32 from vector<1xi32>
      %mul3A_215 = arith.constant 16 : i32
      %mul3A_216 = arith.muli %scan3A_46, %mul3A_215 : i32
      %add3A_217 = arith.constant 9 : i32
      %add3A_218 = arith.addi %mul3A_216, %add3A_217 : i32
      %dma_start3A_219 = arith.constant 0 : i32
      %dma_start3A_220 = tpu.memref_slice %arg13[%add3A_218, %dma_start3A_219] : memref<128x64xf32, #tpu.memory_space<vmem>> -> memref<1x64xf32, #tpu.memory_space<vmem>>
      %dma_start3A_221 = tpu.memref_squeeze %dma_start3A_220 : memref<1x64xf32, #tpu.memory_space<vmem>> -> memref<64xf32, #tpu.memory_space<vmem>>
      %dma_start3A_222 = arith.constant 0 : i32
      %dma_start3A_223 = tpu.memref_slice %arg4[%squeeze3A_214, %dma_start3A_222] : memref<1000000x64xf32, #tpu.memory_space<hbm>> -> memref<1x64xf32, #tpu.memory_space<hbm>>
      %dma_start3A_224 = tpu.memref_squeeze %dma_start3A_223 : memref<1x64xf32, #tpu.memory_space<hbm>> -> memref<64xf32, #tpu.memory_space<hbm>>
      %dma_start3A_225 = arith.constant 0 : i32
      %dma_start3A_226 = tpu.memref_slice %arg13[%add3A_218, %dma_start3A_225] : memref<128x64xf32, #tpu.memory_space<vmem>> -> memref<1x64xf32, #tpu.memory_space<vmem>>
      %dma_start3A_227 = tpu.memref_squeeze %dma_start3A_226 : memref<1x64xf32, #tpu.memory_space<vmem>> -> memref<64xf32, #tpu.memory_space<vmem>>
      %dma_start3A_228 = arith.constant 0 : i32
      %dma_start3A_229 = tpu.memref_slice %arg4[%squeeze3A_214, %dma_start3A_228] : memref<1000000x64xf32, #tpu.memory_space<hbm>> -> memref<1x64xf32, #tpu.memory_space<hbm>>
      %dma_start3A_230 = tpu.memref_squeeze %dma_start3A_229 : memref<1x64xf32, #tpu.memory_space<hbm>> -> memref<64xf32, #tpu.memory_space<hbm>>
      tpu.enqueue_dma source(%dma_start3A_230 : memref<64xf32, #tpu.memory_space<hbm>>) target(%dma_start3A_227 : memref<64xf32, #tpu.memory_space<vmem>>) target_semaphore(%arg19 : memref<!tpu.dma_semaphore, #tpu.memory_space<semaphore_mem>>)
      %slice3A_231 = vector.extract_strided_slice %get3A_52 {offsets = [10], sizes = [1], strides = [1]} : vector<16xi32> to vector<1xi32>
      %squeeze3A_232 = vector.extract %slice3A_231[0] : i32 from vector<1xi32>
      %mul3A_233 = arith.constant 16 : i32
      %mul3A_234 = arith.muli %scan3A_46, %mul3A_233 : i32
      %add3A_235 = arith.constant 10 : i32
      %add3A_236 = arith.addi %mul3A_234, %add3A_235 : i32
      %dma_start3A_237 = arith.constant 0 : i32
      %dma_start3A_238 = tpu.memref_slice %arg13[%add3A_236, %dma_start3A_237] : memref<128x64xf32, #tpu.memory_space<vmem>> -> memref<1x64xf32, #tpu.memory_space<vmem>>
      %dma_start3A_239 = tpu.memref_squeeze %dma_start3A_238 : memref<1x64xf32, #tpu.memory_space<vmem>> -> memref<64xf32, #tpu.memory_space<vmem>>
      %dma_start3A_240 = arith.constant 0 : i32
      %dma_start3A_241 = tpu.memref_slice %arg4[%squeeze3A_232, %dma_start3A_240] : memref<1000000x64xf32, #tpu.memory_space<hbm>> -> memref<1x64xf32, #tpu.memory_space<hbm>>
      %dma_start3A_242 = tpu.memref_squeeze %dma_start3A_241 : memref<1x64xf32, #tpu.memory_space<hbm>> -> memref<64xf32, #tpu.memory_space<hbm>>
      %dma_start3A_243 = arith.constant 0 : i32
      %dma_start3A_244 = tpu.memref_slice %arg13[%add3A_236, %dma_start3A_243] : memref<128x64xf32, #tpu.memory_space<vmem>> -> memref<1x64xf32, #tpu.memory_space<vmem>>
      %dma_start3A_245 = tpu.memref_squeeze %dma_start3A_244 : memref<1x64xf32, #tpu.memory_space<vmem>> -> memref<64xf32, #tpu.memory_space<vmem>>
      %dma_start3A_246 = arith.constant 0 : i32
      %dma_start3A_247 = tpu.memref_slice %arg4[%squeeze3A_232, %dma_start3A_246] : memref<1000000x64xf32, #tpu.memory_space<hbm>> -> memref<1x64xf32, #tpu.memory_space<hbm>>
      %dma_start3A_248 = tpu.memref_squeeze %dma_start3A_247 : memref<1x64xf32, #tpu.memory_space<hbm>> -> memref<64xf32, #tpu.memory_space<hbm>>
      tpu.enqueue_dma source(%dma_start3A_248 : memref<64xf32, #tpu.memory_space<hbm>>) target(%dma_start3A_245 : memref<64xf32, #tpu.memory_space<vmem>>) target_semaphore(%arg19 : memref<!tpu.dma_semaphore, #tpu.memory_space<semaphore_mem>>)
      %slice3A_249 = vector.extract_strided_slice %get3A_52 {offsets = [11], sizes = [1], strides = [1]} : vector<16xi32> to vector<1xi32>
      %squeeze3A_250 = vector.extract %slice3A_249[0] : i32 from vector<1xi32>
      %mul3A_251 = arith.constant 16 : i32
      %mul3A_252 = arith.muli %scan3A_46, %mul3A_251 : i32
      %add3A_253 = arith.constant 11 : i32
      %add3A_254 = arith.addi %mul3A_252, %add3A_253 : i32
      %dma_start3A_255 = arith.constant 0 : i32
      %dma_start3A_256 = tpu.memref_slice %arg13[%add3A_254, %dma_start3A_255] : memref<128x64xf32, #tpu.memory_space<vmem>> -> memref<1x64xf32, #tpu.memory_space<vmem>>
      %dma_start3A_257 = tpu.memref_squeeze %dma_start3A_256 : memref<1x64xf32, #tpu.memory_space<vmem>> -> memref<64xf32, #tpu.memory_space<vmem>>
      %dma_start3A_258 = arith.constant 0 : i32
      %dma_start3A_259 = tpu.memref_slice %arg4[%squeeze3A_250, %dma_start3A_258] : memref<1000000x64xf32, #tpu.memory_space<hbm>> -> memref<1x64xf32, #tpu.memory_space<hbm>>
      %dma_start3A_260 = tpu.memref_squeeze %dma_start3A_259 : memref<1x64xf32, #tpu.memory_space<hbm>> -> memref<64xf32, #tpu.memory_space<hbm>>
      %dma_start3A_261 = arith.constant 0 : i32
      %dma_start3A_262 = tpu.memref_slice %arg13[%add3A_254, %dma_start3A_261] : memref<128x64xf32, #tpu.memory_space<vmem>> -> memref<1x64xf32, #tpu.memory_space<vmem>>
      %dma_start3A_263 = tpu.memref_squeeze %dma_start3A_262 : memref<1x64xf32, #tpu.memory_space<vmem>> -> memref<64xf32, #tpu.memory_space<vmem>>
      %dma_start3A_264 = arith.constant 0 : i32
      %dma_start3A_265 = tpu.memref_slice %arg4[%squeeze3A_250, %dma_start3A_264] : memref<1000000x64xf32, #tpu.memory_space<hbm>> -> memref<1x64xf32, #tpu.memory_space<hbm>>
      %dma_start3A_266 = tpu.memref_squeeze %dma_start3A_265 : memref<1x64xf32, #tpu.memory_space<hbm>> -> memref<64xf32, #tpu.memory_space<hbm>>
      tpu.enqueue_dma source(%dma_start3A_266 : memref<64xf32, #tpu.memory_space<hbm>>) target(%dma_start3A_263 : memref<64xf32, #tpu.memory_space<vmem>>) target_semaphore(%arg19 : memref<!tpu.dma_semaphore, #tpu.memory_space<semaphore_mem>>)
      %slice3A_267 = vector.extract_strided_slice %get3A_52 {offsets = [12], sizes = [1], strides = [1]} : vector<16xi32> to vector<1xi32>
      %squeeze3A_268 = vector.extract %slice3A_267[0] : i32 from vector<1xi32>
      %mul3A_269 = arith.constant 16 : i32
      %mul3A_270 = arith.muli %scan3A_46, %mul3A_269 : i32
      %add3A_271 = arith.constant 12 : i32
      %add3A_272 = arith.addi %mul3A_270, %add3A_271 : i32
      %dma_start3A_273 = arith.constant 0 : i32
      %dma_start3A_274 = tpu.memref_slice %arg13[%add3A_272, %dma_start3A_273] : memref<128x64xf32, #tpu.memory_space<vmem>> -> memref<1x64xf32, #tpu.memory_space<vmem>>
      %dma_start3A_275 = tpu.memref_squeeze %dma_start3A_274 : memref<1x64xf32, #tpu.memory_space<vmem>> -> memref<64xf32, #tpu.memory_space<vmem>>
      %dma_start3A_276 = arith.constant 0 : i32
      %dma_start3A_277 = tpu.memref_slice %arg4[%squeeze3A_268, %dma_start3A_276] : memref<1000000x64xf32, #tpu.memory_space<hbm>> -> memref<1x64xf32, #tpu.memory_space<hbm>>
      %dma_start3A_278 = tpu.memref_squeeze %dma_start3A_277 : memref<1x64xf32, #tpu.memory_space<hbm>> -> memref<64xf32, #tpu.memory_space<hbm>>
      %dma_start3A_279 = arith.constant 0 : i32
      %dma_start3A_280 = tpu.memref_slice %arg13[%add3A_272, %dma_start3A_279] : memref<128x64xf32, #tpu.memory_space<vmem>> -> memref<1x64xf32, #tpu.memory_space<vmem>>
      %dma_start3A_281 = tpu.memref_squeeze %dma_start3A_280 : memref<1x64xf32, #tpu.memory_space<vmem>> -> memref<64xf32, #tpu.memory_space<vmem>>
      %dma_start3A_282 = arith.constant 0 : i32
      %dma_start3A_283 = tpu.memref_slice %arg4[%squeeze3A_268, %dma_start3A_282] : memref<1000000x64xf32, #tpu.memory_space<hbm>> -> memref<1x64xf32, #tpu.memory_space<hbm>>
      %dma_start3A_284 = tpu.memref_squeeze %dma_start3A_283 : memref<1x64xf32, #tpu.memory_space<hbm>> -> memref<64xf32, #tpu.memory_space<hbm>>
      tpu.enqueue_dma source(%dma_start3A_284 : memref<64xf32, #tpu.memory_space<hbm>>) target(%dma_start3A_281 : memref<64xf32, #tpu.memory_space<vmem>>) target_semaphore(%arg19 : memref<!tpu.dma_semaphore, #tpu.memory_space<semaphore_mem>>)
      %slice3A_285 = vector.extract_strided_slice %get3A_52 {offsets = [13], sizes = [1], strides = [1]} : vector<16xi32> to vector<1xi32>
      %squeeze3A_286 = vector.extract %slice3A_285[0] : i32 from vector<1xi32>
      %mul3A_287 = arith.constant 16 : i32
      %mul3A_288 = arith.muli %scan3A_46, %mul3A_287 : i32
      %add3A_289 = arith.constant 13 : i32
      %add3A_290 = arith.addi %mul3A_288, %add3A_289 : i32
      %dma_start3A_291 = arith.constant 0 : i32
      %dma_start3A_292 = tpu.memref_slice %arg13[%add3A_290, %dma_start3A_291] : memref<128x64xf32, #tpu.memory_space<vmem>> -> memref<1x64xf32, #tpu.memory_space<vmem>>
      %dma_start3A_293 = tpu.memref_squeeze %dma_start3A_292 : memref<1x64xf32, #tpu.memory_space<vmem>> -> memref<64xf32, #tpu.memory_space<vmem>>
      %dma_start3A_294 = arith.constant 0 : i32
      %dma_start3A_295 = tpu.memref_slice %arg4[%squeeze3A_286, %dma_start3A_294] : memref<1000000x64xf32, #tpu.memory_space<hbm>> -> memref<1x64xf32, #tpu.memory_space<hbm>>
      %dma_start3A_296 = tpu.memref_squeeze %dma_start3A_295 : memref<1x64xf32, #tpu.memory_space<hbm>> -> memref<64xf32, #tpu.memory_space<hbm>>
      %dma_start3A_297 = arith.constant 0 : i32
      %dma_start3A_298 = tpu.memref_slice %arg13[%add3A_290, %dma_start3A_297] : memref<128x64xf32, #tpu.memory_space<vmem>> -> memref<1x64xf32, #tpu.memory_space<vmem>>
      %dma_start3A_299 = tpu.memref_squeeze %dma_start3A_298 : memref<1x64xf32, #tpu.memory_space<vmem>> -> memref<64xf32, #tpu.memory_space<vmem>>
      %dma_start3A_300 = arith.constant 0 : i32
      %dma_start3A_301 = tpu.memref_slice %arg4[%squeeze3A_286, %dma_start3A_300] : memref<1000000x64xf32, #tpu.memory_space<hbm>> -> memref<1x64xf32, #tpu.memory_space<hbm>>
      %dma_start3A_302 = tpu.memref_squeeze %dma_start3A_301 : memref<1x64xf32, #tpu.memory_space<hbm>> -> memref<64xf32, #tpu.memory_space<hbm>>
      tpu.enqueue_dma source(%dma_start3A_302 : memref<64xf32, #tpu.memory_space<hbm>>) target(%dma_start3A_299 : memref<64xf32, #tpu.memory_space<vmem>>) target_semaphore(%arg19 : memref<!tpu.dma_semaphore, #tpu.memory_space<semaphore_mem>>)
      %slice3A_303 = vector.extract_strided_slice %get3A_52 {offsets = [14], sizes = [1], strides = [1]} : vector<16xi32> to vector<1xi32>
      %squeeze3A_304 = vector.extract %slice3A_303[0] : i32 from vector<1xi32>
      %mul3A_305 = arith.constant 16 : i32
      %mul3A_306 = arith.muli %scan3A_46, %mul3A_305 : i32
      %add3A_307 = arith.constant 14 : i32
      %add3A_308 = arith.addi %mul3A_306, %add3A_307 : i32
      %dma_start3A_309 = arith.constant 0 : i32
      %dma_start3A_310 = tpu.memref_slice %arg13[%add3A_308, %dma_start3A_309] : memref<128x64xf32, #tpu.memory_space<vmem>> -> memref<1x64xf32, #tpu.memory_space<vmem>>
      %dma_start3A_311 = tpu.memref_squeeze %dma_start3A_310 : memref<1x64xf32, #tpu.memory_space<vmem>> -> memref<64xf32, #tpu.memory_space<vmem>>
      %dma_start3A_312 = arith.constant 0 : i32
      %dma_start3A_313 = tpu.memref_slice %arg4[%squeeze3A_304, %dma_start3A_312] : memref<1000000x64xf32, #tpu.memory_space<hbm>> -> memref<1x64xf32, #tpu.memory_space<hbm>>
      %dma_start3A_314 = tpu.memref_squeeze %dma_start3A_313 : memref<1x64xf32, #tpu.memory_space<hbm>> -> memref<64xf32, #tpu.memory_space<hbm>>
      %dma_start3A_315 = arith.constant 0 : i32
      %dma_start3A_316 = tpu.memref_slice %arg13[%add3A_308, %dma_start3A_315] : memref<128x64xf32, #tpu.memory_space<vmem>> -> memref<1x64xf32, #tpu.memory_space<vmem>>
      %dma_start3A_317 = tpu.memref_squeeze %dma_start3A_316 : memref<1x64xf32, #tpu.memory_space<vmem>> -> memref<64xf32, #tpu.memory_space<vmem>>
      %dma_start3A_318 = arith.constant 0 : i32
      %dma_start3A_319 = tpu.memref_slice %arg4[%squeeze3A_304, %dma_start3A_318] : memref<1000000x64xf32, #tpu.memory_space<hbm>> -> memref<1x64xf32, #tpu.memory_space<hbm>>
      %dma_start3A_320 = tpu.memref_squeeze %dma_start3A_319 : memref<1x64xf32, #tpu.memory_space<hbm>> -> memref<64xf32, #tpu.memory_space<hbm>>
      tpu.enqueue_dma source(%dma_start3A_320 : memref<64xf32, #tpu.memory_space<hbm>>) target(%dma_start3A_317 : memref<64xf32, #tpu.memory_space<vmem>>) target_semaphore(%arg19 : memref<!tpu.dma_semaphore, #tpu.memory_space<semaphore_mem>>)
      %slice3A_321 = vector.extract_strided_slice %get3A_52 {offsets = [15], sizes = [1], strides = [1]} : vector<16xi32> to vector<1xi32>
      %squeeze3A_322 = vector.extract %slice3A_321[0] : i32 from vector<1xi32>
      %mul3A_323 = arith.constant 16 : i32
      %mul3A_324 = arith.muli %scan3A_46, %mul3A_323 : i32
      %add3A_325 = arith.constant 15 : i32
      %add3A_326 = arith.addi %mul3A_324, %add3A_325 : i32
      %dma_start3A_327 = arith.constant 0 : i32
      %dma_start3A_328 = tpu.memref_slice %arg13[%add3A_326, %dma_start3A_327] : memref<128x64xf32, #tpu.memory_space<vmem>> -> memref<1x64xf32, #tpu.memory_space<vmem>>
      %dma_start3A_329 = tpu.memref_squeeze %dma_start3A_328 : memref<1x64xf32, #tpu.memory_space<vmem>> -> memref<64xf32, #tpu.memory_space<vmem>>
      %dma_start3A_330 = arith.constant 0 : i32
      %dma_start3A_331 = tpu.memref_slice %arg4[%squeeze3A_322, %dma_start3A_330] : memref<1000000x64xf32, #tpu.memory_space<hbm>> -> memref<1x64xf32, #tpu.memory_space<hbm>>
      %dma_start3A_332 = tpu.memref_squeeze %dma_start3A_331 : memref<1x64xf32, #tpu.memory_space<hbm>> -> memref<64xf32, #tpu.memory_space<hbm>>
      %dma_start3A_333 = arith.constant 0 : i32
      %dma_start3A_334 = tpu.memref_slice %arg13[%add3A_326, %dma_start3A_333] : memref<128x64xf32, #tpu.memory_space<vmem>> -> memref<1x64xf32, #tpu.memory_space<vmem>>
      %dma_start3A_335 = tpu.memref_squeeze %dma_start3A_334 : memref<1x64xf32, #tpu.memory_space<vmem>> -> memref<64xf32, #tpu.memory_space<vmem>>
      %dma_start3A_336 = arith.constant 0 : i32
      %dma_start3A_337 = tpu.memref_slice %arg4[%squeeze3A_322, %dma_start3A_336] : memref<1000000x64xf32, #tpu.memory_space<hbm>> -> memref<1x64xf32, #tpu.memory_space<hbm>>
      %dma_start3A_338 = tpu.memref_squeeze %dma_start3A_337 : memref<1x64xf32, #tpu.memory_space<hbm>> -> memref<64xf32, #tpu.memory_space<hbm>>
      tpu.enqueue_dma source(%dma_start3A_338 : memref<64xf32, #tpu.memory_space<hbm>>) target(%dma_start3A_335 : memref<64xf32, #tpu.memory_space<vmem>>) target_semaphore(%arg19 : memref<!tpu.dma_semaphore, #tpu.memory_space<semaphore_mem>>)
    }
    %scan3A_22 = arith.constant 8 : i32
    %scan3A_23 = arith.constant 0 : i32
    %scan3A_24 = arith.constant 0 : i32
    %scan3A_25 = arith.constant 50 : i32
    %scan3A_26 = arith.addi %scan3A_24, %scan3A_25 : i32
    %scan3A_27 = arith.constant 1 : i32
    scf.for %scan3A_46 = %scan3A_24 to %scan3A_26 step %scan3A_27  : i32 {
      %rem3A = arith.constant 3 : i32
      %rem3A_47 = arith.remsi %scan3A_46, %rem3A : i32
      %eq3A = arith.constant 0 : i32
      %eq3A_48 = arith.cmpi eq, %rem3A_47, %eq3A : i32
      %add3A_49 = arith.constant 2 : i32
      %add3A_50 = arith.addi %scan3A_46, %add3A_49 : i32
      %lt3A = arith.constant 50 : i32
      %lt3A_51 = arith.cmpi slt, %add3A_50, %lt3A : i32
      %and3A = arith.andi %eq3A_48, %lt3A_51 : i1
      %convert_element_type3A = arith.extui %and3A : i1 to i32
      %cond3A = arith.constant 0 : i32
      %cond3A_52 = arith.cmpi ne, %convert_element_type3A, %cond3A : i32
      scf.if %cond3A_52 {
        %ge3A = arith.constant 1 : i32
        %ge3A_88 = arith.cmpi sge, %scan3A_46, %ge3A : i32
        %convert_element_type3A_89 = arith.extui %ge3A_88 : i1 to i32
        %cond3A_90 = arith.constant 0 : i32
        %cond3A_91 = arith.cmpi ne, %convert_element_type3A_89, %cond3A_90 : i32
        scf.if %cond3A_91 {
          %dma_wait3A_106 = arith.constant 0 : i32
          %dma_wait3A_107 = arith.constant 0 : i32
          %dma_wait3A_108 = tpu.memref_slice %arg6[%dma_wait3A_106, %dma_wait3A_107] : memref<204800x64xf32, #tpu.memory_space<hbm>> -> memref<128x64xf32, #tpu.memory_space<hbm>>
          %dma_wait3A_109 = arith.constant 0 : i32
          %dma_wait3A_110 = arith.constant 0 : i32
          %dma_wait3A_111 = tpu.memref_slice %arg6[%dma_wait3A_109, %dma_wait3A_110] : memref<204800x64xf32, #tpu.memory_space<hbm>> -> memref<128x64xf32, #tpu.memory_space<hbm>>
          tpu.wait_dma2 semaphore(%arg23 : memref<!tpu.dma_semaphore, #tpu.memory_space<semaphore_mem>>) src(%dma_wait3A_111 : memref<128x64xf32, #tpu.memory_space<hbm>>) dst(%arg14 : memref<128x64xf32, #tpu.memory_space<vmem>>)
        } else {
        }
        %add3A_92 = arith.constant 2 : i32
        %add3A_93 = arith.addi %scan3A_46, %add3A_92 : i32
        %mul3A_94 = arith.constant 128 : i32
        %mul3A_95 = arith.muli %add3A_93, %mul3A_94 : i32
        %dma_start3A_96 = tpu.memref_slice %arg8[%mul3A_95] : memref<6400xi32, #tpu.memory_space<vmem>> -> memref<128xi32, #tpu.memory_space<vmem>>
        %dma_start3A_97 = arith.constant 0 : i32
        %dma_start3A_98 = arith.constant 0 : i32
        %dma_start3A_99 = tpu.memref_slice %arg5[%dma_start3A_97, %dma_start3A_98] : memref<12800x128xf32, #tpu.memory_space<hbm>> -> memref<12800x128xf32, #tpu.memory_space<hbm>>
        tpu.enqueue_indirect_dma source(%dma_start3A_99 : memref<12800x128xf32, #tpu.memory_space<hbm>>) target(%arg11 : memref<128x128xf32, #tpu.memory_space<vmem>>) offsets(%dma_start3A_96 : memref<128xi32, #tpu.memory_space<vmem>>) semaphore(%arg17 : memref<!tpu.dma_semaphore, #tpu.memory_space<semaphore_mem>>)
        %scan3A_100 = arith.constant 0 : i32
        %scan3A_101 = arith.constant 0 : i32
        %scan3A_102 = arith.constant 8 : i32
        %scan3A_103 = arith.addi %scan3A_101, %scan3A_102 : i32
        %scan3A_104 = arith.constant 1 : i32
        scf.for %scan3A_106 = %scan3A_101 to %scan3A_103 step %scan3A_104  : i32 {
          %mul3A_107 = arith.constant 128 : i32
          %mul3A_108 = arith.muli %add3A_93, %mul3A_107 : i32
          %mul3A_109 = arith.constant 16 : i32
          %mul3A_110 = arith.muli %scan3A_106, %mul3A_109 : i32
          %add3A_111 = arith.addi %mul3A_108, %mul3A_110 : i32
          %get3A = arith.index_cast %add3A_111 : i32 to index
          %get3A_112 = tpu.vector_load %arg7[%get3A] {strides = array<i32>} : memref<6400xi32, #tpu.memory_space<vmem>>, vector<16xi32>,
          %get3A_113 = vector.shape_cast %get3A_112 : vector<16xi32> to vector<16xi32>
          %slice3A = vector.extract_strided_slice %get3A_113 {offsets = [0], sizes = [1], strides = [1]} : vector<16xi32> to vector<1xi32>
          %squeeze3A = vector.extract %slice3A[0] : i32 from vector<1xi32>
          %mul3A_114 = arith.constant 16 : i32
          %mul3A_115 = arith.muli %scan3A_106, %mul3A_114 : i32
          %add3A_116 = arith.constant 0 : i32
          %add3A_117 = arith.addi %mul3A_115, %add3A_116 : i32
          %dma_start3A_118 = arith.constant 0 : i32
          %dma_start3A_119 = tpu.memref_slice %arg14[%add3A_117, %dma_start3A_118] : memref<128x64xf32, #tpu.memory_space<vmem>> -> memref<1x64xf32, #tpu.memory_space<vmem>>
          %dma_start3A_120 = tpu.memref_squeeze %dma_start3A_119 : memref<1x64xf32, #tpu.memory_space<vmem>> -> memref<64xf32, #tpu.memory_space<vmem>>
          %dma_start3A_121 = arith.constant 0 : i32
          %dma_start3A_122 = tpu.memref_slice %arg4[%squeeze3A, %dma_start3A_121] : memref<1000000x64xf32, #tpu.memory_space<hbm>> -> memref<1x64xf32, #tpu.memory_space<hbm>>
          %dma_start3A_123 = tpu.memref_squeeze %dma_start3A_122 : memref<1x64xf32, #tpu.memory_space<hbm>> -> memref<64xf32, #tpu.memory_space<hbm>>
          %dma_start3A_124 = arith.constant 0 : i32
          %dma_start3A_125 = tpu.memref_slice %arg14[%add3A_117, %dma_start3A_124] : memref<128x64xf32, #tpu.memory_space<vmem>> -> memref<1x64xf32, #tpu.memory_space<vmem>>
          %dma_start3A_126 = tpu.memref_squeeze %dma_start3A_125 : memref<1x64xf32, #tpu.memory_space<vmem>> -> memref<64xf32, #tpu.memory_space<vmem>>
          %dma_start3A_127 = arith.constant 0 : i32
          %dma_start3A_128 = tpu.memref_slice %arg4[%squeeze3A, %dma_start3A_127] : memref<1000000x64xf32, #tpu.memory_space<hbm>> -> memref<1x64xf32, #tpu.memory_space<hbm>>
          %dma_start3A_129 = tpu.memref_squeeze %dma_start3A_128 : memref<1x64xf32, #tpu.memory_space<hbm>> -> memref<64xf32, #tpu.memory_space<hbm>>
          tpu.enqueue_dma source(%dma_start3A_129 : memref<64xf32, #tpu.memory_space<hbm>>) target(%dma_start3A_126 : memref<64xf32, #tpu.memory_space<vmem>>) target_semaphore(%arg20 : memref<!tpu.dma_semaphore, #tpu.memory_space<semaphore_mem>>)
          %slice3A_130 = vector.extract_strided_slice %get3A_113 {offsets = [1], sizes = [1], strides = [1]} : vector<16xi32> to vector<1xi32>
          %squeeze3A_131 = vector.extract %slice3A_130[0] : i32 from vector<1xi32>
          %mul3A_132 = arith.constant 16 : i32
          %mul3A_133 = arith.muli %scan3A_106, %mul3A_132 : i32
          %add3A_134 = arith.constant 1 : i32
          %add3A_135 = arith.addi %mul3A_133, %add3A_134 : i32
          %dma_start3A_136 = arith.constant 0 : i32
          %dma_start3A_137 = tpu.memref_slice %arg14[%add3A_135, %dma_start3A_136] : memref<128x64xf32, #tpu.memory_space<vmem>> -> memref<1x64xf32, #tpu.memory_space<vmem>>
          %dma_start3A_138 = tpu.memref_squeeze %dma_start3A_137 : memref<1x64xf32, #tpu.memory_space<vmem>> -> memref<64xf32, #tpu.memory_space<vmem>>
          %dma_start3A_139 = arith.constant 0 : i32
          %dma_start3A_140 = tpu.memref_slice %arg4[%squeeze3A_131, %dma_start3A_139] : memref<1000000x64xf32, #tpu.memory_space<hbm>> -> memref<1x64xf32, #tpu.memory_space<hbm>>
          %dma_start3A_141 = tpu.memref_squeeze %dma_start3A_140 : memref<1x64xf32, #tpu.memory_space<hbm>> -> memref<64xf32, #tpu.memory_space<hbm>>
          %dma_start3A_142 = arith.constant 0 : i32
          %dma_start3A_143 = tpu.memref_slice %arg14[%add3A_135, %dma_start3A_142] : memref<128x64xf32, #tpu.memory_space<vmem>> -> memref<1x64xf32, #tpu.memory_space<vmem>>
          %dma_start3A_144 = tpu.memref_squeeze %dma_start3A_143 : memref<1x64xf32, #tpu.memory_space<vmem>> -> memref<64xf32, #tpu.memory_space<vmem>>
          %dma_start3A_145 = arith.constant 0 : i32
          %dma_start3A_146 = tpu.memref_slice %arg4[%squeeze3A_131, %dma_start3A_145] : memref<1000000x64xf32, #tpu.memory_space<hbm>> -> memref<1x64xf32, #tpu.memory_space<hbm>>
          %dma_start3A_147 = tpu.memref_squeeze %dma_start3A_146 : memref<1x64xf32, #tpu.memory_space<hbm>> -> memref<64xf32, #tpu.memory_space<hbm>>
          tpu.enqueue_dma source(%dma_start3A_147 : memref<64xf32, #tpu.memory_space<hbm>>) target(%dma_start3A_144 : memref<64xf32, #tpu.memory_space<vmem>>) target_semaphore(%arg20 : memref<!tpu.dma_semaphore, #tpu.memory_space<semaphore_mem>>)
          %slice3A_148 = vector.extract_strided_slice %get3A_113 {offsets = [2], sizes = [1], strides = [1]} : vector<16xi32> to vector<1xi32>
          %squeeze3A_149 = vector.extract %slice3A_148[0] : i32 from vector<1xi32>
          %mul3A_150 = arith.constant 16 : i32
          %mul3A_151 = arith.muli %scan3A_106, %mul3A_150 : i32
          %add3A_152 = arith.constant 2 : i32
          %add3A_153 = arith.addi %mul3A_151, %add3A_152 : i32
          %dma_start3A_154 = arith.constant 0 : i32
          %dma_start3A_155 = tpu.memref_slice %arg14[%add3A_153, %dma_start3A_154] : memref<128x64xf32, #tpu.memory_space<vmem>> -> memref<1x64xf32, #tpu.memory_space<vmem>>
          %dma_start3A_156 = tpu.memref_squeeze %dma_start3A_155 : memref<1x64xf32, #tpu.memory_space<vmem>> -> memref<64xf32, #tpu.memory_space<vmem>>
          %dma_start3A_157 = arith.constant 0 : i32
          %dma_start3A_158 = tpu.memref_slice %arg4[%squeeze3A_149, %dma_start3A_157] : memref<1000000x64xf32, #tpu.memory_space<hbm>> -> memref<1x64xf32, #tpu.memory_space<hbm>>
          %dma_start3A_159 = tpu.memref_squeeze %dma_start3A_158 : memref<1x64xf32, #tpu.memory_space<hbm>> -> memref<64xf32, #tpu.memory_space<hbm>>
          %dma_start3A_160 = arith.constant 0 : i32
          %dma_start3A_161 = tpu.memref_slice %arg14[%add3A_153, %dma_start3A_160] : memref<128x64xf32, #tpu.memory_space<vmem>> -> memref<1x64xf32, #tpu.memory_space<vmem>>
          %dma_start3A_162 = tpu.memref_squeeze %dma_start3A_161 : memref<1x64xf32, #tpu.memory_space<vmem>> -> memref<64xf32, #tpu.memory_space<vmem>>
          %dma_start3A_163 = arith.constant 0 : i32
          %dma_start3A_164 = tpu.memref_slice %arg4[%squeeze3A_149, %dma_start3A_163] : memref<1000000x64xf32, #tpu.memory_space<hbm>> -> memref<1x64xf32, #tpu.memory_space<hbm>>
          %dma_start3A_165 = tpu.memref_squeeze %dma_start3A_164 : memref<1x64xf32, #tpu.memory_space<hbm>> -> memref<64xf32, #tpu.memory_space<hbm>>
          tpu.enqueue_dma source(%dma_start3A_165 : memref<64xf32, #tpu.memory_space<hbm>>) target(%dma_start3A_162 : memref<64xf32, #tpu.memory_space<vmem>>) target_semaphore(%arg20 : memref<!tpu.dma_semaphore, #tpu.memory_space<semaphore_mem>>)
          %slice3A_166 = vector.extract_strided_slice %get3A_113 {offsets = [3], sizes = [1], strides = [1]} : vector<16xi32> to vector<1xi32>
          %squeeze3A_167 = vector.extract %slice3A_166[0] : i32 from vector<1xi32>
          %mul3A_168 = arith.constant 16 : i32
          %mul3A_169 = arith.muli %scan3A_106, %mul3A_168 : i32
          %add3A_170 = arith.constant 3 : i32
          %add3A_171 = arith.addi %mul3A_169, %add3A_170 : i32
          %dma_start3A_172 = arith.constant 0 : i32
          %dma_start3A_173 = tpu.memref_slice %arg14[%add3A_171, %dma_start3A_172] : memref<128x64xf32, #tpu.memory_space<vmem>> -> memref<1x64xf32, #tpu.memory_space<vmem>>
          %dma_start3A_174 = tpu.memref_squeeze %dma_start3A_173 : memref<1x64xf32, #tpu.memory_space<vmem>> -> memref<64xf32, #tpu.memory_space<vmem>>
          %dma_start3A_175 = arith.constant 0 : i32
          %dma_start3A_176 = tpu.memref_slice %arg4[%squeeze3A_167, %dma_start3A_175] : memref<1000000x64xf32, #tpu.memory_space<hbm>> -> memref<1x64xf32, #tpu.memory_space<hbm>>
          %dma_start3A_177 = tpu.memref_squeeze %dma_start3A_176 : memref<1x64xf32, #tpu.memory_space<hbm>> -> memref<64xf32, #tpu.memory_space<hbm>>
          %dma_start3A_178 = arith.constant 0 : i32
          %dma_start3A_179 = tpu.memref_slice %arg14[%add3A_171, %dma_start3A_178] : memref<128x64xf32, #tpu.memory_space<vmem>> -> memref<1x64xf32, #tpu.memory_space<vmem>>
          %dma_start3A_180 = tpu.memref_squeeze %dma_start3A_179 : memref<1x64xf32, #tpu.memory_space<vmem>> -> memref<64xf32, #tpu.memory_space<vmem>>
          %dma_start3A_181 = arith.constant 0 : i32
          %dma_start3A_182 = tpu.memref_slice %arg4[%squeeze3A_167, %dma_start3A_181] : memref<1000000x64xf32, #tpu.memory_space<hbm>> -> memref<1x64xf32, #tpu.memory_space<hbm>>
          %dma_start3A_183 = tpu.memref_squeeze %dma_start3A_182 : memref<1x64xf32, #tpu.memory_space<hbm>> -> memref<64xf32, #tpu.memory_space<hbm>>
          tpu.enqueue_dma source(%dma_start3A_183 : memref<64xf32, #tpu.memory_space<hbm>>) target(%dma_start3A_180 : memref<64xf32, #tpu.memory_space<vmem>>) target_semaphore(%arg20 : memref<!tpu.dma_semaphore, #tpu.memory_space<semaphore_mem>>)
          %slice3A_184 = vector.extract_strided_slice %get3A_113 {offsets = [4], sizes = [1], strides = [1]} : vector<16xi32> to vector<1xi32>
          %squeeze3A_185 = vector.extract %slice3A_184[0] : i32 from vector<1xi32>
          %mul3A_186 = arith.constant 16 : i32
          %mul3A_187 = arith.muli %scan3A_106, %mul3A_186 : i32
          %add3A_188 = arith.constant 4 : i32
          %add3A_189 = arith.addi %mul3A_187, %add3A_188 : i32
          %dma_start3A_190 = arith.constant 0 : i32
          %dma_start3A_191 = tpu.memref_slice %arg14[%add3A_189, %dma_start3A_190] : memref<128x64xf32, #tpu.memory_space<vmem>> -> memref<1x64xf32, #tpu.memory_space<vmem>>
          %dma_start3A_192 = tpu.memref_squeeze %dma_start3A_191 : memref<1x64xf32, #tpu.memory_space<vmem>> -> memref<64xf32, #tpu.memory_space<vmem>>
          %dma_start3A_193 = arith.constant 0 : i32
          %dma_start3A_194 = tpu.memref_slice %arg4[%squeeze3A_185, %dma_start3A_193] : memref<1000000x64xf32, #tpu.memory_space<hbm>> -> memref<1x64xf32, #tpu.memory_space<hbm>>
          %dma_start3A_195 = tpu.memref_squeeze %dma_start3A_194 : memref<1x64xf32, #tpu.memory_space<hbm>> -> memref<64xf32, #tpu.memory_space<hbm>>
          %dma_start3A_196 = arith.constant 0 : i32
          %dma_start3A_197 = tpu.memref_slice %arg14[%add3A_189, %dma_start3A_196] : memref<128x64xf32, #tpu.memory_space<vmem>> -> memref<1x64xf32, #tpu.memory_space<vmem>>
          %dma_start3A_198 = tpu.memref_squeeze %dma_start3A_197 : memref<1x64xf32, #tpu.memory_space<vmem>> -> memref<64xf32, #tpu.memory_space<vmem>>
          %dma_start3A_199 = arith.constant 0 : i32
          %dma_start3A_200 = tpu.memref_slice %arg4[%squeeze3A_185, %dma_start3A_199] : memref<1000000x64xf32, #tpu.memory_space<hbm>> -> memref<1x64xf32, #tpu.memory_space<hbm>>
          %dma_start3A_201 = tpu.memref_squeeze %dma_start3A_200 : memref<1x64xf32, #tpu.memory_space<hbm>> -> memref<64xf32, #tpu.memory_space<hbm>>
          tpu.enqueue_dma source(%dma_start3A_201 : memref<64xf32, #tpu.memory_space<hbm>>) target(%dma_start3A_198 : memref<64xf32, #tpu.memory_space<vmem>>) target_semaphore(%arg20 : memref<!tpu.dma_semaphore, #tpu.memory_space<semaphore_mem>>)
          %slice3A_202 = vector.extract_strided_slice %get3A_113 {offsets = [5], sizes = [1], strides = [1]} : vector<16xi32> to vector<1xi32>
          %squeeze3A_203 = vector.extract %slice3A_202[0] : i32 from vector<1xi32>
          %mul3A_204 = arith.constant 16 : i32
          %mul3A_205 = arith.muli %scan3A_106, %mul3A_204 : i32
          %add3A_206 = arith.constant 5 : i32
          %add3A_207 = arith.addi %mul3A_205, %add3A_206 : i32
          %dma_start3A_208 = arith.constant 0 : i32
          %dma_start3A_209 = tpu.memref_slice %arg14[%add3A_207, %dma_start3A_208] : memref<128x64xf32, #tpu.memory_space<vmem>> -> memref<1x64xf32, #tpu.memory_space<vmem>>
          %dma_start3A_210 = tpu.memref_squeeze %dma_start3A_209 : memref<1x64xf32, #tpu.memory_space<vmem>> -> memref<64xf32, #tpu.memory_space<vmem>>
          %dma_start3A_211 = arith.constant 0 : i32
          %dma_start3A_212 = tpu.memref_slice %arg4[%squeeze3A_203, %dma_start3A_211] : memref<1000000x64xf32, #tpu.memory_space<hbm>> -> memref<1x64xf32, #tpu.memory_space<hbm>>
          %dma_start3A_213 = tpu.memref_squeeze %dma_start3A_212 : memref<1x64xf32, #tpu.memory_space<hbm>> -> memref<64xf32, #tpu.memory_space<hbm>>
          %dma_start3A_214 = arith.constant 0 : i32
          %dma_start3A_215 = tpu.memref_slice %arg14[%add3A_207, %dma_start3A_214] : memref<128x64xf32, #tpu.memory_space<vmem>> -> memref<1x64xf32, #tpu.memory_space<vmem>>
          %dma_start3A_216 = tpu.memref_squeeze %dma_start3A_215 : memref<1x64xf32, #tpu.memory_space<vmem>> -> memref<64xf32, #tpu.memory_space<vmem>>
          %dma_start3A_217 = arith.constant 0 : i32
          %dma_start3A_218 = tpu.memref_slice %arg4[%squeeze3A_203, %dma_start3A_217] : memref<1000000x64xf32, #tpu.memory_space<hbm>> -> memref<1x64xf32, #tpu.memory_space<hbm>>
          %dma_start3A_219 = tpu.memref_squeeze %dma_start3A_218 : memref<1x64xf32, #tpu.memory_space<hbm>> -> memref<64xf32, #tpu.memory_space<hbm>>
          tpu.enqueue_dma source(%dma_start3A_219 : memref<64xf32, #tpu.memory_space<hbm>>) target(%dma_start3A_216 : memref<64xf32, #tpu.memory_space<vmem>>) target_semaphore(%arg20 : memref<!tpu.dma_semaphore, #tpu.memory_space<semaphore_mem>>)
          %slice3A_220 = vector.extract_strided_slice %get3A_113 {offsets = [6], sizes = [1], strides = [1]} : vector<16xi32> to vector<1xi32>
          %squeeze3A_221 = vector.extract %slice3A_220[0] : i32 from vector<1xi32>
          %mul3A_222 = arith.constant 16 : i32
          %mul3A_223 = arith.muli %scan3A_106, %mul3A_222 : i32
          %add3A_224 = arith.constant 6 : i32
          %add3A_225 = arith.addi %mul3A_223, %add3A_224 : i32
          %dma_start3A_226 = arith.constant 0 : i32
          %dma_start3A_227 = tpu.memref_slice %arg14[%add3A_225, %dma_start3A_226] : memref<128x64xf32, #tpu.memory_space<vmem>> -> memref<1x64xf32, #tpu.memory_space<vmem>>
          %dma_start3A_228 = tpu.memref_squeeze %dma_start3A_227 : memref<1x64xf32, #tpu.memory_space<vmem>> -> memref<64xf32, #tpu.memory_space<vmem>>
          %dma_start3A_229 = arith.constant 0 : i32
          %dma_start3A_230 = tpu.memref_slice %arg4[%squeeze3A_221, %dma_start3A_229] : memref<1000000x64xf32, #tpu.memory_space<hbm>> -> memref<1x64xf32, #tpu.memory_space<hbm>>
          %dma_start3A_231 = tpu.memref_squeeze %dma_start3A_230 : memref<1x64xf32, #tpu.memory_space<hbm>> -> memref<64xf32, #tpu.memory_space<hbm>>
          %dma_start3A_232 = arith.constant 0 : i32
          %dma_start3A_233 = tpu.memref_slice %arg14[%add3A_225, %dma_start3A_232] : memref<128x64xf32, #tpu.memory_space<vmem>> -> memref<1x64xf32, #tpu.memory_space<vmem>>
          %dma_start3A_234 = tpu.memref_squeeze %dma_start3A_233 : memref<1x64xf32, #tpu.memory_space<vmem>> -> memref<64xf32, #tpu.memory_space<vmem>>
          %dma_start3A_235 = arith.constant 0 : i32
          %dma_start3A_236 = tpu.memref_slice %arg4[%squeeze3A_221, %dma_start3A_235] : memref<1000000x64xf32, #tpu.memory_space<hbm>> -> memref<1x64xf32, #tpu.memory_space<hbm>>
          %dma_start3A_237 = tpu.memref_squeeze %dma_start3A_236 : memref<1x64xf32, #tpu.memory_space<hbm>> -> memref<64xf32, #tpu.memory_space<hbm>>
          tpu.enqueue_dma source(%dma_start3A_237 : memref<64xf32, #tpu.memory_space<hbm>>) target(%dma_start3A_234 : memref<64xf32, #tpu.memory_space<vmem>>) target_semaphore(%arg20 : memref<!tpu.dma_semaphore, #tpu.memory_space<semaphore_mem>>)
          %slice3A_238 = vector.extract_strided_slice %get3A_113 {offsets = [7], sizes = [1], strides = [1]} : vector<16xi32> to vector<1xi32>
          %squeeze3A_239 = vector.extract %slice3A_238[0] : i32 from vector<1xi32>
          %mul3A_240 = arith.constant 16 : i32
          %mul3A_241 = arith.muli %scan3A_106, %mul3A_240 : i32
          %add3A_242 = arith.constant 7 : i32
          %add3A_243 = arith.addi %mul3A_241, %add3A_242 : i32
          %dma_start3A_244 = arith.constant 0 : i32
          %dma_start3A_245 = tpu.memref_slice %arg14[%add3A_243, %dma_start3A_244] : memref<128x64xf32, #tpu.memory_space<vmem>> -> memref<1x64xf32, #tpu.memory_space<vmem>>
          %dma_start3A_246 = tpu.memref_squeeze %dma_start3A_245 : memref<1x64xf32, #tpu.memory_space<vmem>> -> memref<64xf32, #tpu.memory_space<vmem>>
          %dma_start3A_247 = arith.constant 0 : i32
          %dma_start3A_248 = tpu.memref_slice %arg4[%squeeze3A_239, %dma_start3A_247] : memref<1000000x64xf32, #tpu.memory_space<hbm>> -> memref<1x64xf32, #tpu.memory_space<hbm>>
          %dma_start3A_249 = tpu.memref_squeeze %dma_start3A_248 : memref<1x64xf32, #tpu.memory_space<hbm>> -> memref<64xf32, #tpu.memory_space<hbm>>
          %dma_start3A_250 = arith.constant 0 : i32
          %dma_start3A_251 = tpu.memref_slice %arg14[%add3A_243, %dma_start3A_250] : memref<128x64xf32, #tpu.memory_space<vmem>> -> memref<1x64xf32, #tpu.memory_space<vmem>>
          %dma_start3A_252 = tpu.memref_squeeze %dma_start3A_251 : memref<1x64xf32, #tpu.memory_space<vmem>> -> memref<64xf32, #tpu.memory_space<vmem>>
          %dma_start3A_253 = arith.constant 0 : i32
          %dma_start3A_254 = tpu.memref_slice %arg4[%squeeze3A_239, %dma_start3A_253] : memref<1000000x64xf32, #tpu.memory_space<hbm>> -> memref<1x64xf32, #tpu.memory_space<hbm>>
          %dma_start3A_255 = tpu.memref_squeeze %dma_start3A_254 : memref<1x64xf32, #tpu.memory_space<hbm>> -> memref<64xf32, #tpu.memory_space<hbm>>
          tpu.enqueue_dma source(%dma_start3A_255 : memref<64xf32, #tpu.memory_space<hbm>>) target(%dma_start3A_252 : memref<64xf32, #tpu.memory_space<vmem>>) target_semaphore(%arg20 : memref<!tpu.dma_semaphore, #tpu.memory_space<semaphore_mem>>)
          %slice3A_256 = vector.extract_strided_slice %get3A_113 {offsets = [8], sizes = [1], strides = [1]} : vector<16xi32> to vector<1xi32>
          %squeeze3A_257 = vector.extract %slice3A_256[0] : i32 from vector<1xi32>
          %mul3A_258 = arith.constant 16 : i32
          %mul3A_259 = arith.muli %scan3A_106, %mul3A_258 : i32
          %add3A_260 = arith.constant 8 : i32
          %add3A_261 = arith.addi %mul3A_259, %add3A_260 : i32
          %dma_start3A_262 = arith.constant 0 : i32
          %dma_start3A_263 = tpu.memref_slice %arg14[%add3A_261, %dma_start3A_262] : memref<128x64xf32, #tpu.memory_space<vmem>> -> memref<1x64xf32, #tpu.memory_space<vmem>>
          %dma_start3A_264 = tpu.memref_squeeze %dma_start3A_263 : memref<1x64xf32, #tpu.memory_space<vmem>> -> memref<64xf32, #tpu.memory_space<vmem>>
          %dma_start3A_265 = arith.constant 0 : i32
          %dma_start3A_266 = tpu.memref_slice %arg4[%squeeze3A_257, %dma_start3A_265] : memref<1000000x64xf32, #tpu.memory_space<hbm>> -> memref<1x64xf32, #tpu.memory_space<hbm>>
          %dma_start3A_267 = tpu.memref_squeeze %dma_start3A_266 : memref<1x64xf32, #tpu.memory_space<hbm>> -> memref<64xf32, #tpu.memory_space<hbm>>
          %dma_start3A_268 = arith.constant 0 : i32
          %dma_start3A_269 = tpu.memref_slice %arg14[%add3A_261, %dma_start3A_268] : memref<128x64xf32, #tpu.memory_space<vmem>> -> memref<1x64xf32, #tpu.memory_space<vmem>>
          %dma_start3A_270 = tpu.memref_squeeze %dma_start3A_269 : memref<1x64xf32, #tpu.memory_space<vmem>> -> memref<64xf32, #tpu.memory_space<vmem>>
          %dma_start3A_271 = arith.constant 0 : i32
          %dma_start3A_272 = tpu.memref_slice %arg4[%squeeze3A_257, %dma_start3A_271] : memref<1000000x64xf32, #tpu.memory_space<hbm>> -> memref<1x64xf32, #tpu.memory_space<hbm>>
          %dma_start3A_273 = tpu.memref_squeeze %dma_start3A_272 : memref<1x64xf32, #tpu.memory_space<hbm>> -> memref<64xf32, #tpu.memory_space<hbm>>
          tpu.enqueue_dma source(%dma_start3A_273 : memref<64xf32, #tpu.memory_space<hbm>>) target(%dma_start3A_270 : memref<64xf32, #tpu.memory_space<vmem>>) target_semaphore(%arg20 : memref<!tpu.dma_semaphore, #tpu.memory_space<semaphore_mem>>)
          %slice3A_274 = vector.extract_strided_slice %get3A_113 {offsets = [9], sizes = [1], strides = [1]} : vector<16xi32> to vector<1xi32>
          %squeeze3A_275 = vector.extract %slice3A_274[0] : i32 from vector<1xi32>
          %mul3A_276 = arith.constant 16 : i32
          %mul3A_277 = arith.muli %scan3A_106, %mul3A_276 : i32
          %add3A_278 = arith.constant 9 : i32
          %add3A_279 = arith.addi %mul3A_277, %add3A_278 : i32
          %dma_start3A_280 = arith.constant 0 : i32
          %dma_start3A_281 = tpu.memref_slice %arg14[%add3A_279, %dma_start3A_280] : memref<128x64xf32, #tpu.memory_space<vmem>> -> memref<1x64xf32, #tpu.memory_space<vmem>>
          %dma_start3A_282 = tpu.memref_squeeze %dma_start3A_281 : memref<1x64xf32, #tpu.memory_space<vmem>> -> memref<64xf32, #tpu.memory_space<vmem>>
          %dma_start3A_283 = arith.constant 0 : i32
          %dma_start3A_284 = tpu.memref_slice %arg4[%squeeze3A_275, %dma_start3A_283] : memref<1000000x64xf32, #tpu.memory_space<hbm>> -> memref<1x64xf32, #tpu.memory_space<hbm>>
          %dma_start3A_285 = tpu.memref_squeeze %dma_start3A_284 : memref<1x64xf32, #tpu.memory_space<hbm>> -> memref<64xf32, #tpu.memory_space<hbm>>
          %dma_start3A_286 = arith.constant 0 : i32
          %dma_start3A_287 = tpu.memref_slice %arg14[%add3A_279, %dma_start3A_286] : memref<128x64xf32, #tpu.memory_space<vmem>> -> memref<1x64xf32, #tpu.memory_space<vmem>>
          %dma_start3A_288 = tpu.memref_squeeze %dma_start3A_287 : memref<1x64xf32, #tpu.memory_space<vmem>> -> memref<64xf32, #tpu.memory_space<vmem>>
          %dma_start3A_289 = arith.constant 0 : i32
          %dma_start3A_290 = tpu.memref_slice %arg4[%squeeze3A_275, %dma_start3A_289] : memref<1000000x64xf32, #tpu.memory_space<hbm>> -> memref<1x64xf32, #tpu.memory_space<hbm>>
          %dma_start3A_291 = tpu.memref_squeeze %dma_start3A_290 : memref<1x64xf32, #tpu.memory_space<hbm>> -> memref<64xf32, #tpu.memory_space<hbm>>
          tpu.enqueue_dma source(%dma_start3A_291 : memref<64xf32, #tpu.memory_space<hbm>>) target(%dma_start3A_288 : memref<64xf32, #tpu.memory_space<vmem>>) target_semaphore(%arg20 : memref<!tpu.dma_semaphore, #tpu.memory_space<semaphore_mem>>)
          %slice3A_292 = vector.extract_strided_slice %get3A_113 {offsets = [10], sizes = [1], strides = [1]} : vector<16xi32> to vector<1xi32>
          %squeeze3A_293 = vector.extract %slice3A_292[0] : i32 from vector<1xi32>
          %mul3A_294 = arith.constant 16 : i32
          %mul3A_295 = arith.muli %scan3A_106, %mul3A_294 : i32
          %add3A_296 = arith.constant 10 : i32
          %add3A_297 = arith.addi %mul3A_295, %add3A_296 : i32
          %dma_start3A_298 = arith.constant 0 : i32
          %dma_start3A_299 = tpu.memref_slice %arg14[%add3A_297, %dma_start3A_298] : memref<128x64xf32, #tpu.memory_space<vmem>> -> memref<1x64xf32, #tpu.memory_space<vmem>>
          %dma_start3A_300 = tpu.memref_squeeze %dma_start3A_299 : memref<1x64xf32, #tpu.memory_space<vmem>> -> memref<64xf32, #tpu.memory_space<vmem>>
          %dma_start3A_301 = arith.constant 0 : i32
          %dma_start3A_302 = tpu.memref_slice %arg4[%squeeze3A_293, %dma_start3A_301] : memref<1000000x64xf32, #tpu.memory_space<hbm>> -> memref<1x64xf32, #tpu.memory_space<hbm>>
          %dma_start3A_303 = tpu.memref_squeeze %dma_start3A_302 : memref<1x64xf32, #tpu.memory_space<hbm>> -> memref<64xf32, #tpu.memory_space<hbm>>
          %dma_start3A_304 = arith.constant 0 : i32
          %dma_start3A_305 = tpu.memref_slice %arg14[%add3A_297, %dma_start3A_304] : memref<128x64xf32, #tpu.memory_space<vmem>> -> memref<1x64xf32, #tpu.memory_space<vmem>>
          %dma_start3A_306 = tpu.memref_squeeze %dma_start3A_305 : memref<1x64xf32, #tpu.memory_space<vmem>> -> memref<64xf32, #tpu.memory_space<vmem>>
          %dma_start3A_307 = arith.constant 0 : i32
          %dma_start3A_308 = tpu.memref_slice %arg4[%squeeze3A_293, %dma_start3A_307] : memref<1000000x64xf32, #tpu.memory_space<hbm>> -> memref<1x64xf32, #tpu.memory_space<hbm>>
          %dma_start3A_309 = tpu.memref_squeeze %dma_start3A_308 : memref<1x64xf32, #tpu.memory_space<hbm>> -> memref<64xf32, #tpu.memory_space<hbm>>
          tpu.enqueue_dma source(%dma_start3A_309 : memref<64xf32, #tpu.memory_space<hbm>>) target(%dma_start3A_306 : memref<64xf32, #tpu.memory_space<vmem>>) target_semaphore(%arg20 : memref<!tpu.dma_semaphore, #tpu.memory_space<semaphore_mem>>)
          %slice3A_310 = vector.extract_strided_slice %get3A_113 {offsets = [11], sizes = [1], strides = [1]} : vector<16xi32> to vector<1xi32>
          %squeeze3A_311 = vector.extract %slice3A_310[0] : i32 from vector<1xi32>
          %mul3A_312 = arith.constant 16 : i32
          %mul3A_313 = arith.muli %scan3A_106, %mul3A_312 : i32
          %add3A_314 = arith.constant 11 : i32
          %add3A_315 = arith.addi %mul3A_313, %add3A_314 : i32
          %dma_start3A_316 = arith.constant 0 : i32
          %dma_start3A_317 = tpu.memref_slice %arg14[%add3A_315, %dma_start3A_316] : memref<128x64xf32, #tpu.memory_space<vmem>> -> memref<1x64xf32, #tpu.memory_space<vmem>>
          %dma_start3A_318 = tpu.memref_squeeze %dma_start3A_317 : memref<1x64xf32, #tpu.memory_space<vmem>> -> memref<64xf32, #tpu.memory_space<vmem>>
          %dma_start3A_319 = arith.constant 0 : i32
          %dma_start3A_320 = tpu.memref_slice %arg4[%squeeze3A_311, %dma_start3A_319] : memref<1000000x64xf32, #tpu.memory_space<hbm>> -> memref<1x64xf32, #tpu.memory_space<hbm>>
          %dma_start3A_321 = tpu.memref_squeeze %dma_start3A_320 : memref<1x64xf32, #tpu.memory_space<hbm>> -> memref<64xf32, #tpu.memory_space<hbm>>
          %dma_start3A_322 = arith.constant 0 : i32
          %dma_start3A_323 = tpu.memref_slice %arg14[%add3A_315, %dma_start3A_322] : memref<128x64xf32, #tpu.memory_space<vmem>> -> memref<1x64xf32, #tpu.memory_space<vmem>>
          %dma_start3A_324 = tpu.memref_squeeze %dma_start3A_323 : memref<1x64xf32, #tpu.memory_space<vmem>> -> memref<64xf32, #tpu.memory_space<vmem>>
          %dma_start3A_325 = arith.constant 0 : i32
          %dma_start3A_326 = tpu.memref_slice %arg4[%squeeze3A_311, %dma_start3A_325] : memref<1000000x64xf32, #tpu.memory_space<hbm>> -> memref<1x64xf32, #tpu.memory_space<hbm>>
          %dma_start3A_327 = tpu.memref_squeeze %dma_start3A_326 : memref<1x64xf32, #tpu.memory_space<hbm>> -> memref<64xf32, #tpu.memory_space<hbm>>
          tpu.enqueue_dma source(%dma_start3A_327 : memref<64xf32, #tpu.memory_space<hbm>>) target(%dma_start3A_324 : memref<64xf32, #tpu.memory_space<vmem>>) target_semaphore(%arg20 : memref<!tpu.dma_semaphore, #tpu.memory_space<semaphore_mem>>)
          %slice3A_328 = vector.extract_strided_slice %get3A_113 {offsets = [12], sizes = [1], strides = [1]} : vector<16xi32> to vector<1xi32>
          %squeeze3A_329 = vector.extract %slice3A_328[0] : i32 from vector<1xi32>
          %mul3A_330 = arith.constant 16 : i32
          %mul3A_331 = arith.muli %scan3A_106, %mul3A_330 : i32
          %add3A_332 = arith.constant 12 : i32
          %add3A_333 = arith.addi %mul3A_331, %add3A_332 : i32
          %dma_start3A_334 = arith.constant 0 : i32
          %dma_start3A_335 = tpu.memref_slice %arg14[%add3A_333, %dma_start3A_334] : memref<128x64xf32, #tpu.memory_space<vmem>> -> memref<1x64xf32, #tpu.memory_space<vmem>>
          %dma_start3A_336 = tpu.memref_squeeze %dma_start3A_335 : memref<1x64xf32, #tpu.memory_space<vmem>> -> memref<64xf32, #tpu.memory_space<vmem>>
          %dma_start3A_337 = arith.constant 0 : i32
          %dma_start3A_338 = tpu.memref_slice %arg4[%squeeze3A_329, %dma_start3A_337] : memref<1000000x64xf32, #tpu.memory_space<hbm>> -> memref<1x64xf32, #tpu.memory_space<hbm>>
          %dma_start3A_339 = tpu.memref_squeeze %dma_start3A_338 : memref<1x64xf32, #tpu.memory_space<hbm>> -> memref<64xf32, #tpu.memory_space<hbm>>
          %dma_start3A_340 = arith.constant 0 : i32
          %dma_start3A_341 = tpu.memref_slice %arg14[%add3A_333, %dma_start3A_340] : memref<128x64xf32, #tpu.memory_space<vmem>> -> memref<1x64xf32, #tpu.memory_space<vmem>>
          %dma_start3A_342 = tpu.memref_squeeze %dma_start3A_341 : memref<1x64xf32, #tpu.memory_space<vmem>> -> memref<64xf32, #tpu.memory_space<vmem>>
          %dma_start3A_343 = arith.constant 0 : i32
          %dma_start3A_344 = tpu.memref_slice %arg4[%squeeze3A_329, %dma_start3A_343] : memref<1000000x64xf32, #tpu.memory_space<hbm>> -> memref<1x64xf32, #tpu.memory_space<hbm>>
          %dma_start3A_345 = tpu.memref_squeeze %dma_start3A_344 : memref<1x64xf32, #tpu.memory_space<hbm>> -> memref<64xf32, #tpu.memory_space<hbm>>
          tpu.enqueue_dma source(%dma_start3A_345 : memref<64xf32, #tpu.memory_space<hbm>>) target(%dma_start3A_342 : memref<64xf32, #tpu.memory_space<vmem>>) target_semaphore(%arg20 : memref<!tpu.dma_semaphore, #tpu.memory_space<semaphore_mem>>)
          %slice3A_346 = vector.extract_strided_slice %get3A_113 {offsets = [13], sizes = [1], strides = [1]} : vector<16xi32> to vector<1xi32>
          %squeeze3A_347 = vector.extract %slice3A_346[0] : i32 from vector<1xi32>
          %mul3A_348 = arith.constant 16 : i32
          %mul3A_349 = arith.muli %scan3A_106, %mul3A_348 : i32
          %add3A_350 = arith.constant 13 : i32
          %add3A_351 = arith.addi %mul3A_349, %add3A_350 : i32
          %dma_start3A_352 = arith.constant 0 : i32
          %dma_start3A_353 = tpu.memref_slice %arg14[%add3A_351, %dma_start3A_352] : memref<128x64xf32, #tpu.memory_space<vmem>> -> memref<1x64xf32, #tpu.memory_space<vmem>>
          %dma_start3A_354 = tpu.memref_squeeze %dma_start3A_353 : memref<1x64xf32, #tpu.memory_space<vmem>> -> memref<64xf32, #tpu.memory_space<vmem>>
          %dma_start3A_355 = arith.constant 0 : i32
          %dma_start3A_356 = tpu.memref_slice %arg4[%squeeze3A_347, %dma_start3A_355] : memref<1000000x64xf32, #tpu.memory_space<hbm>> -> memref<1x64xf32, #tpu.memory_space<hbm>>
          %dma_start3A_357 = tpu.memref_squeeze %dma_start3A_356 : memref<1x64xf32, #tpu.memory_space<hbm>> -> memref<64xf32, #tpu.memory_space<hbm>>
          %dma_start3A_358 = arith.constant 0 : i32
          %dma_start3A_359 = tpu.memref_slice %arg14[%add3A_351, %dma_start3A_358] : memref<128x64xf32, #tpu.memory_space<vmem>> -> memref<1x64xf32, #tpu.memory_space<vmem>>
          %dma_start3A_360 = tpu.memref_squeeze %dma_start3A_359 : memref<1x64xf32, #tpu.memory_space<vmem>> -> memref<64xf32, #tpu.memory_space<vmem>>
          %dma_start3A_361 = arith.constant 0 : i32
          %dma_start3A_362 = tpu.memref_slice %arg4[%squeeze3A_347, %dma_start3A_361] : memref<1000000x64xf32, #tpu.memory_space<hbm>> -> memref<1x64xf32, #tpu.memory_space<hbm>>
          %dma_start3A_363 = tpu.memref_squeeze %dma_start3A_362 : memref<1x64xf32, #tpu.memory_space<hbm>> -> memref<64xf32, #tpu.memory_space<hbm>>
          tpu.enqueue_dma source(%dma_start3A_363 : memref<64xf32, #tpu.memory_space<hbm>>) target(%dma_start3A_360 : memref<64xf32, #tpu.memory_space<vmem>>) target_semaphore(%arg20 : memref<!tpu.dma_semaphore, #tpu.memory_space<semaphore_mem>>)
          %slice3A_364 = vector.extract_strided_slice %get3A_113 {offsets = [14], sizes = [1], strides = [1]} : vector<16xi32> to vector<1xi32>
          %squeeze3A_365 = vector.extract %slice3A_364[0] : i32 from vector<1xi32>
          %mul3A_366 = arith.constant 16 : i32
          %mul3A_367 = arith.muli %scan3A_106, %mul3A_366 : i32
          %add3A_368 = arith.constant 14 : i32
          %add3A_369 = arith.addi %mul3A_367, %add3A_368 : i32
          %dma_start3A_370 = arith.constant 0 : i32
          %dma_start3A_371 = tpu.memref_slice %arg14[%add3A_369, %dma_start3A_370] : memref<128x64xf32, #tpu.memory_space<vmem>> -> memref<1x64xf32, #tpu.memory_space<vmem>>
          %dma_start3A_372 = tpu.memref_squeeze %dma_start3A_371 : memref<1x64xf32, #tpu.memory_space<vmem>> -> memref<64xf32, #tpu.memory_space<vmem>>
          %dma_start3A_373 = arith.constant 0 : i32
          %dma_start3A_374 = tpu.memref_slice %arg4[%squeeze3A_365, %dma_start3A_373] : memref<1000000x64xf32, #tpu.memory_space<hbm>> -> memref<1x64xf32, #tpu.memory_space<hbm>>
          %dma_start3A_375 = tpu.memref_squeeze %dma_start3A_374 : memref<1x64xf32, #tpu.memory_space<hbm>> -> memref<64xf32, #tpu.memory_space<hbm>>
          %dma_start3A_376 = arith.constant 0 : i32
          %dma_start3A_377 = tpu.memref_slice %arg14[%add3A_369, %dma_start3A_376] : memref<128x64xf32, #tpu.memory_space<vmem>> -> memref<1x64xf32, #tpu.memory_space<vmem>>
          %dma_start3A_378 = tpu.memref_squeeze %dma_start3A_377 : memref<1x64xf32, #tpu.memory_space<vmem>> -> memref<64xf32, #tpu.memory_space<vmem>>
          %dma_start3A_379 = arith.constant 0 : i32
          %dma_start3A_380 = tpu.memref_slice %arg4[%squeeze3A_365, %dma_start3A_379] : memref<1000000x64xf32, #tpu.memory_space<hbm>> -> memref<1x64xf32, #tpu.memory_space<hbm>>
          %dma_start3A_381 = tpu.memref_squeeze %dma_start3A_380 : memref<1x64xf32, #tpu.memory_space<hbm>> -> memref<64xf32, #tpu.memory_space<hbm>>
          tpu.enqueue_dma source(%dma_start3A_381 : memref<64xf32, #tpu.memory_space<hbm>>) target(%dma_start3A_378 : memref<64xf32, #tpu.memory_space<vmem>>) target_semaphore(%arg20 : memref<!tpu.dma_semaphore, #tpu.memory_space<semaphore_mem>>)
          %slice3A_382 = vector.extract_strided_slice %get3A_113 {offsets = [15], sizes = [1], strides = [1]} : vector<16xi32> to vector<1xi32>
          %squeeze3A_383 = vector.extract %slice3A_382[0] : i32 from vector<1xi32>
          %mul3A_384 = arith.constant 16 : i32
          %mul3A_385 = arith.muli %scan3A_106, %mul3A_384 : i32
          %add3A_386 = arith.constant 15 : i32
          %add3A_387 = arith.addi %mul3A_385, %add3A_386 : i32
          %dma_start3A_388 = arith.constant 0 : i32
          %dma_start3A_389 = tpu.memref_slice %arg14[%add3A_387, %dma_start3A_388] : memref<128x64xf32, #tpu.memory_space<vmem>> -> memref<1x64xf32, #tpu.memory_space<vmem>>
          %dma_start3A_390 = tpu.memref_squeeze %dma_start3A_389 : memref<1x64xf32, #tpu.memory_space<vmem>> -> memref<64xf32, #tpu.memory_space<vmem>>
          %dma_start3A_391 = arith.constant 0 : i32
          %dma_start3A_392 = tpu.memref_slice %arg4[%squeeze3A_383, %dma_start3A_391] : memref<1000000x64xf32, #tpu.memory_space<hbm>> -> memref<1x64xf32, #tpu.memory_space<hbm>>
          %dma_start3A_393 = tpu.memref_squeeze %dma_start3A_392 : memref<1x64xf32, #tpu.memory_space<hbm>> -> memref<64xf32, #tpu.memory_space<hbm>>
          %dma_start3A_394 = arith.constant 0 : i32
          %dma_start3A_395 = tpu.memref_slice %arg14[%add3A_387, %dma_start3A_394] : memref<128x64xf32, #tpu.memory_space<vmem>> -> memref<1x64xf32, #tpu.memory_space<vmem>>
          %dma_start3A_396 = tpu.memref_squeeze %dma_start3A_395 : memref<1x64xf32, #tpu.memory_space<vmem>> -> memref<64xf32, #tpu.memory_space<vmem>>
          %dma_start3A_397 = arith.constant 0 : i32
          %dma_start3A_398 = tpu.memref_slice %arg4[%squeeze3A_383, %dma_start3A_397] : memref<1000000x64xf32, #tpu.memory_space<hbm>> -> memref<1x64xf32, #tpu.memory_space<hbm>>
          %dma_start3A_399 = tpu.memref_squeeze %dma_start3A_398 : memref<1x64xf32, #tpu.memory_space<hbm>> -> memref<64xf32, #tpu.memory_space<hbm>>
          tpu.enqueue_dma source(%dma_start3A_399 : memref<64xf32, #tpu.memory_space<hbm>>) target(%dma_start3A_396 : memref<64xf32, #tpu.memory_space<vmem>>) target_semaphore(%arg20 : memref<!tpu.dma_semaphore, #tpu.memory_space<semaphore_mem>>)
        }
        %scan3A_105 = arith.constant 8 : i32
      } else {
      }
      %eq3A_53 = arith.constant 1 : i32
      %eq3A_54 = arith.cmpi eq, %rem3A_47, %eq3A_53 : i32
      %add3A_55 = arith.constant 2 : i32
      %add3A_56 = arith.addi %scan3A_46, %add3A_55 : i32
      %lt3A_57 = arith.constant 50 : i32
      %lt3A_58 = arith.cmpi slt, %add3A_56, %lt3A_57 : i32
      %and3A_59 = arith.andi %eq3A_54, %lt3A_58 : i1
      %convert_element_type3A_60 = arith.extui %and3A_59 : i1 to i32
      %cond3A_61 = arith.constant 0 : i32
      %cond3A_62 = arith.cmpi ne, %convert_element_type3A_60, %cond3A_61 : i32
      scf.if %cond3A_62 {
        %ge3A = arith.constant 1 : i32
        %ge3A_88 = arith.cmpi sge, %scan3A_46, %ge3A : i32
        %convert_element_type3A_89 = arith.extui %ge3A_88 : i1 to i32
        %cond3A_90 = arith.constant 0 : i32
        %cond3A_91 = arith.cmpi ne, %convert_element_type3A_89, %cond3A_90 : i32
        scf.if %cond3A_91 {
          %dma_wait3A_106 = arith.constant 0 : i32
          %dma_wait3A_107 = arith.constant 0 : i32
          %dma_wait3A_108 = tpu.memref_slice %arg6[%dma_wait3A_106, %dma_wait3A_107] : memref<204800x64xf32, #tpu.memory_space<hbm>> -> memref<128x64xf32, #tpu.memory_space<hbm>>
          %dma_wait3A_109 = arith.constant 0 : i32
          %dma_wait3A_110 = arith.constant 0 : i32
          %dma_wait3A_111 = tpu.memref_slice %arg6[%dma_wait3A_109, %dma_wait3A_110] : memref<204800x64xf32, #tpu.memory_space<hbm>> -> memref<128x64xf32, #tpu.memory_space<hbm>>
          tpu.wait_dma2 semaphore(%arg21 : memref<!tpu.dma_semaphore, #tpu.memory_space<semaphore_mem>>) src(%dma_wait3A_111 : memref<128x64xf32, #tpu.memory_space<hbm>>) dst(%arg12 : memref<128x64xf32, #tpu.memory_space<vmem>>)
        } else {
        }
        %add3A_92 = arith.constant 2 : i32
        %add3A_93 = arith.addi %scan3A_46, %add3A_92 : i32
        %mul3A_94 = arith.constant 128 : i32
        %mul3A_95 = arith.muli %add3A_93, %mul3A_94 : i32
        %dma_start3A_96 = tpu.memref_slice %arg8[%mul3A_95] : memref<6400xi32, #tpu.memory_space<vmem>> -> memref<128xi32, #tpu.memory_space<vmem>>
        %dma_start3A_97 = arith.constant 0 : i32
        %dma_start3A_98 = arith.constant 0 : i32
        %dma_start3A_99 = tpu.memref_slice %arg5[%dma_start3A_97, %dma_start3A_98] : memref<12800x128xf32, #tpu.memory_space<hbm>> -> memref<12800x128xf32, #tpu.memory_space<hbm>>
        tpu.enqueue_indirect_dma source(%dma_start3A_99 : memref<12800x128xf32, #tpu.memory_space<hbm>>) target(%arg9 : memref<128x128xf32, #tpu.memory_space<vmem>>) offsets(%dma_start3A_96 : memref<128xi32, #tpu.memory_space<vmem>>) semaphore(%arg15 : memref<!tpu.dma_semaphore, #tpu.memory_space<semaphore_mem>>)
        %scan3A_100 = arith.constant 0 : i32
        %scan3A_101 = arith.constant 0 : i32
        %scan3A_102 = arith.constant 8 : i32
        %scan3A_103 = arith.addi %scan3A_101, %scan3A_102 : i32
        %scan3A_104 = arith.constant 1 : i32
        scf.for %scan3A_106 = %scan3A_101 to %scan3A_103 step %scan3A_104  : i32 {
          %mul3A_107 = arith.constant 128 : i32
          %mul3A_108 = arith.muli %add3A_93, %mul3A_107 : i32
          %mul3A_109 = arith.constant 16 : i32
          %mul3A_110 = arith.muli %scan3A_106, %mul3A_109 : i32
          %add3A_111 = arith.addi %mul3A_108, %mul3A_110 : i32
          %get3A = arith.index_cast %add3A_111 : i32 to index
          %get3A_112 = tpu.vector_load %arg7[%get3A] {strides = array<i32>} : memref<6400xi32, #tpu.memory_space<vmem>>, vector<16xi32>,
          %get3A_113 = vector.shape_cast %get3A_112 : vector<16xi32> to vector<16xi32>
          %slice3A = vector.extract_strided_slice %get3A_113 {offsets = [0], sizes = [1], strides = [1]} : vector<16xi32> to vector<1xi32>
          %squeeze3A = vector.extract %slice3A[0] : i32 from vector<1xi32>
          %mul3A_114 = arith.constant 16 : i32
          %mul3A_115 = arith.muli %scan3A_106, %mul3A_114 : i32
          %add3A_116 = arith.constant 0 : i32
          %add3A_117 = arith.addi %mul3A_115, %add3A_116 : i32
          %dma_start3A_118 = arith.constant 0 : i32
          %dma_start3A_119 = tpu.memref_slice %arg12[%add3A_117, %dma_start3A_118] : memref<128x64xf32, #tpu.memory_space<vmem>> -> memref<1x64xf32, #tpu.memory_space<vmem>>
          %dma_start3A_120 = tpu.memref_squeeze %dma_start3A_119 : memref<1x64xf32, #tpu.memory_space<vmem>> -> memref<64xf32, #tpu.memory_space<vmem>>
          %dma_start3A_121 = arith.constant 0 : i32
          %dma_start3A_122 = tpu.memref_slice %arg4[%squeeze3A, %dma_start3A_121] : memref<1000000x64xf32, #tpu.memory_space<hbm>> -> memref<1x64xf32, #tpu.memory_space<hbm>>
          %dma_start3A_123 = tpu.memref_squeeze %dma_start3A_122 : memref<1x64xf32, #tpu.memory_space<hbm>> -> memref<64xf32, #tpu.memory_space<hbm>>
          %dma_start3A_124 = arith.constant 0 : i32
          %dma_start3A_125 = tpu.memref_slice %arg12[%add3A_117, %dma_start3A_124] : memref<128x64xf32, #tpu.memory_space<vmem>> -> memref<1x64xf32, #tpu.memory_space<vmem>>
          %dma_start3A_126 = tpu.memref_squeeze %dma_start3A_125 : memref<1x64xf32, #tpu.memory_space<vmem>> -> memref<64xf32, #tpu.memory_space<vmem>>
          %dma_start3A_127 = arith.constant 0 : i32
          %dma_start3A_128 = tpu.memref_slice %arg4[%squeeze3A, %dma_start3A_127] : memref<1000000x64xf32, #tpu.memory_space<hbm>> -> memref<1x64xf32, #tpu.memory_space<hbm>>
          %dma_start3A_129 = tpu.memref_squeeze %dma_start3A_128 : memref<1x64xf32, #tpu.memory_space<hbm>> -> memref<64xf32, #tpu.memory_space<hbm>>
          tpu.enqueue_dma source(%dma_start3A_129 : memref<64xf32, #tpu.memory_space<hbm>>) target(%dma_start3A_126 : memref<64xf32, #tpu.memory_space<vmem>>) target_semaphore(%arg18 : memref<!tpu.dma_semaphore, #tpu.memory_space<semaphore_mem>>)
          %slice3A_130 = vector.extract_strided_slice %get3A_113 {offsets = [1], sizes = [1], strides = [1]} : vector<16xi32> to vector<1xi32>
          %squeeze3A_131 = vector.extract %slice3A_130[0] : i32 from vector<1xi32>
          %mul3A_132 = arith.constant 16 : i32
          %mul3A_133 = arith.muli %scan3A_106, %mul3A_132 : i32
          %add3A_134 = arith.constant 1 : i32
          %add3A_135 = arith.addi %mul3A_133, %add3A_134 : i32
          %dma_start3A_136 = arith.constant 0 : i32
          %dma_start3A_137 = tpu.memref_slice %arg12[%add3A_135, %dma_start3A_136] : memref<128x64xf32, #tpu.memory_space<vmem>> -> memref<1x64xf32, #tpu.memory_space<vmem>>
          %dma_start3A_138 = tpu.memref_squeeze %dma_start3A_137 : memref<1x64xf32, #tpu.memory_space<vmem>> -> memref<64xf32, #tpu.memory_space<vmem>>
          %dma_start3A_139 = arith.constant 0 : i32
          %dma_start3A_140 = tpu.memref_slice %arg4[%squeeze3A_131, %dma_start3A_139] : memref<1000000x64xf32, #tpu.memory_space<hbm>> -> memref<1x64xf32, #tpu.memory_space<hbm>>
          %dma_start3A_141 = tpu.memref_squeeze %dma_start3A_140 : memref<1x64xf32, #tpu.memory_space<hbm>> -> memref<64xf32, #tpu.memory_space<hbm>>
          %dma_start3A_142 = arith.constant 0 : i32
          %dma_start3A_143 = tpu.memref_slice %arg12[%add3A_135, %dma_start3A_142] : memref<128x64xf32, #tpu.memory_space<vmem>> -> memref<1x64xf32, #tpu.memory_space<vmem>>
          %dma_start3A_144 = tpu.memref_squeeze %dma_start3A_143 : memref<1x64xf32, #tpu.memory_space<vmem>> -> memref<64xf32, #tpu.memory_space<vmem>>
          %dma_start3A_145 = arith.constant 0 : i32
          %dma_start3A_146 = tpu.memref_slice %arg4[%squeeze3A_131, %dma_start3A_145] : memref<1000000x64xf32, #tpu.memory_space<hbm>> -> memref<1x64xf32, #tpu.memory_space<hbm>>
          %dma_start3A_147 = tpu.memref_squeeze %dma_start3A_146 : memref<1x64xf32, #tpu.memory_space<hbm>> -> memref<64xf32, #tpu.memory_space<hbm>>
          tpu.enqueue_dma source(%dma_start3A_147 : memref<64xf32, #tpu.memory_space<hbm>>) target(%dma_start3A_144 : memref<64xf32, #tpu.memory_space<vmem>>) target_semaphore(%arg18 : memref<!tpu.dma_semaphore, #tpu.memory_space<semaphore_mem>>)
          %slice3A_148 = vector.extract_strided_slice %get3A_113 {offsets = [2], sizes = [1], strides = [1]} : vector<16xi32> to vector<1xi32>
          %squeeze3A_149 = vector.extract %slice3A_148[0] : i32 from vector<1xi32>
          %mul3A_150 = arith.constant 16 : i32
          %mul3A_151 = arith.muli %scan3A_106, %mul3A_150 : i32
          %add3A_152 = arith.constant 2 : i32
          %add3A_153 = arith.addi %mul3A_151, %add3A_152 : i32
          %dma_start3A_154 = arith.constant 0 : i32
          %dma_start3A_155 = tpu.memref_slice %arg12[%add3A_153, %dma_start3A_154] : memref<128x64xf32, #tpu.memory_space<vmem>> -> memref<1x64xf32, #tpu.memory_space<vmem>>
          %dma_start3A_156 = tpu.memref_squeeze %dma_start3A_155 : memref<1x64xf32, #tpu.memory_space<vmem>> -> memref<64xf32, #tpu.memory_space<vmem>>
          %dma_start3A_157 = arith.constant 0 : i32
          %dma_start3A_158 = tpu.memref_slice %arg4[%squeeze3A_149, %dma_start3A_157] : memref<1000000x64xf32, #tpu.memory_space<hbm>> -> memref<1x64xf32, #tpu.memory_space<hbm>>
          %dma_start3A_159 = tpu.memref_squeeze %dma_start3A_158 : memref<1x64xf32, #tpu.memory_space<hbm>> -> memref<64xf32, #tpu.memory_space<hbm>>
          %dma_start3A_160 = arith.constant 0 : i32
          %dma_start3A_161 = tpu.memref_slice %arg12[%add3A_153, %dma_start3A_160] : memref<128x64xf32, #tpu.memory_space<vmem>> -> memref<1x64xf32, #tpu.memory_space<vmem>>
          %dma_start3A_162 = tpu.memref_squeeze %dma_start3A_161 : memref<1x64xf32, #tpu.memory_space<vmem>> -> memref<64xf32, #tpu.memory_space<vmem>>
          %dma_start3A_163 = arith.constant 0 : i32
          %dma_start3A_164 = tpu.memref_slice %arg4[%squeeze3A_149, %dma_start3A_163] : memref<1000000x64xf32, #tpu.memory_space<hbm>> -> memref<1x64xf32, #tpu.memory_space<hbm>>
          %dma_start3A_165 = tpu.memref_squeeze %dma_start3A_164 : memref<1x64xf32, #tpu.memory_space<hbm>> -> memref<64xf32, #tpu.memory_space<hbm>>
          tpu.enqueue_dma source(%dma_start3A_165 : memref<64xf32, #tpu.memory_space<hbm>>) target(%dma_start3A_162 : memref<64xf32, #tpu.memory_space<vmem>>) target_semaphore(%arg18 : memref<!tpu.dma_semaphore, #tpu.memory_space<semaphore_mem>>)
          %slice3A_166 = vector.extract_strided_slice %get3A_113 {offsets = [3], sizes = [1], strides = [1]} : vector<16xi32> to vector<1xi32>
          %squeeze3A_167 = vector.extract %slice3A_166[0] : i32 from vector<1xi32>
          %mul3A_168 = arith.constant 16 : i32
          %mul3A_169 = arith.muli %scan3A_106, %mul3A_168 : i32
          %add3A_170 = arith.constant 3 : i32
          %add3A_171 = arith.addi %mul3A_169, %add3A_170 : i32
          %dma_start3A_172 = arith.constant 0 : i32
          %dma_start3A_173 = tpu.memref_slice %arg12[%add3A_171, %dma_start3A_172] : memref<128x64xf32, #tpu.memory_space<vmem>> -> memref<1x64xf32, #tpu.memory_space<vmem>>
          %dma_start3A_174 = tpu.memref_squeeze %dma_start3A_173 : memref<1x64xf32, #tpu.memory_space<vmem>> -> memref<64xf32, #tpu.memory_space<vmem>>
          %dma_start3A_175 = arith.constant 0 : i32
          %dma_start3A_176 = tpu.memref_slice %arg4[%squeeze3A_167, %dma_start3A_175] : memref<1000000x64xf32, #tpu.memory_space<hbm>> -> memref<1x64xf32, #tpu.memory_space<hbm>>
          %dma_start3A_177 = tpu.memref_squeeze %dma_start3A_176 : memref<1x64xf32, #tpu.memory_space<hbm>> -> memref<64xf32, #tpu.memory_space<hbm>>
          %dma_start3A_178 = arith.constant 0 : i32
          %dma_start3A_179 = tpu.memref_slice %arg12[%add3A_171, %dma_start3A_178] : memref<128x64xf32, #tpu.memory_space<vmem>> -> memref<1x64xf32, #tpu.memory_space<vmem>>
          %dma_start3A_180 = tpu.memref_squeeze %dma_start3A_179 : memref<1x64xf32, #tpu.memory_space<vmem>> -> memref<64xf32, #tpu.memory_space<vmem>>
          %dma_start3A_181 = arith.constant 0 : i32
          %dma_start3A_182 = tpu.memref_slice %arg4[%squeeze3A_167, %dma_start3A_181] : memref<1000000x64xf32, #tpu.memory_space<hbm>> -> memref<1x64xf32, #tpu.memory_space<hbm>>
          %dma_start3A_183 = tpu.memref_squeeze %dma_start3A_182 : memref<1x64xf32, #tpu.memory_space<hbm>> -> memref<64xf32, #tpu.memory_space<hbm>>
          tpu.enqueue_dma source(%dma_start3A_183 : memref<64xf32, #tpu.memory_space<hbm>>) target(%dma_start3A_180 : memref<64xf32, #tpu.memory_space<vmem>>) target_semaphore(%arg18 : memref<!tpu.dma_semaphore, #tpu.memory_space<semaphore_mem>>)
          %slice3A_184 = vector.extract_strided_slice %get3A_113 {offsets = [4], sizes = [1], strides = [1]} : vector<16xi32> to vector<1xi32>
          %squeeze3A_185 = vector.extract %slice3A_184[0] : i32 from vector<1xi32>
          %mul3A_186 = arith.constant 16 : i32
          %mul3A_187 = arith.muli %scan3A_106, %mul3A_186 : i32
          %add3A_188 = arith.constant 4 : i32
          %add3A_189 = arith.addi %mul3A_187, %add3A_188 : i32
          %dma_start3A_190 = arith.constant 0 : i32
          %dma_start3A_191 = tpu.memref_slice %arg12[%add3A_189, %dma_start3A_190] : memref<128x64xf32, #tpu.memory_space<vmem>> -> memref<1x64xf32, #tpu.memory_space<vmem>>
          %dma_start3A_192 = tpu.memref_squeeze %dma_start3A_191 : memref<1x64xf32, #tpu.memory_space<vmem>> -> memref<64xf32, #tpu.memory_space<vmem>>
          %dma_start3A_193 = arith.constant 0 : i32
          %dma_start3A_194 = tpu.memref_slice %arg4[%squeeze3A_185, %dma_start3A_193] : memref<1000000x64xf32, #tpu.memory_space<hbm>> -> memref<1x64xf32, #tpu.memory_space<hbm>>
          %dma_start3A_195 = tpu.memref_squeeze %dma_start3A_194 : memref<1x64xf32, #tpu.memory_space<hbm>> -> memref<64xf32, #tpu.memory_space<hbm>>
          %dma_start3A_196 = arith.constant 0 : i32
          %dma_start3A_197 = tpu.memref_slice %arg12[%add3A_189, %dma_start3A_196] : memref<128x64xf32, #tpu.memory_space<vmem>> -> memref<1x64xf32, #tpu.memory_space<vmem>>
          %dma_start3A_198 = tpu.memref_squeeze %dma_start3A_197 : memref<1x64xf32, #tpu.memory_space<vmem>> -> memref<64xf32, #tpu.memory_space<vmem>>
          %dma_start3A_199 = arith.constant 0 : i32
          %dma_start3A_200 = tpu.memref_slice %arg4[%squeeze3A_185, %dma_start3A_199] : memref<1000000x64xf32, #tpu.memory_space<hbm>> -> memref<1x64xf32, #tpu.memory_space<hbm>>
          %dma_start3A_201 = tpu.memref_squeeze %dma_start3A_200 : memref<1x64xf32, #tpu.memory_space<hbm>> -> memref<64xf32, #tpu.memory_space<hbm>>
          tpu.enqueue_dma source(%dma_start3A_201 : memref<64xf32, #tpu.memory_space<hbm>>) target(%dma_start3A_198 : memref<64xf32, #tpu.memory_space<vmem>>) target_semaphore(%arg18 : memref<!tpu.dma_semaphore, #tpu.memory_space<semaphore_mem>>)
          %slice3A_202 = vector.extract_strided_slice %get3A_113 {offsets = [5], sizes = [1], strides = [1]} : vector<16xi32> to vector<1xi32>
          %squeeze3A_203 = vector.extract %slice3A_202[0] : i32 from vector<1xi32>
          %mul3A_204 = arith.constant 16 : i32
          %mul3A_205 = arith.muli %scan3A_106, %mul3A_204 : i32
          %add3A_206 = arith.constant 5 : i32
          %add3A_207 = arith.addi %mul3A_205, %add3A_206 : i32
          %dma_start3A_208 = arith.constant 0 : i32
          %dma_start3A_209 = tpu.memref_slice %arg12[%add3A_207, %dma_start3A_208] : memref<128x64xf32, #tpu.memory_space<vmem>> -> memref<1x64xf32, #tpu.memory_space<vmem>>
          %dma_start3A_210 = tpu.memref_squeeze %dma_start3A_209 : memref<1x64xf32, #tpu.memory_space<vmem>> -> memref<64xf32, #tpu.memory_space<vmem>>
          %dma_start3A_211 = arith.constant 0 : i32
          %dma_start3A_212 = tpu.memref_slice %arg4[%squeeze3A_203, %dma_start3A_211] : memref<1000000x64xf32, #tpu.memory_space<hbm>> -> memref<1x64xf32, #tpu.memory_space<hbm>>
          %dma_start3A_213 = tpu.memref_squeeze %dma_start3A_212 : memref<1x64xf32, #tpu.memory_space<hbm>> -> memref<64xf32, #tpu.memory_space<hbm>>
          %dma_start3A_214 = arith.constant 0 : i32
          %dma_start3A_215 = tpu.memref_slice %arg12[%add3A_207, %dma_start3A_214] : memref<128x64xf32, #tpu.memory_space<vmem>> -> memref<1x64xf32, #tpu.memory_space<vmem>>
          %dma_start3A_216 = tpu.memref_squeeze %dma_start3A_215 : memref<1x64xf32, #tpu.memory_space<vmem>> -> memref<64xf32, #tpu.memory_space<vmem>>
          %dma_start3A_217 = arith.constant 0 : i32
          %dma_start3A_218 = tpu.memref_slice %arg4[%squeeze3A_203, %dma_start3A_217] : memref<1000000x64xf32, #tpu.memory_space<hbm>> -> memref<1x64xf32, #tpu.memory_space<hbm>>
          %dma_start3A_219 = tpu.memref_squeeze %dma_start3A_218 : memref<1x64xf32, #tpu.memory_space<hbm>> -> memref<64xf32, #tpu.memory_space<hbm>>
          tpu.enqueue_dma source(%dma_start3A_219 : memref<64xf32, #tpu.memory_space<hbm>>) target(%dma_start3A_216 : memref<64xf32, #tpu.memory_space<vmem>>) target_semaphore(%arg18 : memref<!tpu.dma_semaphore, #tpu.memory_space<semaphore_mem>>)
          %slice3A_220 = vector.extract_strided_slice %get3A_113 {offsets = [6], sizes = [1], strides = [1]} : vector<16xi32> to vector<1xi32>
          %squeeze3A_221 = vector.extract %slice3A_220[0] : i32 from vector<1xi32>
          %mul3A_222 = arith.constant 16 : i32
          %mul3A_223 = arith.muli %scan3A_106, %mul3A_222 : i32
          %add3A_224 = arith.constant 6 : i32
          %add3A_225 = arith.addi %mul3A_223, %add3A_224 : i32
          %dma_start3A_226 = arith.constant 0 : i32
          %dma_start3A_227 = tpu.memref_slice %arg12[%add3A_225, %dma_start3A_226] : memref<128x64xf32, #tpu.memory_space<vmem>> -> memref<1x64xf32, #tpu.memory_space<vmem>>
          %dma_start3A_228 = tpu.memref_squeeze %dma_start3A_227 : memref<1x64xf32, #tpu.memory_space<vmem>> -> memref<64xf32, #tpu.memory_space<vmem>>
          %dma_start3A_229 = arith.constant 0 : i32
          %dma_start3A_230 = tpu.memref_slice %arg4[%squeeze3A_221, %dma_start3A_229] : memref<1000000x64xf32, #tpu.memory_space<hbm>> -> memref<1x64xf32, #tpu.memory_space<hbm>>
          %dma_start3A_231 = tpu.memref_squeeze %dma_start3A_230 : memref<1x64xf32, #tpu.memory_space<hbm>> -> memref<64xf32, #tpu.memory_space<hbm>>
          %dma_start3A_232 = arith.constant 0 : i32
          %dma_start3A_233 = tpu.memref_slice %arg12[%add3A_225, %dma_start3A_232] : memref<128x64xf32, #tpu.memory_space<vmem>> -> memref<1x64xf32, #tpu.memory_space<vmem>>
          %dma_start3A_234 = tpu.memref_squeeze %dma_start3A_233 : memref<1x64xf32, #tpu.memory_space<vmem>> -> memref<64xf32, #tpu.memory_space<vmem>>
          %dma_start3A_235 = arith.constant 0 : i32
          %dma_start3A_236 = tpu.memref_slice %arg4[%squeeze3A_221, %dma_start3A_235] : memref<1000000x64xf32, #tpu.memory_space<hbm>> -> memref<1x64xf32, #tpu.memory_space<hbm>>
          %dma_start3A_237 = tpu.memref_squeeze %dma_start3A_236 : memref<1x64xf32, #tpu.memory_space<hbm>> -> memref<64xf32, #tpu.memory_space<hbm>>
          tpu.enqueue_dma source(%dma_start3A_237 : memref<64xf32, #tpu.memory_space<hbm>>) target(%dma_start3A_234 : memref<64xf32, #tpu.memory_space<vmem>>) target_semaphore(%arg18 : memref<!tpu.dma_semaphore, #tpu.memory_space<semaphore_mem>>)
          %slice3A_238 = vector.extract_strided_slice %get3A_113 {offsets = [7], sizes = [1], strides = [1]} : vector<16xi32> to vector<1xi32>
          %squeeze3A_239 = vector.extract %slice3A_238[0] : i32 from vector<1xi32>
          %mul3A_240 = arith.constant 16 : i32
          %mul3A_241 = arith.muli %scan3A_106, %mul3A_240 : i32
          %add3A_242 = arith.constant 7 : i32
          %add3A_243 = arith.addi %mul3A_241, %add3A_242 : i32
          %dma_start3A_244 = arith.constant 0 : i32
          %dma_start3A_245 = tpu.memref_slice %arg12[%add3A_243, %dma_start3A_244] : memref<128x64xf32, #tpu.memory_space<vmem>> -> memref<1x64xf32, #tpu.memory_space<vmem>>
          %dma_start3A_246 = tpu.memref_squeeze %dma_start3A_245 : memref<1x64xf32, #tpu.memory_space<vmem>> -> memref<64xf32, #tpu.memory_space<vmem>>
          %dma_start3A_247 = arith.constant 0 : i32
          %dma_start3A_248 = tpu.memref_slice %arg4[%squeeze3A_239, %dma_start3A_247] : memref<1000000x64xf32, #tpu.memory_space<hbm>> -> memref<1x64xf32, #tpu.memory_space<hbm>>
          %dma_start3A_249 = tpu.memref_squeeze %dma_start3A_248 : memref<1x64xf32, #tpu.memory_space<hbm>> -> memref<64xf32, #tpu.memory_space<hbm>>
          %dma_start3A_250 = arith.constant 0 : i32
          %dma_start3A_251 = tpu.memref_slice %arg12[%add3A_243, %dma_start3A_250] : memref<128x64xf32, #tpu.memory_space<vmem>> -> memref<1x64xf32, #tpu.memory_space<vmem>>
          %dma_start3A_252 = tpu.memref_squeeze %dma_start3A_251 : memref<1x64xf32, #tpu.memory_space<vmem>> -> memref<64xf32, #tpu.memory_space<vmem>>
          %dma_start3A_253 = arith.constant 0 : i32
          %dma_start3A_254 = tpu.memref_slice %arg4[%squeeze3A_239, %dma_start3A_253] : memref<1000000x64xf32, #tpu.memory_space<hbm>> -> memref<1x64xf32, #tpu.memory_space<hbm>>
          %dma_start3A_255 = tpu.memref_squeeze %dma_start3A_254 : memref<1x64xf32, #tpu.memory_space<hbm>> -> memref<64xf32, #tpu.memory_space<hbm>>
          tpu.enqueue_dma source(%dma_start3A_255 : memref<64xf32, #tpu.memory_space<hbm>>) target(%dma_start3A_252 : memref<64xf32, #tpu.memory_space<vmem>>) target_semaphore(%arg18 : memref<!tpu.dma_semaphore, #tpu.memory_space<semaphore_mem>>)
          %slice3A_256 = vector.extract_strided_slice %get3A_113 {offsets = [8], sizes = [1], strides = [1]} : vector<16xi32> to vector<1xi32>
          %squeeze3A_257 = vector.extract %slice3A_256[0] : i32 from vector<1xi32>
          %mul3A_258 = arith.constant 16 : i32
          %mul3A_259 = arith.muli %scan3A_106, %mul3A_258 : i32
          %add3A_260 = arith.constant 8 : i32
          %add3A_261 = arith.addi %mul3A_259, %add3A_260 : i32
          %dma_start3A_262 = arith.constant 0 : i32
          %dma_start3A_263 = tpu.memref_slice %arg12[%add3A_261, %dma_start3A_262] : memref<128x64xf32, #tpu.memory_space<vmem>> -> memref<1x64xf32, #tpu.memory_space<vmem>>
          %dma_start3A_264 = tpu.memref_squeeze %dma_start3A_263 : memref<1x64xf32, #tpu.memory_space<vmem>> -> memref<64xf32, #tpu.memory_space<vmem>>
          %dma_start3A_265 = arith.constant 0 : i32
          %dma_start3A_266 = tpu.memref_slice %arg4[%squeeze3A_257, %dma_start3A_265] : memref<1000000x64xf32, #tpu.memory_space<hbm>> -> memref<1x64xf32, #tpu.memory_space<hbm>>
          %dma_start3A_267 = tpu.memref_squeeze %dma_start3A_266 : memref<1x64xf32, #tpu.memory_space<hbm>> -> memref<64xf32, #tpu.memory_space<hbm>>
          %dma_start3A_268 = arith.constant 0 : i32
          %dma_start3A_269 = tpu.memref_slice %arg12[%add3A_261, %dma_start3A_268] : memref<128x64xf32, #tpu.memory_space<vmem>> -> memref<1x64xf32, #tpu.memory_space<vmem>>
          %dma_start3A_270 = tpu.memref_squeeze %dma_start3A_269 : memref<1x64xf32, #tpu.memory_space<vmem>> -> memref<64xf32, #tpu.memory_space<vmem>>
          %dma_start3A_271 = arith.constant 0 : i32
          %dma_start3A_272 = tpu.memref_slice %arg4[%squeeze3A_257, %dma_start3A_271] : memref<1000000x64xf32, #tpu.memory_space<hbm>> -> memref<1x64xf32, #tpu.memory_space<hbm>>
          %dma_start3A_273 = tpu.memref_squeeze %dma_start3A_272 : memref<1x64xf32, #tpu.memory_space<hbm>> -> memref<64xf32, #tpu.memory_space<hbm>>
          tpu.enqueue_dma source(%dma_start3A_273 : memref<64xf32, #tpu.memory_space<hbm>>) target(%dma_start3A_270 : memref<64xf32, #tpu.memory_space<vmem>>) target_semaphore(%arg18 : memref<!tpu.dma_semaphore, #tpu.memory_space<semaphore_mem>>)
          %slice3A_274 = vector.extract_strided_slice %get3A_113 {offsets = [9], sizes = [1], strides = [1]} : vector<16xi32> to vector<1xi32>
          %squeeze3A_275 = vector.extract %slice3A_274[0] : i32 from vector<1xi32>
          %mul3A_276 = arith.constant 16 : i32
          %mul3A_277 = arith.muli %scan3A_106, %mul3A_276 : i32
          %add3A_278 = arith.constant 9 : i32
          %add3A_279 = arith.addi %mul3A_277, %add3A_278 : i32
          %dma_start3A_280 = arith.constant 0 : i32
          %dma_start3A_281 = tpu.memref_slice %arg12[%add3A_279, %dma_start3A_280] : memref<128x64xf32, #tpu.memory_space<vmem>> -> memref<1x64xf32, #tpu.memory_space<vmem>>
          %dma_start3A_282 = tpu.memref_squeeze %dma_start3A_281 : memref<1x64xf32, #tpu.memory_space<vmem>> -> memref<64xf32, #tpu.memory_space<vmem>>
          %dma_start3A_283 = arith.constant 0 : i32
          %dma_start3A_284 = tpu.memref_slice %arg4[%squeeze3A_275, %dma_start3A_283] : memref<1000000x64xf32, #tpu.memory_space<hbm>> -> memref<1x64xf32, #tpu.memory_space<hbm>>
          %dma_start3A_285 = tpu.memref_squeeze %dma_start3A_284 : memref<1x64xf32, #tpu.memory_space<hbm>> -> memref<64xf32, #tpu.memory_space<hbm>>
          %dma_start3A_286 = arith.constant 0 : i32
          %dma_start3A_287 = tpu.memref_slice %arg12[%add3A_279, %dma_start3A_286] : memref<128x64xf32, #tpu.memory_space<vmem>> -> memref<1x64xf32, #tpu.memory_space<vmem>>
          %dma_start3A_288 = tpu.memref_squeeze %dma_start3A_287 : memref<1x64xf32, #tpu.memory_space<vmem>> -> memref<64xf32, #tpu.memory_space<vmem>>
          %dma_start3A_289 = arith.constant 0 : i32
          %dma_start3A_290 = tpu.memref_slice %arg4[%squeeze3A_275, %dma_start3A_289] : memref<1000000x64xf32, #tpu.memory_space<hbm>> -> memref<1x64xf32, #tpu.memory_space<hbm>>
          %dma_start3A_291 = tpu.memref_squeeze %dma_start3A_290 : memref<1x64xf32, #tpu.memory_space<hbm>> -> memref<64xf32, #tpu.memory_space<hbm>>
          tpu.enqueue_dma source(%dma_start3A_291 : memref<64xf32, #tpu.memory_space<hbm>>) target(%dma_start3A_288 : memref<64xf32, #tpu.memory_space<vmem>>) target_semaphore(%arg18 : memref<!tpu.dma_semaphore, #tpu.memory_space<semaphore_mem>>)
          %slice3A_292 = vector.extract_strided_slice %get3A_113 {offsets = [10], sizes = [1], strides = [1]} : vector<16xi32> to vector<1xi32>
          %squeeze3A_293 = vector.extract %slice3A_292[0] : i32 from vector<1xi32>
          %mul3A_294 = arith.constant 16 : i32
          %mul3A_295 = arith.muli %scan3A_106, %mul3A_294 : i32
          %add3A_296 = arith.constant 10 : i32
          %add3A_297 = arith.addi %mul3A_295, %add3A_296 : i32
          %dma_start3A_298 = arith.constant 0 : i32
          %dma_start3A_299 = tpu.memref_slice %arg12[%add3A_297, %dma_start3A_298] : memref<128x64xf32, #tpu.memory_space<vmem>> -> memref<1x64xf32, #tpu.memory_space<vmem>>
          %dma_start3A_300 = tpu.memref_squeeze %dma_start3A_299 : memref<1x64xf32, #tpu.memory_space<vmem>> -> memref<64xf32, #tpu.memory_space<vmem>>
          %dma_start3A_301 = arith.constant 0 : i32
          %dma_start3A_302 = tpu.memref_slice %arg4[%squeeze3A_293, %dma_start3A_301] : memref<1000000x64xf32, #tpu.memory_space<hbm>> -> memref<1x64xf32, #tpu.memory_space<hbm>>
          %dma_start3A_303 = tpu.memref_squeeze %dma_start3A_302 : memref<1x64xf32, #tpu.memory_space<hbm>> -> memref<64xf32, #tpu.memory_space<hbm>>
          %dma_start3A_304 = arith.constant 0 : i32
          %dma_start3A_305 = tpu.memref_slice %arg12[%add3A_297, %dma_start3A_304] : memref<128x64xf32, #tpu.memory_space<vmem>> -> memref<1x64xf32, #tpu.memory_space<vmem>>
          %dma_start3A_306 = tpu.memref_squeeze %dma_start3A_305 : memref<1x64xf32, #tpu.memory_space<vmem>> -> memref<64xf32, #tpu.memory_space<vmem>>
          %dma_start3A_307 = arith.constant 0 : i32
          %dma_start3A_308 = tpu.memref_slice %arg4[%squeeze3A_293, %dma_start3A_307] : memref<1000000x64xf32, #tpu.memory_space<hbm>> -> memref<1x64xf32, #tpu.memory_space<hbm>>
          %dma_start3A_309 = tpu.memref_squeeze %dma_start3A_308 : memref<1x64xf32, #tpu.memory_space<hbm>> -> memref<64xf32, #tpu.memory_space<hbm>>
          tpu.enqueue_dma source(%dma_start3A_309 : memref<64xf32, #tpu.memory_space<hbm>>) target(%dma_start3A_306 : memref<64xf32, #tpu.memory_space<vmem>>) target_semaphore(%arg18 : memref<!tpu.dma_semaphore, #tpu.memory_space<semaphore_mem>>)
          %slice3A_310 = vector.extract_strided_slice %get3A_113 {offsets = [11], sizes = [1], strides = [1]} : vector<16xi32> to vector<1xi32>
          %squeeze3A_311 = vector.extract %slice3A_310[0] : i32 from vector<1xi32>
          %mul3A_312 = arith.constant 16 : i32
          %mul3A_313 = arith.muli %scan3A_106, %mul3A_312 : i32
          %add3A_314 = arith.constant 11 : i32
          %add3A_315 = arith.addi %mul3A_313, %add3A_314 : i32
          %dma_start3A_316 = arith.constant 0 : i32
          %dma_start3A_317 = tpu.memref_slice %arg12[%add3A_315, %dma_start3A_316] : memref<128x64xf32, #tpu.memory_space<vmem>> -> memref<1x64xf32, #tpu.memory_space<vmem>>
          %dma_start3A_318 = tpu.memref_squeeze %dma_start3A_317 : memref<1x64xf32, #tpu.memory_space<vmem>> -> memref<64xf32, #tpu.memory_space<vmem>>
          %dma_start3A_319 = arith.constant 0 : i32
          %dma_start3A_320 = tpu.memref_slice %arg4[%squeeze3A_311, %dma_start3A_319] : memref<1000000x64xf32, #tpu.memory_space<hbm>> -> memref<1x64xf32, #tpu.memory_space<hbm>>
          %dma_start3A_321 = tpu.memref_squeeze %dma_start3A_320 : memref<1x64xf32, #tpu.memory_space<hbm>> -> memref<64xf32, #tpu.memory_space<hbm>>
          %dma_start3A_322 = arith.constant 0 : i32
          %dma_start3A_323 = tpu.memref_slice %arg12[%add3A_315, %dma_start3A_322] : memref<128x64xf32, #tpu.memory_space<vmem>> -> memref<1x64xf32, #tpu.memory_space<vmem>>
          %dma_start3A_324 = tpu.memref_squeeze %dma_start3A_323 : memref<1x64xf32, #tpu.memory_space<vmem>> -> memref<64xf32, #tpu.memory_space<vmem>>
          %dma_start3A_325 = arith.constant 0 : i32
          %dma_start3A_326 = tpu.memref_slice %arg4[%squeeze3A_311, %dma_start3A_325] : memref<1000000x64xf32, #tpu.memory_space<hbm>> -> memref<1x64xf32, #tpu.memory_space<hbm>>
          %dma_start3A_327 = tpu.memref_squeeze %dma_start3A_326 : memref<1x64xf32, #tpu.memory_space<hbm>> -> memref<64xf32, #tpu.memory_space<hbm>>
          tpu.enqueue_dma source(%dma_start3A_327 : memref<64xf32, #tpu.memory_space<hbm>>) target(%dma_start3A_324 : memref<64xf32, #tpu.memory_space<vmem>>) target_semaphore(%arg18 : memref<!tpu.dma_semaphore, #tpu.memory_space<semaphore_mem>>)
          %slice3A_328 = vector.extract_strided_slice %get3A_113 {offsets = [12], sizes = [1], strides = [1]} : vector<16xi32> to vector<1xi32>
          %squeeze3A_329 = vector.extract %slice3A_328[0] : i32 from vector<1xi32>
          %mul3A_330 = arith.constant 16 : i32
          %mul3A_331 = arith.muli %scan3A_106, %mul3A_330 : i32
          %add3A_332 = arith.constant 12 : i32
          %add3A_333 = arith.addi %mul3A_331, %add3A_332 : i32
          %dma_start3A_334 = arith.constant 0 : i32
          %dma_start3A_335 = tpu.memref_slice %arg12[%add3A_333, %dma_start3A_334] : memref<128x64xf32, #tpu.memory_space<vmem>> -> memref<1x64xf32, #tpu.memory_space<vmem>>
          %dma_start3A_336 = tpu.memref_squeeze %dma_start3A_335 : memref<1x64xf32, #tpu.memory_space<vmem>> -> memref<64xf32, #tpu.memory_space<vmem>>
          %dma_start3A_337 = arith.constant 0 : i32
          %dma_start3A_338 = tpu.memref_slice %arg4[%squeeze3A_329, %dma_start3A_337] : memref<1000000x64xf32, #tpu.memory_space<hbm>> -> memref<1x64xf32, #tpu.memory_space<hbm>>
          %dma_start3A_339 = tpu.memref_squeeze %dma_start3A_338 : memref<1x64xf32, #tpu.memory_space<hbm>> -> memref<64xf32, #tpu.memory_space<hbm>>
          %dma_start3A_340 = arith.constant 0 : i32
          %dma_start3A_341 = tpu.memref_slice %arg12[%add3A_333, %dma_start3A_340] : memref<128x64xf32, #tpu.memory_space<vmem>> -> memref<1x64xf32, #tpu.memory_space<vmem>>
          %dma_start3A_342 = tpu.memref_squeeze %dma_start3A_341 : memref<1x64xf32, #tpu.memory_space<vmem>> -> memref<64xf32, #tpu.memory_space<vmem>>
          %dma_start3A_343 = arith.constant 0 : i32
          %dma_start3A_344 = tpu.memref_slice %arg4[%squeeze3A_329, %dma_start3A_343] : memref<1000000x64xf32, #tpu.memory_space<hbm>> -> memref<1x64xf32, #tpu.memory_space<hbm>>
          %dma_start3A_345 = tpu.memref_squeeze %dma_start3A_344 : memref<1x64xf32, #tpu.memory_space<hbm>> -> memref<64xf32, #tpu.memory_space<hbm>>
          tpu.enqueue_dma source(%dma_start3A_345 : memref<64xf32, #tpu.memory_space<hbm>>) target(%dma_start3A_342 : memref<64xf32, #tpu.memory_space<vmem>>) target_semaphore(%arg18 : memref<!tpu.dma_semaphore, #tpu.memory_space<semaphore_mem>>)
          %slice3A_346 = vector.extract_strided_slice %get3A_113 {offsets = [13], sizes = [1], strides = [1]} : vector<16xi32> to vector<1xi32>
          %squeeze3A_347 = vector.extract %slice3A_346[0] : i32 from vector<1xi32>
          %mul3A_348 = arith.constant 16 : i32
          %mul3A_349 = arith.muli %scan3A_106, %mul3A_348 : i32
          %add3A_350 = arith.constant 13 : i32
          %add3A_351 = arith.addi %mul3A_349, %add3A_350 : i32
          %dma_start3A_352 = arith.constant 0 : i32
          %dma_start3A_353 = tpu.memref_slice %arg12[%add3A_351, %dma_start3A_352] : memref<128x64xf32, #tpu.memory_space<vmem>> -> memref<1x64xf32, #tpu.memory_space<vmem>>
          %dma_start3A_354 = tpu.memref_squeeze %dma_start3A_353 : memref<1x64xf32, #tpu.memory_space<vmem>> -> memref<64xf32, #tpu.memory_space<vmem>>
          %dma_start3A_355 = arith.constant 0 : i32
          %dma_start3A_356 = tpu.memref_slice %arg4[%squeeze3A_347, %dma_start3A_355] : memref<1000000x64xf32, #tpu.memory_space<hbm>> -> memref<1x64xf32, #tpu.memory_space<hbm>>
          %dma_start3A_357 = tpu.memref_squeeze %dma_start3A_356 : memref<1x64xf32, #tpu.memory_space<hbm>> -> memref<64xf32, #tpu.memory_space<hbm>>
          %dma_start3A_358 = arith.constant 0 : i32
          %dma_start3A_359 = tpu.memref_slice %arg12[%add3A_351, %dma_start3A_358] : memref<128x64xf32, #tpu.memory_space<vmem>> -> memref<1x64xf32, #tpu.memory_space<vmem>>
          %dma_start3A_360 = tpu.memref_squeeze %dma_start3A_359 : memref<1x64xf32, #tpu.memory_space<vmem>> -> memref<64xf32, #tpu.memory_space<vmem>>
          %dma_start3A_361 = arith.constant 0 : i32
          %dma_start3A_362 = tpu.memref_slice %arg4[%squeeze3A_347, %dma_start3A_361] : memref<1000000x64xf32, #tpu.memory_space<hbm>> -> memref<1x64xf32, #tpu.memory_space<hbm>>
          %dma_start3A_363 = tpu.memref_squeeze %dma_start3A_362 : memref<1x64xf32, #tpu.memory_space<hbm>> -> memref<64xf32, #tpu.memory_space<hbm>>
          tpu.enqueue_dma source(%dma_start3A_363 : memref<64xf32, #tpu.memory_space<hbm>>) target(%dma_start3A_360 : memref<64xf32, #tpu.memory_space<vmem>>) target_semaphore(%arg18 : memref<!tpu.dma_semaphore, #tpu.memory_space<semaphore_mem>>)
          %slice3A_364 = vector.extract_strided_slice %get3A_113 {offsets = [14], sizes = [1], strides = [1]} : vector<16xi32> to vector<1xi32>
          %squeeze3A_365 = vector.extract %slice3A_364[0] : i32 from vector<1xi32>
          %mul3A_366 = arith.constant 16 : i32
          %mul3A_367 = arith.muli %scan3A_106, %mul3A_366 : i32
          %add3A_368 = arith.constant 14 : i32
          %add3A_369 = arith.addi %mul3A_367, %add3A_368 : i32
          %dma_start3A_370 = arith.constant 0 : i32
          %dma_start3A_371 = tpu.memref_slice %arg12[%add3A_369, %dma_start3A_370] : memref<128x64xf32, #tpu.memory_space<vmem>> -> memref<1x64xf32, #tpu.memory_space<vmem>>
          %dma_start3A_372 = tpu.memref_squeeze %dma_start3A_371 : memref<1x64xf32, #tpu.memory_space<vmem>> -> memref<64xf32, #tpu.memory_space<vmem>>
          %dma_start3A_373 = arith.constant 0 : i32
          %dma_start3A_374 = tpu.memref_slice %arg4[%squeeze3A_365, %dma_start3A_373] : memref<1000000x64xf32, #tpu.memory_space<hbm>> -> memref<1x64xf32, #tpu.memory_space<hbm>>
          %dma_start3A_375 = tpu.memref_squeeze %dma_start3A_374 : memref<1x64xf32, #tpu.memory_space<hbm>> -> memref<64xf32, #tpu.memory_space<hbm>>
          %dma_start3A_376 = arith.constant 0 : i32
          %dma_start3A_377 = tpu.memref_slice %arg12[%add3A_369, %dma_start3A_376] : memref<128x64xf32, #tpu.memory_space<vmem>> -> memref<1x64xf32, #tpu.memory_space<vmem>>
          %dma_start3A_378 = tpu.memref_squeeze %dma_start3A_377 : memref<1x64xf32, #tpu.memory_space<vmem>> -> memref<64xf32, #tpu.memory_space<vmem>>
          %dma_start3A_379 = arith.constant 0 : i32
          %dma_start3A_380 = tpu.memref_slice %arg4[%squeeze3A_365, %dma_start3A_379] : memref<1000000x64xf32, #tpu.memory_space<hbm>> -> memref<1x64xf32, #tpu.memory_space<hbm>>
          %dma_start3A_381 = tpu.memref_squeeze %dma_start3A_380 : memref<1x64xf32, #tpu.memory_space<hbm>> -> memref<64xf32, #tpu.memory_space<hbm>>
          tpu.enqueue_dma source(%dma_start3A_381 : memref<64xf32, #tpu.memory_space<hbm>>) target(%dma_start3A_378 : memref<64xf32, #tpu.memory_space<vmem>>) target_semaphore(%arg18 : memref<!tpu.dma_semaphore, #tpu.memory_space<semaphore_mem>>)
          %slice3A_382 = vector.extract_strided_slice %get3A_113 {offsets = [15], sizes = [1], strides = [1]} : vector<16xi32> to vector<1xi32>
          %squeeze3A_383 = vector.extract %slice3A_382[0] : i32 from vector<1xi32>
          %mul3A_384 = arith.constant 16 : i32
          %mul3A_385 = arith.muli %scan3A_106, %mul3A_384 : i32
          %add3A_386 = arith.constant 15 : i32
          %add3A_387 = arith.addi %mul3A_385, %add3A_386 : i32
          %dma_start3A_388 = arith.constant 0 : i32
          %dma_start3A_389 = tpu.memref_slice %arg12[%add3A_387, %dma_start3A_388] : memref<128x64xf32, #tpu.memory_space<vmem>> -> memref<1x64xf32, #tpu.memory_space<vmem>>
          %dma_start3A_390 = tpu.memref_squeeze %dma_start3A_389 : memref<1x64xf32, #tpu.memory_space<vmem>> -> memref<64xf32, #tpu.memory_space<vmem>>
          %dma_start3A_391 = arith.constant 0 : i32
          %dma_start3A_392 = tpu.memref_slice %arg4[%squeeze3A_383, %dma_start3A_391] : memref<1000000x64xf32, #tpu.memory_space<hbm>> -> memref<1x64xf32, #tpu.memory_space<hbm>>
          %dma_start3A_393 = tpu.memref_squeeze %dma_start3A_392 : memref<1x64xf32, #tpu.memory_space<hbm>> -> memref<64xf32, #tpu.memory_space<hbm>>
          %dma_start3A_394 = arith.constant 0 : i32
          %dma_start3A_395 = tpu.memref_slice %arg12[%add3A_387, %dma_start3A_394] : memref<128x64xf32, #tpu.memory_space<vmem>> -> memref<1x64xf32, #tpu.memory_space<vmem>>
          %dma_start3A_396 = tpu.memref_squeeze %dma_start3A_395 : memref<1x64xf32, #tpu.memory_space<vmem>> -> memref<64xf32, #tpu.memory_space<vmem>>
          %dma_start3A_397 = arith.constant 0 : i32
          %dma_start3A_398 = tpu.memref_slice %arg4[%squeeze3A_383, %dma_start3A_397] : memref<1000000x64xf32, #tpu.memory_space<hbm>> -> memref<1x64xf32, #tpu.memory_space<hbm>>
          %dma_start3A_399 = tpu.memref_squeeze %dma_start3A_398 : memref<1x64xf32, #tpu.memory_space<hbm>> -> memref<64xf32, #tpu.memory_space<hbm>>
          tpu.enqueue_dma source(%dma_start3A_399 : memref<64xf32, #tpu.memory_space<hbm>>) target(%dma_start3A_396 : memref<64xf32, #tpu.memory_space<vmem>>) target_semaphore(%arg18 : memref<!tpu.dma_semaphore, #tpu.memory_space<semaphore_mem>>)
        }
        %scan3A_105 = arith.constant 8 : i32
      } else {
      }
      %eq3A_63 = arith.constant 2 : i32
      %eq3A_64 = arith.cmpi eq, %rem3A_47, %eq3A_63 : i32
      %add3A_65 = arith.constant 2 : i32
      %add3A_66 = arith.addi %scan3A_46, %add3A_65 : i32
      %lt3A_67 = arith.constant 50 : i32
      %lt3A_68 = arith.cmpi slt, %add3A_66, %lt3A_67 : i32
      %and3A_69 = arith.andi %eq3A_64, %lt3A_68 : i1
      %convert_element_type3A_70 = arith.extui %and3A_69 : i1 to i32
      %cond3A_71 = arith.constant 0 : i32
      %cond3A_72 = arith.cmpi ne, %convert_element_type3A_70, %cond3A_71 : i32
      scf.if %cond3A_72 {
        %ge3A = arith.constant 1 : i32
        %ge3A_88 = arith.cmpi sge, %scan3A_46, %ge3A : i32
        %convert_element_type3A_89 = arith.extui %ge3A_88 : i1 to i32
        %cond3A_90 = arith.constant 0 : i32
        %cond3A_91 = arith.cmpi ne, %convert_element_type3A_89, %cond3A_90 : i32
        scf.if %cond3A_91 {
          %dma_wait3A_106 = arith.constant 0 : i32
          %dma_wait3A_107 = arith.constant 0 : i32
          %dma_wait3A_108 = tpu.memref_slice %arg6[%dma_wait3A_106, %dma_wait3A_107] : memref<204800x64xf32, #tpu.memory_space<hbm>> -> memref<128x64xf32, #tpu.memory_space<hbm>>
          %dma_wait3A_109 = arith.constant 0 : i32
          %dma_wait3A_110 = arith.constant 0 : i32
          %dma_wait3A_111 = tpu.memref_slice %arg6[%dma_wait3A_109, %dma_wait3A_110] : memref<204800x64xf32, #tpu.memory_space<hbm>> -> memref<128x64xf32, #tpu.memory_space<hbm>>
          tpu.wait_dma2 semaphore(%arg22 : memref<!tpu.dma_semaphore, #tpu.memory_space<semaphore_mem>>) src(%dma_wait3A_111 : memref<128x64xf32, #tpu.memory_space<hbm>>) dst(%arg13 : memref<128x64xf32, #tpu.memory_space<vmem>>)
        } else {
        }
        %add3A_92 = arith.constant 2 : i32
        %add3A_93 = arith.addi %scan3A_46, %add3A_92 : i32
        %mul3A_94 = arith.constant 128 : i32
        %mul3A_95 = arith.muli %add3A_93, %mul3A_94 : i32
        %dma_start3A_96 = tpu.memref_slice %arg8[%mul3A_95] : memref<6400xi32, #tpu.memory_space<vmem>> -> memref<128xi32, #tpu.memory_space<vmem>>
        %dma_start3A_97 = arith.constant 0 : i32
        %dma_start3A_98 = arith.constant 0 : i32
        %dma_start3A_99 = tpu.memref_slice %arg5[%dma_start3A_97, %dma_start3A_98] : memref<12800x128xf32, #tpu.memory_space<hbm>> -> memref<12800x128xf32, #tpu.memory_space<hbm>>
        tpu.enqueue_indirect_dma source(%dma_start3A_99 : memref<12800x128xf32, #tpu.memory_space<hbm>>) target(%arg10 : memref<128x128xf32, #tpu.memory_space<vmem>>) offsets(%dma_start3A_96 : memref<128xi32, #tpu.memory_space<vmem>>) semaphore(%arg16 : memref<!tpu.dma_semaphore, #tpu.memory_space<semaphore_mem>>)
        %scan3A_100 = arith.constant 0 : i32
        %scan3A_101 = arith.constant 0 : i32
        %scan3A_102 = arith.constant 8 : i32
        %scan3A_103 = arith.addi %scan3A_101, %scan3A_102 : i32
        %scan3A_104 = arith.constant 1 : i32
        scf.for %scan3A_106 = %scan3A_101 to %scan3A_103 step %scan3A_104  : i32 {
          %mul3A_107 = arith.constant 128 : i32
          %mul3A_108 = arith.muli %add3A_93, %mul3A_107 : i32
          %mul3A_109 = arith.constant 16 : i32
          %mul3A_110 = arith.muli %scan3A_106, %mul3A_109 : i32
          %add3A_111 = arith.addi %mul3A_108, %mul3A_110 : i32
          %get3A = arith.index_cast %add3A_111 : i32 to index
          %get3A_112 = tpu.vector_load %arg7[%get3A] {strides = array<i32>} : memref<6400xi32, #tpu.memory_space<vmem>>, vector<16xi32>,
          %get3A_113 = vector.shape_cast %get3A_112 : vector<16xi32> to vector<16xi32>
          %slice3A = vector.extract_strided_slice %get3A_113 {offsets = [0], sizes = [1], strides = [1]} : vector<16xi32> to vector<1xi32>
          %squeeze3A = vector.extract %slice3A[0] : i32 from vector<1xi32>
          %mul3A_114 = arith.constant 16 : i32
          %mul3A_115 = arith.muli %scan3A_106, %mul3A_114 : i32
          %add3A_116 = arith.constant 0 : i32
          %add3A_117 = arith.addi %mul3A_115, %add3A_116 : i32
          %dma_start3A_118 = arith.constant 0 : i32
          %dma_start3A_119 = tpu.memref_slice %arg13[%add3A_117, %dma_start3A_118] : memref<128x64xf32, #tpu.memory_space<vmem>> -> memref<1x64xf32, #tpu.memory_space<vmem>>
          %dma_start3A_120 = tpu.memref_squeeze %dma_start3A_119 : memref<1x64xf32, #tpu.memory_space<vmem>> -> memref<64xf32, #tpu.memory_space<vmem>>
          %dma_start3A_121 = arith.constant 0 : i32
          %dma_start3A_122 = tpu.memref_slice %arg4[%squeeze3A, %dma_start3A_121] : memref<1000000x64xf32, #tpu.memory_space<hbm>> -> memref<1x64xf32, #tpu.memory_space<hbm>>
          %dma_start3A_123 = tpu.memref_squeeze %dma_start3A_122 : memref<1x64xf32, #tpu.memory_space<hbm>> -> memref<64xf32, #tpu.memory_space<hbm>>
          %dma_start3A_124 = arith.constant 0 : i32
          %dma_start3A_125 = tpu.memref_slice %arg13[%add3A_117, %dma_start3A_124] : memref<128x64xf32, #tpu.memory_space<vmem>> -> memref<1x64xf32, #tpu.memory_space<vmem>>
          %dma_start3A_126 = tpu.memref_squeeze %dma_start3A_125 : memref<1x64xf32, #tpu.memory_space<vmem>> -> memref<64xf32, #tpu.memory_space<vmem>>
          %dma_start3A_127 = arith.constant 0 : i32
          %dma_start3A_128 = tpu.memref_slice %arg4[%squeeze3A, %dma_start3A_127] : memref<1000000x64xf32, #tpu.memory_space<hbm>> -> memref<1x64xf32, #tpu.memory_space<hbm>>
          %dma_start3A_129 = tpu.memref_squeeze %dma_start3A_128 : memref<1x64xf32, #tpu.memory_space<hbm>> -> memref<64xf32, #tpu.memory_space<hbm>>
          tpu.enqueue_dma source(%dma_start3A_129 : memref<64xf32, #tpu.memory_space<hbm>>) target(%dma_start3A_126 : memref<64xf32, #tpu.memory_space<vmem>>) target_semaphore(%arg19 : memref<!tpu.dma_semaphore, #tpu.memory_space<semaphore_mem>>)
          %slice3A_130 = vector.extract_strided_slice %get3A_113 {offsets = [1], sizes = [1], strides = [1]} : vector<16xi32> to vector<1xi32>
          %squeeze3A_131 = vector.extract %slice3A_130[0] : i32 from vector<1xi32>
          %mul3A_132 = arith.constant 16 : i32
          %mul3A_133 = arith.muli %scan3A_106, %mul3A_132 : i32
          %add3A_134 = arith.constant 1 : i32
          %add3A_135 = arith.addi %mul3A_133, %add3A_134 : i32
          %dma_start3A_136 = arith.constant 0 : i32
          %dma_start3A_137 = tpu.memref_slice %arg13[%add3A_135, %dma_start3A_136] : memref<128x64xf32, #tpu.memory_space<vmem>> -> memref<1x64xf32, #tpu.memory_space<vmem>>
          %dma_start3A_138 = tpu.memref_squeeze %dma_start3A_137 : memref<1x64xf32, #tpu.memory_space<vmem>> -> memref<64xf32, #tpu.memory_space<vmem>>
          %dma_start3A_139 = arith.constant 0 : i32
          %dma_start3A_140 = tpu.memref_slice %arg4[%squeeze3A_131, %dma_start3A_139] : memref<1000000x64xf32, #tpu.memory_space<hbm>> -> memref<1x64xf32, #tpu.memory_space<hbm>>
          %dma_start3A_141 = tpu.memref_squeeze %dma_start3A_140 : memref<1x64xf32, #tpu.memory_space<hbm>> -> memref<64xf32, #tpu.memory_space<hbm>>
          %dma_start3A_142 = arith.constant 0 : i32
          %dma_start3A_143 = tpu.memref_slice %arg13[%add3A_135, %dma_start3A_142] : memref<128x64xf32, #tpu.memory_space<vmem>> -> memref<1x64xf32, #tpu.memory_space<vmem>>
          %dma_start3A_144 = tpu.memref_squeeze %dma_start3A_143 : memref<1x64xf32, #tpu.memory_space<vmem>> -> memref<64xf32, #tpu.memory_space<vmem>>
          %dma_start3A_145 = arith.constant 0 : i32
          %dma_start3A_146 = tpu.memref_slice %arg4[%squeeze3A_131, %dma_start3A_145] : memref<1000000x64xf32, #tpu.memory_space<hbm>> -> memref<1x64xf32, #tpu.memory_space<hbm>>
          %dma_start3A_147 = tpu.memref_squeeze %dma_start3A_146 : memref<1x64xf32, #tpu.memory_space<hbm>> -> memref<64xf32, #tpu.memory_space<hbm>>
          tpu.enqueue_dma source(%dma_start3A_147 : memref<64xf32, #tpu.memory_space<hbm>>) target(%dma_start3A_144 : memref<64xf32, #tpu.memory_space<vmem>>) target_semaphore(%arg19 : memref<!tpu.dma_semaphore, #tpu.memory_space<semaphore_mem>>)
          %slice3A_148 = vector.extract_strided_slice %get3A_113 {offsets = [2], sizes = [1], strides = [1]} : vector<16xi32> to vector<1xi32>
          %squeeze3A_149 = vector.extract %slice3A_148[0] : i32 from vector<1xi32>
          %mul3A_150 = arith.constant 16 : i32
          %mul3A_151 = arith.muli %scan3A_106, %mul3A_150 : i32
          %add3A_152 = arith.constant 2 : i32
          %add3A_153 = arith.addi %mul3A_151, %add3A_152 : i32
          %dma_start3A_154 = arith.constant 0 : i32
          %dma_start3A_155 = tpu.memref_slice %arg13[%add3A_153, %dma_start3A_154] : memref<128x64xf32, #tpu.memory_space<vmem>> -> memref<1x64xf32, #tpu.memory_space<vmem>>
          %dma_start3A_156 = tpu.memref_squeeze %dma_start3A_155 : memref<1x64xf32, #tpu.memory_space<vmem>> -> memref<64xf32, #tpu.memory_space<vmem>>
          %dma_start3A_157 = arith.constant 0 : i32
          %dma_start3A_158 = tpu.memref_slice %arg4[%squeeze3A_149, %dma_start3A_157] : memref<1000000x64xf32, #tpu.memory_space<hbm>> -> memref<1x64xf32, #tpu.memory_space<hbm>>
          %dma_start3A_159 = tpu.memref_squeeze %dma_start3A_158 : memref<1x64xf32, #tpu.memory_space<hbm>> -> memref<64xf32, #tpu.memory_space<hbm>>
          %dma_start3A_160 = arith.constant 0 : i32
          %dma_start3A_161 = tpu.memref_slice %arg13[%add3A_153, %dma_start3A_160] : memref<128x64xf32, #tpu.memory_space<vmem>> -> memref<1x64xf32, #tpu.memory_space<vmem>>
          %dma_start3A_162 = tpu.memref_squeeze %dma_start3A_161 : memref<1x64xf32, #tpu.memory_space<vmem>> -> memref<64xf32, #tpu.memory_space<vmem>>
          %dma_start3A_163 = arith.constant 0 : i32
          %dma_start3A_164 = tpu.memref_slice %arg4[%squeeze3A_149, %dma_start3A_163] : memref<1000000x64xf32, #tpu.memory_space<hbm>> -> memref<1x64xf32, #tpu.memory_space<hbm>>
          %dma_start3A_165 = tpu.memref_squeeze %dma_start3A_164 : memref<1x64xf32, #tpu.memory_space<hbm>> -> memref<64xf32, #tpu.memory_space<hbm>>
          tpu.enqueue_dma source(%dma_start3A_165 : memref<64xf32, #tpu.memory_space<hbm>>) target(%dma_start3A_162 : memref<64xf32, #tpu.memory_space<vmem>>) target_semaphore(%arg19 : memref<!tpu.dma_semaphore, #tpu.memory_space<semaphore_mem>>)
          %slice3A_166 = vector.extract_strided_slice %get3A_113 {offsets = [3], sizes = [1], strides = [1]} : vector<16xi32> to vector<1xi32>
          %squeeze3A_167 = vector.extract %slice3A_166[0] : i32 from vector<1xi32>
          %mul3A_168 = arith.constant 16 : i32
          %mul3A_169 = arith.muli %scan3A_106, %mul3A_168 : i32
          %add3A_170 = arith.constant 3 : i32
          %add3A_171 = arith.addi %mul3A_169, %add3A_170 : i32
          %dma_start3A_172 = arith.constant 0 : i32
          %dma_start3A_173 = tpu.memref_slice %arg13[%add3A_171, %dma_start3A_172] : memref<128x64xf32, #tpu.memory_space<vmem>> -> memref<1x64xf32, #tpu.memory_space<vmem>>
          %dma_start3A_174 = tpu.memref_squeeze %dma_start3A_173 : memref<1x64xf32, #tpu.memory_space<vmem>> -> memref<64xf32, #tpu.memory_space<vmem>>
          %dma_start3A_175 = arith.constant 0 : i32
          %dma_start3A_176 = tpu.memref_slice %arg4[%squeeze3A_167, %dma_start3A_175] : memref<1000000x64xf32, #tpu.memory_space<hbm>> -> memref<1x64xf32, #tpu.memory_space<hbm>>
          %dma_start3A_177 = tpu.memref_squeeze %dma_start3A_176 : memref<1x64xf32, #tpu.memory_space<hbm>> -> memref<64xf32, #tpu.memory_space<hbm>>
          %dma_start3A_178 = arith.constant 0 : i32
          %dma_start3A_179 = tpu.memref_slice %arg13[%add3A_171, %dma_start3A_178] : memref<128x64xf32, #tpu.memory_space<vmem>> -> memref<1x64xf32, #tpu.memory_space<vmem>>
          %dma_start3A_180 = tpu.memref_squeeze %dma_start3A_179 : memref<1x64xf32, #tpu.memory_space<vmem>> -> memref<64xf32, #tpu.memory_space<vmem>>
          %dma_start3A_181 = arith.constant 0 : i32
          %dma_start3A_182 = tpu.memref_slice %arg4[%squeeze3A_167, %dma_start3A_181] : memref<1000000x64xf32, #tpu.memory_space<hbm>> -> memref<1x64xf32, #tpu.memory_space<hbm>>
          %dma_start3A_183 = tpu.memref_squeeze %dma_start3A_182 : memref<1x64xf32, #tpu.memory_space<hbm>> -> memref<64xf32, #tpu.memory_space<hbm>>
          tpu.enqueue_dma source(%dma_start3A_183 : memref<64xf32, #tpu.memory_space<hbm>>) target(%dma_start3A_180 : memref<64xf32, #tpu.memory_space<vmem>>) target_semaphore(%arg19 : memref<!tpu.dma_semaphore, #tpu.memory_space<semaphore_mem>>)
          %slice3A_184 = vector.extract_strided_slice %get3A_113 {offsets = [4], sizes = [1], strides = [1]} : vector<16xi32> to vector<1xi32>
          %squeeze3A_185 = vector.extract %slice3A_184[0] : i32 from vector<1xi32>
          %mul3A_186 = arith.constant 16 : i32
          %mul3A_187 = arith.muli %scan3A_106, %mul3A_186 : i32
          %add3A_188 = arith.constant 4 : i32
          %add3A_189 = arith.addi %mul3A_187, %add3A_188 : i32
          %dma_start3A_190 = arith.constant 0 : i32
          %dma_start3A_191 = tpu.memref_slice %arg13[%add3A_189, %dma_start3A_190] : memref<128x64xf32, #tpu.memory_space<vmem>> -> memref<1x64xf32, #tpu.memory_space<vmem>>
          %dma_start3A_192 = tpu.memref_squeeze %dma_start3A_191 : memref<1x64xf32, #tpu.memory_space<vmem>> -> memref<64xf32, #tpu.memory_space<vmem>>
          %dma_start3A_193 = arith.constant 0 : i32
          %dma_start3A_194 = tpu.memref_slice %arg4[%squeeze3A_185, %dma_start3A_193] : memref<1000000x64xf32, #tpu.memory_space<hbm>> -> memref<1x64xf32, #tpu.memory_space<hbm>>
          %dma_start3A_195 = tpu.memref_squeeze %dma_start3A_194 : memref<1x64xf32, #tpu.memory_space<hbm>> -> memref<64xf32, #tpu.memory_space<hbm>>
          %dma_start3A_196 = arith.constant 0 : i32
          %dma_start3A_197 = tpu.memref_slice %arg13[%add3A_189, %dma_start3A_196] : memref<128x64xf32, #tpu.memory_space<vmem>> -> memref<1x64xf32, #tpu.memory_space<vmem>>
          %dma_start3A_198 = tpu.memref_squeeze %dma_start3A_197 : memref<1x64xf32, #tpu.memory_space<vmem>> -> memref<64xf32, #tpu.memory_space<vmem>>
          %dma_start3A_199 = arith.constant 0 : i32
          %dma_start3A_200 = tpu.memref_slice %arg4[%squeeze3A_185, %dma_start3A_199] : memref<1000000x64xf32, #tpu.memory_space<hbm>> -> memref<1x64xf32, #tpu.memory_space<hbm>>
          %dma_start3A_201 = tpu.memref_squeeze %dma_start3A_200 : memref<1x64xf32, #tpu.memory_space<hbm>> -> memref<64xf32, #tpu.memory_space<hbm>>
          tpu.enqueue_dma source(%dma_start3A_201 : memref<64xf32, #tpu.memory_space<hbm>>) target(%dma_start3A_198 : memref<64xf32, #tpu.memory_space<vmem>>) target_semaphore(%arg19 : memref<!tpu.dma_semaphore, #tpu.memory_space<semaphore_mem>>)
          %slice3A_202 = vector.extract_strided_slice %get3A_113 {offsets = [5], sizes = [1], strides = [1]} : vector<16xi32> to vector<1xi32>
          %squeeze3A_203 = vector.extract %slice3A_202[0] : i32 from vector<1xi32>
          %mul3A_204 = arith.constant 16 : i32
          %mul3A_205 = arith.muli %scan3A_106, %mul3A_204 : i32
          %add3A_206 = arith.constant 5 : i32
          %add3A_207 = arith.addi %mul3A_205, %add3A_206 : i32
          %dma_start3A_208 = arith.constant 0 : i32
          %dma_start3A_209 = tpu.memref_slice %arg13[%add3A_207, %dma_start3A_208] : memref<128x64xf32, #tpu.memory_space<vmem>> -> memref<1x64xf32, #tpu.memory_space<vmem>>
          %dma_start3A_210 = tpu.memref_squeeze %dma_start3A_209 : memref<1x64xf32, #tpu.memory_space<vmem>> -> memref<64xf32, #tpu.memory_space<vmem>>
          %dma_start3A_211 = arith.constant 0 : i32
          %dma_start3A_212 = tpu.memref_slice %arg4[%squeeze3A_203, %dma_start3A_211] : memref<1000000x64xf32, #tpu.memory_space<hbm>> -> memref<1x64xf32, #tpu.memory_space<hbm>>
          %dma_start3A_213 = tpu.memref_squeeze %dma_start3A_212 : memref<1x64xf32, #tpu.memory_space<hbm>> -> memref<64xf32, #tpu.memory_space<hbm>>
          %dma_start3A_214 = arith.constant 0 : i32
          %dma_start3A_215 = tpu.memref_slice %arg13[%add3A_207, %dma_start3A_214] : memref<128x64xf32, #tpu.memory_space<vmem>> -> memref<1x64xf32, #tpu.memory_space<vmem>>
          %dma_start3A_216 = tpu.memref_squeeze %dma_start3A_215 : memref<1x64xf32, #tpu.memory_space<vmem>> -> memref<64xf32, #tpu.memory_space<vmem>>
          %dma_start3A_217 = arith.constant 0 : i32
          %dma_start3A_218 = tpu.memref_slice %arg4[%squeeze3A_203, %dma_start3A_217] : memref<1000000x64xf32, #tpu.memory_space<hbm>> -> memref<1x64xf32, #tpu.memory_space<hbm>>
          %dma_start3A_219 = tpu.memref_squeeze %dma_start3A_218 : memref<1x64xf32, #tpu.memory_space<hbm>> -> memref<64xf32, #tpu.memory_space<hbm>>
          tpu.enqueue_dma source(%dma_start3A_219 : memref<64xf32, #tpu.memory_space<hbm>>) target(%dma_start3A_216 : memref<64xf32, #tpu.memory_space<vmem>>) target_semaphore(%arg19 : memref<!tpu.dma_semaphore, #tpu.memory_space<semaphore_mem>>)
          %slice3A_220 = vector.extract_strided_slice %get3A_113 {offsets = [6], sizes = [1], strides = [1]} : vector<16xi32> to vector<1xi32>
          %squeeze3A_221 = vector.extract %slice3A_220[0] : i32 from vector<1xi32>
          %mul3A_222 = arith.constant 16 : i32
          %mul3A_223 = arith.muli %scan3A_106, %mul3A_222 : i32
          %add3A_224 = arith.constant 6 : i32
          %add3A_225 = arith.addi %mul3A_223, %add3A_224 : i32
          %dma_start3A_226 = arith.constant 0 : i32
          %dma_start3A_227 = tpu.memref_slice %arg13[%add3A_225, %dma_start3A_226] : memref<128x64xf32, #tpu.memory_space<vmem>> -> memref<1x64xf32, #tpu.memory_space<vmem>>
          %dma_start3A_228 = tpu.memref_squeeze %dma_start3A_227 : memref<1x64xf32, #tpu.memory_space<vmem>> -> memref<64xf32, #tpu.memory_space<vmem>>
          %dma_start3A_229 = arith.constant 0 : i32
          %dma_start3A_230 = tpu.memref_slice %arg4[%squeeze3A_221, %dma_start3A_229] : memref<1000000x64xf32, #tpu.memory_space<hbm>> -> memref<1x64xf32, #tpu.memory_space<hbm>>
          %dma_start3A_231 = tpu.memref_squeeze %dma_start3A_230 : memref<1x64xf32, #tpu.memory_space<hbm>> -> memref<64xf32, #tpu.memory_space<hbm>>
          %dma_start3A_232 = arith.constant 0 : i32
          %dma_start3A_233 = tpu.memref_slice %arg13[%add3A_225, %dma_start3A_232] : memref<128x64xf32, #tpu.memory_space<vmem>> -> memref<1x64xf32, #tpu.memory_space<vmem>>
          %dma_start3A_234 = tpu.memref_squeeze %dma_start3A_233 : memref<1x64xf32, #tpu.memory_space<vmem>> -> memref<64xf32, #tpu.memory_space<vmem>>
          %dma_start3A_235 = arith.constant 0 : i32
          %dma_start3A_236 = tpu.memref_slice %arg4[%squeeze3A_221, %dma_start3A_235] : memref<1000000x64xf32, #tpu.memory_space<hbm>> -> memref<1x64xf32, #tpu.memory_space<hbm>>
          %dma_start3A_237 = tpu.memref_squeeze %dma_start3A_236 : memref<1x64xf32, #tpu.memory_space<hbm>> -> memref<64xf32, #tpu.memory_space<hbm>>
          tpu.enqueue_dma source(%dma_start3A_237 : memref<64xf32, #tpu.memory_space<hbm>>) target(%dma_start3A_234 : memref<64xf32, #tpu.memory_space<vmem>>) target_semaphore(%arg19 : memref<!tpu.dma_semaphore, #tpu.memory_space<semaphore_mem>>)
          %slice3A_238 = vector.extract_strided_slice %get3A_113 {offsets = [7], sizes = [1], strides = [1]} : vector<16xi32> to vector<1xi32>
          %squeeze3A_239 = vector.extract %slice3A_238[0] : i32 from vector<1xi32>
          %mul3A_240 = arith.constant 16 : i32
          %mul3A_241 = arith.muli %scan3A_106, %mul3A_240 : i32
          %add3A_242 = arith.constant 7 : i32
          %add3A_243 = arith.addi %mul3A_241, %add3A_242 : i32
          %dma_start3A_244 = arith.constant 0 : i32
          %dma_start3A_245 = tpu.memref_slice %arg13[%add3A_243, %dma_start3A_244] : memref<128x64xf32, #tpu.memory_space<vmem>> -> memref<1x64xf32, #tpu.memory_space<vmem>>
          %dma_start3A_246 = tpu.memref_squeeze %dma_start3A_245 : memref<1x64xf32, #tpu.memory_space<vmem>> -> memref<64xf32, #tpu.memory_space<vmem>>
          %dma_start3A_247 = arith.constant 0 : i32
          %dma_start3A_248 = tpu.memref_slice %arg4[%squeeze3A_239, %dma_start3A_247] : memref<1000000x64xf32, #tpu.memory_space<hbm>> -> memref<1x64xf32, #tpu.memory_space<hbm>>
          %dma_start3A_249 = tpu.memref_squeeze %dma_start3A_248 : memref<1x64xf32, #tpu.memory_space<hbm>> -> memref<64xf32, #tpu.memory_space<hbm>>
          %dma_start3A_250 = arith.constant 0 : i32
          %dma_start3A_251 = tpu.memref_slice %arg13[%add3A_243, %dma_start3A_250] : memref<128x64xf32, #tpu.memory_space<vmem>> -> memref<1x64xf32, #tpu.memory_space<vmem>>
          %dma_start3A_252 = tpu.memref_squeeze %dma_start3A_251 : memref<1x64xf32, #tpu.memory_space<vmem>> -> memref<64xf32, #tpu.memory_space<vmem>>
          %dma_start3A_253 = arith.constant 0 : i32
          %dma_start3A_254 = tpu.memref_slice %arg4[%squeeze3A_239, %dma_start3A_253] : memref<1000000x64xf32, #tpu.memory_space<hbm>> -> memref<1x64xf32, #tpu.memory_space<hbm>>
          %dma_start3A_255 = tpu.memref_squeeze %dma_start3A_254 : memref<1x64xf32, #tpu.memory_space<hbm>> -> memref<64xf32, #tpu.memory_space<hbm>>
          tpu.enqueue_dma source(%dma_start3A_255 : memref<64xf32, #tpu.memory_space<hbm>>) target(%dma_start3A_252 : memref<64xf32, #tpu.memory_space<vmem>>) target_semaphore(%arg19 : memref<!tpu.dma_semaphore, #tpu.memory_space<semaphore_mem>>)
          %slice3A_256 = vector.extract_strided_slice %get3A_113 {offsets = [8], sizes = [1], strides = [1]} : vector<16xi32> to vector<1xi32>
          %squeeze3A_257 = vector.extract %slice3A_256[0] : i32 from vector<1xi32>
          %mul3A_258 = arith.constant 16 : i32
          %mul3A_259 = arith.muli %scan3A_106, %mul3A_258 : i32
          %add3A_260 = arith.constant 8 : i32
          %add3A_261 = arith.addi %mul3A_259, %add3A_260 : i32
          %dma_start3A_262 = arith.constant 0 : i32
          %dma_start3A_263 = tpu.memref_slice %arg13[%add3A_261, %dma_start3A_262] : memref<128x64xf32, #tpu.memory_space<vmem>> -> memref<1x64xf32, #tpu.memory_space<vmem>>
          %dma_start3A_264 = tpu.memref_squeeze %dma_start3A_263 : memref<1x64xf32, #tpu.memory_space<vmem>> -> memref<64xf32, #tpu.memory_space<vmem>>
          %dma_start3A_265 = arith.constant 0 : i32
          %dma_start3A_266 = tpu.memref_slice %arg4[%squeeze3A_257, %dma_start3A_265] : memref<1000000x64xf32, #tpu.memory_space<hbm>> -> memref<1x64xf32, #tpu.memory_space<hbm>>
          %dma_start3A_267 = tpu.memref_squeeze %dma_start3A_266 : memref<1x64xf32, #tpu.memory_space<hbm>> -> memref<64xf32, #tpu.memory_space<hbm>>
          %dma_start3A_268 = arith.constant 0 : i32
          %dma_start3A_269 = tpu.memref_slice %arg13[%add3A_261, %dma_start3A_268] : memref<128x64xf32, #tpu.memory_space<vmem>> -> memref<1x64xf32, #tpu.memory_space<vmem>>
          %dma_start3A_270 = tpu.memref_squeeze %dma_start3A_269 : memref<1x64xf32, #tpu.memory_space<vmem>> -> memref<64xf32, #tpu.memory_space<vmem>>
          %dma_start3A_271 = arith.constant 0 : i32
          %dma_start3A_272 = tpu.memref_slice %arg4[%squeeze3A_257, %dma_start3A_271] : memref<1000000x64xf32, #tpu.memory_space<hbm>> -> memref<1x64xf32, #tpu.memory_space<hbm>>
          %dma_start3A_273 = tpu.memref_squeeze %dma_start3A_272 : memref<1x64xf32, #tpu.memory_space<hbm>> -> memref<64xf32, #tpu.memory_space<hbm>>
          tpu.enqueue_dma source(%dma_start3A_273 : memref<64xf32, #tpu.memory_space<hbm>>) target(%dma_start3A_270 : memref<64xf32, #tpu.memory_space<vmem>>) target_semaphore(%arg19 : memref<!tpu.dma_semaphore, #tpu.memory_space<semaphore_mem>>)
          %slice3A_274 = vector.extract_strided_slice %get3A_113 {offsets = [9], sizes = [1], strides = [1]} : vector<16xi32> to vector<1xi32>
          %squeeze3A_275 = vector.extract %slice3A_274[0] : i32 from vector<1xi32>
          %mul3A_276 = arith.constant 16 : i32
          %mul3A_277 = arith.muli %scan3A_106, %mul3A_276 : i32
          %add3A_278 = arith.constant 9 : i32
          %add3A_279 = arith.addi %mul3A_277, %add3A_278 : i32
          %dma_start3A_280 = arith.constant 0 : i32
          %dma_start3A_281 = tpu.memref_slice %arg13[%add3A_279, %dma_start3A_280] : memref<128x64xf32, #tpu.memory_space<vmem>> -> memref<1x64xf32, #tpu.memory_space<vmem>>
          %dma_start3A_282 = tpu.memref_squeeze %dma_start3A_281 : memref<1x64xf32, #tpu.memory_space<vmem>> -> memref<64xf32, #tpu.memory_space<vmem>>
          %dma_start3A_283 = arith.constant 0 : i32
          %dma_start3A_284 = tpu.memref_slice %arg4[%squeeze3A_275, %dma_start3A_283] : memref<1000000x64xf32, #tpu.memory_space<hbm>> -> memref<1x64xf32, #tpu.memory_space<hbm>>
          %dma_start3A_285 = tpu.memref_squeeze %dma_start3A_284 : memref<1x64xf32, #tpu.memory_space<hbm>> -> memref<64xf32, #tpu.memory_space<hbm>>
          %dma_start3A_286 = arith.constant 0 : i32
          %dma_start3A_287 = tpu.memref_slice %arg13[%add3A_279, %dma_start3A_286] : memref<128x64xf32, #tpu.memory_space<vmem>> -> memref<1x64xf32, #tpu.memory_space<vmem>>
          %dma_start3A_288 = tpu.memref_squeeze %dma_start3A_287 : memref<1x64xf32, #tpu.memory_space<vmem>> -> memref<64xf32, #tpu.memory_space<vmem>>
          %dma_start3A_289 = arith.constant 0 : i32
          %dma_start3A_290 = tpu.memref_slice %arg4[%squeeze3A_275, %dma_start3A_289] : memref<1000000x64xf32, #tpu.memory_space<hbm>> -> memref<1x64xf32, #tpu.memory_space<hbm>>
          %dma_start3A_291 = tpu.memref_squeeze %dma_start3A_290 : memref<1x64xf32, #tpu.memory_space<hbm>> -> memref<64xf32, #tpu.memory_space<hbm>>
          tpu.enqueue_dma source(%dma_start3A_291 : memref<64xf32, #tpu.memory_space<hbm>>) target(%dma_start3A_288 : memref<64xf32, #tpu.memory_space<vmem>>) target_semaphore(%arg19 : memref<!tpu.dma_semaphore, #tpu.memory_space<semaphore_mem>>)
          %slice3A_292 = vector.extract_strided_slice %get3A_113 {offsets = [10], sizes = [1], strides = [1]} : vector<16xi32> to vector<1xi32>
          %squeeze3A_293 = vector.extract %slice3A_292[0] : i32 from vector<1xi32>
          %mul3A_294 = arith.constant 16 : i32
          %mul3A_295 = arith.muli %scan3A_106, %mul3A_294 : i32
          %add3A_296 = arith.constant 10 : i32
          %add3A_297 = arith.addi %mul3A_295, %add3A_296 : i32
          %dma_start3A_298 = arith.constant 0 : i32
          %dma_start3A_299 = tpu.memref_slice %arg13[%add3A_297, %dma_start3A_298] : memref<128x64xf32, #tpu.memory_space<vmem>> -> memref<1x64xf32, #tpu.memory_space<vmem>>
          %dma_start3A_300 = tpu.memref_squeeze %dma_start3A_299 : memref<1x64xf32, #tpu.memory_space<vmem>> -> memref<64xf32, #tpu.memory_space<vmem>>
          %dma_start3A_301 = arith.constant 0 : i32
          %dma_start3A_302 = tpu.memref_slice %arg4[%squeeze3A_293, %dma_start3A_301] : memref<1000000x64xf32, #tpu.memory_space<hbm>> -> memref<1x64xf32, #tpu.memory_space<hbm>>
          %dma_start3A_303 = tpu.memref_squeeze %dma_start3A_302 : memref<1x64xf32, #tpu.memory_space<hbm>> -> memref<64xf32, #tpu.memory_space<hbm>>
          %dma_start3A_304 = arith.constant 0 : i32
          %dma_start3A_305 = tpu.memref_slice %arg13[%add3A_297, %dma_start3A_304] : memref<128x64xf32, #tpu.memory_space<vmem>> -> memref<1x64xf32, #tpu.memory_space<vmem>>
          %dma_start3A_306 = tpu.memref_squeeze %dma_start3A_305 : memref<1x64xf32, #tpu.memory_space<vmem>> -> memref<64xf32, #tpu.memory_space<vmem>>
          %dma_start3A_307 = arith.constant 0 : i32
          %dma_start3A_308 = tpu.memref_slice %arg4[%squeeze3A_293, %dma_start3A_307] : memref<1000000x64xf32, #tpu.memory_space<hbm>> -> memref<1x64xf32, #tpu.memory_space<hbm>>
          %dma_start3A_309 = tpu.memref_squeeze %dma_start3A_308 : memref<1x64xf32, #tpu.memory_space<hbm>> -> memref<64xf32, #tpu.memory_space<hbm>>
          tpu.enqueue_dma source(%dma_start3A_309 : memref<64xf32, #tpu.memory_space<hbm>>) target(%dma_start3A_306 : memref<64xf32, #tpu.memory_space<vmem>>) target_semaphore(%arg19 : memref<!tpu.dma_semaphore, #tpu.memory_space<semaphore_mem>>)
          %slice3A_310 = vector.extract_strided_slice %get3A_113 {offsets = [11], sizes = [1], strides = [1]} : vector<16xi32> to vector<1xi32>
          %squeeze3A_311 = vector.extract %slice3A_310[0] : i32 from vector<1xi32>
          %mul3A_312 = arith.constant 16 : i32
          %mul3A_313 = arith.muli %scan3A_106, %mul3A_312 : i32
          %add3A_314 = arith.constant 11 : i32
          %add3A_315 = arith.addi %mul3A_313, %add3A_314 : i32
          %dma_start3A_316 = arith.constant 0 : i32
          %dma_start3A_317 = tpu.memref_slice %arg13[%add3A_315, %dma_start3A_316] : memref<128x64xf32, #tpu.memory_space<vmem>> -> memref<1x64xf32, #tpu.memory_space<vmem>>
          %dma_start3A_318 = tpu.memref_squeeze %dma_start3A_317 : memref<1x64xf32, #tpu.memory_space<vmem>> -> memref<64xf32, #tpu.memory_space<vmem>>
          %dma_start3A_319 = arith.constant 0 : i32
          %dma_start3A_320 = tpu.memref_slice %arg4[%squeeze3A_311, %dma_start3A_319] : memref<1000000x64xf32, #tpu.memory_space<hbm>> -> memref<1x64xf32, #tpu.memory_space<hbm>>
          %dma_start3A_321 = tpu.memref_squeeze %dma_start3A_320 : memref<1x64xf32, #tpu.memory_space<hbm>> -> memref<64xf32, #tpu.memory_space<hbm>>
          %dma_start3A_322 = arith.constant 0 : i32
          %dma_start3A_323 = tpu.memref_slice %arg13[%add3A_315, %dma_start3A_322] : memref<128x64xf32, #tpu.memory_space<vmem>> -> memref<1x64xf32, #tpu.memory_space<vmem>>
          %dma_start3A_324 = tpu.memref_squeeze %dma_start3A_323 : memref<1x64xf32, #tpu.memory_space<vmem>> -> memref<64xf32, #tpu.memory_space<vmem>>
          %dma_start3A_325 = arith.constant 0 : i32
          %dma_start3A_326 = tpu.memref_slice %arg4[%squeeze3A_311, %dma_start3A_325] : memref<1000000x64xf32, #tpu.memory_space<hbm>> -> memref<1x64xf32, #tpu.memory_space<hbm>>
          %dma_start3A_327 = tpu.memref_squeeze %dma_start3A_326 : memref<1x64xf32, #tpu.memory_space<hbm>> -> memref<64xf32, #tpu.memory_space<hbm>>
          tpu.enqueue_dma source(%dma_start3A_327 : memref<64xf32, #tpu.memory_space<hbm>>) target(%dma_start3A_324 : memref<64xf32, #tpu.memory_space<vmem>>) target_semaphore(%arg19 : memref<!tpu.dma_semaphore, #tpu.memory_space<semaphore_mem>>)
          %slice3A_328 = vector.extract_strided_slice %get3A_113 {offsets = [12], sizes = [1], strides = [1]} : vector<16xi32> to vector<1xi32>
          %squeeze3A_329 = vector.extract %slice3A_328[0] : i32 from vector<1xi32>
          %mul3A_330 = arith.constant 16 : i32
          %mul3A_331 = arith.muli %scan3A_106, %mul3A_330 : i32
          %add3A_332 = arith.constant 12 : i32
          %add3A_333 = arith.addi %mul3A_331, %add3A_332 : i32
          %dma_start3A_334 = arith.constant 0 : i32
          %dma_start3A_335 = tpu.memref_slice %arg13[%add3A_333, %dma_start3A_334] : memref<128x64xf32, #tpu.memory_space<vmem>> -> memref<1x64xf32, #tpu.memory_space<vmem>>
          %dma_start3A_336 = tpu.memref_squeeze %dma_start3A_335 : memref<1x64xf32, #tpu.memory_space<vmem>> -> memref<64xf32, #tpu.memory_space<vmem>>
          %dma_start3A_337 = arith.constant 0 : i32
          %dma_start3A_338 = tpu.memref_slice %arg4[%squeeze3A_329, %dma_start3A_337] : memref<1000000x64xf32, #tpu.memory_space<hbm>> -> memref<1x64xf32, #tpu.memory_space<hbm>>
          %dma_start3A_339 = tpu.memref_squeeze %dma_start3A_338 : memref<1x64xf32, #tpu.memory_space<hbm>> -> memref<64xf32, #tpu.memory_space<hbm>>
          %dma_start3A_340 = arith.constant 0 : i32
          %dma_start3A_341 = tpu.memref_slice %arg13[%add3A_333, %dma_start3A_340] : memref<128x64xf32, #tpu.memory_space<vmem>> -> memref<1x64xf32, #tpu.memory_space<vmem>>
          %dma_start3A_342 = tpu.memref_squeeze %dma_start3A_341 : memref<1x64xf32, #tpu.memory_space<vmem>> -> memref<64xf32, #tpu.memory_space<vmem>>
          %dma_start3A_343 = arith.constant 0 : i32
          %dma_start3A_344 = tpu.memref_slice %arg4[%squeeze3A_329, %dma_start3A_343] : memref<1000000x64xf32, #tpu.memory_space<hbm>> -> memref<1x64xf32, #tpu.memory_space<hbm>>
          %dma_start3A_345 = tpu.memref_squeeze %dma_start3A_344 : memref<1x64xf32, #tpu.memory_space<hbm>> -> memref<64xf32, #tpu.memory_space<hbm>>
          tpu.enqueue_dma source(%dma_start3A_345 : memref<64xf32, #tpu.memory_space<hbm>>) target(%dma_start3A_342 : memref<64xf32, #tpu.memory_space<vmem>>) target_semaphore(%arg19 : memref<!tpu.dma_semaphore, #tpu.memory_space<semaphore_mem>>)
          %slice3A_346 = vector.extract_strided_slice %get3A_113 {offsets = [13], sizes = [1], strides = [1]} : vector<16xi32> to vector<1xi32>
          %squeeze3A_347 = vector.extract %slice3A_346[0] : i32 from vector<1xi32>
          %mul3A_348 = arith.constant 16 : i32
          %mul3A_349 = arith.muli %scan3A_106, %mul3A_348 : i32
          %add3A_350 = arith.constant 13 : i32
          %add3A_351 = arith.addi %mul3A_349, %add3A_350 : i32
          %dma_start3A_352 = arith.constant 0 : i32
          %dma_start3A_353 = tpu.memref_slice %arg13[%add3A_351, %dma_start3A_352] : memref<128x64xf32, #tpu.memory_space<vmem>> -> memref<1x64xf32, #tpu.memory_space<vmem>>
          %dma_start3A_354 = tpu.memref_squeeze %dma_start3A_353 : memref<1x64xf32, #tpu.memory_space<vmem>> -> memref<64xf32, #tpu.memory_space<vmem>>
          %dma_start3A_355 = arith.constant 0 : i32
          %dma_start3A_356 = tpu.memref_slice %arg4[%squeeze3A_347, %dma_start3A_355] : memref<1000000x64xf32, #tpu.memory_space<hbm>> -> memref<1x64xf32, #tpu.memory_space<hbm>>
          %dma_start3A_357 = tpu.memref_squeeze %dma_start3A_356 : memref<1x64xf32, #tpu.memory_space<hbm>> -> memref<64xf32, #tpu.memory_space<hbm>>
          %dma_start3A_358 = arith.constant 0 : i32
          %dma_start3A_359 = tpu.memref_slice %arg13[%add3A_351, %dma_start3A_358] : memref<128x64xf32, #tpu.memory_space<vmem>> -> memref<1x64xf32, #tpu.memory_space<vmem>>
          %dma_start3A_360 = tpu.memref_squeeze %dma_start3A_359 : memref<1x64xf32, #tpu.memory_space<vmem>> -> memref<64xf32, #tpu.memory_space<vmem>>
          %dma_start3A_361 = arith.constant 0 : i32
          %dma_start3A_362 = tpu.memref_slice %arg4[%squeeze3A_347, %dma_start3A_361] : memref<1000000x64xf32, #tpu.memory_space<hbm>> -> memref<1x64xf32, #tpu.memory_space<hbm>>
          %dma_start3A_363 = tpu.memref_squeeze %dma_start3A_362 : memref<1x64xf32, #tpu.memory_space<hbm>> -> memref<64xf32, #tpu.memory_space<hbm>>
          tpu.enqueue_dma source(%dma_start3A_363 : memref<64xf32, #tpu.memory_space<hbm>>) target(%dma_start3A_360 : memref<64xf32, #tpu.memory_space<vmem>>) target_semaphore(%arg19 : memref<!tpu.dma_semaphore, #tpu.memory_space<semaphore_mem>>)
          %slice3A_364 = vector.extract_strided_slice %get3A_113 {offsets = [14], sizes = [1], strides = [1]} : vector<16xi32> to vector<1xi32>
          %squeeze3A_365 = vector.extract %slice3A_364[0] : i32 from vector<1xi32>
          %mul3A_366 = arith.constant 16 : i32
          %mul3A_367 = arith.muli %scan3A_106, %mul3A_366 : i32
          %add3A_368 = arith.constant 14 : i32
          %add3A_369 = arith.addi %mul3A_367, %add3A_368 : i32
          %dma_start3A_370 = arith.constant 0 : i32
          %dma_start3A_371 = tpu.memref_slice %arg13[%add3A_369, %dma_start3A_370] : memref<128x64xf32, #tpu.memory_space<vmem>> -> memref<1x64xf32, #tpu.memory_space<vmem>>
          %dma_start3A_372 = tpu.memref_squeeze %dma_start3A_371 : memref<1x64xf32, #tpu.memory_space<vmem>> -> memref<64xf32, #tpu.memory_space<vmem>>
          %dma_start3A_373 = arith.constant 0 : i32
          %dma_start3A_374 = tpu.memref_slice %arg4[%squeeze3A_365, %dma_start3A_373] : memref<1000000x64xf32, #tpu.memory_space<hbm>> -> memref<1x64xf32, #tpu.memory_space<hbm>>
          %dma_start3A_375 = tpu.memref_squeeze %dma_start3A_374 : memref<1x64xf32, #tpu.memory_space<hbm>> -> memref<64xf32, #tpu.memory_space<hbm>>
          %dma_start3A_376 = arith.constant 0 : i32
          %dma_start3A_377 = tpu.memref_slice %arg13[%add3A_369, %dma_start3A_376] : memref<128x64xf32, #tpu.memory_space<vmem>> -> memref<1x64xf32, #tpu.memory_space<vmem>>
          %dma_start3A_378 = tpu.memref_squeeze %dma_start3A_377 : memref<1x64xf32, #tpu.memory_space<vmem>> -> memref<64xf32, #tpu.memory_space<vmem>>
          %dma_start3A_379 = arith.constant 0 : i32
          %dma_start3A_380 = tpu.memref_slice %arg4[%squeeze3A_365, %dma_start3A_379] : memref<1000000x64xf32, #tpu.memory_space<hbm>> -> memref<1x64xf32, #tpu.memory_space<hbm>>
          %dma_start3A_381 = tpu.memref_squeeze %dma_start3A_380 : memref<1x64xf32, #tpu.memory_space<hbm>> -> memref<64xf32, #tpu.memory_space<hbm>>
          tpu.enqueue_dma source(%dma_start3A_381 : memref<64xf32, #tpu.memory_space<hbm>>) target(%dma_start3A_378 : memref<64xf32, #tpu.memory_space<vmem>>) target_semaphore(%arg19 : memref<!tpu.dma_semaphore, #tpu.memory_space<semaphore_mem>>)
          %slice3A_382 = vector.extract_strided_slice %get3A_113 {offsets = [15], sizes = [1], strides = [1]} : vector<16xi32> to vector<1xi32>
          %squeeze3A_383 = vector.extract %slice3A_382[0] : i32 from vector<1xi32>
          %mul3A_384 = arith.constant 16 : i32
          %mul3A_385 = arith.muli %scan3A_106, %mul3A_384 : i32
          %add3A_386 = arith.constant 15 : i32
          %add3A_387 = arith.addi %mul3A_385, %add3A_386 : i32
          %dma_start3A_388 = arith.constant 0 : i32
          %dma_start3A_389 = tpu.memref_slice %arg13[%add3A_387, %dma_start3A_388] : memref<128x64xf32, #tpu.memory_space<vmem>> -> memref<1x64xf32, #tpu.memory_space<vmem>>
          %dma_start3A_390 = tpu.memref_squeeze %dma_start3A_389 : memref<1x64xf32, #tpu.memory_space<vmem>> -> memref<64xf32, #tpu.memory_space<vmem>>
          %dma_start3A_391 = arith.constant 0 : i32
          %dma_start3A_392 = tpu.memref_slice %arg4[%squeeze3A_383, %dma_start3A_391] : memref<1000000x64xf32, #tpu.memory_space<hbm>> -> memref<1x64xf32, #tpu.memory_space<hbm>>
          %dma_start3A_393 = tpu.memref_squeeze %dma_start3A_392 : memref<1x64xf32, #tpu.memory_space<hbm>> -> memref<64xf32, #tpu.memory_space<hbm>>
          %dma_start3A_394 = arith.constant 0 : i32
          %dma_start3A_395 = tpu.memref_slice %arg13[%add3A_387, %dma_start3A_394] : memref<128x64xf32, #tpu.memory_space<vmem>> -> memref<1x64xf32, #tpu.memory_space<vmem>>
          %dma_start3A_396 = tpu.memref_squeeze %dma_start3A_395 : memref<1x64xf32, #tpu.memory_space<vmem>> -> memref<64xf32, #tpu.memory_space<vmem>>
          %dma_start3A_397 = arith.constant 0 : i32
          %dma_start3A_398 = tpu.memref_slice %arg4[%squeeze3A_383, %dma_start3A_397] : memref<1000000x64xf32, #tpu.memory_space<hbm>> -> memref<1x64xf32, #tpu.memory_space<hbm>>
          %dma_start3A_399 = tpu.memref_squeeze %dma_start3A_398 : memref<1x64xf32, #tpu.memory_space<hbm>> -> memref<64xf32, #tpu.memory_space<hbm>>
          tpu.enqueue_dma source(%dma_start3A_399 : memref<64xf32, #tpu.memory_space<hbm>>) target(%dma_start3A_396 : memref<64xf32, #tpu.memory_space<vmem>>) target_semaphore(%arg19 : memref<!tpu.dma_semaphore, #tpu.memory_space<semaphore_mem>>)
        }
        %scan3A_105 = arith.constant 8 : i32
      } else {
      }
      %eq3A_73 = arith.constant 0 : i32
      %eq3A_74 = arith.cmpi eq, %rem3A_47, %eq3A_73 : i32
      %convert_element_type3A_75 = arith.extui %eq3A_74 : i1 to i32
      %cond3A_76 = arith.constant 0 : i32
      %cond3A_77 = arith.cmpi ne, %convert_element_type3A_75, %cond3A_76 : i32
      scf.if %cond3A_77 {
        %dma_wait3A_88 = arith.constant 0 : i32
        %dma_wait3A_89 = arith.constant 0 : i32
        %dma_wait3A_90 = tpu.memref_slice %arg4[%dma_wait3A_88, %dma_wait3A_89] : memref<1000000x64xf32, #tpu.memory_space<hbm>> -> memref<128x64xf32, #tpu.memory_space<hbm>>
        %dma_wait3A_91 = arith.constant 0 : i32
        %dma_wait3A_92 = arith.constant 0 : i32
        %dma_wait3A_93 = tpu.memref_slice %arg4[%dma_wait3A_91, %dma_wait3A_92] : memref<1000000x64xf32, #tpu.memory_space<hbm>> -> memref<128x64xf32, #tpu.memory_space<hbm>>
        tpu.wait_dma2 semaphore(%arg18 : memref<!tpu.dma_semaphore, #tpu.memory_space<semaphore_mem>>) src(%dma_wait3A_93 : memref<128x64xf32, #tpu.memory_space<hbm>>) dst(%arg12 : memref<128x64xf32, #tpu.memory_space<vmem>>)
        %dma_wait3A_94 = arith.constant 0 : i32
        %dma_wait3A_95 = arith.constant 0 : i32
        %dma_wait3A_96 = tpu.memref_slice %arg5[%dma_wait3A_94, %dma_wait3A_95] : memref<12800x128xf32, #tpu.memory_space<hbm>> -> memref<128x128xf32, #tpu.memory_space<hbm>>
        %dma_wait3A_97 = arith.constant 0 : i32
        %dma_wait3A_98 = arith.constant 0 : i32
        %dma_wait3A_99 = tpu.memref_slice %arg5[%dma_wait3A_97, %dma_wait3A_98] : memref<12800x128xf32, #tpu.memory_space<hbm>> -> memref<128x128xf32, #tpu.memory_space<hbm>>
        tpu.wait_dma2 semaphore(%arg15 : memref<!tpu.dma_semaphore, #tpu.memory_space<semaphore_mem>>) src(%dma_wait3A_99 : memref<128x128xf32, #tpu.memory_space<hbm>>) dst(%arg9 : memref<128x128xf32, #tpu.memory_space<vmem>>)
        %scan3A_100 = arith.constant 0 : i32
        %scan3A_101 = arith.constant 0 : i32
        %scan3A_102 = arith.constant 128 : i32
        %scan3A_103 = arith.addi %scan3A_101, %scan3A_102 : i32
        %scan3A_104 = arith.constant 4 : i32
        scf.for %scan3A_113 = %scan3A_101 to %scan3A_103 step %scan3A_104  : i32 {
          %get3A = arith.index_cast %scan3A_113 : i32 to index
          %get3A_114 = arith.constant 0 : index
          %get3A_115 = tpu.vector_load %arg9[%get3A, %get3A_114] {strides = array<i32>} : memref<128x128xf32, #tpu.memory_space<vmem>>, vector<1x16xf32>,
          %get3A_116 = vector.shape_cast %get3A_115 : vector<1x16xf32> to vector<16xf32>
          %swap3A = arith.index_cast %scan3A_113 : i32 to index
          %swap3A_117 = arith.constant 0 : index
          %swap3A_118 = tpu.vector_load %arg12[%swap3A, %swap3A_117] {strides = array<i32>} : memref<128x64xf32, #tpu.memory_space<vmem>>, vector<1x16xf32>,
          %swap3A_119 = vector.shape_cast %swap3A_118 : vector<1x16xf32> to vector<16xf32>
          %swap3A_120 = vector.shape_cast %get3A_116 : vector<16xf32> to vector<1x16xf32>
          tpu.vector_store %arg12[%swap3A, %swap3A_117], %swap3A_120 {add = true, strides = array<i32>} : memref<128x64xf32, #tpu.memory_space<vmem>>, vector<1x16xf32>,
          %get3A_121 = arith.index_cast %scan3A_113 : i32 to index
          %get3A_122 = arith.constant 16 : index
          %get3A_123 = tpu.vector_load %arg9[%get3A_121, %get3A_122] {strides = array<i32>} : memref<128x128xf32, #tpu.memory_space<vmem>>, vector<1x16xf32>,
          %get3A_124 = vector.shape_cast %get3A_123 : vector<1x16xf32> to vector<16xf32>
          %swap3A_125 = arith.index_cast %scan3A_113 : i32 to index
          %swap3A_126 = arith.constant 16 : index
          %swap3A_127 = tpu.vector_load %arg12[%swap3A_125, %swap3A_126] {strides = array<i32>} : memref<128x64xf32, #tpu.memory_space<vmem>>, vector<1x16xf32>,
          %swap3A_128 = vector.shape_cast %swap3A_127 : vector<1x16xf32> to vector<16xf32>
          %swap3A_129 = vector.shape_cast %get3A_124 : vector<16xf32> to vector<1x16xf32>
          tpu.vector_store %arg12[%swap3A_125, %swap3A_126], %swap3A_129 {add = true, strides = array<i32>} : memref<128x64xf32, #tpu.memory_space<vmem>>, vector<1x16xf32>,
          %get3A_130 = arith.index_cast %scan3A_113 : i32 to index
          %get3A_131 = arith.constant 32 : index
          %get3A_132 = tpu.vector_load %arg9[%get3A_130, %get3A_131] {strides = array<i32>} : memref<128x128xf32, #tpu.memory_space<vmem>>, vector<1x16xf32>,
          %get3A_133 = vector.shape_cast %get3A_132 : vector<1x16xf32> to vector<16xf32>
          %swap3A_134 = arith.index_cast %scan3A_113 : i32 to index
          %swap3A_135 = arith.constant 32 : index
          %swap3A_136 = tpu.vector_load %arg12[%swap3A_134, %swap3A_135] {strides = array<i32>} : memref<128x64xf32, #tpu.memory_space<vmem>>, vector<1x16xf32>,
          %swap3A_137 = vector.shape_cast %swap3A_136 : vector<1x16xf32> to vector<16xf32>
          %swap3A_138 = vector.shape_cast %get3A_133 : vector<16xf32> to vector<1x16xf32>
          tpu.vector_store %arg12[%swap3A_134, %swap3A_135], %swap3A_138 {add = true, strides = array<i32>} : memref<128x64xf32, #tpu.memory_space<vmem>>, vector<1x16xf32>,
          %get3A_139 = arith.index_cast %scan3A_113 : i32 to index
          %get3A_140 = arith.constant 48 : index
          %get3A_141 = tpu.vector_load %arg9[%get3A_139, %get3A_140] {strides = array<i32>} : memref<128x128xf32, #tpu.memory_space<vmem>>, vector<1x16xf32>,
          %get3A_142 = vector.shape_cast %get3A_141 : vector<1x16xf32> to vector<16xf32>
          %swap3A_143 = arith.index_cast %scan3A_113 : i32 to index
          %swap3A_144 = arith.constant 48 : index
          %swap3A_145 = tpu.vector_load %arg12[%swap3A_143, %swap3A_144] {strides = array<i32>} : memref<128x64xf32, #tpu.memory_space<vmem>>, vector<1x16xf32>,
          %swap3A_146 = vector.shape_cast %swap3A_145 : vector<1x16xf32> to vector<16xf32>
          %swap3A_147 = vector.shape_cast %get3A_142 : vector<16xf32> to vector<1x16xf32>
          tpu.vector_store %arg12[%swap3A_143, %swap3A_144], %swap3A_147 {add = true, strides = array<i32>} : memref<128x64xf32, #tpu.memory_space<vmem>>, vector<1x16xf32>,
          %scan3A_148 = arith.constant 1 : i32
          %scan3A_149 = arith.addi %scan3A_113, %scan3A_148 : i32
          %get3A_150 = arith.index_cast %scan3A_149 : i32 to index
          %get3A_151 = arith.constant 0 : index
          %get3A_152 = tpu.vector_load %arg9[%get3A_150, %get3A_151] {strides = array<i32>} : memref<128x128xf32, #tpu.memory_space<vmem>>, vector<1x16xf32>,
          %get3A_153 = vector.shape_cast %get3A_152 : vector<1x16xf32> to vector<16xf32>
          %swap3A_154 = arith.index_cast %scan3A_149 : i32 to index
          %swap3A_155 = arith.constant 0 : index
          %swap3A_156 = tpu.vector_load %arg12[%swap3A_154, %swap3A_155] {strides = array<i32>} : memref<128x64xf32, #tpu.memory_space<vmem>>, vector<1x16xf32>,
          %swap3A_157 = vector.shape_cast %swap3A_156 : vector<1x16xf32> to vector<16xf32>
          %swap3A_158 = vector.shape_cast %get3A_153 : vector<16xf32> to vector<1x16xf32>
          tpu.vector_store %arg12[%swap3A_154, %swap3A_155], %swap3A_158 {add = true, strides = array<i32>} : memref<128x64xf32, #tpu.memory_space<vmem>>, vector<1x16xf32>,
          %get3A_159 = arith.index_cast %scan3A_149 : i32 to index
          %get3A_160 = arith.constant 16 : index
          %get3A_161 = tpu.vector_load %arg9[%get3A_159, %get3A_160] {strides = array<i32>} : memref<128x128xf32, #tpu.memory_space<vmem>>, vector<1x16xf32>,
          %get3A_162 = vector.shape_cast %get3A_161 : vector<1x16xf32> to vector<16xf32>
          %swap3A_163 = arith.index_cast %scan3A_149 : i32 to index
          %swap3A_164 = arith.constant 16 : index
          %swap3A_165 = tpu.vector_load %arg12[%swap3A_163, %swap3A_164] {strides = array<i32>} : memref<128x64xf32, #tpu.memory_space<vmem>>, vector<1x16xf32>,
          %swap3A_166 = vector.shape_cast %swap3A_165 : vector<1x16xf32> to vector<16xf32>
          %swap3A_167 = vector.shape_cast %get3A_162 : vector<16xf32> to vector<1x16xf32>
          tpu.vector_store %arg12[%swap3A_163, %swap3A_164], %swap3A_167 {add = true, strides = array<i32>} : memref<128x64xf32, #tpu.memory_space<vmem>>, vector<1x16xf32>,
          %get3A_168 = arith.index_cast %scan3A_149 : i32 to index
          %get3A_169 = arith.constant 32 : index
          %get3A_170 = tpu.vector_load %arg9[%get3A_168, %get3A_169] {strides = array<i32>} : memref<128x128xf32, #tpu.memory_space<vmem>>, vector<1x16xf32>,
          %get3A_171 = vector.shape_cast %get3A_170 : vector<1x16xf32> to vector<16xf32>
          %swap3A_172 = arith.index_cast %scan3A_149 : i32 to index
          %swap3A_173 = arith.constant 32 : index
          %swap3A_174 = tpu.vector_load %arg12[%swap3A_172, %swap3A_173] {strides = array<i32>} : memref<128x64xf32, #tpu.memory_space<vmem>>, vector<1x16xf32>,
          %swap3A_175 = vector.shape_cast %swap3A_174 : vector<1x16xf32> to vector<16xf32>
          %swap3A_176 = vector.shape_cast %get3A_171 : vector<16xf32> to vector<1x16xf32>
          tpu.vector_store %arg12[%swap3A_172, %swap3A_173], %swap3A_176 {add = true, strides = array<i32>} : memref<128x64xf32, #tpu.memory_space<vmem>>, vector<1x16xf32>,
          %get3A_177 = arith.index_cast %scan3A_149 : i32 to index
          %get3A_178 = arith.constant 48 : index
          %get3A_179 = tpu.vector_load %arg9[%get3A_177, %get3A_178] {strides = array<i32>} : memref<128x128xf32, #tpu.memory_space<vmem>>, vector<1x16xf32>,
          %get3A_180 = vector.shape_cast %get3A_179 : vector<1x16xf32> to vector<16xf32>
          %swap3A_181 = arith.index_cast %scan3A_149 : i32 to index
          %swap3A_182 = arith.constant 48 : index
          %swap3A_183 = tpu.vector_load %arg12[%swap3A_181, %swap3A_182] {strides = array<i32>} : memref<128x64xf32, #tpu.memory_space<vmem>>, vector<1x16xf32>,
          %swap3A_184 = vector.shape_cast %swap3A_183 : vector<1x16xf32> to vector<16xf32>
          %swap3A_185 = vector.shape_cast %get3A_180 : vector<16xf32> to vector<1x16xf32>
          tpu.vector_store %arg12[%swap3A_181, %swap3A_182], %swap3A_185 {add = true, strides = array<i32>} : memref<128x64xf32, #tpu.memory_space<vmem>>, vector<1x16xf32>,
          %scan3A_186 = arith.constant 2 : i32
          %scan3A_187 = arith.addi %scan3A_113, %scan3A_186 : i32
          %get3A_188 = arith.index_cast %scan3A_187 : i32 to index
          %get3A_189 = arith.constant 0 : index
          %get3A_190 = tpu.vector_load %arg9[%get3A_188, %get3A_189] {strides = array<i32>} : memref<128x128xf32, #tpu.memory_space<vmem>>, vector<1x16xf32>,
          %get3A_191 = vector.shape_cast %get3A_190 : vector<1x16xf32> to vector<16xf32>
          %swap3A_192 = arith.index_cast %scan3A_187 : i32 to index
          %swap3A_193 = arith.constant 0 : index
          %swap3A_194 = tpu.vector_load %arg12[%swap3A_192, %swap3A_193] {strides = array<i32>} : memref<128x64xf32, #tpu.memory_space<vmem>>, vector<1x16xf32>,
          %swap3A_195 = vector.shape_cast %swap3A_194 : vector<1x16xf32> to vector<16xf32>
          %swap3A_196 = vector.shape_cast %get3A_191 : vector<16xf32> to vector<1x16xf32>
          tpu.vector_store %arg12[%swap3A_192, %swap3A_193], %swap3A_196 {add = true, strides = array<i32>} : memref<128x64xf32, #tpu.memory_space<vmem>>, vector<1x16xf32>,
          %get3A_197 = arith.index_cast %scan3A_187 : i32 to index
          %get3A_198 = arith.constant 16 : index
          %get3A_199 = tpu.vector_load %arg9[%get3A_197, %get3A_198] {strides = array<i32>} : memref<128x128xf32, #tpu.memory_space<vmem>>, vector<1x16xf32>,
          %get3A_200 = vector.shape_cast %get3A_199 : vector<1x16xf32> to vector<16xf32>
          %swap3A_201 = arith.index_cast %scan3A_187 : i32 to index
          %swap3A_202 = arith.constant 16 : index
          %swap3A_203 = tpu.vector_load %arg12[%swap3A_201, %swap3A_202] {strides = array<i32>} : memref<128x64xf32, #tpu.memory_space<vmem>>, vector<1x16xf32>,
          %swap3A_204 = vector.shape_cast %swap3A_203 : vector<1x16xf32> to vector<16xf32>
          %swap3A_205 = vector.shape_cast %get3A_200 : vector<16xf32> to vector<1x16xf32>
          tpu.vector_store %arg12[%swap3A_201, %swap3A_202], %swap3A_205 {add = true, strides = array<i32>} : memref<128x64xf32, #tpu.memory_space<vmem>>, vector<1x16xf32>,
          %get3A_206 = arith.index_cast %scan3A_187 : i32 to index
          %get3A_207 = arith.constant 32 : index
          %get3A_208 = tpu.vector_load %arg9[%get3A_206, %get3A_207] {strides = array<i32>} : memref<128x128xf32, #tpu.memory_space<vmem>>, vector<1x16xf32>,
          %get3A_209 = vector.shape_cast %get3A_208 : vector<1x16xf32> to vector<16xf32>
          %swap3A_210 = arith.index_cast %scan3A_187 : i32 to index
          %swap3A_211 = arith.constant 32 : index
          %swap3A_212 = tpu.vector_load %arg12[%swap3A_210, %swap3A_211] {strides = array<i32>} : memref<128x64xf32, #tpu.memory_space<vmem>>, vector<1x16xf32>,
          %swap3A_213 = vector.shape_cast %swap3A_212 : vector<1x16xf32> to vector<16xf32>
          %swap3A_214 = vector.shape_cast %get3A_209 : vector<16xf32> to vector<1x16xf32>
          tpu.vector_store %arg12[%swap3A_210, %swap3A_211], %swap3A_214 {add = true, strides = array<i32>} : memref<128x64xf32, #tpu.memory_space<vmem>>, vector<1x16xf32>,
          %get3A_215 = arith.index_cast %scan3A_187 : i32 to index
          %get3A_216 = arith.constant 48 : index
          %get3A_217 = tpu.vector_load %arg9[%get3A_215, %get3A_216] {strides = array<i32>} : memref<128x128xf32, #tpu.memory_space<vmem>>, vector<1x16xf32>,
          %get3A_218 = vector.shape_cast %get3A_217 : vector<1x16xf32> to vector<16xf32>
          %swap3A_219 = arith.index_cast %scan3A_187 : i32 to index
          %swap3A_220 = arith.constant 48 : index
          %swap3A_221 = tpu.vector_load %arg12[%swap3A_219, %swap3A_220] {strides = array<i32>} : memref<128x64xf32, #tpu.memory_space<vmem>>, vector<1x16xf32>,
          %swap3A_222 = vector.shape_cast %swap3A_221 : vector<1x16xf32> to vector<16xf32>
          %swap3A_223 = vector.shape_cast %get3A_218 : vector<16xf32> to vector<1x16xf32>
          tpu.vector_store %arg12[%swap3A_219, %swap3A_220], %swap3A_223 {add = true, strides = array<i32>} : memref<128x64xf32, #tpu.memory_space<vmem>>, vector<1x16xf32>,
          %scan3A_224 = arith.constant 3 : i32
          %scan3A_225 = arith.addi %scan3A_113, %scan3A_224 : i32
          %get3A_226 = arith.index_cast %scan3A_225 : i32 to index
          %get3A_227 = arith.constant 0 : index
          %get3A_228 = tpu.vector_load %arg9[%get3A_226, %get3A_227] {strides = array<i32>} : memref<128x128xf32, #tpu.memory_space<vmem>>, vector<1x16xf32>,
          %get3A_229 = vector.shape_cast %get3A_228 : vector<1x16xf32> to vector<16xf32>
          %swap3A_230 = arith.index_cast %scan3A_225 : i32 to index
          %swap3A_231 = arith.constant 0 : index
          %swap3A_232 = tpu.vector_load %arg12[%swap3A_230, %swap3A_231] {strides = array<i32>} : memref<128x64xf32, #tpu.memory_space<vmem>>, vector<1x16xf32>,
          %swap3A_233 = vector.shape_cast %swap3A_232 : vector<1x16xf32> to vector<16xf32>
          %swap3A_234 = vector.shape_cast %get3A_229 : vector<16xf32> to vector<1x16xf32>
          tpu.vector_store %arg12[%swap3A_230, %swap3A_231], %swap3A_234 {add = true, strides = array<i32>} : memref<128x64xf32, #tpu.memory_space<vmem>>, vector<1x16xf32>,
          %get3A_235 = arith.index_cast %scan3A_225 : i32 to index
          %get3A_236 = arith.constant 16 : index
          %get3A_237 = tpu.vector_load %arg9[%get3A_235, %get3A_236] {strides = array<i32>} : memref<128x128xf32, #tpu.memory_space<vmem>>, vector<1x16xf32>,
          %get3A_238 = vector.shape_cast %get3A_237 : vector<1x16xf32> to vector<16xf32>
          %swap3A_239 = arith.index_cast %scan3A_225 : i32 to index
          %swap3A_240 = arith.constant 16 : index
          %swap3A_241 = tpu.vector_load %arg12[%swap3A_239, %swap3A_240] {strides = array<i32>} : memref<128x64xf32, #tpu.memory_space<vmem>>, vector<1x16xf32>,
          %swap3A_242 = vector.shape_cast %swap3A_241 : vector<1x16xf32> to vector<16xf32>
          %swap3A_243 = vector.shape_cast %get3A_238 : vector<16xf32> to vector<1x16xf32>
          tpu.vector_store %arg12[%swap3A_239, %swap3A_240], %swap3A_243 {add = true, strides = array<i32>} : memref<128x64xf32, #tpu.memory_space<vmem>>, vector<1x16xf32>,
          %get3A_244 = arith.index_cast %scan3A_225 : i32 to index
          %get3A_245 = arith.constant 32 : index
          %get3A_246 = tpu.vector_load %arg9[%get3A_244, %get3A_245] {strides = array<i32>} : memref<128x128xf32, #tpu.memory_space<vmem>>, vector<1x16xf32>,
          %get3A_247 = vector.shape_cast %get3A_246 : vector<1x16xf32> to vector<16xf32>
          %swap3A_248 = arith.index_cast %scan3A_225 : i32 to index
          %swap3A_249 = arith.constant 32 : index
          %swap3A_250 = tpu.vector_load %arg12[%swap3A_248, %swap3A_249] {strides = array<i32>} : memref<128x64xf32, #tpu.memory_space<vmem>>, vector<1x16xf32>,
          %swap3A_251 = vector.shape_cast %swap3A_250 : vector<1x16xf32> to vector<16xf32>
          %swap3A_252 = vector.shape_cast %get3A_247 : vector<16xf32> to vector<1x16xf32>
          tpu.vector_store %arg12[%swap3A_248, %swap3A_249], %swap3A_252 {add = true, strides = array<i32>} : memref<128x64xf32, #tpu.memory_space<vmem>>, vector<1x16xf32>,
          %get3A_253 = arith.index_cast %scan3A_225 : i32 to index
          %get3A_254 = arith.constant 48 : index
          %get3A_255 = tpu.vector_load %arg9[%get3A_253, %get3A_254] {strides = array<i32>} : memref<128x128xf32, #tpu.memory_space<vmem>>, vector<1x16xf32>,
          %get3A_256 = vector.shape_cast %get3A_255 : vector<1x16xf32> to vector<16xf32>
          %swap3A_257 = arith.index_cast %scan3A_225 : i32 to index
          %swap3A_258 = arith.constant 48 : index
          %swap3A_259 = tpu.vector_load %arg12[%swap3A_257, %swap3A_258] {strides = array<i32>} : memref<128x64xf32, #tpu.memory_space<vmem>>, vector<1x16xf32>,
          %swap3A_260 = vector.shape_cast %swap3A_259 : vector<1x16xf32> to vector<16xf32>
          %swap3A_261 = vector.shape_cast %get3A_256 : vector<16xf32> to vector<1x16xf32>
          tpu.vector_store %arg12[%swap3A_257, %swap3A_258], %swap3A_261 {add = true, strides = array<i32>} : memref<128x64xf32, #tpu.memory_space<vmem>>, vector<1x16xf32>,
        }
        %scan3A_105 = arith.constant 128 : i32
        %mul3A_106 = arith.constant 128 : i32
        %mul3A_107 = arith.muli %scan3A_46, %mul3A_106 : i32
        %add3A_108 = arith.addi %mul3A_2, %mul3A_107 : i32
        %dma_start3A_109 = arith.constant 0 : i32
        %dma_start3A_110 = tpu.memref_slice %arg6[%add3A_108, %dma_start3A_109] : memref<204800x64xf32, #tpu.memory_space<hbm>> -> memref<128x64xf32, #tpu.memory_space<hbm>>
        %dma_start3A_111 = arith.constant 0 : i32
        %dma_start3A_112 = tpu.memref_slice %arg6[%add3A_108, %dma_start3A_111] : memref<204800x64xf32, #tpu.memory_space<hbm>> -> memref<128x64xf32, #tpu.memory_space<hbm>>
        tpu.enqueue_dma source(%arg12 : memref<128x64xf32, #tpu.memory_space<vmem>>) target(%dma_start3A_112 : memref<128x64xf32, #tpu.memory_space<hbm>>) target_semaphore(%arg21 : memref<!tpu.dma_semaphore, #tpu.memory_space<semaphore_mem>>)
      } else {
      }
      %eq3A_78 = arith.constant 1 : i32
      %eq3A_79 = arith.cmpi eq, %rem3A_47, %eq3A_78 : i32
      %convert_element_type3A_80 = arith.extui %eq3A_79 : i1 to i32
      %cond3A_81 = arith.constant 0 : i32
      %cond3A_82 = arith.cmpi ne, %convert_element_type3A_80, %cond3A_81 : i32
      scf.if %cond3A_82 {
        %dma_wait3A_88 = arith.constant 0 : i32
        %dma_wait3A_89 = arith.constant 0 : i32
        %dma_wait3A_90 = tpu.memref_slice %arg4[%dma_wait3A_88, %dma_wait3A_89] : memref<1000000x64xf32, #tpu.memory_space<hbm>> -> memref<128x64xf32, #tpu.memory_space<hbm>>
        %dma_wait3A_91 = arith.constant 0 : i32
        %dma_wait3A_92 = arith.constant 0 : i32
        %dma_wait3A_93 = tpu.memref_slice %arg4[%dma_wait3A_91, %dma_wait3A_92] : memref<1000000x64xf32, #tpu.memory_space<hbm>> -> memref<128x64xf32, #tpu.memory_space<hbm>>
        tpu.wait_dma2 semaphore(%arg19 : memref<!tpu.dma_semaphore, #tpu.memory_space<semaphore_mem>>) src(%dma_wait3A_93 : memref<128x64xf32, #tpu.memory_space<hbm>>) dst(%arg13 : memref<128x64xf32, #tpu.memory_space<vmem>>)
        %dma_wait3A_94 = arith.constant 0 : i32
        %dma_wait3A_95 = arith.constant 0 : i32
        %dma_wait3A_96 = tpu.memref_slice %arg5[%dma_wait3A_94, %dma_wait3A_95] : memref<12800x128xf32, #tpu.memory_space<hbm>> -> memref<128x128xf32, #tpu.memory_space<hbm>>
        %dma_wait3A_97 = arith.constant 0 : i32
        %dma_wait3A_98 = arith.constant 0 : i32
        %dma_wait3A_99 = tpu.memref_slice %arg5[%dma_wait3A_97, %dma_wait3A_98] : memref<12800x128xf32, #tpu.memory_space<hbm>> -> memref<128x128xf32, #tpu.memory_space<hbm>>
        tpu.wait_dma2 semaphore(%arg16 : memref<!tpu.dma_semaphore, #tpu.memory_space<semaphore_mem>>) src(%dma_wait3A_99 : memref<128x128xf32, #tpu.memory_space<hbm>>) dst(%arg10 : memref<128x128xf32, #tpu.memory_space<vmem>>)
        %scan3A_100 = arith.constant 0 : i32
        %scan3A_101 = arith.constant 0 : i32
        %scan3A_102 = arith.constant 128 : i32
        %scan3A_103 = arith.addi %scan3A_101, %scan3A_102 : i32
        %scan3A_104 = arith.constant 4 : i32
        scf.for %scan3A_113 = %scan3A_101 to %scan3A_103 step %scan3A_104  : i32 {
          %get3A = arith.index_cast %scan3A_113 : i32 to index
          %get3A_114 = arith.constant 0 : index
          %get3A_115 = tpu.vector_load %arg10[%get3A, %get3A_114] {strides = array<i32>} : memref<128x128xf32, #tpu.memory_space<vmem>>, vector<1x16xf32>,
          %get3A_116 = vector.shape_cast %get3A_115 : vector<1x16xf32> to vector<16xf32>
          %swap3A = arith.index_cast %scan3A_113 : i32 to index
          %swap3A_117 = arith.constant 0 : index
          %swap3A_118 = tpu.vector_load %arg13[%swap3A, %swap3A_117] {strides = array<i32>} : memref<128x64xf32, #tpu.memory_space<vmem>>, vector<1x16xf32>,
          %swap3A_119 = vector.shape_cast %swap3A_118 : vector<1x16xf32> to vector<16xf32>
          %swap3A_120 = vector.shape_cast %get3A_116 : vector<16xf32> to vector<1x16xf32>
          tpu.vector_store %arg13[%swap3A, %swap3A_117], %swap3A_120 {add = true, strides = array<i32>} : memref<128x64xf32, #tpu.memory_space<vmem>>, vector<1x16xf32>,
          %get3A_121 = arith.index_cast %scan3A_113 : i32 to index
          %get3A_122 = arith.constant 16 : index
          %get3A_123 = tpu.vector_load %arg10[%get3A_121, %get3A_122] {strides = array<i32>} : memref<128x128xf32, #tpu.memory_space<vmem>>, vector<1x16xf32>,
          %get3A_124 = vector.shape_cast %get3A_123 : vector<1x16xf32> to vector<16xf32>
          %swap3A_125 = arith.index_cast %scan3A_113 : i32 to index
          %swap3A_126 = arith.constant 16 : index
          %swap3A_127 = tpu.vector_load %arg13[%swap3A_125, %swap3A_126] {strides = array<i32>} : memref<128x64xf32, #tpu.memory_space<vmem>>, vector<1x16xf32>,
          %swap3A_128 = vector.shape_cast %swap3A_127 : vector<1x16xf32> to vector<16xf32>
          %swap3A_129 = vector.shape_cast %get3A_124 : vector<16xf32> to vector<1x16xf32>
          tpu.vector_store %arg13[%swap3A_125, %swap3A_126], %swap3A_129 {add = true, strides = array<i32>} : memref<128x64xf32, #tpu.memory_space<vmem>>, vector<1x16xf32>,
          %get3A_130 = arith.index_cast %scan3A_113 : i32 to index
          %get3A_131 = arith.constant 32 : index
          %get3A_132 = tpu.vector_load %arg10[%get3A_130, %get3A_131] {strides = array<i32>} : memref<128x128xf32, #tpu.memory_space<vmem>>, vector<1x16xf32>,
          %get3A_133 = vector.shape_cast %get3A_132 : vector<1x16xf32> to vector<16xf32>
          %swap3A_134 = arith.index_cast %scan3A_113 : i32 to index
          %swap3A_135 = arith.constant 32 : index
          %swap3A_136 = tpu.vector_load %arg13[%swap3A_134, %swap3A_135] {strides = array<i32>} : memref<128x64xf32, #tpu.memory_space<vmem>>, vector<1x16xf32>,
          %swap3A_137 = vector.shape_cast %swap3A_136 : vector<1x16xf32> to vector<16xf32>
          %swap3A_138 = vector.shape_cast %get3A_133 : vector<16xf32> to vector<1x16xf32>
          tpu.vector_store %arg13[%swap3A_134, %swap3A_135], %swap3A_138 {add = true, strides = array<i32>} : memref<128x64xf32, #tpu.memory_space<vmem>>, vector<1x16xf32>,
          %get3A_139 = arith.index_cast %scan3A_113 : i32 to index
          %get3A_140 = arith.constant 48 : index
          %get3A_141 = tpu.vector_load %arg10[%get3A_139, %get3A_140] {strides = array<i32>} : memref<128x128xf32, #tpu.memory_space<vmem>>, vector<1x16xf32>,
          %get3A_142 = vector.shape_cast %get3A_141 : vector<1x16xf32> to vector<16xf32>
          %swap3A_143 = arith.index_cast %scan3A_113 : i32 to index
          %swap3A_144 = arith.constant 48 : index
          %swap3A_145 = tpu.vector_load %arg13[%swap3A_143, %swap3A_144] {strides = array<i32>} : memref<128x64xf32, #tpu.memory_space<vmem>>, vector<1x16xf32>,
          %swap3A_146 = vector.shape_cast %swap3A_145 : vector<1x16xf32> to vector<16xf32>
          %swap3A_147 = vector.shape_cast %get3A_142 : vector<16xf32> to vector<1x16xf32>
          tpu.vector_store %arg13[%swap3A_143, %swap3A_144], %swap3A_147 {add = true, strides = array<i32>} : memref<128x64xf32, #tpu.memory_space<vmem>>, vector<1x16xf32>,
          %scan3A_148 = arith.constant 1 : i32
          %scan3A_149 = arith.addi %scan3A_113, %scan3A_148 : i32
          %get3A_150 = arith.index_cast %scan3A_149 : i32 to index
          %get3A_151 = arith.constant 0 : index
          %get3A_152 = tpu.vector_load %arg10[%get3A_150, %get3A_151] {strides = array<i32>} : memref<128x128xf32, #tpu.memory_space<vmem>>, vector<1x16xf32>,
          %get3A_153 = vector.shape_cast %get3A_152 : vector<1x16xf32> to vector<16xf32>
          %swap3A_154 = arith.index_cast %scan3A_149 : i32 to index
          %swap3A_155 = arith.constant 0 : index
          %swap3A_156 = tpu.vector_load %arg13[%swap3A_154, %swap3A_155] {strides = array<i32>} : memref<128x64xf32, #tpu.memory_space<vmem>>, vector<1x16xf32>,
          %swap3A_157 = vector.shape_cast %swap3A_156 : vector<1x16xf32> to vector<16xf32>
          %swap3A_158 = vector.shape_cast %get3A_153 : vector<16xf32> to vector<1x16xf32>
          tpu.vector_store %arg13[%swap3A_154, %swap3A_155], %swap3A_158 {add = true, strides = array<i32>} : memref<128x64xf32, #tpu.memory_space<vmem>>, vector<1x16xf32>,
          %get3A_159 = arith.index_cast %scan3A_149 : i32 to index
          %get3A_160 = arith.constant 16 : index
          %get3A_161 = tpu.vector_load %arg10[%get3A_159, %get3A_160] {strides = array<i32>} : memref<128x128xf32, #tpu.memory_space<vmem>>, vector<1x16xf32>,
          %get3A_162 = vector.shape_cast %get3A_161 : vector<1x16xf32> to vector<16xf32>
          %swap3A_163 = arith.index_cast %scan3A_149 : i32 to index
          %swap3A_164 = arith.constant 16 : index
          %swap3A_165 = tpu.vector_load %arg13[%swap3A_163, %swap3A_164] {strides = array<i32>} : memref<128x64xf32, #tpu.memory_space<vmem>>, vector<1x16xf32>,
          %swap3A_166 = vector.shape_cast %swap3A_165 : vector<1x16xf32> to vector<16xf32>
          %swap3A_167 = vector.shape_cast %get3A_162 : vector<16xf32> to vector<1x16xf32>
          tpu.vector_store %arg13[%swap3A_163, %swap3A_164], %swap3A_167 {add = true, strides = array<i32>} : memref<128x64xf32, #tpu.memory_space<vmem>>, vector<1x16xf32>,
          %get3A_168 = arith.index_cast %scan3A_149 : i32 to index
          %get3A_169 = arith.constant 32 : index
          %get3A_170 = tpu.vector_load %arg10[%get3A_168, %get3A_169] {strides = array<i32>} : memref<128x128xf32, #tpu.memory_space<vmem>>, vector<1x16xf32>,
          %get3A_171 = vector.shape_cast %get3A_170 : vector<1x16xf32> to vector<16xf32>
          %swap3A_172 = arith.index_cast %scan3A_149 : i32 to index
          %swap3A_173 = arith.constant 32 : index
          %swap3A_174 = tpu.vector_load %arg13[%swap3A_172, %swap3A_173] {strides = array<i32>} : memref<128x64xf32, #tpu.memory_space<vmem>>, vector<1x16xf32>,
          %swap3A_175 = vector.shape_cast %swap3A_174 : vector<1x16xf32> to vector<16xf32>
          %swap3A_176 = vector.shape_cast %get3A_171 : vector<16xf32> to vector<1x16xf32>
          tpu.vector_store %arg13[%swap3A_172, %swap3A_173], %swap3A_176 {add = true, strides = array<i32>} : memref<128x64xf32, #tpu.memory_space<vmem>>, vector<1x16xf32>,
          %get3A_177 = arith.index_cast %scan3A_149 : i32 to index
          %get3A_178 = arith.constant 48 : index
          %get3A_179 = tpu.vector_load %arg10[%get3A_177, %get3A_178] {strides = array<i32>} : memref<128x128xf32, #tpu.memory_space<vmem>>, vector<1x16xf32>,
          %get3A_180 = vector.shape_cast %get3A_179 : vector<1x16xf32> to vector<16xf32>
          %swap3A_181 = arith.index_cast %scan3A_149 : i32 to index
          %swap3A_182 = arith.constant 48 : index
          %swap3A_183 = tpu.vector_load %arg13[%swap3A_181, %swap3A_182] {strides = array<i32>} : memref<128x64xf32, #tpu.memory_space<vmem>>, vector<1x16xf32>,
          %swap3A_184 = vector.shape_cast %swap3A_183 : vector<1x16xf32> to vector<16xf32>
          %swap3A_185 = vector.shape_cast %get3A_180 : vector<16xf32> to vector<1x16xf32>
          tpu.vector_store %arg13[%swap3A_181, %swap3A_182], %swap3A_185 {add = true, strides = array<i32>} : memref<128x64xf32, #tpu.memory_space<vmem>>, vector<1x16xf32>,
          %scan3A_186 = arith.constant 2 : i32
          %scan3A_187 = arith.addi %scan3A_113, %scan3A_186 : i32
          %get3A_188 = arith.index_cast %scan3A_187 : i32 to index
          %get3A_189 = arith.constant 0 : index
          %get3A_190 = tpu.vector_load %arg10[%get3A_188, %get3A_189] {strides = array<i32>} : memref<128x128xf32, #tpu.memory_space<vmem>>, vector<1x16xf32>,
          %get3A_191 = vector.shape_cast %get3A_190 : vector<1x16xf32> to vector<16xf32>
          %swap3A_192 = arith.index_cast %scan3A_187 : i32 to index
          %swap3A_193 = arith.constant 0 : index
          %swap3A_194 = tpu.vector_load %arg13[%swap3A_192, %swap3A_193] {strides = array<i32>} : memref<128x64xf32, #tpu.memory_space<vmem>>, vector<1x16xf32>,
          %swap3A_195 = vector.shape_cast %swap3A_194 : vector<1x16xf32> to vector<16xf32>
          %swap3A_196 = vector.shape_cast %get3A_191 : vector<16xf32> to vector<1x16xf32>
          tpu.vector_store %arg13[%swap3A_192, %swap3A_193], %swap3A_196 {add = true, strides = array<i32>} : memref<128x64xf32, #tpu.memory_space<vmem>>, vector<1x16xf32>,
          %get3A_197 = arith.index_cast %scan3A_187 : i32 to index
          %get3A_198 = arith.constant 16 : index
          %get3A_199 = tpu.vector_load %arg10[%get3A_197, %get3A_198] {strides = array<i32>} : memref<128x128xf32, #tpu.memory_space<vmem>>, vector<1x16xf32>,
          %get3A_200 = vector.shape_cast %get3A_199 : vector<1x16xf32> to vector<16xf32>
          %swap3A_201 = arith.index_cast %scan3A_187 : i32 to index
          %swap3A_202 = arith.constant 16 : index
          %swap3A_203 = tpu.vector_load %arg13[%swap3A_201, %swap3A_202] {strides = array<i32>} : memref<128x64xf32, #tpu.memory_space<vmem>>, vector<1x16xf32>,
          %swap3A_204 = vector.shape_cast %swap3A_203 : vector<1x16xf32> to vector<16xf32>
          %swap3A_205 = vector.shape_cast %get3A_200 : vector<16xf32> to vector<1x16xf32>
          tpu.vector_store %arg13[%swap3A_201, %swap3A_202], %swap3A_205 {add = true, strides = array<i32>} : memref<128x64xf32, #tpu.memory_space<vmem>>, vector<1x16xf32>,
          %get3A_206 = arith.index_cast %scan3A_187 : i32 to index
          %get3A_207 = arith.constant 32 : index
          %get3A_208 = tpu.vector_load %arg10[%get3A_206, %get3A_207] {strides = array<i32>} : memref<128x128xf32, #tpu.memory_space<vmem>>, vector<1x16xf32>,
          %get3A_209 = vector.shape_cast %get3A_208 : vector<1x16xf32> to vector<16xf32>
          %swap3A_210 = arith.index_cast %scan3A_187 : i32 to index
          %swap3A_211 = arith.constant 32 : index
          %swap3A_212 = tpu.vector_load %arg13[%swap3A_210, %swap3A_211] {strides = array<i32>} : memref<128x64xf32, #tpu.memory_space<vmem>>, vector<1x16xf32>,
          %swap3A_213 = vector.shape_cast %swap3A_212 : vector<1x16xf32> to vector<16xf32>
          %swap3A_214 = vector.shape_cast %get3A_209 : vector<16xf32> to vector<1x16xf32>
          tpu.vector_store %arg13[%swap3A_210, %swap3A_211], %swap3A_214 {add = true, strides = array<i32>} : memref<128x64xf32, #tpu.memory_space<vmem>>, vector<1x16xf32>,
          %get3A_215 = arith.index_cast %scan3A_187 : i32 to index
          %get3A_216 = arith.constant 48 : index
          %get3A_217 = tpu.vector_load %arg10[%get3A_215, %get3A_216] {strides = array<i32>} : memref<128x128xf32, #tpu.memory_space<vmem>>, vector<1x16xf32>,
          %get3A_218 = vector.shape_cast %get3A_217 : vector<1x16xf32> to vector<16xf32>
          %swap3A_219 = arith.index_cast %scan3A_187 : i32 to index
          %swap3A_220 = arith.constant 48 : index
          %swap3A_221 = tpu.vector_load %arg13[%swap3A_219, %swap3A_220] {strides = array<i32>} : memref<128x64xf32, #tpu.memory_space<vmem>>, vector<1x16xf32>,
          %swap3A_222 = vector.shape_cast %swap3A_221 : vector<1x16xf32> to vector<16xf32>
          %swap3A_223 = vector.shape_cast %get3A_218 : vector<16xf32> to vector<1x16xf32>
          tpu.vector_store %arg13[%swap3A_219, %swap3A_220], %swap3A_223 {add = true, strides = array<i32>} : memref<128x64xf32, #tpu.memory_space<vmem>>, vector<1x16xf32>,
          %scan3A_224 = arith.constant 3 : i32
          %scan3A_225 = arith.addi %scan3A_113, %scan3A_224 : i32
          %get3A_226 = arith.index_cast %scan3A_225 : i32 to index
          %get3A_227 = arith.constant 0 : index
          %get3A_228 = tpu.vector_load %arg10[%get3A_226, %get3A_227] {strides = array<i32>} : memref<128x128xf32, #tpu.memory_space<vmem>>, vector<1x16xf32>,
          %get3A_229 = vector.shape_cast %get3A_228 : vector<1x16xf32> to vector<16xf32>
          %swap3A_230 = arith.index_cast %scan3A_225 : i32 to index
          %swap3A_231 = arith.constant 0 : index
          %swap3A_232 = tpu.vector_load %arg13[%swap3A_230, %swap3A_231] {strides = array<i32>} : memref<128x64xf32, #tpu.memory_space<vmem>>, vector<1x16xf32>,
          %swap3A_233 = vector.shape_cast %swap3A_232 : vector<1x16xf32> to vector<16xf32>
          %swap3A_234 = vector.shape_cast %get3A_229 : vector<16xf32> to vector<1x16xf32>
          tpu.vector_store %arg13[%swap3A_230, %swap3A_231], %swap3A_234 {add = true, strides = array<i32>} : memref<128x64xf32, #tpu.memory_space<vmem>>, vector<1x16xf32>,
          %get3A_235 = arith.index_cast %scan3A_225 : i32 to index
          %get3A_236 = arith.constant 16 : index
          %get3A_237 = tpu.vector_load %arg10[%get3A_235, %get3A_236] {strides = array<i32>} : memref<128x128xf32, #tpu.memory_space<vmem>>, vector<1x16xf32>,
          %get3A_238 = vector.shape_cast %get3A_237 : vector<1x16xf32> to vector<16xf32>
          %swap3A_239 = arith.index_cast %scan3A_225 : i32 to index
          %swap3A_240 = arith.constant 16 : index
          %swap3A_241 = tpu.vector_load %arg13[%swap3A_239, %swap3A_240] {strides = array<i32>} : memref<128x64xf32, #tpu.memory_space<vmem>>, vector<1x16xf32>,
          %swap3A_242 = vector.shape_cast %swap3A_241 : vector<1x16xf32> to vector<16xf32>
          %swap3A_243 = vector.shape_cast %get3A_238 : vector<16xf32> to vector<1x16xf32>
          tpu.vector_store %arg13[%swap3A_239, %swap3A_240], %swap3A_243 {add = true, strides = array<i32>} : memref<128x64xf32, #tpu.memory_space<vmem>>, vector<1x16xf32>,
          %get3A_244 = arith.index_cast %scan3A_225 : i32 to index
          %get3A_245 = arith.constant 32 : index
          %get3A_246 = tpu.vector_load %arg10[%get3A_244, %get3A_245] {strides = array<i32>} : memref<128x128xf32, #tpu.memory_space<vmem>>, vector<1x16xf32>,
          %get3A_247 = vector.shape_cast %get3A_246 : vector<1x16xf32> to vector<16xf32>
          %swap3A_248 = arith.index_cast %scan3A_225 : i32 to index
          %swap3A_249 = arith.constant 32 : index
          %swap3A_250 = tpu.vector_load %arg13[%swap3A_248, %swap3A_249] {strides = array<i32>} : memref<128x64xf32, #tpu.memory_space<vmem>>, vector<1x16xf32>,
          %swap3A_251 = vector.shape_cast %swap3A_250 : vector<1x16xf32> to vector<16xf32>
          %swap3A_252 = vector.shape_cast %get3A_247 : vector<16xf32> to vector<1x16xf32>
          tpu.vector_store %arg13[%swap3A_248, %swap3A_249], %swap3A_252 {add = true, strides = array<i32>} : memref<128x64xf32, #tpu.memory_space<vmem>>, vector<1x16xf32>,
          %get3A_253 = arith.index_cast %scan3A_225 : i32 to index
          %get3A_254 = arith.constant 48 : index
          %get3A_255 = tpu.vector_load %arg10[%get3A_253, %get3A_254] {strides = array<i32>} : memref<128x128xf32, #tpu.memory_space<vmem>>, vector<1x16xf32>,
          %get3A_256 = vector.shape_cast %get3A_255 : vector<1x16xf32> to vector<16xf32>
          %swap3A_257 = arith.index_cast %scan3A_225 : i32 to index
          %swap3A_258 = arith.constant 48 : index
          %swap3A_259 = tpu.vector_load %arg13[%swap3A_257, %swap3A_258] {strides = array<i32>} : memref<128x64xf32, #tpu.memory_space<vmem>>, vector<1x16xf32>,
          %swap3A_260 = vector.shape_cast %swap3A_259 : vector<1x16xf32> to vector<16xf32>
          %swap3A_261 = vector.shape_cast %get3A_256 : vector<16xf32> to vector<1x16xf32>
          tpu.vector_store %arg13[%swap3A_257, %swap3A_258], %swap3A_261 {add = true, strides = array<i32>} : memref<128x64xf32, #tpu.memory_space<vmem>>, vector<1x16xf32>,
        }
        %scan3A_105 = arith.constant 128 : i32
        %mul3A_106 = arith.constant 128 : i32
        %mul3A_107 = arith.muli %scan3A_46, %mul3A_106 : i32
        %add3A_108 = arith.addi %mul3A_2, %mul3A_107 : i32
        %dma_start3A_109 = arith.constant 0 : i32
        %dma_start3A_110 = tpu.memref_slice %arg6[%add3A_108, %dma_start3A_109] : memref<204800x64xf32, #tpu.memory_space<hbm>> -> memref<128x64xf32, #tpu.memory_space<hbm>>
        %dma_start3A_111 = arith.constant 0 : i32
        %dma_start3A_112 = tpu.memref_slice %arg6[%add3A_108, %dma_start3A_111] : memref<204800x64xf32, #tpu.memory_space<hbm>> -> memref<128x64xf32, #tpu.memory_space<hbm>>
        tpu.enqueue_dma source(%arg13 : memref<128x64xf32, #tpu.memory_space<vmem>>) target(%dma_start3A_112 : memref<128x64xf32, #tpu.memory_space<hbm>>) target_semaphore(%arg22 : memref<!tpu.dma_semaphore, #tpu.memory_space<semaphore_mem>>)
      } else {
      }
      %eq3A_83 = arith.constant 2 : i32
      %eq3A_84 = arith.cmpi eq, %rem3A_47, %eq3A_83 : i32
      %convert_element_type3A_85 = arith.extui %eq3A_84 : i1 to i32
      %cond3A_86 = arith.constant 0 : i32
      %cond3A_87 = arith.cmpi ne, %convert_element_type3A_85, %cond3A_86 : i32
      scf.if %cond3A_87 {
        %dma_wait3A_88 = arith.constant 0 : i32
        %dma_wait3A_89 = arith.constant 0 : i32
        %dma_wait3A_90 = tpu.memref_slice %arg4[%dma_wait3A_88, %dma_wait3A_89] : memref<1000000x64xf32, #tpu.memory_space<hbm>> -> memref<128x64xf32, #tpu.memory_space<hbm>>
        %dma_wait3A_91 = arith.constant 0 : i32
        %dma_wait3A_92 = arith.constant 0 : i32
        %dma_wait3A_93 = tpu.memref_slice %arg4[%dma_wait3A_91, %dma_wait3A_92] : memref<1000000x64xf32, #tpu.memory_space<hbm>> -> memref<128x64xf32, #tpu.memory_space<hbm>>
        tpu.wait_dma2 semaphore(%arg20 : memref<!tpu.dma_semaphore, #tpu.memory_space<semaphore_mem>>) src(%dma_wait3A_93 : memref<128x64xf32, #tpu.memory_space<hbm>>) dst(%arg14 : memref<128x64xf32, #tpu.memory_space<vmem>>)
        %dma_wait3A_94 = arith.constant 0 : i32
        %dma_wait3A_95 = arith.constant 0 : i32
        %dma_wait3A_96 = tpu.memref_slice %arg5[%dma_wait3A_94, %dma_wait3A_95] : memref<12800x128xf32, #tpu.memory_space<hbm>> -> memref<128x128xf32, #tpu.memory_space<hbm>>
        %dma_wait3A_97 = arith.constant 0 : i32
        %dma_wait3A_98 = arith.constant 0 : i32
        %dma_wait3A_99 = tpu.memref_slice %arg5[%dma_wait3A_97, %dma_wait3A_98] : memref<12800x128xf32, #tpu.memory_space<hbm>> -> memref<128x128xf32, #tpu.memory_space<hbm>>
        tpu.wait_dma2 semaphore(%arg17 : memref<!tpu.dma_semaphore, #tpu.memory_space<semaphore_mem>>) src(%dma_wait3A_99 : memref<128x128xf32, #tpu.memory_space<hbm>>) dst(%arg11 : memref<128x128xf32, #tpu.memory_space<vmem>>)
        %scan3A_100 = arith.constant 0 : i32
        %scan3A_101 = arith.constant 0 : i32
        %scan3A_102 = arith.constant 128 : i32
        %scan3A_103 = arith.addi %scan3A_101, %scan3A_102 : i32
        %scan3A_104 = arith.constant 4 : i32
        scf.for %scan3A_113 = %scan3A_101 to %scan3A_103 step %scan3A_104  : i32 {
          %get3A = arith.index_cast %scan3A_113 : i32 to index
          %get3A_114 = arith.constant 0 : index
          %get3A_115 = tpu.vector_load %arg11[%get3A, %get3A_114] {strides = array<i32>} : memref<128x128xf32, #tpu.memory_space<vmem>>, vector<1x16xf32>,
          %get3A_116 = vector.shape_cast %get3A_115 : vector<1x16xf32> to vector<16xf32>
          %swap3A = arith.index_cast %scan3A_113 : i32 to index
          %swap3A_117 = arith.constant 0 : index
          %swap3A_118 = tpu.vector_load %arg14[%swap3A, %swap3A_117] {strides = array<i32>} : memref<128x64xf32, #tpu.memory_space<vmem>>, vector<1x16xf32>,
          %swap3A_119 = vector.shape_cast %swap3A_118 : vector<1x16xf32> to vector<16xf32>
          %swap3A_120 = vector.shape_cast %get3A_116 : vector<16xf32> to vector<1x16xf32>
          tpu.vector_store %arg14[%swap3A, %swap3A_117], %swap3A_120 {add = true, strides = array<i32>} : memref<128x64xf32, #tpu.memory_space<vmem>>, vector<1x16xf32>,
          %get3A_121 = arith.index_cast %scan3A_113 : i32 to index
          %get3A_122 = arith.constant 16 : index
          %get3A_123 = tpu.vector_load %arg11[%get3A_121, %get3A_122] {strides = array<i32>} : memref<128x128xf32, #tpu.memory_space<vmem>>, vector<1x16xf32>,
          %get3A_124 = vector.shape_cast %get3A_123 : vector<1x16xf32> to vector<16xf32>
          %swap3A_125 = arith.index_cast %scan3A_113 : i32 to index
          %swap3A_126 = arith.constant 16 : index
          %swap3A_127 = tpu.vector_load %arg14[%swap3A_125, %swap3A_126] {strides = array<i32>} : memref<128x64xf32, #tpu.memory_space<vmem>>, vector<1x16xf32>,
          %swap3A_128 = vector.shape_cast %swap3A_127 : vector<1x16xf32> to vector<16xf32>
          %swap3A_129 = vector.shape_cast %get3A_124 : vector<16xf32> to vector<1x16xf32>
          tpu.vector_store %arg14[%swap3A_125, %swap3A_126], %swap3A_129 {add = true, strides = array<i32>} : memref<128x64xf32, #tpu.memory_space<vmem>>, vector<1x16xf32>,
          %get3A_130 = arith.index_cast %scan3A_113 : i32 to index
          %get3A_131 = arith.constant 32 : index
          %get3A_132 = tpu.vector_load %arg11[%get3A_130, %get3A_131] {strides = array<i32>} : memref<128x128xf32, #tpu.memory_space<vmem>>, vector<1x16xf32>,
          %get3A_133 = vector.shape_cast %get3A_132 : vector<1x16xf32> to vector<16xf32>
          %swap3A_134 = arith.index_cast %scan3A_113 : i32 to index
          %swap3A_135 = arith.constant 32 : index
          %swap3A_136 = tpu.vector_load %arg14[%swap3A_134, %swap3A_135] {strides = array<i32>} : memref<128x64xf32, #tpu.memory_space<vmem>>, vector<1x16xf32>,
          %swap3A_137 = vector.shape_cast %swap3A_136 : vector<1x16xf32> to vector<16xf32>
          %swap3A_138 = vector.shape_cast %get3A_133 : vector<16xf32> to vector<1x16xf32>
          tpu.vector_store %arg14[%swap3A_134, %swap3A_135], %swap3A_138 {add = true, strides = array<i32>} : memref<128x64xf32, #tpu.memory_space<vmem>>, vector<1x16xf32>,
          %get3A_139 = arith.index_cast %scan3A_113 : i32 to index
          %get3A_140 = arith.constant 48 : index
          %get3A_141 = tpu.vector_load %arg11[%get3A_139, %get3A_140] {strides = array<i32>} : memref<128x128xf32, #tpu.memory_space<vmem>>, vector<1x16xf32>,
          %get3A_142 = vector.shape_cast %get3A_141 : vector<1x16xf32> to vector<16xf32>
          %swap3A_143 = arith.index_cast %scan3A_113 : i32 to index
          %swap3A_144 = arith.constant 48 : index
          %swap3A_145 = tpu.vector_load %arg14[%swap3A_143, %swap3A_144] {strides = array<i32>} : memref<128x64xf32, #tpu.memory_space<vmem>>, vector<1x16xf32>,
          %swap3A_146 = vector.shape_cast %swap3A_145 : vector<1x16xf32> to vector<16xf32>
          %swap3A_147 = vector.shape_cast %get3A_142 : vector<16xf32> to vector<1x16xf32>
          tpu.vector_store %arg14[%swap3A_143, %swap3A_144], %swap3A_147 {add = true, strides = array<i32>} : memref<128x64xf32, #tpu.memory_space<vmem>>, vector<1x16xf32>,
          %scan3A_148 = arith.constant 1 : i32
          %scan3A_149 = arith.addi %scan3A_113, %scan3A_148 : i32
          %get3A_150 = arith.index_cast %scan3A_149 : i32 to index
          %get3A_151 = arith.constant 0 : index
          %get3A_152 = tpu.vector_load %arg11[%get3A_150, %get3A_151] {strides = array<i32>} : memref<128x128xf32, #tpu.memory_space<vmem>>, vector<1x16xf32>,
          %get3A_153 = vector.shape_cast %get3A_152 : vector<1x16xf32> to vector<16xf32>
          %swap3A_154 = arith.index_cast %scan3A_149 : i32 to index
          %swap3A_155 = arith.constant 0 : index
          %swap3A_156 = tpu.vector_load %arg14[%swap3A_154, %swap3A_155] {strides = array<i32>} : memref<128x64xf32, #tpu.memory_space<vmem>>, vector<1x16xf32>,
          %swap3A_157 = vector.shape_cast %swap3A_156 : vector<1x16xf32> to vector<16xf32>
          %swap3A_158 = vector.shape_cast %get3A_153 : vector<16xf32> to vector<1x16xf32>
          tpu.vector_store %arg14[%swap3A_154, %swap3A_155], %swap3A_158 {add = true, strides = array<i32>} : memref<128x64xf32, #tpu.memory_space<vmem>>, vector<1x16xf32>,
          %get3A_159 = arith.index_cast %scan3A_149 : i32 to index
          %get3A_160 = arith.constant 16 : index
          %get3A_161 = tpu.vector_load %arg11[%get3A_159, %get3A_160] {strides = array<i32>} : memref<128x128xf32, #tpu.memory_space<vmem>>, vector<1x16xf32>,
          %get3A_162 = vector.shape_cast %get3A_161 : vector<1x16xf32> to vector<16xf32>
          %swap3A_163 = arith.index_cast %scan3A_149 : i32 to index
          %swap3A_164 = arith.constant 16 : index
          %swap3A_165 = tpu.vector_load %arg14[%swap3A_163, %swap3A_164] {strides = array<i32>} : memref<128x64xf32, #tpu.memory_space<vmem>>, vector<1x16xf32>,
          %swap3A_166 = vector.shape_cast %swap3A_165 : vector<1x16xf32> to vector<16xf32>
          %swap3A_167 = vector.shape_cast %get3A_162 : vector<16xf32> to vector<1x16xf32>
          tpu.vector_store %arg14[%swap3A_163, %swap3A_164], %swap3A_167 {add = true, strides = array<i32>} : memref<128x64xf32, #tpu.memory_space<vmem>>, vector<1x16xf32>,
          %get3A_168 = arith.index_cast %scan3A_149 : i32 to index
          %get3A_169 = arith.constant 32 : index
          %get3A_170 = tpu.vector_load %arg11[%get3A_168, %get3A_169] {strides = array<i32>} : memref<128x128xf32, #tpu.memory_space<vmem>>, vector<1x16xf32>,
          %get3A_171 = vector.shape_cast %get3A_170 : vector<1x16xf32> to vector<16xf32>
          %swap3A_172 = arith.index_cast %scan3A_149 : i32 to index
          %swap3A_173 = arith.constant 32 : index
          %swap3A_174 = tpu.vector_load %arg14[%swap3A_172, %swap3A_173] {strides = array<i32>} : memref<128x64xf32, #tpu.memory_space<vmem>>, vector<1x16xf32>,
          %swap3A_175 = vector.shape_cast %swap3A_174 : vector<1x16xf32> to vector<16xf32>
          %swap3A_176 = vector.shape_cast %get3A_171 : vector<16xf32> to vector<1x16xf32>
          tpu.vector_store %arg14[%swap3A_172, %swap3A_173], %swap3A_176 {add = true, strides = array<i32>} : memref<128x64xf32, #tpu.memory_space<vmem>>, vector<1x16xf32>,
          %get3A_177 = arith.index_cast %scan3A_149 : i32 to index
          %get3A_178 = arith.constant 48 : index
          %get3A_179 = tpu.vector_load %arg11[%get3A_177, %get3A_178] {strides = array<i32>} : memref<128x128xf32, #tpu.memory_space<vmem>>, vector<1x16xf32>,
          %get3A_180 = vector.shape_cast %get3A_179 : vector<1x16xf32> to vector<16xf32>
          %swap3A_181 = arith.index_cast %scan3A_149 : i32 to index
          %swap3A_182 = arith.constant 48 : index
          %swap3A_183 = tpu.vector_load %arg14[%swap3A_181, %swap3A_182] {strides = array<i32>} : memref<128x64xf32, #tpu.memory_space<vmem>>, vector<1x16xf32>,
          %swap3A_184 = vector.shape_cast %swap3A_183 : vector<1x16xf32> to vector<16xf32>
          %swap3A_185 = vector.shape_cast %get3A_180 : vector<16xf32> to vector<1x16xf32>
          tpu.vector_store %arg14[%swap3A_181, %swap3A_182], %swap3A_185 {add = true, strides = array<i32>} : memref<128x64xf32, #tpu.memory_space<vmem>>, vector<1x16xf32>,
          %scan3A_186 = arith.constant 2 : i32
          %scan3A_187 = arith.addi %scan3A_113, %scan3A_186 : i32
          %get3A_188 = arith.index_cast %scan3A_187 : i32 to index
          %get3A_189 = arith.constant 0 : index
          %get3A_190 = tpu.vector_load %arg11[%get3A_188, %get3A_189] {strides = array<i32>} : memref<128x128xf32, #tpu.memory_space<vmem>>, vector<1x16xf32>,
          %get3A_191 = vector.shape_cast %get3A_190 : vector<1x16xf32> to vector<16xf32>
          %swap3A_192 = arith.index_cast %scan3A_187 : i32 to index
          %swap3A_193 = arith.constant 0 : index
          %swap3A_194 = tpu.vector_load %arg14[%swap3A_192, %swap3A_193] {strides = array<i32>} : memref<128x64xf32, #tpu.memory_space<vmem>>, vector<1x16xf32>,
          %swap3A_195 = vector.shape_cast %swap3A_194 : vector<1x16xf32> to vector<16xf32>
          %swap3A_196 = vector.shape_cast %get3A_191 : vector<16xf32> to vector<1x16xf32>
          tpu.vector_store %arg14[%swap3A_192, %swap3A_193], %swap3A_196 {add = true, strides = array<i32>} : memref<128x64xf32, #tpu.memory_space<vmem>>, vector<1x16xf32>,
          %get3A_197 = arith.index_cast %scan3A_187 : i32 to index
          %get3A_198 = arith.constant 16 : index
          %get3A_199 = tpu.vector_load %arg11[%get3A_197, %get3A_198] {strides = array<i32>} : memref<128x128xf32, #tpu.memory_space<vmem>>, vector<1x16xf32>,
          %get3A_200 = vector.shape_cast %get3A_199 : vector<1x16xf32> to vector<16xf32>
          %swap3A_201 = arith.index_cast %scan3A_187 : i32 to index
          %swap3A_202 = arith.constant 16 : index
          %swap3A_203 = tpu.vector_load %arg14[%swap3A_201, %swap3A_202] {strides = array<i32>} : memref<128x64xf32, #tpu.memory_space<vmem>>, vector<1x16xf32>,
          %swap3A_204 = vector.shape_cast %swap3A_203 : vector<1x16xf32> to vector<16xf32>
          %swap3A_205 = vector.shape_cast %get3A_200 : vector<16xf32> to vector<1x16xf32>
          tpu.vector_store %arg14[%swap3A_201, %swap3A_202], %swap3A_205 {add = true, strides = array<i32>} : memref<128x64xf32, #tpu.memory_space<vmem>>, vector<1x16xf32>,
          %get3A_206 = arith.index_cast %scan3A_187 : i32 to index
          %get3A_207 = arith.constant 32 : index
          %get3A_208 = tpu.vector_load %arg11[%get3A_206, %get3A_207] {strides = array<i32>} : memref<128x128xf32, #tpu.memory_space<vmem>>, vector<1x16xf32>,
          %get3A_209 = vector.shape_cast %get3A_208 : vector<1x16xf32> to vector<16xf32>
          %swap3A_210 = arith.index_cast %scan3A_187 : i32 to index
          %swap3A_211 = arith.constant 32 : index
          %swap3A_212 = tpu.vector_load %arg14[%swap3A_210, %swap3A_211] {strides = array<i32>} : memref<128x64xf32, #tpu.memory_space<vmem>>, vector<1x16xf32>,
          %swap3A_213 = vector.shape_cast %swap3A_212 : vector<1x16xf32> to vector<16xf32>
          %swap3A_214 = vector.shape_cast %get3A_209 : vector<16xf32> to vector<1x16xf32>
          tpu.vector_store %arg14[%swap3A_210, %swap3A_211], %swap3A_214 {add = true, strides = array<i32>} : memref<128x64xf32, #tpu.memory_space<vmem>>, vector<1x16xf32>,
          %get3A_215 = arith.index_cast %scan3A_187 : i32 to index
          %get3A_216 = arith.constant 48 : index
          %get3A_217 = tpu.vector_load %arg11[%get3A_215, %get3A_216] {strides = array<i32>} : memref<128x128xf32, #tpu.memory_space<vmem>>, vector<1x16xf32>,
          %get3A_218 = vector.shape_cast %get3A_217 : vector<1x16xf32> to vector<16xf32>
          %swap3A_219 = arith.index_cast %scan3A_187 : i32 to index
          %swap3A_220 = arith.constant 48 : index
          %swap3A_221 = tpu.vector_load %arg14[%swap3A_219, %swap3A_220] {strides = array<i32>} : memref<128x64xf32, #tpu.memory_space<vmem>>, vector<1x16xf32>,
          %swap3A_222 = vector.shape_cast %swap3A_221 : vector<1x16xf32> to vector<16xf32>
          %swap3A_223 = vector.shape_cast %get3A_218 : vector<16xf32> to vector<1x16xf32>
          tpu.vector_store %arg14[%swap3A_219, %swap3A_220], %swap3A_223 {add = true, strides = array<i32>} : memref<128x64xf32, #tpu.memory_space<vmem>>, vector<1x16xf32>,
          %scan3A_224 = arith.constant 3 : i32
          %scan3A_225 = arith.addi %scan3A_113, %scan3A_224 : i32
          %get3A_226 = arith.index_cast %scan3A_225 : i32 to index
          %get3A_227 = arith.constant 0 : index
          %get3A_228 = tpu.vector_load %arg11[%get3A_226, %get3A_227] {strides = array<i32>} : memref<128x128xf32, #tpu.memory_space<vmem>>, vector<1x16xf32>,
          %get3A_229 = vector.shape_cast %get3A_228 : vector<1x16xf32> to vector<16xf32>
          %swap3A_230 = arith.index_cast %scan3A_225 : i32 to index
          %swap3A_231 = arith.constant 0 : index
          %swap3A_232 = tpu.vector_load %arg14[%swap3A_230, %swap3A_231] {strides = array<i32>} : memref<128x64xf32, #tpu.memory_space<vmem>>, vector<1x16xf32>,
          %swap3A_233 = vector.shape_cast %swap3A_232 : vector<1x16xf32> to vector<16xf32>
          %swap3A_234 = vector.shape_cast %get3A_229 : vector<16xf32> to vector<1x16xf32>
          tpu.vector_store %arg14[%swap3A_230, %swap3A_231], %swap3A_234 {add = true, strides = array<i32>} : memref<128x64xf32, #tpu.memory_space<vmem>>, vector<1x16xf32>,
          %get3A_235 = arith.index_cast %scan3A_225 : i32 to index
          %get3A_236 = arith.constant 16 : index
          %get3A_237 = tpu.vector_load %arg11[%get3A_235, %get3A_236] {strides = array<i32>} : memref<128x128xf32, #tpu.memory_space<vmem>>, vector<1x16xf32>,
          %get3A_238 = vector.shape_cast %get3A_237 : vector<1x16xf32> to vector<16xf32>
          %swap3A_239 = arith.index_cast %scan3A_225 : i32 to index
          %swap3A_240 = arith.constant 16 : index
          %swap3A_241 = tpu.vector_load %arg14[%swap3A_239, %swap3A_240] {strides = array<i32>} : memref<128x64xf32, #tpu.memory_space<vmem>>, vector<1x16xf32>,
          %swap3A_242 = vector.shape_cast %swap3A_241 : vector<1x16xf32> to vector<16xf32>
          %swap3A_243 = vector.shape_cast %get3A_238 : vector<16xf32> to vector<1x16xf32>
          tpu.vector_store %arg14[%swap3A_239, %swap3A_240], %swap3A_243 {add = true, strides = array<i32>} : memref<128x64xf32, #tpu.memory_space<vmem>>, vector<1x16xf32>,
          %get3A_244 = arith.index_cast %scan3A_225 : i32 to index
          %get3A_245 = arith.constant 32 : index
          %get3A_246 = tpu.vector_load %arg11[%get3A_244, %get3A_245] {strides = array<i32>} : memref<128x128xf32, #tpu.memory_space<vmem>>, vector<1x16xf32>,
          %get3A_247 = vector.shape_cast %get3A_246 : vector<1x16xf32> to vector<16xf32>
          %swap3A_248 = arith.index_cast %scan3A_225 : i32 to index
          %swap3A_249 = arith.constant 32 : index
          %swap3A_250 = tpu.vector_load %arg14[%swap3A_248, %swap3A_249] {strides = array<i32>} : memref<128x64xf32, #tpu.memory_space<vmem>>, vector<1x16xf32>,
          %swap3A_251 = vector.shape_cast %swap3A_250 : vector<1x16xf32> to vector<16xf32>
          %swap3A_252 = vector.shape_cast %get3A_247 : vector<16xf32> to vector<1x16xf32>
          tpu.vector_store %arg14[%swap3A_248, %swap3A_249], %swap3A_252 {add = true, strides = array<i32>} : memref<128x64xf32, #tpu.memory_space<vmem>>, vector<1x16xf32>,
          %get3A_253 = arith.index_cast %scan3A_225 : i32 to index
          %get3A_254 = arith.constant 48 : index
          %get3A_255 = tpu.vector_load %arg11[%get3A_253, %get3A_254] {strides = array<i32>} : memref<128x128xf32, #tpu.memory_space<vmem>>, vector<1x16xf32>,
          %get3A_256 = vector.shape_cast %get3A_255 : vector<1x16xf32> to vector<16xf32>
          %swap3A_257 = arith.index_cast %scan3A_225 : i32 to index
          %swap3A_258 = arith.constant 48 : index
          %swap3A_259 = tpu.vector_load %arg14[%swap3A_257, %swap3A_258] {strides = array<i32>} : memref<128x64xf32, #tpu.memory_space<vmem>>, vector<1x16xf32>,
          %swap3A_260 = vector.shape_cast %swap3A_259 : vector<1x16xf32> to vector<16xf32>
          %swap3A_261 = vector.shape_cast %get3A_256 : vector<16xf32> to vector<1x16xf32>
          tpu.vector_store %arg14[%swap3A_257, %swap3A_258], %swap3A_261 {add = true, strides = array<i32>} : memref<128x64xf32, #tpu.memory_space<vmem>>, vector<1x16xf32>,
        }
        %scan3A_105 = arith.constant 128 : i32
        %mul3A_106 = arith.constant 128 : i32
        %mul3A_107 = arith.muli %scan3A_46, %mul3A_106 : i32
        %add3A_108 = arith.addi %mul3A_2, %mul3A_107 : i32
        %dma_start3A_109 = arith.constant 0 : i32
        %dma_start3A_110 = tpu.memref_slice %arg6[%add3A_108, %dma_start3A_109] : memref<204800x64xf32, #tpu.memory_space<hbm>> -> memref<128x64xf32, #tpu.memory_space<hbm>>
        %dma_start3A_111 = arith.constant 0 : i32
        %dma_start3A_112 = tpu.memref_slice %arg6[%add3A_108, %dma_start3A_111] : memref<204800x64xf32, #tpu.memory_space<hbm>> -> memref<128x64xf32, #tpu.memory_space<hbm>>
        tpu.enqueue_dma source(%arg14 : memref<128x64xf32, #tpu.memory_space<vmem>>) target(%dma_start3A_112 : memref<128x64xf32, #tpu.memory_space<hbm>>) target_semaphore(%arg23 : memref<!tpu.dma_semaphore, #tpu.memory_space<semaphore_mem>>)
      } else {
      }
    }
    %scan3A_28 = arith.constant 50 : i32
    %dma_wait3A = arith.constant 0 : i32
    %dma_wait3A_29 = arith.constant 0 : i32
    %dma_wait3A_30 = tpu.memref_slice %arg6[%dma_wait3A, %dma_wait3A_29] : memref<204800x64xf32, #tpu.memory_space<hbm>> -> memref<128x64xf32, #tpu.memory_space<hbm>>
    %dma_wait3A_31 = arith.constant 0 : i32
    %dma_wait3A_32 = arith.constant 0 : i32
    %dma_wait3A_33 = tpu.memref_slice %arg6[%dma_wait3A_31, %dma_wait3A_32] : memref<204800x64xf32, #tpu.memory_space<hbm>> -> memref<128x64xf32, #tpu.memory_space<hbm>>
    tpu.wait_dma2 semaphore(%arg21 : memref<!tpu.dma_semaphore, #tpu.memory_space<semaphore_mem>>) src(%dma_wait3A_33 : memref<128x64xf32, #tpu.memory_space<hbm>>) dst(%arg12 : memref<128x64xf32, #tpu.memory_space<vmem>>)
    %dma_wait3A_34 = arith.constant 0 : i32
    %dma_wait3A_35 = arith.constant 0 : i32
    %dma_wait3A_36 = tpu.memref_slice %arg6[%dma_wait3A_34, %dma_wait3A_35] : memref<204800x64xf32, #tpu.memory_space<hbm>> -> memref<128x64xf32, #tpu.memory_space<hbm>>
    %dma_wait3A_37 = arith.constant 0 : i32
    %dma_wait3A_38 = arith.constant 0 : i32
    %dma_wait3A_39 = tpu.memref_slice %arg6[%dma_wait3A_37, %dma_wait3A_38] : memref<204800x64xf32, #tpu.memory_space<hbm>> -> memref<128x64xf32, #tpu.memory_space<hbm>>
    tpu.wait_dma2 semaphore(%arg22 : memref<!tpu.dma_semaphore, #tpu.memory_space<semaphore_mem>>) src(%dma_wait3A_39 : memref<128x64xf32, #tpu.memory_space<hbm>>) dst(%arg13 : memref<128x64xf32, #tpu.memory_space<vmem>>)
    %dma_wait3A_40 = arith.constant 0 : i32
    %dma_wait3A_41 = arith.constant 0 : i32
    %dma_wait3A_42 = tpu.memref_slice %arg6[%dma_wait3A_40, %dma_wait3A_41] : memref<204800x64xf32, #tpu.memory_space<hbm>> -> memref<128x64xf32, #tpu.memory_space<hbm>>
    %dma_wait3A_43 = arith.constant 0 : i32
    %dma_wait3A_44 = arith.constant 0 : i32
    %dma_wait3A_45 = tpu.memref_slice %arg6[%dma_wait3A_43, %dma_wait3A_44] : memref<204800x64xf32, #tpu.memory_space<hbm>> -> memref<128x64xf32, #tpu.memory_space<hbm>>
    tpu.wait_dma2 semaphore(%arg23 : memref<!tpu.dma_semaphore, #tpu.memory_space<semaphore_mem>>) src(%dma_wait3A_45 : memref<128x64xf32, #tpu.memory_space<hbm>>) dst(%arg14 : memref<128x64xf32, #tpu.memory_space<vmem>>)
    return
  }
}

</mosaic_0001>

<sc_bundles>
// kernel: _run.3.cloned.1.call-start
scs
__scs_entry_jumppad:
0x0: {  	(pc) =	sbr.rel $0x88, $3  }
0x1: {  	(tag) =	ssettag $0x0;
	lr =	simm.s32 $0x1  }
0x2: {  	[smem:$0x3F9D] =	sst lr;
	_ =	strace $0xD0000000  }
0x3: {  	_ = 	snop  }
0x4: {  	_ = 	snop  }
0x5: {  	_ = 	snop  }
0x6: {  	_ = 	snop  }
0x7: {  	_ = 	snop  }
__scs_overlays_trampoline_lowered:
0x8: {  	[smem:$0x3FAC] =	sst s0  }
0x9: {  	[smem:$0x3FAD] =	sst s1  }
0xa: {  	[smem:$0x3FAE] =	sst s2  }
0xb: {  	[smem:$0x3FAF] =	sst s3  }
0xc: {  	[smem:$0x3FB0] =	sst s4  }
0xd: {  	[smem:$0x3FB1] =	sst s5  }
0xe: {  	[smem:$0x3FB2] =	sst s6  }
0xf: {  	[smem:$0x3FB3] =	sst s7  }
0x10: {  	[smem:$0x3FB4] =	sst s8  }
0x11: {  	[smem:$0x3FB5] =	sst s9;
	s0 =	simm.s32 @!p0 $0x0  }
0x12: {  	s1 =	sld [smem:$0x3F9B];
	s0 =	simm.s32 @p0 $0x1  }
0x13: {  	[smem:$0x3FB6] =	sst s0;
	s0 =	simm.s32 @!p1 $0x0  }
0x14: {  	s2 =	sld [smem:$0x3F9A];
	s0 =	simm.s32 @p1 $0x1  }
0x15: {  	[smem:$0x3FB7] =	sst s0;
	s0 =	simm.s32 @!p2 $0x0  }
0x16: {  	s3 =	sld [smem:$0x3FDB];
	s0 =	simm.s32 @p2 $0x1  }
0x17: {  	s4 =	simm.s32 $0x1BF5;
	[smem:$0x3FB9] =	sst s0  }
0x18: {  	s0 =	sld [smem:$0x3F9C];
	_ =	swait.ge [sflag:s4], $0x0  }
0x19: {  	s7 =	sld [smem:$0x3F9D]  }
0x1a: {  	s8 =	sadd.s32 $0xFFFFE003, lr  }
0x1b: {  	s9 =	sadd.s32 $0xFFFFFEF7, lr;
	s5 =	simm.s32 $0xFFFFFFFF;
	p2 =	slt.u32 s8, $0xFFFFF086  }
0x1c: {  	p1 =	slt.u32 s9, $0xF7A;
	s5 =	simm.s32 @!p2 $0x0  }
0x1d: {  	s5 =	simm.s32 @p1 $0x1;
	p0 =	seq.s32 s7, s2  }
0x1e: {  	s7 =	smul.u32 @!p0 $0xF7A, s2;
	p2 =	seq.s32 @!p0 s5, $0x0  }
0x1f: {  	s9 =	smul.u32 $0xF7A, s1;
	s8 =	simm.s32 @!p0 $0x1BF5;
	p2 =	por !p2, p0  }
0x20: {  	[sflag:s8] =	ssyncset.s32 @!p0 $0xFFFFF086;
	s6 =	sadd.s32 @!p0 s3, s7;
	s7 =	simm.s32 @!p0 $0x108  }
0x21: {  	s3 =	sadd.s32 s3, s9;
	s6 =	sadd.s32 @!p0 $0x88, s6;
	s7 =	simm.s32 @p2 $0x1082  }
0x22: {  	[simem:s7], [sflag:s8] =	dma.local @!p0 [hbm:s6], $0xF7A  }
0x23: {  	s9 =	sor.u32 $0xD0000000, s2;
	s6 =	simm.s32 $0x108;
	_ =	swait.ge @!p0 [sflag:s8], $0x0  }
0x24: {  	s3 =	sadd.s32 $0x88, s3;
	s6 =	simm.s32 @!p1 $0x1082;
	[sflag:s4] =	ssyncset.s32 $0xFFFFF086  }
0x25: {  	[simem:s6], [sflag:s4] =	dma.local [hbm:s3], $0xF7A  }
0x26: {  	[smem:$0x3F9D] =	sst s1;
	(tag) =	ssettag s2;
	_ =	strace s9  }
0x27: {  	s1 =	sld [smem:$0x3FAD]  }
0x28: {  	s2 =	sld [smem:$0x3FAE]  }
0x29: {  	s4 =	sld [smem:$0x3FB0]  }
0x2a: {  	p0 =	seq.s32 s5, $0x0;
	s5 =	sld [smem:$0x3FB1]  }
0x2b: {  	s6 =	sld [smem:$0x3FB2]  }
0x2c: {  	s7 =	sld [smem:$0x3FB3]  }
0x2d: {  	s3 =	simm.s32 $0x108;
	s8 =	sld [smem:$0x3FB4]  }
0x2e: {  	s3 =	simm.s32 @!p0 $0x1082;
	s9 =	sld [smem:$0x3FB5]  }
0x2f: {  	lr =	sadd.s32 s0, s3;
	s0 =	sld [smem:$0x3FAC]  }
0x30: {  	s3 =	sld [smem:$0x3FAF]  }
0x31: {  	[smem:$0x3FB8] =	sst s10  }
0x32: {  	s10 =	sld [smem:$0x3FB6];
	_ =	sdelay $0x3  }
0x33: {  	p0 =	seq.s32 s10, $0x1;
	s10 =	sld [smem:$0x3FB8];
	_ =	sdelay $0x3  }
0x34: {  	[smem:$0x3FB8] =	sst s10  }
0x35: {  	s10 =	sld [smem:$0x3FB7];
	_ =	sdelay $0x3  }
0x36: {  	p1 =	seq.s32 s10, $0x1;
	s10 =	sld [smem:$0x3FB8];
	_ =	sdelay $0x3  }
0x37: {  	[smem:$0x3FB8] =	sst s10  }
0x38: {  	s10 =	sld [smem:$0x3FB9]  }
0x39: {  	_ = 	snop;
	(pc) =	sbr.ind lr, $3  }
0x3a: {  	_ = 	snop  }
0x3b: {  	_ = 	snop  }
0x3c: {  	p2 =	seq.s32 s10, $0x1;
	s10 =	sld [smem:$0x3FB8]  }
0x3d: {  	_ =	shalt  }
0x3e: {  	_ =	shalt  }
0x3f: {  	_ =	shalt  }
0x40: {  	_ =	shalt  }
0x41: {  	_ =	shalt  }
0x42: {  	_ =	shalt  }
0x43: {  	_ =	shalt  }
0x44: {  	_ =	shalt  }
0x45: {  	_ =	shalt  }
0x46: {  	_ =	shalt  }
0x47: {  	_ =	shalt  }
0x48: {  	_ =	shalt  }
0x49: {  	_ =	shalt  }
0x4a: {  	_ =	shalt  }
0x4b: {  	_ =	shalt  }
0x4c: {  	_ =	shalt  }
0x4d: {  	_ =	shalt  }
0x4e: {  	_ =	shalt  }
0x4f: {  	_ =	shalt  }
0x50: {  	_ =	shalt  }
0x51: {  	_ =	shalt  }
0x52: {  	_ =	shalt  }
0x53: {  	_ =	shalt  }
0x54: {  	_ =	shalt  }
0x55: {  	_ =	shalt  }
0x56: {  	_ =	shalt  }
0x57: {  	_ =	shalt  }
0x58: {  	_ =	shalt  }
0x59: {  	_ =	shalt  }
0x5a: {  	_ =	shalt  }
0x5b: {  	_ =	shalt  }
0x5c: {  	_ =	shalt  }
0x5d: {  	_ =	shalt  }
0x5e: {  	_ =	shalt  }
0x5f: {  	_ =	shalt  }
0x60: {  	_ =	shalt  }
0x61: {  	_ =	shalt  }
0x62: {  	_ =	shalt  }
0x63: {  	_ =	shalt  }
0x64: {  	_ =	shalt  }
0x65: {  	_ =	shalt  }
0x66: {  	_ =	shalt  }
0x67: {  	_ =	shalt  }
0x68: {  	_ =	shalt  }
0x69: {  	_ =	shalt  }
0x6a: {  	_ =	shalt  }
0x6b: {  	_ =	shalt  }
0x6c: {  	_ =	shalt  }
0x6d: {  	_ =	shalt  }
0x6e: {  	_ =	shalt  }
0x6f: {  	_ =	shalt  }
0x70: {  	_ =	shalt  }
0x71: {  	_ =	shalt  }
0x72: {  	_ =	shalt  }
0x73: {  	_ =	shalt  }
0x74: {  	_ =	shalt  }
0x75: {  	_ =	shalt  }
0x76: {  	_ =	shalt  }
0x77: {  	_ =	shalt  }
0x78: {  	_ =	shalt  }
0x79: {  	_ =	shalt  }
0x7a: {  	_ =	shalt  }
0x7b: {  	_ =	shalt  }
0x7c: {  	_ =	shalt  }
0x7d: {  	_ =	shalt  }
0x7e: {  	_ =	shalt  }
0x7f: {  	_ =	shalt  }
0x80: {  	_ =	shalt  }
0x81: {  	_ =	shalt  }
0x82: {  	_ =	shalt  }
0x83: {  	_ =	shalt  }
0x84: {  	_ =	shalt  }
0x85: {  	_ =	shalt  }
0x86: {  	_ =	shalt  }
0x87: {  	_ =	shalt  }
.Lfunc_end0:
.L_simem_size_0:
called_computation_lowered:
.L_overlay_start_0:
0x88: {  	s2 =	sld [smem:$0x3FD9]  }
0x89: {  	s3 =	sld [smem:$0x3FFE];
	_ =	sdelay $0x1  }
0x8a: {  	s1 =	srdreg.scid  }
0x8b: {  	s0 =	sand.u32 $0x1, s1  }
0x8c: {  	s17 =	sshll.u32 s0, $0xA;
	s2 =	sadd.s32 s3, s2  }
0x8d: {  	s2 =	sadd.s32 s2, s17  }
0x8e: {  	[smem:$0x3FC4] =	sst s2  }
0x8f: {  	_ = 	snop  }
0x90: {  	s2 =	sld [smem:$0x3FC9]  }
0x91: {  	s18 =	sld [smem:$0x3FC8]  }
0x92: {  	s4 =	sld [smem:$0x3FC6];
	(tm) =	ssettm $0x1  }
0x93: {  	s5 =	sld [smem:$0x3FFB];
	_ =	sdelay $0x3  }
0x94: {  	_ =	strace s5  }
0x95: {  	s5 =	sld [smem:$0x3FFC];
	_ =	sdelay $0x3  }
0x96: {  	_ =	strace s5  }
0x97: {  	s5 =	sld [smem:$0x3FFD];
	_ =	sdelay $0x3  }
0x98: {  	_ =	strace s5  }
0x99: {  	_ =	strace $0x8FFFFFFF  }
0x9a: {  	s19 =	sld [smem:$0x3FDB];
	_ =	sdelay $0x1  }
0x9b: {  	s6 =	simm.s32 $_scs_section_size  }
0x9c: {  	s7 =	simm.s32 $_size__tile_overlayer_lowered;
	s8 =	simm.s32 $_tile_overlayer_lowered  }
0x9d: {  	s22 =	simm.s32 $0x1BFF;
	s21 =	sshll.u32 s8, $0x1;
	s5 =	sadd.s32 s6, s19  }
0x9e: {  	s9 =	simm.s32 $0x0;
	s20 =	sshll.u32 s7, $0x1;
	s7 =	sadd.s32 s21, s5  }
0x9f: {  	[timem:s9], [sflag:s22] =	dma.local [hbm:s7], s20  }
0xa0: {  	_ =	swait.ge [sflag:s22], s20  }
0xa1: {  	s6 =	ssub.s32 $0x0, s20;
	[sflag:s22] =	ssyncset.done $0x0  }
0xa2: {  	[sflag:s22] =	ssyncadd.s32 s6;
	_ =	sdelay $0x1  }
0xa3: {  	s23 =	simm.s32 $0x1B8B  }
0xa4: {  	_ =	swait.ge [sflag:s23], $0x1  }
0xa5: {  	[sflag:s23] =	ssyncset.done $0x0  }
0xa6: {  	s25 =	simm.s32 $0x1B8E;
	s24 =	sld [smem:$0x3FFE];
	[sflag:s23] =	ssyncadd.s32 $0xFFFFFFFF  }
0xa7: {  	s26 =	simm.s32 $execute0_lowered;
	[smem:$0x3FD2] =	sst s25  }
0xa8: {  	s7 =	sshll.u32 s26, $0x1;
	_ =	strace $0x80000046;
	[dreg:$0x1] =	wrdreg $0xFFFFFFFF  }
0xa9: {  	s28 =	simm.s32 $_size_execute0_lowered;
	s5 =	sadd.s32 s5, s7;
	[dreg:$0x0] =	wrdreg $0x0  }
0xaa: {  	s7 =	sshll.u32 s28, $0x1;
	[dreg:$0x2] =	wrdreg s5  }
0xab: {  	[dreg:$0x3] =	wrdreg s7  }
0xac: {  	[dreg:$0x4] =	wrdreg $0xC0  }
0xad: {  	_ =	task [dreg:s9], $0x5FFFF  }
0xae: {  	[dreg:$0x1] =	wrdreg $0xFFFFFFFF  }
0xaf: {  	[dreg:$0x0] =	wrdreg $0x60  }
0xb0: {  	[dreg:$0x2] =	wrdreg s2  }
0xb1: {  	[dreg:$0x3] =	wrdreg s18  }
0xb2: {  	[dreg:$0x4] =	wrdreg s24  }
0xb3: {  	[dreg:$0x5] =	wrdreg s4  }
0xb4: {  	[dreg:$0x6] =	wrdreg $0x9  }
0xb5: {  	_ =	task.clear_ibuf [dreg:s9], $0x7FFFF;
	_ =	strace $0x90000046  }
0xb6: {  	s29 =	simm.s32 $0x9;
	_ =	strace $0x80000048  }
0xb7: {  	_ =	swait.ge [sflag:s29], $0x1  }
0xb8: {  	[sflag:s29] =	ssyncadd.s32 $0xFFFFFFFF  }
0xb9: {  	_ =	strace $0x90000048  }
0xba: {  	_ =	sfence  }
0xbb: {  	s30 =	sld [smem:$0x0];
	_ =	sdelay $0x2  }
0xbc: {  	s31 =	sshll.u32 s1, $0xD;
	s1 =	sshrl.u32 s1, $0x2  }
0xbd: {  	s3 =	sand.u32 $0x4000, s31;
	s1 =	sadd.s32 s1, s30  }
0xbe: {  	s0 =	sor.u32 s3, s0;
	s1 =	sshll.u32 s1, $0x11  }
0xbf: {  	s0 =	sor.u32 s1, s0  }
0xc0: {  	s0 =	sadd.s32 $0x8F2B, s0  }
0xc1: {  	[sflag:s0] =	ssyncadd.remote.s32 $0x1  }
0xc2: {  	_ =	sfence.sel $0xFFFF  }
0xc3: {  	[dreg:$0x0] =	wrdreg $0xFFFFFFFF;
	(pc) =	sbr.abs _section_cstart, $3  }
0xc4: {  	[dreg:$0x1] =	wrdreg $0xFFFFFFFF  }
0xc5: {  	_ =	task.clear_ibuf [dreg:s9], $0x2FFFF;
	_ =	strace $0x9FFFFFFF  }
0xc6: {  	(tm) =	ssettm $0x7FFFFFFF  }
0xc7: {  	_ =	shalt  }
tec
execute0_lowered:
.L_overlay_start_1:
0x0: {  	(tag) =	ssettag $0x1  }
0x1: {  	s0 =	rddreg [dreg:$0x0]  }
0x2: {  	s1 =	rddreg [dreg:$0x1]  }
0x3: {  	s5 =	rddreg [dreg:$0x2]  }
0x4: {  	s4 =	srdreg.scid;
	s2 =	stileid.u32;
	s3 =	simm.s32 $0x0  }
0x5: {  	s20 =	simm.s32 $0x5;
	s4 =	sand.u32 $0x1, s4;
	s6 =	sshll.u32 s2, $0x1  }
0x6: {  	s21 =	simm.s32 $0x2;
	s23 =	simm.s32 $0x6;
	s6 =	sor.u32 s4, s6  }
0x7: {  	s24 =	simm.s32 $0x3;
	[smem:$0x7FF] =	sst s3;
	s9 =	smul.u32 $0x320, s6  }
.Ltmp0:
0x8: {  	s2 =	simm.s32 $0x0;
	s7 =	ssub.s32 $0x2, s4;
	(pc) =	sbr.rel .LBB2_1-.Ltmp0, $4  }
0x9: {  	_ =	strace $0x80000047;
	s8 =	sshrl.u32 s7, $0x1;
	s0 =	sadd.s32 s0, s9  }
0xa: {  	s7 =	ssub.s32 s7, s8;
	s30 =	sadd.s32 s1, s9;
	[dreg:$0x5] =	wrdreg s0  }
0xb: {  	s4 =	sadd.s32 $0x400, s5;
	s31 =	smax.u32 s7, $0x1;
	[dreg:$0x6] =	wrdreg s30  }
0xc: {  	s5 =	sadd.s32 $0xF42800, s5;
	s8 =	smul.u32 $0xC8000, s6;
	[dreg:$0x7] =	wrdreg s31  }
.LBB2_32:
0xd: {  	s0 =	simm.s32 $0x7  }
0xe: {  	_ =	swait.ge [sflag:s0], $0x4000  }
0xf: {  	[sflag:s0] =	ssyncset.done $0x0  }
0x10: {  	s30 =	simm.s32 $0x8;
	[sflag:s0] =	ssyncadd.s32 $0xFFFFC000  }
0x11: {  	_ =	swait.ge [sflag:s30], $0x4000  }
0x12: {  	[sflag:s30] =	ssyncset.done $0x0  }
0x13: {  	s1 =	simm.s32 $0x9;
	[sflag:s30] =	ssyncadd.s32 $0xFFFFC000  }
0x14: {  	_ =	swait.ge [sflag:s1], $0x4000  }
0x15: {  	s2 =	rddreg [dreg:$0x8]  }
0x16: {  	s31 =	rddreg [dreg:$0x7];
	s2 =	sadd.s32 $0x1, s2  }
0x17: {  	p0 =	sne.s32 s2, s31  }
.Ltmp1:
0x18: {  	_ = 	snop;
	(pc) =	sbr.rel @!p0 .LBB2_33-.Ltmp1, $3  }
0x19: {  	_ =	sdelay $0x1  }
0x1a: {  	[sflag:s1] =	ssyncset.done $0x0  }
0x1b: {  	[sflag:s1] =	ssyncadd.s32 $0xFFFFC000  }
.LBB2_1:
0x1c: {  	[dreg:$0x8] =	wrdreg s2  }
0x1d: {  	s0 =	rddreg [dreg:$0x5];
	s1 =	simm.s32 $0xA  }
0x1e: {  	[tilespmem:s3], [sflag:$0xA] =	stream.linear.gather [hbm4b:s0+s3], $0x1900, $0x38;
	[tilespmem:$0x1B200] =	vst v63  }
0x1f: {  	_ =	swait.ge [sflag:s1], $0x1900  }
0x20: {  	[sflag:s1] =	ssyncset.done $0x0  }
0x21: {  	s29 =	simm.s32 $0x1900;
	s28 =	rddreg [dreg:$0x6];
	[sflag:s1] =	ssyncadd.s32 $0xFFFFE700  }
0x22: {  	[tilespmem:s29], [sflag:$0xA] =	stream.linear.gather [hbm4b:s28+s3], $0x1900, $0x38;
	[tilespmem:$0x1B200] =	vst v63  }
0x23: {  	_ =	swait.ge [sflag:s1], $0x1900  }
0x24: {  	[sflag:s1] =	ssyncset.done $0x0  }
0x25: {  	[sflag:s1] =	ssyncadd.s32 $0xFFFFE700  }
0x26: {  	s31 =	simm.s32 $0x80;
	s6 =	simm.s32 $0x3200;
	s30 =	rddreg [dreg:$0x3]  }
0x27: {  	[tilespmem:s6], [sflag:$0x1] =	stream.indirect.gather [hbm4b:s30+s31], $0x80, s29, s31, $0xb8;
	[tilespmem:$0x1B200] =	vst v63  }
0x28: {  	v0 =	vld [tilespmem:s3+$0x0];
	_ =	sdelay $0x4  }
0x29: {  	v0 =	vshll.u32 v0, $0x4  }
0x2a: {  	(v2sf) =	vpush v0, $0x0  }
0x2b: {  	(v2sf) =	vpush v0, $0x1  }
0x2c: {  	(v2sf) =	vpush v0, $0x2;
	_ =	sdelay $0x1  }
0x2d: {  	(v2sf) =	vpush v0, $0x4;
	_ =	sdelay $0x1  }
0x2e: {  	(v2sf) =	vpush v0, $0x3  }
0x2f: {  	(v2sf) =	vpush v0, $0x5  }
0x30: {  	s0 =	simm.s32 $0x0;
	s1 =	simm.s32 $0x2000;
	s6 =	simm.s32 $0x0;
	(v2sf) =	vpush v0, $0x6  }
.LBB2_2:
0x31: {  	p0 =	sne.s32 s1, $0xE000  }
0x32: {  	s29 =	sadd.s32 $0xF280, s0;
	s9 =	sadd.s32 $0xF780, s0;
	s11 =	smov.u32 s1  }
0x33: {  	s1 =	sadd.s32 $0x2000, s1;
	s13 =	sadd.s32 $0xF580, s0;
	s7 =	sadd.s32 $0xF800, s0;
	(v2sf) =	vpush v0, $0x7  }
0x34: {  	s19 =	sadd.s32 $0xF480, s0;
	s10 =	sadd.s32 $0xF600, s0;
	s14 =	sadd.s32 $0xF880, s0  }
0x35: {  	s30 =	sadd.s32 $0xF200, s0;
	s31 =	sadd.s32 $0xF400, s0;
	(v2sf) =	vpush v0, $0x8  }
0x36: {  	s22 =	sadd.s32 $0xF500, s0;
	s6 =	sadd.s32 $0x10, s6  }
0x37: {  	s25 =	sadd.s32 $0xF300, s0;
	s15 =	sadd.s32 $0xF700, s0;
	s28 =	spop (v2sf);
	(v2sf) =	vpush v0, $0x9  }
0x38: {  	s16 =	sand.u32 $0x1FFFFFF0, s28;
	s28 =	sadd.s32 $0xF680, s0;
	s26 =	spop (v2sf)  }
0x39: {  	s16 =	sadd.s32 s4, s16;
	s26 =	sand.u32 $0x1FFFFFF0, s26;
	s12 =	spop (v2sf);
	(v2sf) =	vpush v0, $0xA  }
0x3a: {  	[tilespmem:s30], [sflag:$0x4] =	stream.linear.gather [hbm4b:s16+s3], $0x80, $0x38;
	[tilespmem:$0x1B200] =	vst v63  }
0x3b: {  	s16 =	sadd.s32 s4, s26;
	s26 =	sadd.s32 $0xF380, s0;
	s30 =	spop (v2sf);
	(v2sf) =	vpush v0, $0xB  }
0x3c: {  	[tilespmem:s29], [sflag:$0x4] =	stream.linear.gather [hbm4b:s16+s3], $0x80, $0x38;
	[tilespmem:$0x1B200] =	vst v63  }
0x3d: {  	s12 =	sand.u32 $0x1FFFFFF0, s12;
	s16 =	sand.u32 $0x1FFFFFF0, s30;
	s29 =	spop (v2sf);
	(v2sf) =	vpush v0, $0xC  }
0x3e: {  	s12 =	sadd.s32 s4, s12;
	s29 =	sand.u32 $0x1FFFFFF0, s29;
	s30 =	spop (v2sf)  }
0x3f: {  	[tilespmem:s25], [sflag:$0x4] =	stream.linear.gather [hbm4b:s12+s3], $0x80, $0x38;
	(v2sf) =	vpush v0, $0xD;
	[tilespmem:$0x1B200] =	vst v63  }
0x40: {  	s12 =	sadd.s32 s4, s29;
	s25 =	sand.u32 $0x1FFFFFF0, s30;
	s29 =	spop (v2sf)  }
0x41: {  	[tilespmem:s26], [sflag:$0x4] =	stream.linear.gather [hbm4b:s12+s3], $0x80, $0x38;
	(v2sf) =	vpush v0, $0xE;
	[tilespmem:$0x1B200] =	vst v63  }
0x42: {  	s12 =	sadd.s32 s4, s16;
	s16 =	sand.u32 $0x1FFFFFF0, s29;
	s26 =	spop (v2sf)  }
0x43: {  	[tilespmem:s31], [sflag:$0x4] =	stream.linear.gather [hbm4b:s12+s3], $0x80, $0x38;
	(v2sf) =	vpush v0, $0xF;
	[tilespmem:$0x1B200] =	vst v63  }
0x44: {  	s12 =	sadd.s32 s4, s25;
	s25 =	sand.u32 $0x1FFFFFF0, s26;
	s26 =	spop (v2sf)  }
0x45: {  	[tilespmem:s19], [sflag:$0x4] =	stream.linear.gather [hbm4b:s12+s3], $0x80, $0x38;
	[tilespmem:$0x1B200] =	vst v63  }
0x46: {  	s12 =	sadd.s32 s4, s16;
	s16 =	sand.u32 $0x1FFFFFF0, s26;
	s19 =	spop (v2sf)  }
0x47: {  	[tilespmem:s22], [sflag:$0x4] =	stream.linear.gather [hbm4b:s12+s3], $0x80, $0x38;
	[tilespmem:$0x1B200] =	vst v63  }
0x48: {  	s12 =	sadd.s32 s4, s25;
	s19 =	sand.u32 $0x1FFFFFF0, s19;
	s22 =	spop (v2sf)  }
0x49: {  	[tilespmem:s13], [sflag:$0x4] =	stream.linear.gather [hbm4b:s12+s3], $0x80, $0x38;
	[tilespmem:$0x1B200] =	vst v63  }
0x4a: {  	s12 =	sadd.s32 s4, s16;
	s13 =	sand.u32 $0x1FFFFFF0, s22;
	s16 =	spop (v2sf)  }
0x4b: {  	[tilespmem:s10], [sflag:$0x4] =	stream.linear.gather [hbm4b:s12+s3], $0x80, $0x38;
	[tilespmem:$0x1B200] =	vst v63  }
0x4c: {  	s10 =	sadd.s32 s4, s19;
	s12 =	sand.u32 $0x1FFFFFF0, s16;
	s16 =	spop (v2sf)  }
0x4d: {  	[tilespmem:s28], [sflag:$0x4] =	stream.linear.gather [hbm4b:s10+s3], $0x80, $0x38;
	[tilespmem:$0x1B200] =	vst v63  }
0x4e: {  	s10 =	sadd.s32 s4, s13;
	s13 =	sand.u32 $0x1FFFFFF0, s16;
	s16 =	spop (v2sf)  }
0x4f: {  	[tilespmem:s15], [sflag:$0x4] =	stream.linear.gather [hbm4b:s10+s3], $0x80, $0x38;
	[tilespmem:$0x1B200] =	vst v63  }
0x50: {  	s10 =	sadd.s32 s4, s12;
	s12 =	sand.u32 $0x1FFFFFF0, s16;
	s15 =	spop (v2sf)  }
0x51: {  	[tilespmem:s9], [sflag:$0x4] =	stream.linear.gather [hbm4b:s10+s3], $0x80, $0x38;
	[tilespmem:$0x1B200] =	vst v63  }
0x52: {  	s9 =	sadd.s32 s4, s13;
	s10 =	sand.u32 $0x1FFFFFF0, s15;
	s13 =	spop (v2sf)  }
0x53: {  	[tilespmem:s7], [sflag:$0x4] =	stream.linear.gather [hbm4b:s9+s3], $0x80, $0x38;
	[tilespmem:$0x1B200] =	vst v63  }
0x54: {  	s7 =	sadd.s32 s4, s12;
	s9 =	sand.u32 $0x1FFFFFF0, s13  }
0x55: {  	[tilespmem:s14], [sflag:$0x4] =	stream.linear.gather [hbm4b:s7+s3], $0x80, $0x38;
	[tilespmem:$0x1B200] =	vst v63  }
0x56: {  	s10 =	sadd.s32 s4, s10;
	s7 =	sadd.s32 $0xF900, s0  }
0x57: {  	[tilespmem:s7], [sflag:$0x4] =	stream.linear.gather [hbm4b:s10+s3], $0x80, $0x38;
	[tilespmem:$0x1B200] =	vst v63  }
0x58: {  	s0 =	sadd.s32 $0xF980, s0;
	s7 =	sadd.s32 s4, s9  }
0x59: {  	[tilespmem:s0], [sflag:$0x4] =	stream.linear.gather [hbm4b:s7+s3], $0x80, $0x38;
	[tilespmem:$0x1B200] =	vst v63  }
0x5a: {  	v0 =	vld [tilespmem:s6+$0x0];
	_ =	sdelay $0x4  }
0x5b: {  	v0 =	vshll.u32 v0, $0x4  }
0x5c: {  	(v2sf) =	vpush v0, $0x0  }
0x5d: {  	(v2sf) =	vpush v0, $0x1  }
0x5e: {  	(v2sf) =	vpush v0, $0x2;
	_ =	sdelay $0x1  }
0x5f: {  	(v2sf) =	vpush v0, $0x4  }
.Ltmp2:
0x60: {  	(pc) =	sbr.rel @p0 .LBB2_2-.Ltmp2, $3  }
0x61: {  	(v2sf) =	vpush v0, $0x3  }
0x62: {  	(v2sf) =	vpush v0, $0x5;
	_ =	sdelay $0x1  }
0x63: {  	s0 =	sshra.s32 s11, $0x2;
	(v2sf) =	vpush v0, $0x6  }
0x64: {  	_ =	sdelay $0x1  }
0x65: {  	s9 =	sadd.s32 $0xF280, s0;
	s7 =	sadd.s32 $0xF780, s0  }
0x66: {  	s10 =	sadd.s32 $0xF580, s0;
	s1 =	sadd.s32 $0xF800, s0;
	(v2sf) =	vpush v0, $0x7;
	s11 =	sadd.s32 $0xF480, s0  }
0x67: {  	s12 =	sadd.s32 $0xF600, s0;
	s6 =	sadd.s32 $0xF880, s0;
	s13 =	sadd.s32 $0xF200, s0  }
0x68: {  	s14 =	sadd.s32 $0xF400, s0;
	s15 =	sadd.s32 $0xF500, s0;
	(v2sf) =	vpush v0, $0x8;
	s16 =	spop (v2sf)  }
0x69: {  	s19 =	sadd.s32 $0xF300, s0;
	s16 =	sand.u32 $0x1FFFFFF0, s16;
	s22 =	spop (v2sf)  }
0x6a: {  	(v2sf) =	vpush v0, $0x9;
	s16 =	sadd.s32 s4, s16;
	s22 =	sand.u32 $0x1FFFFFF0, s22;
	s25 =	spop (v2sf)  }
0x6b: {  	[tilespmem:s13], [sflag:$0x4] =	stream.linear.gather [hbm4b:s16+s3], $0x80, $0x38;
	[tilespmem:$0x1B200] =	vst v63  }
0x6c: {  	s26 =	sadd.s32 $0xF380, s0;
	(v2sf) =	vpush v0, $0xA;
	s30 =	sadd.s32 s4, s22;
	s2 =	spop (v2sf)  }
0x6d: {  	[tilespmem:s9], [sflag:$0x4] =	stream.linear.gather [hbm4b:s30+s3], $0x80, $0x38;
	[tilespmem:$0x1B200] =	vst v63  }
0x6e: {  	s13 =	sadd.s32 $0xF700, s0;
	s17 =	sand.u32 $0x1FFFFFF0, s25;
	(v2sf) =	vpush v0, $0xB;
	s18 =	spop (v2sf)  }
0x6f: {  	s16 =	sadd.s32 s4, s17;
	s9 =	sadd.s32 $0xF680, s0;
	s25 =	sand.u32 $0x1FFFFFF0, s18  }
0x70: {  	(v2sf) =	vpush v0, $0xC;
	[tilespmem:s19], [sflag:$0x4] =	stream.linear.gather [hbm4b:s16+s3], $0x80, $0x38;
	[tilespmem:$0x1B200] =	vst v63  }
0x71: {  	s28 =	sand.u32 $0x1FFFFFF0, s2;
	s29 =	spop (v2sf);
	s30 =	sadd.s32 s4, s25  }
0x72: {  	(v2sf) =	vpush v0, $0xD;
	[tilespmem:s26], [sflag:$0x4] =	stream.linear.gather [hbm4b:s30+s3], $0x80, $0x38;
	[tilespmem:$0x1B200] =	vst v63  }
0x73: {  	s16 =	sadd.s32 s4, s28;
	s19 =	sand.u32 $0x1FFFFFF0, s29;
	s2 =	spop (v2sf)  }
0x74: {  	(v2sf) =	vpush v0, $0xE;
	[tilespmem:s14], [sflag:$0x4] =	stream.linear.gather [hbm4b:s16+s3], $0x80, $0x38;
	[tilespmem:$0x1B200] =	vst v63  }
0x75: {  	s19 =	sadd.s32 s4, s19;
	s17 =	sand.u32 $0x1FFFFFF0, s2;
	s18 =	spop (v2sf)  }
0x76: {  	(v2sf) =	vpush v0, $0xF;
	[tilespmem:s11], [sflag:$0x4] =	stream.linear.gather [hbm4b:s19+s3], $0x80, $0x38;
	[tilespmem:$0x1B200] =	vst v63  }
0x77: {  	s22 =	sand.u32 $0x1FFFFFF0, s18;
	s25 =	spop (v2sf);
	s14 =	sadd.s32 s4, s17  }
0x78: {  	[tilespmem:s15], [sflag:$0x4] =	stream.linear.gather [hbm4b:s14+s3], $0x80, $0x38;
	[tilespmem:$0x1B200] =	vst v63  }
0x79: {  	s26 =	sand.u32 $0x1FFFFFF0, s25;
	s11 =	sadd.s32 s4, s22;
	s28 =	spop (v2sf)  }
0x7a: {  	[tilespmem:s10], [sflag:$0x4] =	stream.linear.gather [hbm4b:s11+s3], $0x80, $0x38;
	[tilespmem:$0x1B200] =	vst v63  }
0x7b: {  	s14 =	sadd.s32 s4, s26;
	s29 =	sand.u32 $0x1FFFFFF0, s28;
	s30 =	spop (v2sf)  }
0x7c: {  	[tilespmem:s12], [sflag:$0x4] =	stream.linear.gather [hbm4b:s14+s3], $0x80, $0x38;
	[tilespmem:$0x1B200] =	vst v63  }
0x7d: {  	s11 =	sand.u32 $0x1FFFFFF0, s30;
	s10 =	sadd.s32 s4, s29;
	s2 =	spop (v2sf)  }
0x7e: {  	[tilespmem:s9], [sflag:$0x4] =	stream.linear.gather [hbm4b:s10+s3], $0x80, $0x38;
	[tilespmem:$0x1B200] =	vst v63  }
0x7f: {  	s11 =	sadd.s32 s4, s11;
	s12 =	sand.u32 $0x1FFFFFF0, s2;
	s14 =	spop (v2sf)  }
0x80: {  	[tilespmem:s13], [sflag:$0x4] =	stream.linear.gather [hbm4b:s11+s3], $0x80, $0x38;
	[tilespmem:$0x1B200] =	vst v63  }
0x81: {  	s9 =	sadd.s32 s4, s12;
	s10 =	sand.u32 $0x1FFFFFF0, s14;
	s15 =	spop (v2sf)  }
0x82: {  	[tilespmem:s7], [sflag:$0x4] =	stream.linear.gather [hbm4b:s9+s3], $0x80, $0x38;
	[tilespmem:$0x1B200] =	vst v63  }
0x83: {  	s16 =	sand.u32 $0x1FFFFFF0, s15;
	s10 =	sadd.s32 s4, s10;
	s17 =	spop (v2sf)  }
0x84: {  	[tilespmem:s1], [sflag:$0x4] =	stream.linear.gather [hbm4b:s10+s3], $0x80, $0x38;
	[tilespmem:$0x1B200] =	vst v63  }
0x85: {  	s18 =	sand.u32 $0x1FFFFFF0, s17;
	s19 =	spop (v2sf);
	s7 =	sadd.s32 s4, s16  }
0x86: {  	[tilespmem:s6], [sflag:$0x4] =	stream.linear.gather [hbm4b:s7+s3], $0x80, $0x38;
	[tilespmem:$0x1B200] =	vst v63  }
0x87: {  	s25 =	sadd.s32 $0xF900, s0;
	s22 =	sand.u32 $0x1FFFFFF0, s19;
	s1 =	sadd.s32 s4, s18  }
0x88: {  	[tilespmem:s25], [sflag:$0x4] =	stream.linear.gather [hbm4b:s1+s3], $0x80, $0x38;
	[tilespmem:$0x1B200] =	vst v63  }
0x89: {  	s26 =	sadd.s32 $0xF980, s0;
	s29 =	rddreg [dreg:$0x3];
	s28 =	sadd.s32 s4, s22  }
0x8a: {  	[tilespmem:s26], [sflag:$0x4] =	stream.linear.gather [hbm4b:s28+s3], $0x80, $0x38;
	[tilespmem:$0x1B200] =	vst v63  }
0x8b: {  	s30 =	simm.s32 $0x7200;
	s2 =	simm.s32 $0x1980;
	s1 =	simm.s32 $0x80  }
0x8c: {  	[tilespmem:s30], [sflag:$0x2] =	stream.indirect.gather [hbm4b:s29+s1], $0x80, s2, s1, $0xb8;
	[tilespmem:$0x1B200] =	vst v63  }
0x8d: {  	v0 =	vld [tilespmem:s1+$0x0];
	_ =	sdelay $0x4  }
0x8e: {  	v0 =	vshll.u32 v0, $0x4  }
0x8f: {  	(v2sf) =	vpush v0, $0x0  }
0x90: {  	(v2sf) =	vpush v0, $0x1  }
0x91: {  	(v2sf) =	vpush v0, $0x2;
	_ =	sdelay $0x1  }
0x92: {  	(v2sf) =	vpush v0, $0x4;
	_ =	sdelay $0x1  }
0x93: {  	(v2sf) =	vpush v0, $0x3  }
0x94: {  	(v2sf) =	vpush v0, $0x5  }
0x95: {  	s31 =	simm.s32 $0x0;
	s0 =	simm.s32 $0x0;
	s11 =	simm.s32 $0x2000;
	(v2sf) =	vpush v0, $0x6  }
.LBB2_4:
0x96: {  	p0 =	sne.s32 s11, $0xE000  }
0x97: {  	s12 =	sadd.s32 $0x13280, s0;
	s9 =	sadd.s32 $0x13780, s0;
	s6 =	smov.u32 s11  }
0x98: {  	s11 =	sadd.s32 $0x2000, s11;
	s13 =	sadd.s32 $0x13580, s0;
	s7 =	sadd.s32 $0x13800, s0;
	(v2sf) =	vpush v0, $0x7  }
0x99: {  	s19 =	sadd.s32 $0x13480, s0;
	s10 =	sadd.s32 $0x13600, s0;
	s14 =	sadd.s32 $0x13880, s0  }
0x9a: {  	s16 =	sadd.s32 $0x13200, s0;
	s22 =	sadd.s32 $0x13400, s0;
	(v2sf) =	vpush v0, $0x8  }
0x9b: {  	s25 =	sadd.s32 $0x13500, s0;
	s1 =	sadd.s32 $0x10, s1  }
0x9c: {  	s26 =	sadd.s32 $0x13300, s0;
	s15 =	sadd.s32 $0x13700, s0;
	s28 =	spop (v2sf);
	(v2sf) =	vpush v0, $0x9  }
0x9d: {  	s29 =	sand.u32 $0x1FFFFFF0, s28;
	s28 =	sadd.s32 $0x13680, s0;
	s30 =	spop (v2sf)  }
0x9e: {  	s29 =	sadd.s32 s4, s29;
	s30 =	sand.u32 $0x1FFFFFF0, s30;
	s2 =	spop (v2sf);
	(v2sf) =	vpush v0, $0xA  }
0x9f: {  	[tilespmem:s16], [sflag:$0x5] =	stream.linear.gather [hbm4b:s29+s31], $0x80, $0x38;
	[tilespmem:$0x1B200] =	vst v63  }
0xa0: {  	s16 =	sadd.s32 s4, s30;
	s29 =	sadd.s32 $0x13380, s0;
	s30 =	spop (v2sf);
	(v2sf) =	vpush v0, $0xB  }
0xa1: {  	[tilespmem:s12], [sflag:$0x5] =	stream.linear.gather [hbm4b:s16+s31], $0x80, $0x38;
	[tilespmem:$0x1B200] =	vst v63  }
0xa2: {  	s2 =	sand.u32 $0x1FFFFFF0, s2;
	s12 =	sand.u32 $0x1FFFFFF0, s30;
	s16 =	spop (v2sf);
	(v2sf) =	vpush v0, $0xC  }
0xa3: {  	s2 =	sadd.s32 s4, s2;
	s16 =	sand.u32 $0x1FFFFFF0, s16;
	s30 =	spop (v2sf)  }
0xa4: {  	[tilespmem:s26], [sflag:$0x5] =	stream.linear.gather [hbm4b:s2+s31], $0x80, $0x38;
	(v2sf) =	vpush v0, $0xD;
	[tilespmem:$0x1B200] =	vst v63  }
0xa5: {  	s2 =	sadd.s32 s4, s16;
	s16 =	sand.u32 $0x1FFFFFF0, s30;
	s26 =	spop (v2sf)  }
0xa6: {  	[tilespmem:s29], [sflag:$0x5] =	stream.linear.gather [hbm4b:s2+s31], $0x80, $0x38;
	(v2sf) =	vpush v0, $0xE;
	[tilespmem:$0x1B200] =	vst v63  }
0xa7: {  	s2 =	sadd.s32 s4, s12;
	s12 =	sand.u32 $0x1FFFFFF0, s26;
	s26 =	spop (v2sf)  }
0xa8: {  	[tilespmem:s22], [sflag:$0x5] =	stream.linear.gather [hbm4b:s2+s31], $0x80, $0x38;
	(v2sf) =	vpush v0, $0xF;
	[tilespmem:$0x1B200] =	vst v63  }
0xa9: {  	s2 =	sadd.s32 s4, s16;
	s16 =	sand.u32 $0x1FFFFFF0, s26;
	s22 =	spop (v2sf)  }
0xaa: {  	[tilespmem:s19], [sflag:$0x5] =	stream.linear.gather [hbm4b:s2+s31], $0x80, $0x38;
	[tilespmem:$0x1B200] =	vst v63  }
0xab: {  	s2 =	sadd.s32 s4, s12;
	s12 =	sand.u32 $0x1FFFFFF0, s22;
	s19 =	spop (v2sf)  }
0xac: {  	[tilespmem:s25], [sflag:$0x5] =	stream.linear.gather [hbm4b:s2+s31], $0x80, $0x38;
	[tilespmem:$0x1B200] =	vst v63  }
0xad: {  	s2 =	sadd.s32 s4, s16;
	s16 =	sand.u32 $0x1FFFFFF0, s19;
	s19 =	spop (v2sf)  }
0xae: {  	[tilespmem:s13], [sflag:$0x5] =	stream.linear.gather [hbm4b:s2+s31], $0x80, $0x38;
	[tilespmem:$0x1B200] =	vst v63  }
0xaf: {  	s2 =	sadd.s32 s4, s12;
	s12 =	sand.u32 $0x1FFFFFF0, s19;
	s13 =	spop (v2sf)  }
0xb0: {  	[tilespmem:s10], [sflag:$0x5] =	stream.linear.gather [hbm4b:s2+s31], $0x80, $0x38;
	[tilespmem:$0x1B200] =	vst v63  }
0xb1: {  	s2 =	sadd.s32 s4, s16;
	s10 =	sand.u32 $0x1FFFFFF0, s13;
	s13 =	spop (v2sf)  }
0xb2: {  	[tilespmem:s28], [sflag:$0x5] =	stream.linear.gather [hbm4b:s2+s31], $0x80, $0x38;
	[tilespmem:$0x1B200] =	vst v63  }
0xb3: {  	s2 =	sadd.s32 s4, s12;
	s12 =	sand.u32 $0x1FFFFFF0, s13;
	s13 =	spop (v2sf)  }
0xb4: {  	[tilespmem:s15], [sflag:$0x5] =	stream.linear.gather [hbm4b:s2+s31], $0x80, $0x38;
	[tilespmem:$0x1B200] =	vst v63  }
0xb5: {  	s2 =	sadd.s32 s4, s10;
	s10 =	sand.u32 $0x1FFFFFF0, s13;
	s13 =	spop (v2sf)  }
0xb6: {  	[tilespmem:s9], [sflag:$0x5] =	stream.linear.gather [hbm4b:s2+s31], $0x80, $0x38;
	[tilespmem:$0x1B200] =	vst v63  }
0xb7: {  	s2 =	sadd.s32 s4, s12;
	s9 =	sand.u32 $0x1FFFFFF0, s13;
	s12 =	spop (v2sf)  }
0xb8: {  	[tilespmem:s7], [sflag:$0x5] =	stream.linear.gather [hbm4b:s2+s31], $0x80, $0x38;
	[tilespmem:$0x1B200] =	vst v63  }
0xb9: {  	s2 =	sadd.s32 s4, s10;
	s7 =	sand.u32 $0x1FFFFFF0, s12  }
0xba: {  	[tilespmem:s14], [sflag:$0x5] =	stream.linear.gather [hbm4b:s2+s31], $0x80, $0x38;
	[tilespmem:$0x1B200] =	vst v63  }
0xbb: {  	s9 =	sadd.s32 s4, s9;
	s2 =	sadd.s32 $0x13900, s0  }
0xbc: {  	[tilespmem:s2], [sflag:$0x5] =	stream.linear.gather [hbm4b:s9+s31], $0x80, $0x38;
	[tilespmem:$0x1B200] =	vst v63  }
0xbd: {  	s0 =	sadd.s32 $0x13980, s0;
	s2 =	sadd.s32 s4, s7  }
0xbe: {  	[tilespmem:s0], [sflag:$0x5] =	stream.linear.gather [hbm4b:s2+s31], $0x80, $0x38;
	[tilespmem:$0x1B200] =	vst v63  }
0xbf: {  	v0 =	vld [tilespmem:s1+$0x0];
	_ =	sdelay $0x4  }
0xc0: {  	v0 =	vshll.u32 v0, $0x4  }
0xc1: {  	(v2sf) =	vpush v0, $0x0  }
0xc2: {  	(v2sf) =	vpush v0, $0x1  }
0xc3: {  	(v2sf) =	vpush v0, $0x2;
	_ =	sdelay $0x1  }
0xc4: {  	(v2sf) =	vpush v0, $0x4  }
.Ltmp3:
0xc5: {  	(pc) =	sbr.rel @p0 .LBB2_4-.Ltmp3, $3  }
0xc6: {  	(v2sf) =	vpush v0, $0x3  }
0xc7: {  	(v2sf) =	vpush v0, $0x5;
	_ =	sdelay $0x1  }
0xc8: {  	s0 =	sshra.s32 s6, $0x2;
	(v2sf) =	vpush v0, $0x6  }
0xc9: {  	_ =	sdelay $0x2  }
0xca: {  	s2 =	sadd.s32 $0x13280, s0;
	s7 =	sadd.s32 $0x13780, s0;
	s9 =	sadd.s32 $0x13580, s0;
	(v2sf) =	vpush v0, $0x7  }
0xcb: {  	s10 =	sadd.s32 $0x13480, s0;
	s11 =	sadd.s32 $0x13600, s0;
	s12 =	sadd.s32 $0x13200, s0  }
0xcc: {  	s13 =	sadd.s32 $0x13400, s0;
	s14 =	sadd.s32 $0x13500, s0;
	(v2sf) =	vpush v0, $0x8;
	s15 =	spop (v2sf)  }
0xcd: {  	s16 =	sadd.s32 $0x13300, s0;
	s15 =	sand.u32 $0x1FFFFFF0, s15;
	s19 =	spop (v2sf)  }
0xce: {  	(v2sf) =	vpush v0, $0x9;
	s15 =	sadd.s32 s4, s15;
	s19 =	sand.u32 $0x1FFFFFF0, s19;
	s22 =	spop (v2sf)  }
0xcf: {  	[tilespmem:s12], [sflag:$0x5] =	stream.linear.gather [hbm4b:s15+s31], $0x80, $0x38;
	[tilespmem:$0x1B200] =	vst v63  }
0xd0: {  	s25 =	sadd.s32 $0x13380, s0;
	(v2sf) =	vpush v0, $0xA;
	s17 =	sadd.s32 s4, s19;
	s18 =	spop (v2sf)  }
0xd1: {  	[tilespmem:s2], [sflag:$0x5] =	stream.linear.gather [hbm4b:s17+s31], $0x80, $0x38;
	[tilespmem:$0x1B200] =	vst v63  }
0xd2: {  	s12 =	sadd.s32 $0x13700, s0;
	s22 =	sand.u32 $0x1FFFFFF0, s22;
	(v2sf) =	vpush v0, $0xB;
	s26 =	spop (v2sf)  }
0xd3: {  	s15 =	sadd.s32 s4, s22;
	s2 =	sadd.s32 $0x13680, s0;
	s22 =	sand.u32 $0x1FFFFFF0, s26  }
0xd4: {  	(v2sf) =	vpush v0, $0xC;
	[tilespmem:s16], [sflag:$0x5] =	stream.linear.gather [hbm4b:s15+s31], $0x80, $0x38;
	[tilespmem:$0x1B200] =	vst v63  }
0xd5: {  	s28 =	sand.u32 $0x1FFFFFF0, s18;
	s29 =	spop (v2sf);
	s30 =	sadd.s32 s4, s22  }
0xd6: {  	(v2sf) =	vpush v0, $0xD;
	[tilespmem:s25], [sflag:$0x5] =	stream.linear.gather [hbm4b:s30+s31], $0x80, $0x38;
	[tilespmem:$0x1B200] =	vst v63  }
0xd7: {  	s15 =	sadd.s32 s4, s28;
	s16 =	sand.u32 $0x1FFFFFF0, s29;
	s17 =	spop (v2sf)  }
0xd8: {  	[tilespmem:s13], [sflag:$0x5] =	stream.linear.gather [hbm4b:s15+s31], $0x80, $0x38;
	[tilespmem:$0x1B200] =	vst v63  }
0xd9: {  	s16 =	sadd.s32 s4, s16;
	s18 =	sand.u32 $0x1FFFFFF0, s17;
	s19 =	spop (v2sf)  }
0xda: {  	(v2sf) =	vpush v0, $0xE;
	[tilespmem:s10], [sflag:$0x5] =	stream.linear.gather [hbm4b:s16+s31], $0x80, $0x38;
	[tilespmem:$0x1B200] =	vst v63  }
0xdb: {  	s22 =	sand.u32 $0x1FFFFFF0, s19;
	s25 =	spop (v2sf);
	s13 =	sadd.s32 s4, s18  }
0xdc: {  	(v2sf) =	vpush v0, $0xF;
	[tilespmem:s14], [sflag:$0x5] =	stream.linear.gather [hbm4b:s13+s31], $0x80, $0x38;
	[tilespmem:$0x1B200] =	vst v63  }
0xdd: {  	s26 =	sand.u32 $0x1FFFFFF0, s25;
	s10 =	sadd.s32 s4, s22;
	s28 =	spop (v2sf)  }
0xde: {  	[tilespmem:s9], [sflag:$0x5] =	stream.linear.gather [hbm4b:s10+s31], $0x80, $0x38;
	[tilespmem:$0x1B200] =	vst v63  }
0xdf: {  	s13 =	sadd.s32 s4, s26;
	s29 =	sand.u32 $0x1FFFFFF0, s28;
	s30 =	spop (v2sf)  }
0xe0: {  	[tilespmem:s11], [sflag:$0x5] =	stream.linear.gather [hbm4b:s13+s31], $0x80, $0x38;
	[tilespmem:$0x1B200] =	vst v63  }
0xe1: {  	s10 =	sand.u32 $0x1FFFFFF0, s30;
	s9 =	sadd.s32 s4, s29;
	s14 =	spop (v2sf)  }
0xe2: {  	[tilespmem:s2], [sflag:$0x5] =	stream.linear.gather [hbm4b:s9+s31], $0x80, $0x38;
	[tilespmem:$0x1B200] =	vst v63  }
0xe3: {  	s10 =	sadd.s32 s4, s10;
	s15 =	sand.u32 $0x1FFFFFF0, s14;
	s16 =	spop (v2sf)  }
0xe4: {  	[tilespmem:s12], [sflag:$0x5] =	stream.linear.gather [hbm4b:s10+s31], $0x80, $0x38;
	[tilespmem:$0x1B200] =	vst v63  }
0xe5: {  	s2 =	sadd.s32 s4, s15;
	s9 =	sand.u32 $0x1FFFFFF0, s16;
	s17 =	spop (v2sf)  }
0xe6: {  	[tilespmem:s7], [sflag:$0x5] =	stream.linear.gather [hbm4b:s2+s31], $0x80, $0x38;
	[tilespmem:$0x1B200] =	vst v63  }
0xe7: {  	s1 =	sadd.s32 $0x13800, s0;
	s18 =	sand.u32 $0x1FFFFFF0, s17;
	s9 =	sadd.s32 s4, s9  }
0xe8: {  	[tilespmem:s1], [sflag:$0x5] =	stream.linear.gather [hbm4b:s9+s31], $0x80, $0x38;
	[tilespmem:$0x1B200] =	vst v63  }
0xe9: {  	s6 =	sadd.s32 $0x13880, s0;
	s19 =	spop (v2sf);
	s2 =	sadd.s32 s4, s18  }
0xea: {  	[tilespmem:s6], [sflag:$0x5] =	stream.linear.gather [hbm4b:s2+s31], $0x80, $0x38;
	[tilespmem:$0x1B200] =	vst v63  }
.Ltmp4:
0xeb: {  	s22 =	sand.u32 $0x1FFFFFF0, s19;
	s25 =	spop (v2sf);
	(pc) =	sbr.rel .LBB2_6-.Ltmp4, $4  }
0xec: {  	s28 =	sadd.s32 $0x13900, s0;
	s26 =	sand.u32 $0x1FFFFFF0, s25;
	s1 =	sadd.s32 s4, s22  }
0xed: {  	[tilespmem:s28], [sflag:$0x5] =	stream.linear.gather [hbm4b:s1+s31], $0x80, $0x38;
	[tilespmem:$0x1B200] =	vst v63  }
0xee: {  	s29 =	sadd.s32 $0x13980, s0;
	s30 =	sadd.s32 s4, s26;
	s6 =	simm.s32 $0x100  }
0xef: {  	[tilespmem:s29], [sflag:$0x5] =	stream.linear.gather [hbm4b:s30+s31], $0x80, $0x38;
	[tilespmem:$0x1B200] =	vst v63  }
.LBB2_31:
0xf0: {  	s31 =	sadd.s32 $0x1, s31  }
0xf1: {  	p0 =	sne.s32 s31, $0x32  }
.Ltmp5:
0xf2: {  	_ = 	snop;
	(pc) =	sbr.rel @!p0 .LBB2_32-.Ltmp5, $2  }
0xf3: {  	_ =	sdelay $0x2  }
0xf4: {  	s6 =	sadd.s32 $0x80, s6  }
.LBB2_6:
0xf5: {  	s0 =	smul.u32 $0xAB, s31;
	_ =	sdelay $0x1  }
0xf6: {  	s0 =	sshrl.u32 s0, $0x9  }
0xf7: {  	s0 =	sand.u32 $0x7F, s0  }
0xf8: {  	s0 =	smul.u32 $0x3, s0;
	_ =	sdelay $0x1  }
0xf9: {  	p2 =	sgt.u32 s31, $0x2F;
	s1 =	ssub.s32 s31, s0  }
0xfa: {  	s7 =	sand.u32 @!p2 $0xFF, s1  }
0xfb: {  	p0 =	sne.s32 @!p2 s7, $0x0  }
0xfc: {  	p0 =	por p2, p0  }
.Ltmp6:
0xfd: {  	_ = 	snop;
	(pc) =	sbr.rel @p0 .LBB2_10-.Ltmp6, $2  }
0xfe: {  	_ =	sdelay $0x2  }
0xff: {  	s0 =	sadd.s32 $0x2, s31  }
0x100: {  	p0 =	seq.s32 s31, $0x0  }
0x101: {  	s2 =	simm.s32 @!p0 $0x9  }
0x102: {  	_ =	swait.ge @!p0 [sflag:s2], $0x4000  }
0x103: {  	s0 =	sshll.u32 s0, $0x7;
	[sflag:s2] =	ssyncset.done @!p0 $0x0  }
0x104: {  	s7 =	simm.s32 $0x80;
	s0 =	sand.u32 $0x3FFFFF80, s0;
	[sflag:s2] =	ssyncadd.s32 @!p0 $0xFFFFC000  }
0x105: {  	s9 =	simm.s32 $0xB200;
	s0 =	sadd.s32 $0x1900, s0;
	s2 =	rddreg [dreg:$0x3]  }
0x106: {  	[tilespmem:s9], [sflag:$0x3] =	stream.indirect.gather [hbm4b:s2+s7], $0x80, s0, s7, $0xb8;
	[tilespmem:$0x1B200] =	vst v63  }
0x107: {  	v0 =	vld [tilespmem:s6+$0x0];
	_ =	sdelay $0x4  }
0x108: {  	v0 =	vshll.u32 v0, $0x4  }
0x109: {  	(v2sf) =	vpush v0, $0x0  }
0x10a: {  	(v2sf) =	vpush v0, $0x1  }
0x10b: {  	(v2sf) =	vpush v0, $0x2  }
0x10c: {  	p0 =	por $0x0, $0x0  }
.Ltmp7:
0x10d: {  	(v2sf) =	vpush v0, $0x4;
	(pc) =	sbr.rel @p0 .LBB2_9-.Ltmp7, $4  }
0x10e: {  	_ = 	snop  }
0x10f: {  	(v2sf) =	vpush v0, $0x3  }
0x110: {  	(v2sf) =	vpush v0, $0x5  }
0x111: {  	s11 =	simm.s32 $0x2000;
	s14 =	simm.s32 $0x0;
	s0 =	smov.u32 s6;
	(v2sf) =	vpush v0, $0x6  }
.LBB2_8:
0x112: {  	p0 =	seq.s32 s11, $0xE000  }
0x113: {  	s2 =	sadd.s32 $0x17280, s14;
	s15 =	sadd.s32 $0x17780, s14;
	s7 =	smov.u32 s11  }
0x114: {  	s11 =	sadd.s32 $0x2000, s11;
	s28 =	sadd.s32 $0x17580, s14;
	s9 =	sadd.s32 $0x17800, s14;
	(v2sf) =	vpush v0, $0x7  }
0x115: {  	s30 =	sadd.s32 $0x17480, s14;
	s13 =	sadd.s32 $0x17600, s14;
	s29 =	sadd.s32 $0x17880, s14  }
0x116: {  	s12 =	sadd.s32 $0x17200, s14;
	s16 =	sadd.s32 $0x17400, s14;
	(v2sf) =	vpush v0, $0x8  }
0x117: {  	s22 =	sadd.s32 $0x17500, s14;
	s0 =	sadd.s32 $0x10, s0  }
0x118: {  	s25 =	sadd.s32 $0x17300, s14;
	s10 =	sadd.s32 $0x17700, s14;
	s19 =	spop (v2sf);
	(v2sf) =	vpush v0, $0x9  }
0x119: {  	s26 =	sand.u32 $0x1FFFFFF0, s19;
	s19 =	sadd.s32 $0x17680, s14;
	s17 =	spop (v2sf)  }
0x11a: {  	s26 =	sadd.s32 s4, s26;
	s17 =	sand.u32 $0x1FFFFFF0, s17;
	s18 =	spop (v2sf);
	(v2sf) =	vpush v0, $0xA  }
0x11b: {  	[tilespmem:s12], [sflag:$0x6] =	stream.linear.gather [hbm4b:s26+s3], $0x80, $0x38;
	[tilespmem:$0x1B200] =	vst v63  }
0x11c: {  	s12 =	sadd.s32 s4, s17;
	s17 =	sadd.s32 $0x17380, s14;
	s26 =	spop (v2sf);
	(v2sf) =	vpush v0, $0xB  }
0x11d: {  	[tilespmem:s2], [sflag:$0x6] =	stream.linear.gather [hbm4b:s12+s3], $0x80, $0x38;
	[tilespmem:$0x1B200] =	vst v63  }
0x11e: {  	s2 =	sand.u32 $0x1FFFFFF0, s18;
	s12 =	sand.u32 $0x1FFFFFF0, s26;
	s18 =	spop (v2sf);
	(v2sf) =	vpush v0, $0xC  }
0x11f: {  	s2 =	sadd.s32 s4, s2;
	s18 =	sand.u32 $0x1FFFFFF0, s18;
	s26 =	spop (v2sf)  }
0x120: {  	[tilespmem:s25], [sflag:$0x6] =	stream.linear.gather [hbm4b:s2+s3], $0x80, $0x38;
	(v2sf) =	vpush v0, $0xD;
	[tilespmem:$0x1B200] =	vst v63  }
0x121: {  	s2 =	sadd.s32 s4, s18;
	s18 =	sand.u32 $0x1FFFFFF0, s26;
	s25 =	spop (v2sf)  }
0x122: {  	[tilespmem:s17], [sflag:$0x6] =	stream.linear.gather [hbm4b:s2+s3], $0x80, $0x38;
	(v2sf) =	vpush v0, $0xE;
	[tilespmem:$0x1B200] =	vst v63  }
0x123: {  	s2 =	sadd.s32 s4, s12;
	s12 =	sand.u32 $0x1FFFFFF0, s25;
	s17 =	spop (v2sf)  }
0x124: {  	[tilespmem:s16], [sflag:$0x6] =	stream.linear.gather [hbm4b:s2+s3], $0x80, $0x38;
	(v2sf) =	vpush v0, $0xF;
	[tilespmem:$0x1B200] =	vst v63  }
0x125: {  	s2 =	sadd.s32 s4, s18;
	s16 =	sand.u32 $0x1FFFFFF0, s17;
	s17 =	spop (v2sf)  }
0x126: {  	[tilespmem:s30], [sflag:$0x6] =	stream.linear.gather [hbm4b:s2+s3], $0x80, $0x38;
	[tilespmem:$0x1B200] =	vst v63  }
0x127: {  	s2 =	sadd.s32 s4, s12;
	s12 =	sand.u32 $0x1FFFFFF0, s17;
	s17 =	spop (v2sf)  }
0x128: {  	[tilespmem:s22], [sflag:$0x6] =	stream.linear.gather [hbm4b:s2+s3], $0x80, $0x38;
	[tilespmem:$0x1B200] =	vst v63  }
0x129: {  	s2 =	sadd.s32 s4, s16;
	s16 =	sand.u32 $0x1FFFFFF0, s17;
	s17 =	spop (v2sf)  }
0x12a: {  	[tilespmem:s28], [sflag:$0x6] =	stream.linear.gather [hbm4b:s2+s3], $0x80, $0x38;
	[tilespmem:$0x1B200] =	vst v63  }
0x12b: {  	s2 =	sadd.s32 s4, s12;
	s12 =	sand.u32 $0x1FFFFFF0, s17;
	s17 =	spop (v2sf)  }
0x12c: {  	[tilespmem:s13], [sflag:$0x6] =	stream.linear.gather [hbm4b:s2+s3], $0x80, $0x38;
	[tilespmem:$0x1B200] =	vst v63  }
0x12d: {  	s2 =	sadd.s32 s4, s16;
	s13 =	sand.u32 $0x1FFFFFF0, s17;
	s16 =	spop (v2sf)  }
0x12e: {  	[tilespmem:s19], [sflag:$0x6] =	stream.linear.gather [hbm4b:s2+s3], $0x80, $0x38;
	[tilespmem:$0x1B200] =	vst v63  }
0x12f: {  	s2 =	sadd.s32 s4, s12;
	s12 =	sand.u32 $0x1FFFFFF0, s16;
	s16 =	spop (v2sf)  }
0x130: {  	[tilespmem:s10], [sflag:$0x6] =	stream.linear.gather [hbm4b:s2+s3], $0x80, $0x38;
	[tilespmem:$0x1B200] =	vst v63  }
0x131: {  	s2 =	sadd.s32 s4, s13;
	s10 =	sand.u32 $0x1FFFFFF0, s16;
	s13 =	spop (v2sf)  }
0x132: {  	[tilespmem:s15], [sflag:$0x6] =	stream.linear.gather [hbm4b:s2+s3], $0x80, $0x38;
	[tilespmem:$0x1B200] =	vst v63  }
0x133: {  	s2 =	sadd.s32 s4, s12;
	s12 =	sand.u32 $0x1FFFFFF0, s13;
	s13 =	spop (v2sf)  }
0x134: {  	[tilespmem:s9], [sflag:$0x6] =	stream.linear.gather [hbm4b:s2+s3], $0x80, $0x38;
	[tilespmem:$0x1B200] =	vst v63  }
0x135: {  	s2 =	sadd.s32 s4, s10;
	s9 =	sand.u32 $0x1FFFFFF0, s13  }
0x136: {  	[tilespmem:s29], [sflag:$0x6] =	stream.linear.gather [hbm4b:s2+s3], $0x80, $0x38;
	[tilespmem:$0x1B200] =	vst v63  }
0x137: {  	s10 =	sadd.s32 s4, s12;
	s2 =	sadd.s32 $0x17900, s14  }
0x138: {  	[tilespmem:s2], [sflag:$0x6] =	stream.linear.gather [hbm4b:s10+s3], $0x80, $0x38;
	[tilespmem:$0x1B200] =	vst v63  }
0x139: {  	s9 =	sadd.s32 s4, s9;
	s2 =	sadd.s32 $0x17980, s14  }
0x13a: {  	[tilespmem:s2], [sflag:$0x6] =	stream.linear.gather [hbm4b:s9+s3], $0x80, $0x38;
	[tilespmem:$0x1B200] =	vst v63  }
0x13b: {  	v0 =	vld [tilespmem:s0+$0x0];
	_ =	sdelay $0x4  }
0x13c: {  	v0 =	vshll.u32 v0, $0x4  }
0x13d: {  	(v2sf) =	vpush v0, $0x0  }
0x13e: {  	(v2sf) =	vpush v0, $0x1  }
0x13f: {  	(v2sf) =	vpush v0, $0x2;
	_ =	sdelay $0x1  }
0x140: {  	(v2sf) =	vpush v0, $0x4  }
.Ltmp8:
0x141: {  	(pc) =	sbr.rel @!p0 .LBB2_8-.Ltmp8, $3  }
0x142: {  	(v2sf) =	vpush v0, $0x3  }
0x143: {  	(v2sf) =	vpush v0, $0x5;
	_ =	sdelay $0x1  }
0x144: {  	s14 =	sshra.s32 s7, $0x2;
	(v2sf) =	vpush v0, $0x6  }
.LBB2_9:
0x145: {  	_ =	sdelay $0x2  }
0x146: {  	s2 =	sadd.s32 $0x17280, s14  }
0x147: {  	s9 =	sadd.s32 $0x17780, s14;
	s10 =	sadd.s32 $0x17580, s14;
	s0 =	sadd.s32 $0x17800, s14;
	(v2sf) =	vpush v0, $0x7  }
0x148: {  	s11 =	sadd.s32 $0x17480, s14;
	s12 =	sadd.s32 $0x17600, s14;
	s13 =	sadd.s32 $0x17200, s14  }
0x149: {  	s15 =	sadd.s32 $0x17400, s14;
	s16 =	sadd.s32 $0x17500, s14;
	(v2sf) =	vpush v0, $0x8;
	s17 =	spop (v2sf)  }
0x14a: {  	s18 =	sadd.s32 $0x17300, s14;
	s17 =	sand.u32 $0x1FFFFFF0, s17;
	s19 =	spop (v2sf)  }
0x14b: {  	(v2sf) =	vpush v0, $0x9;
	s17 =	sadd.s32 s4, s17;
	s19 =	sand.u32 $0x1FFFFFF0, s19;
	s22 =	spop (v2sf)  }
0x14c: {  	[tilespmem:s13], [sflag:$0x6] =	stream.linear.gather [hbm4b:s17+s3], $0x80, $0x38;
	[tilespmem:$0x1B200] =	vst v63  }
0x14d: {  	(v2sf) =	vpush v0, $0xA;
	s25 =	sadd.s32 s4, s19;
	s28 =	sand.u32 $0x1FFFFFF0, s22;
	s26 =	spop (v2sf)  }
0x14e: {  	[tilespmem:s2], [sflag:$0x6] =	stream.linear.gather [hbm4b:s25+s3], $0x80, $0x38;
	[tilespmem:$0x1B200] =	vst v63  }
0x14f: {  	s13 =	sadd.s32 $0x17700, s14;
	(v2sf) =	vpush v0, $0xB;
	s17 =	sadd.s32 s4, s28;
	s29 =	spop (v2sf)  }
0x150: {  	s2 =	sadd.s32 $0x17680, s14;
	s25 =	sadd.s32 $0x17380, s14;
	s22 =	sand.u32 $0x1FFFFFF0, s29  }
0x151: {  	(v2sf) =	vpush v0, $0xC;
	[tilespmem:s18], [sflag:$0x6] =	stream.linear.gather [hbm4b:s17+s3], $0x80, $0x38;
	[tilespmem:$0x1B200] =	vst v63  }
0x152: {  	s30 =	sand.u32 $0x1FFFFFF0, s26;
	s26 =	spop (v2sf);
	s28 =	sadd.s32 s4, s22  }
0x153: {  	(v2sf) =	vpush v0, $0xD;
	[tilespmem:s25], [sflag:$0x6] =	stream.linear.gather [hbm4b:s28+s3], $0x80, $0x38;
	[tilespmem:$0x1B200] =	vst v63  }
0x154: {  	s17 =	sadd.s32 s4, s30;
	s18 =	sand.u32 $0x1FFFFFF0, s26;
	s29 =	spop (v2sf)  }
0x155: {  	[tilespmem:s15], [sflag:$0x6] =	stream.linear.gather [hbm4b:s17+s3], $0x80, $0x38;
	[tilespmem:$0x1B200] =	vst v63  }
0x156: {  	s30 =	sand.u32 $0x1FFFFFF0, s29;
	s19 =	spop (v2sf);
	s18 =	sadd.s32 s4, s18  }
0x157: {  	(v2sf) =	vpush v0, $0xE;
	[tilespmem:s11], [sflag:$0x6] =	stream.linear.gather [hbm4b:s18+s3], $0x80, $0x38;
	[tilespmem:$0x1B200] =	vst v63  }
0x158: {  	s22 =	sand.u32 $0x1FFFFFF0, s19;
	s25 =	spop (v2sf);
	s15 =	sadd.s32 s4, s30  }
0x159: {  	(v2sf) =	vpush v0, $0xF;
	[tilespmem:s16], [sflag:$0x6] =	stream.linear.gather [hbm4b:s15+s3], $0x80, $0x38;
	[tilespmem:$0x1B200] =	vst v63  }
0x15a: {  	s26 =	sand.u32 $0x1FFFFFF0, s25;
	s11 =	sadd.s32 s4, s22;
	s28 =	spop (v2sf)  }
0x15b: {  	[tilespmem:s10], [sflag:$0x6] =	stream.linear.gather [hbm4b:s11+s3], $0x80, $0x38;
	[tilespmem:$0x1B200] =	vst v63  }
0x15c: {  	s15 =	sadd.s32 s4, s26;
	s29 =	sand.u32 $0x1FFFFFF0, s28;
	s30 =	spop (v2sf)  }
0x15d: {  	[tilespmem:s12], [sflag:$0x6] =	stream.linear.gather [hbm4b:s15+s3], $0x80, $0x38;
	[tilespmem:$0x1B200] =	vst v63  }
0x15e: {  	s11 =	sand.u32 $0x1FFFFFF0, s30;
	s10 =	sadd.s32 s4, s29;
	s15 =	spop (v2sf)  }
0x15f: {  	[tilespmem:s2], [sflag:$0x6] =	stream.linear.gather [hbm4b:s10+s3], $0x80, $0x38;
	[tilespmem:$0x1B200] =	vst v63  }
0x160: {  	s11 =	sadd.s32 s4, s11;
	s16 =	sand.u32 $0x1FFFFFF0, s15;
	s17 =	spop (v2sf)  }
0x161: {  	[tilespmem:s13], [sflag:$0x6] =	stream.linear.gather [hbm4b:s11+s3], $0x80, $0x38;
	[tilespmem:$0x1B200] =	vst v63  }
0x162: {  	s2 =	sadd.s32 s4, s16;
	s10 =	sand.u32 $0x1FFFFFF0, s17;
	s18 =	spop (v2sf)  }
0x163: {  	[tilespmem:s9], [sflag:$0x6] =	stream.linear.gather [hbm4b:s2+s3], $0x80, $0x38;
	[tilespmem:$0x1B200] =	vst v63  }
0x164: {  	s7 =	sadd.s32 $0x17880, s14;
	s19 =	sand.u32 $0x1FFFFFF0, s18;
	s10 =	sadd.s32 s4, s10  }
0x165: {  	[tilespmem:s0], [sflag:$0x6] =	stream.linear.gather [hbm4b:s10+s3], $0x80, $0x38;
	[tilespmem:$0x1B200] =	vst v63  }
0x166: {  	p1 =	por $0x0, $0x0;
	s22 =	spop (v2sf);
	s2 =	sadd.s32 s4, s19  }
0x167: {  	[tilespmem:s7], [sflag:$0x6] =	stream.linear.gather [hbm4b:s2+s3], $0x80, $0x38;
	[tilespmem:$0x1B200] =	vst v63  }
.Ltmp9:
0x168: {  	s25 =	sand.u32 $0x1FFFFFF0, s22;
	s26 =	spop (v2sf);
	(pc) =	sbr.rel .LBB2_16-.Ltmp9, $4  }
0x169: {  	s29 =	sadd.s32 $0x17900, s14;
	s28 =	sand.u32 $0x1FFFFFF0, s26;
	s0 =	sadd.s32 s4, s25  }
0x16a: {  	[tilespmem:s29], [sflag:$0x6] =	stream.linear.gather [hbm4b:s0+s3], $0x80, $0x38;
	[tilespmem:$0x1B200] =	vst v63  }
0x16b: {  	p0 =	por $0x0, $0x0;
	s30 =	sadd.s32 $0x17980, s14;
	s2 =	sadd.s32 s4, s28  }
0x16c: {  	[tilespmem:s30], [sflag:$0x6] =	stream.linear.gather [hbm4b:s2+s3], $0x80, $0x38;
	[tilespmem:$0x1B200] =	vst v63  }
.LBB2_10:
0x16d: {  	p0 =	sne.s32 @!p2 s7, $0x1  }
0x16e: {  	p0 =	por p2, p0  }
.Ltmp10:
0x16f: {  	_ = 	snop;
	(pc) =	sbr.rel @p0 .LBB2_14-.Ltmp10, $1  }
0x170: {  	_ =	sdelay $0x3  }
0x171: {  	s2 =	simm.s32 $0x7  }
0x172: {  	_ =	swait.ge [sflag:s2], $0x4000  }
0x173: {  	s0 =	sshll.u32 s0, $0x7;
	[sflag:s2] =	ssyncset.done $0x0  }
0x174: {  	s7 =	simm.s32 $0x80;
	s0 =	sand.u32 $0x3FFFFF80, s0;
	[sflag:s2] =	ssyncadd.s32 $0xFFFFC000  }
0x175: {  	s9 =	simm.s32 $0x3200;
	s0 =	sadd.s32 $0x1900, s0;
	s2 =	rddreg [dreg:$0x3]  }
0x176: {  	[tilespmem:s9], [sflag:$0x1] =	stream.indirect.gather [hbm4b:s2+s7], $0x80, s0, s7, $0xb8;
	[tilespmem:$0x1B200] =	vst v63  }
0x177: {  	v0 =	vld [tilespmem:s6+$0x0];
	_ =	sdelay $0x4  }
0x178: {  	v0 =	vshll.u32 v0, $0x4  }
0x179: {  	(v2sf) =	vpush v0, $0x0  }
0x17a: {  	(v2sf) =	vpush v0, $0x1  }
0x17b: {  	(v2sf) =	vpush v0, $0x2  }
0x17c: {  	p0 =	por $0x0, $0x0  }
.Ltmp11:
0x17d: {  	(v2sf) =	vpush v0, $0x4;
	(pc) =	sbr.rel @p0 .LBB2_13-.Ltmp11, $4  }
0x17e: {  	_ = 	snop  }
0x17f: {  	(v2sf) =	vpush v0, $0x3  }
0x180: {  	(v2sf) =	vpush v0, $0x5  }
0x181: {  	s11 =	simm.s32 $0x2000;
	s14 =	simm.s32 $0x0;
	s0 =	smov.u32 s6;
	(v2sf) =	vpush v0, $0x6  }
.LBB2_12:
0x182: {  	p0 =	seq.s32 s11, $0xE000  }
0x183: {  	s2 =	sadd.s32 $0xF280, s14;
	s15 =	sadd.s32 $0xF780, s14;
	s7 =	smov.u32 s11  }
0x184: {  	s11 =	sadd.s32 $0x2000, s11;
	s28 =	sadd.s32 $0xF580, s14;
	s9 =	sadd.s32 $0xF800, s14;
	(v2sf) =	vpush v0, $0x7  }
0x185: {  	s30 =	sadd.s32 $0xF480, s14;
	s13 =	sadd.s32 $0xF600, s14;
	s29 =	sadd.s32 $0xF880, s14  }
0x186: {  	s12 =	sadd.s32 $0xF200, s14;
	s16 =	sadd.s32 $0xF400, s14;
	(v2sf) =	vpush v0, $0x8  }
0x187: {  	s17 =	sadd.s32 $0xF500, s14;
	s0 =	sadd.s32 $0x10, s0  }
0x188: {  	s18 =	sadd.s32 $0xF300, s14;
	s10 =	sadd.s32 $0xF700, s14;
	s19 =	spop (v2sf);
	(v2sf) =	vpush v0, $0x9  }
0x189: {  	s22 =	sand.u32 $0x1FFFFFF0, s19;
	s19 =	sadd.s32 $0xF680, s14;
	s25 =	spop (v2sf)  }
0x18a: {  	s22 =	sadd.s32 s4, s22;
	s25 =	sand.u32 $0x1FFFFFF0, s25;
	s26 =	spop (v2sf);
	(v2sf) =	vpush v0, $0xA  }
0x18b: {  	[tilespmem:s12], [sflag:$0x4] =	stream.linear.gather [hbm4b:s22+s3], $0x80, $0x38;
	[tilespmem:$0x1B200] =	vst v63  }
0x18c: {  	s12 =	sadd.s32 s4, s25;
	s22 =	sadd.s32 $0xF380, s14;
	s25 =	spop (v2sf);
	(v2sf) =	vpush v0, $0xB  }
0x18d: {  	[tilespmem:s2], [sflag:$0x4] =	stream.linear.gather [hbm4b:s12+s3], $0x80, $0x38;
	[tilespmem:$0x1B200] =	vst v63  }
0x18e: {  	s2 =	sand.u32 $0x1FFFFFF0, s26;
	s12 =	sand.u32 $0x1FFFFFF0, s25;
	s25 =	spop (v2sf);
	(v2sf) =	vpush v0, $0xC  }
0x18f: {  	s2 =	sadd.s32 s4, s2;
	s25 =	sand.u32 $0x1FFFFFF0, s25;
	s26 =	spop (v2sf)  }
0x190: {  	[tilespmem:s18], [sflag:$0x4] =	stream.linear.gather [hbm4b:s2+s3], $0x80, $0x38;
	(v2sf) =	vpush v0, $0xD;
	[tilespmem:$0x1B200] =	vst v63  }
0x191: {  	s2 =	sadd.s32 s4, s25;
	s18 =	sand.u32 $0x1FFFFFF0, s26;
	s25 =	spop (v2sf)  }
0x192: {  	[tilespmem:s22], [sflag:$0x4] =	stream.linear.gather [hbm4b:s2+s3], $0x80, $0x38;
	(v2sf) =	vpush v0, $0xE;
	[tilespmem:$0x1B200] =	vst v63  }
0x193: {  	s2 =	sadd.s32 s4, s12;
	s12 =	sand.u32 $0x1FFFFFF0, s25;
	s22 =	spop (v2sf)  }
0x194: {  	[tilespmem:s16], [sflag:$0x4] =	stream.linear.gather [hbm4b:s2+s3], $0x80, $0x38;
	(v2sf) =	vpush v0, $0xF;
	[tilespmem:$0x1B200] =	vst v63  }
0x195: {  	s2 =	sadd.s32 s4, s18;
	s16 =	sand.u32 $0x1FFFFFF0, s22;
	s18 =	spop (v2sf)  }
0x196: {  	[tilespmem:s30], [sflag:$0x4] =	stream.linear.gather [hbm4b:s2+s3], $0x80, $0x38;
	[tilespmem:$0x1B200] =	vst v63  }
0x197: {  	s2 =	sadd.s32 s4, s12;
	s12 =	sand.u32 $0x1FFFFFF0, s18;
	s18 =	spop (v2sf)  }
0x198: {  	[tilespmem:s17], [sflag:$0x4] =	stream.linear.gather [hbm4b:s2+s3], $0x80, $0x38;
	[tilespmem:$0x1B200] =	vst v63  }
0x199: {  	s2 =	sadd.s32 s4, s16;
	s16 =	sand.u32 $0x1FFFFFF0, s18;
	s17 =	spop (v2sf)  }
0x19a: {  	[tilespmem:s28], [sflag:$0x4] =	stream.linear.gather [hbm4b:s2+s3], $0x80, $0x38;
	[tilespmem:$0x1B200] =	vst v63  }
0x19b: {  	s2 =	sadd.s32 s4, s12;
	s12 =	sand.u32 $0x1FFFFFF0, s17;
	s17 =	spop (v2sf)  }
0x19c: {  	[tilespmem:s13], [sflag:$0x4] =	stream.linear.gather [hbm4b:s2+s3], $0x80, $0x38;
	[tilespmem:$0x1B200] =	vst v63  }
0x19d: {  	s2 =	sadd.s32 s4, s16;
	s13 =	sand.u32 $0x1FFFFFF0, s17;
	s16 =	spop (v2sf)  }
0x19e: {  	[tilespmem:s19], [sflag:$0x4] =	stream.linear.gather [hbm4b:s2+s3], $0x80, $0x38;
	[tilespmem:$0x1B200] =	vst v63  }
0x19f: {  	s2 =	sadd.s32 s4, s12;
	s12 =	sand.u32 $0x1FFFFFF0, s16;
	s16 =	spop (v2sf)  }
0x1a0: {  	[tilespmem:s10], [sflag:$0x4] =	stream.linear.gather [hbm4b:s2+s3], $0x80, $0x38;
	[tilespmem:$0x1B200] =	vst v63  }
0x1a1: {  	s2 =	sadd.s32 s4, s13;
	s10 =	sand.u32 $0x1FFFFFF0, s16;
	s13 =	spop (v2sf)  }
0x1a2: {  	[tilespmem:s15], [sflag:$0x4] =	stream.linear.gather [hbm4b:s2+s3], $0x80, $0x38;
	[tilespmem:$0x1B200] =	vst v63  }
0x1a3: {  	s2 =	sadd.s32 s4, s12;
	s12 =	sand.u32 $0x1FFFFFF0, s13;
	s13 =	spop (v2sf)  }
0x1a4: {  	[tilespmem:s9], [sflag:$0x4] =	stream.linear.gather [hbm4b:s2+s3], $0x80, $0x38;
	[tilespmem:$0x1B200] =	vst v63  }
0x1a5: {  	s2 =	sadd.s32 s4, s10;
	s9 =	sand.u32 $0x1FFFFFF0, s13  }
0x1a6: {  	[tilespmem:s29], [sflag:$0x4] =	stream.linear.gather [hbm4b:s2+s3], $0x80, $0x38;
	[tilespmem:$0x1B200] =	vst v63  }
0x1a7: {  	s10 =	sadd.s32 s4, s12;
	s2 =	sadd.s32 $0xF900, s14  }
0x1a8: {  	[tilespmem:s2], [sflag:$0x4] =	stream.linear.gather [hbm4b:s10+s3], $0x80, $0x38;
	[tilespmem:$0x1B200] =	vst v63  }
0x1a9: {  	s9 =	sadd.s32 s4, s9;
	s2 =	sadd.s32 $0xF980, s14  }
0x1aa: {  	[tilespmem:s2], [sflag:$0x4] =	stream.linear.gather [hbm4b:s9+s3], $0x80, $0x38;
	[tilespmem:$0x1B200] =	vst v63  }
0x1ab: {  	v0 =	vld [tilespmem:s0+$0x0];
	_ =	sdelay $0x4  }
0x1ac: {  	v0 =	vshll.u32 v0, $0x4  }
0x1ad: {  	(v2sf) =	vpush v0, $0x0  }
0x1ae: {  	(v2sf) =	vpush v0, $0x1  }
0x1af: {  	(v2sf) =	vpush v0, $0x2;
	_ =	sdelay $0x1  }
0x1b0: {  	(v2sf) =	vpush v0, $0x4  }
.Ltmp12:
0x1b1: {  	(pc) =	sbr.rel @!p0 .LBB2_12-.Ltmp12, $3  }
0x1b2: {  	(v2sf) =	vpush v0, $0x3  }
0x1b3: {  	(v2sf) =	vpush v0, $0x5;
	_ =	sdelay $0x1  }
0x1b4: {  	s14 =	sshra.s32 s7, $0x2;
	(v2sf) =	vpush v0, $0x6  }
.LBB2_13:
0x1b5: {  	_ =	sdelay $0x2  }
0x1b6: {  	s2 =	sadd.s32 $0xF280, s14;
	s9 =	sadd.s32 $0xF780, s14;
	s10 =	sadd.s32 $0xF580, s14  }
0x1b7: {  	s0 =	sadd.s32 $0xF800, s14;
	(v2sf) =	vpush v0, $0x7;
	s11 =	sadd.s32 $0xF480, s14;
	s12 =	sadd.s32 $0xF600, s14  }
0x1b8: {  	s7 =	sadd.s32 $0xF880, s14;
	s13 =	sadd.s32 $0xF200, s14;
	s15 =	sadd.s32 $0xF400, s14  }
0x1b9: {  	s16 =	sadd.s32 $0xF500, s14;
	s18 =	sadd.s32 $0xF300, s14;
	(v2sf) =	vpush v0, $0x8;
	s17 =	spop (v2sf)  }
0x1ba: {  	p0 =	por $0x1, $0x1;
	s17 =	sand.u32 $0x1FFFFFF0, s17;
	s19 =	spop (v2sf)  }
0x1bb: {  	(v2sf) =	vpush v0, $0x9;
	s17 =	sadd.s32 s4, s17;
	s19 =	sand.u32 $0x1FFFFFF0, s19;
	s22 =	spop (v2sf)  }
0x1bc: {  	[tilespmem:s13], [sflag:$0x4] =	stream.linear.gather [hbm4b:s17+s3], $0x80, $0x38;
	[tilespmem:$0x1B200] =	vst v63  }
0x1bd: {  	(v2sf) =	vpush v0, $0xA;
	s25 =	sadd.s32 s4, s19;
	s28 =	sand.u32 $0x1FFFFFF0, s22;
	s26 =	spop (v2sf)  }
0x1be: {  	[tilespmem:s2], [sflag:$0x4] =	stream.linear.gather [hbm4b:s25+s3], $0x80, $0x38;
	[tilespmem:$0x1B200] =	vst v63  }
0x1bf: {  	s13 =	sadd.s32 $0xF700, s14;
	(v2sf) =	vpush v0, $0xB;
	s17 =	sadd.s32 s4, s28;
	s29 =	spop (v2sf)  }
0x1c0: {  	s2 =	sadd.s32 $0xF680, s14;
	s25 =	sadd.s32 $0xF380, s14;
	s22 =	sand.u32 $0x1FFFFFF0, s29  }
0x1c1: {  	(v2sf) =	vpush v0, $0xC;
	[tilespmem:s18], [sflag:$0x4] =	stream.linear.gather [hbm4b:s17+s3], $0x80, $0x38;
	[tilespmem:$0x1B200] =	vst v63  }
0x1c2: {  	s30 =	sand.u32 $0x1FFFFFF0, s26;
	s26 =	spop (v2sf);
	s28 =	sadd.s32 s4, s22  }
0x1c3: {  	(v2sf) =	vpush v0, $0xD;
	[tilespmem:s25], [sflag:$0x4] =	stream.linear.gather [hbm4b:s28+s3], $0x80, $0x38;
	[tilespmem:$0x1B200] =	vst v63  }
0x1c4: {  	s17 =	sadd.s32 s4, s30;
	s18 =	sand.u32 $0x1FFFFFF0, s26;
	s29 =	spop (v2sf)  }
0x1c5: {  	(v2sf) =	vpush v0, $0xE;
	[tilespmem:s15], [sflag:$0x4] =	stream.linear.gather [hbm4b:s17+s3], $0x80, $0x38;
	[tilespmem:$0x1B200] =	vst v63  }
0x1c6: {  	s30 =	sand.u32 $0x1FFFFFF0, s29;
	s19 =	spop (v2sf);
	s18 =	sadd.s32 s4, s18  }
0x1c7: {  	(v2sf) =	vpush v0, $0xF;
	[tilespmem:s11], [sflag:$0x4] =	stream.linear.gather [hbm4b:s18+s3], $0x80, $0x38;
	[tilespmem:$0x1B200] =	vst v63  }
0x1c8: {  	s22 =	sand.u32 $0x1FFFFFF0, s19;
	s25 =	spop (v2sf);
	s15 =	sadd.s32 s4, s30  }
0x1c9: {  	[tilespmem:s16], [sflag:$0x4] =	stream.linear.gather [hbm4b:s15+s3], $0x80, $0x38;
	[tilespmem:$0x1B200] =	vst v63  }
0x1ca: {  	s26 =	sand.u32 $0x1FFFFFF0, s25;
	s11 =	sadd.s32 s4, s22;
	s28 =	spop (v2sf)  }
0x1cb: {  	[tilespmem:s10], [sflag:$0x4] =	stream.linear.gather [hbm4b:s11+s3], $0x80, $0x38;
	[tilespmem:$0x1B200] =	vst v63  }
0x1cc: {  	s15 =	sadd.s32 s4, s26;
	s29 =	sand.u32 $0x1FFFFFF0, s28;
	s30 =	spop (v2sf)  }
0x1cd: {  	[tilespmem:s12], [sflag:$0x4] =	stream.linear.gather [hbm4b:s15+s3], $0x80, $0x38;
	[tilespmem:$0x1B200] =	vst v63  }
0x1ce: {  	s11 =	sand.u32 $0x1FFFFFF0, s30;
	s10 =	sadd.s32 s4, s29;
	s15 =	spop (v2sf)  }
0x1cf: {  	[tilespmem:s2], [sflag:$0x4] =	stream.linear.gather [hbm4b:s10+s3], $0x80, $0x38;
	[tilespmem:$0x1B200] =	vst v63  }
0x1d0: {  	s11 =	sadd.s32 s4, s11;
	s16 =	sand.u32 $0x1FFFFFF0, s15;
	s17 =	spop (v2sf)  }
0x1d1: {  	[tilespmem:s13], [sflag:$0x4] =	stream.linear.gather [hbm4b:s11+s3], $0x80, $0x38;
	[tilespmem:$0x1B200] =	vst v63  }
0x1d2: {  	s2 =	sadd.s32 s4, s16;
	s10 =	sand.u32 $0x1FFFFFF0, s17;
	s18 =	spop (v2sf)  }
0x1d3: {  	[tilespmem:s9], [sflag:$0x4] =	stream.linear.gather [hbm4b:s2+s3], $0x80, $0x38;
	[tilespmem:$0x1B200] =	vst v63  }
0x1d4: {  	s19 =	sand.u32 $0x1FFFFFF0, s18;
	s22 =	spop (v2sf);
	s10 =	sadd.s32 s4, s10  }
0x1d5: {  	[tilespmem:s0], [sflag:$0x4] =	stream.linear.gather [hbm4b:s10+s3], $0x80, $0x38;
	[tilespmem:$0x1B200] =	vst v63  }
0x1d6: {  	s25 =	sand.u32 $0x1FFFFFF0, s22;
	s26 =	spop (v2sf);
	s2 =	sadd.s32 s4, s19  }
0x1d7: {  	[tilespmem:s7], [sflag:$0x4] =	stream.linear.gather [hbm4b:s2+s3], $0x80, $0x38;
	[tilespmem:$0x1B200] =	vst v63  }
0x1d8: {  	s29 =	sadd.s32 $0xF900, s14;
	s28 =	sand.u32 $0x1FFFFFF0, s26;
	s0 =	sadd.s32 s4, s25  }
0x1d9: {  	[tilespmem:s29], [sflag:$0x4] =	stream.linear.gather [hbm4b:s0+s3], $0x80, $0x38;
	[tilespmem:$0x1B200] =	vst v63  }
0x1da: {  	p1 =	por $0x0, $0x0;
	s30 =	sadd.s32 $0xF980, s14;
	s2 =	sadd.s32 s4, s28  }
0x1db: {  	[tilespmem:s30], [sflag:$0x4] =	stream.linear.gather [hbm4b:s2+s3], $0x80, $0x38;
	[tilespmem:$0x1B200] =	vst v63  }
.LBB2_16:
0x1dc: {  	s0 =	sand.u32 $0xFF, s1  }
0x1dd: {  	p2 =	sne.s32 s0, $0x0  }
.Ltmp13:
0x1de: {  	_ = 	snop;
	(pc) =	sbr.rel @!p2 .LBB2_17-.Ltmp13, $1  }
0x1df: {  	_ =	sdelay $0x3  }
.Ltmp14:
0x1e0: {  	(pc) =	sbr.rel @!p0 .LBB2_20-.Ltmp14, $4  }
.Ltmp15:
0x1e1: {  	(pc) =	sbr.rel @p0 .LBB2_25-.Ltmp15, $4  }
0x1e2: {  	_ = 	snop  }
0x1e3: {  	_ = 	snop  }
0x1e4: {  	_ = 	snop  }
0x1e5: {  	_ = 	snop  }
.LBB2_17:
0x1e6: {  	s0 =	simm.s32 $0x4  }
0x1e7: {  	_ =	swait.ge [sflag:s0], $0x4000  }
0x1e8: {  	[sflag:s0] =	ssyncset.done $0x0  }
0x1e9: {  	s30 =	simm.s32 $0x1;
	[sflag:s0] =	ssyncadd.s32 $0xFFFFC000  }
0x1ea: {  	_ =	swait.ge [sflag:s30], $0x4000  }
0x1eb: {  	[sflag:s30] =	ssyncset.done $0x0  }
0x1ec: {  	s0 =	simm.s32 $0x0;
	[sflag:s30] =	ssyncadd.s32 $0xFFFFC000  }
0x1ed: {  	v0 =	vld [tilespmem:s0+$0x33B0]  }
0x1ee: {  	v1 =	vld [tilespmem:s0+$0x3200]  }
0x1ef: {  	v2 =	vld [tilespmem:s0+$0x3210]  }
0x1f0: {  	v3 =	vld [tilespmem:s0+$0x3220]  }
0x1f1: {  	v4 =	vld [tilespmem:s0+$0x3230]  }
0x1f2: {  	v5 =	vld [tilespmem:s0+$0x3280]  }
0x1f3: {  	v6 =	vld [tilespmem:s0+$0x3290]  }
0x1f4: {  	v7 =	vld [tilespmem:s0+$0x32A0]  }
0x1f5: {  	v8 =	vld [tilespmem:s0+$0x32B0]  }
0x1f6: {  	v9 =	vld [tilespmem:s0+$0x3300]  }
0x1f7: {  	v10 =	vld [tilespmem:s0+$0x3310]  }
0x1f8: {  	v11 =	vld [tilespmem:s0+$0x3320]  }
0x1f9: {  	v12 =	vld [tilespmem:s0+$0x3330]  }
0x1fa: {  	v13 =	vld [tilespmem:s0+$0x3380]  }
0x1fb: {  	v14 =	vld [tilespmem:s0+$0x3390]  }
0x1fc: {  	[tilespmem:s0+$0xF3B0] =	vst.add.f32.msk $0xffff, v0  }
0x1fd: {  	v0 =	vld [tilespmem:s0+$0x33A0]  }
0x1fe: {  	[tilespmem:s0+$0xF200] =	vst.add.f32.msk $0xffff, v1  }
0x1ff: {  	[tilespmem:s0+$0xF210] =	vst.add.f32.msk $0xffff, v2  }
0x200: {  	[tilespmem:s0+$0xF220] =	vst.add.f32.msk $0xffff, v3  }
0x201: {  	[tilespmem:s0+$0xF230] =	vst.add.f32.msk $0xffff, v4  }
0x202: {  	[tilespmem:s0+$0xF280] =	vst.add.f32.msk $0xffff, v5  }
0x203: {  	[tilespmem:s0+$0xF290] =	vst.add.f32.msk $0xffff, v6  }
0x204: {  	[tilespmem:s0+$0xF2A0] =	vst.add.f32.msk $0xffff, v7  }
0x205: {  	[tilespmem:s0+$0xF2B0] =	vst.add.f32.msk $0xffff, v8  }
0x206: {  	[tilespmem:s0+$0xF300] =	vst.add.f32.msk $0xffff, v9  }
0x207: {  	[tilespmem:s0+$0xF310] =	vst.add.f32.msk $0xffff, v10  }
0x208: {  	[tilespmem:s0+$0xF320] =	vst.add.f32.msk $0xffff, v11  }
0x209: {  	[tilespmem:s0+$0xF330] =	vst.add.f32.msk $0xffff, v12  }
0x20a: {  	[tilespmem:s0+$0xF380] =	vst.add.f32.msk $0xffff, v13  }
0x20b: {  	s1 =	simm.s32 $0x0;
	s7 =	simm.s32 $0x800;
	[tilespmem:s0+$0xF390] =	vst.add.f32.msk $0xffff, v14  }
.LBB2_18:
0x20c: {  	s1 =	sadd.s32 $0x4, s1;
	[tilespmem:s0+$0xF3A0] =	vst.add.f32.msk $0xffff, v0;
	s0 =	sshra.s32 s7, $0x2  }
0x20d: {  	v0 =	vld [tilespmem:s0+$0x33B0];
	p2 =	slt.u32 s1, $0x7C  }
0x20e: {  	v1 =	vld [tilespmem:s0+$0x3200]  }
0x20f: {  	v2 =	vld [tilespmem:s0+$0x3210]  }
0x210: {  	v3 =	vld [tilespmem:s0+$0x3220]  }
0x211: {  	v4 =	vld [tilespmem:s0+$0x3230]  }
0x212: {  	[tilespmem:s0+$0xF3B0] =	vst.add.f32.msk $0xffff, v0  }
0x213: {  	v5 =	vld [tilespmem:s0+$0x3280]  }
0x214: {  	v6 =	vld [tilespmem:s0+$0x3290]  }
0x215: {  	v7 =	vld [tilespmem:s0+$0x32A0]  }
0x216: {  	v8 =	vld [tilespmem:s0+$0x32B0]  }
0x217: {  	v9 =	vld [tilespmem:s0+$0x3300]  }
0x218: {  	v10 =	vld [tilespmem:s0+$0x3310]  }
0x219: {  	v11 =	vld [tilespmem:s0+$0x3320]  }
0x21a: {  	v12 =	vld [tilespmem:s0+$0x3330]  }
0x21b: {  	v13 =	vld [tilespmem:s0+$0x3380]  }
0x21c: {  	v14 =	vld [tilespmem:s0+$0x3390]  }
0x21d: {  	v0 =	vld [tilespmem:s0+$0x33A0]  }
0x21e: {  	[tilespmem:s0+$0xF200] =	vst.add.f32.msk $0xffff, v1  }
0x21f: {  	[tilespmem:s0+$0xF210] =	vst.add.f32.msk $0xffff, v2  }
0x220: {  	[tilespmem:s0+$0xF220] =	vst.add.f32.msk $0xffff, v3  }
0x221: {  	[tilespmem:s0+$0xF230] =	vst.add.f32.msk $0xffff, v4  }
0x222: {  	[tilespmem:s0+$0xF280] =	vst.add.f32.msk $0xffff, v5  }
0x223: {  	[tilespmem:s0+$0xF290] =	vst.add.f32.msk $0xffff, v6  }
0x224: {  	[tilespmem:s0+$0xF2A0] =	vst.add.f32.msk $0xffff, v7  }
0x225: {  	[tilespmem:s0+$0xF2B0] =	vst.add.f32.msk $0xffff, v8  }
0x226: {  	[tilespmem:s0+$0xF300] =	vst.add.f32.msk $0xffff, v9  }
.Ltmp16:
0x227: {  	[tilespmem:s0+$0xF310] =	vst.add.f32.msk $0xffff, v10;
	(pc) =	sbr.rel @p2 .LBB2_18-.Ltmp16, $4  }
0x228: {  	[tilespmem:s0+$0xF320] =	vst.add.f32.msk $0xffff, v11  }
0x229: {  	[tilespmem:s0+$0xF330] =	vst.add.f32.msk $0xffff, v12  }
0x22a: {  	[tilespmem:s0+$0xF380] =	vst.add.f32.msk $0xffff, v13  }
0x22b: {  	s7 =	sadd.s32 $0x800, s7;
	[tilespmem:s0+$0xF390] =	vst.add.f32.msk $0xffff, v14  }
.Ltmp17:
0x22c: {  	s1 =	sshll.u32 s31, $0xE;
	(pc) =	sbr.rel @!p0 .LBB2_20-.Ltmp17, $4  }
0x22d: {  	s1 =	sadd.s32 s8, s1  }
0x22e: {  	s1 =	sshrl.u32 s1, $0x3  }
0x22f: {  	[tilespmem:s0+$0xF3A0] =	vst.add.f32.msk $0xffff, v0;
	s30 =	simm.s32 $0xF200;
	s29 =	sadd.s32 s5, s1  }
0x230: {  	[hbm4b:s29+s3] =	stream.linear.scatter [tilespmem:s30], [sflag:$0x7], $0x4000, $0x38;
	[tilespmem:$0x1B200] =	vst v63  }
.LBB2_25:
0x231: {  	_ =	swait.ge [sflag:s20], $0x4000  }
0x232: {  	[sflag:s20] =	ssyncset.done $0x0  }
0x233: {  	[sflag:s20] =	ssyncadd.s32 $0xFFFFC000  }
0x234: {  	_ =	swait.ge [sflag:s21], $0x4000  }
0x235: {  	[sflag:s21] =	ssyncset.done $0x0  }
0x236: {  	s0 =	simm.s32 $0x0;
	[sflag:s21] =	ssyncadd.s32 $0xFFFFC000  }
0x237: {  	v0 =	vld [tilespmem:s0+$0x73B0]  }
0x238: {  	v1 =	vld [tilespmem:s0+$0x7200]  }
0x239: {  	v2 =	vld [tilespmem:s0+$0x7210]  }
0x23a: {  	v3 =	vld [tilespmem:s0+$0x7220]  }
0x23b: {  	v4 =	vld [tilespmem:s0+$0x7230]  }
0x23c: {  	v5 =	vld [tilespmem:s0+$0x7280]  }
0x23d: {  	v6 =	vld [tilespmem:s0+$0x7290]  }
0x23e: {  	v7 =	vld [tilespmem:s0+$0x72A0]  }
0x23f: {  	v8 =	vld [tilespmem:s0+$0x72B0]  }
0x240: {  	v9 =	vld [tilespmem:s0+$0x7300]  }
0x241: {  	v10 =	vld [tilespmem:s0+$0x7310]  }
0x242: {  	v11 =	vld [tilespmem:s0+$0x7320]  }
0x243: {  	v12 =	vld [tilespmem:s0+$0x7330]  }
0x244: {  	v13 =	vld [tilespmem:s0+$0x7380]  }
0x245: {  	v14 =	vld [tilespmem:s0+$0x7390]  }
0x246: {  	[tilespmem:s0+$0x133B0] =	vst.add.f32.msk $0xffff, v0  }
0x247: {  	v0 =	vld [tilespmem:s0+$0x73A0]  }
0x248: {  	[tilespmem:s0+$0x13200] =	vst.add.f32.msk $0xffff, v1  }
0x249: {  	[tilespmem:s0+$0x13210] =	vst.add.f32.msk $0xffff, v2  }
0x24a: {  	[tilespmem:s0+$0x13220] =	vst.add.f32.msk $0xffff, v3  }
0x24b: {  	[tilespmem:s0+$0x13230] =	vst.add.f32.msk $0xffff, v4  }
0x24c: {  	[tilespmem:s0+$0x13280] =	vst.add.f32.msk $0xffff, v5  }
0x24d: {  	[tilespmem:s0+$0x13290] =	vst.add.f32.msk $0xffff, v6  }
0x24e: {  	[tilespmem:s0+$0x132A0] =	vst.add.f32.msk $0xffff, v7  }
0x24f: {  	[tilespmem:s0+$0x132B0] =	vst.add.f32.msk $0xffff, v8  }
0x250: {  	[tilespmem:s0+$0x13300] =	vst.add.f32.msk $0xffff, v9  }
0x251: {  	[tilespmem:s0+$0x13310] =	vst.add.f32.msk $0xffff, v10  }
0x252: {  	[tilespmem:s0+$0x13320] =	vst.add.f32.msk $0xffff, v11  }
0x253: {  	[tilespmem:s0+$0x13330] =	vst.add.f32.msk $0xffff, v12  }
0x254: {  	[tilespmem:s0+$0x13380] =	vst.add.f32.msk $0xffff, v13  }
0x255: {  	s1 =	simm.s32 $0x0;
	s7 =	simm.s32 $0x800;
	[tilespmem:s0+$0x13390] =	vst.add.f32.msk $0xffff, v14  }
.LBB2_26:
0x256: {  	s1 =	sadd.s32 $0x4, s1;
	[tilespmem:s0+$0x133A0] =	vst.add.f32.msk $0xffff, v0;
	s0 =	sshra.s32 s7, $0x2  }
0x257: {  	v0 =	vld [tilespmem:s0+$0x73B0];
	p0 =	slt.u32 s1, $0x7C  }
0x258: {  	v1 =	vld [tilespmem:s0+$0x7200]  }
0x259: {  	v2 =	vld [tilespmem:s0+$0x7210]  }
0x25a: {  	v3 =	vld [tilespmem:s0+$0x7220]  }
0x25b: {  	v4 =	vld [tilespmem:s0+$0x7230]  }
0x25c: {  	[tilespmem:s0+$0x133B0] =	vst.add.f32.msk $0xffff, v0  }
0x25d: {  	v5 =	vld [tilespmem:s0+$0x7280]  }
0x25e: {  	v6 =	vld [tilespmem:s0+$0x7290]  }
0x25f: {  	v7 =	vld [tilespmem:s0+$0x72A0]  }
0x260: {  	v8 =	vld [tilespmem:s0+$0x72B0]  }
0x261: {  	v9 =	vld [tilespmem:s0+$0x7300]  }
0x262: {  	v10 =	vld [tilespmem:s0+$0x7310]  }
0x263: {  	v11 =	vld [tilespmem:s0+$0x7320]  }
0x264: {  	v12 =	vld [tilespmem:s0+$0x7330]  }
0x265: {  	v13 =	vld [tilespmem:s0+$0x7380]  }
0x266: {  	v14 =	vld [tilespmem:s0+$0x7390]  }
0x267: {  	v0 =	vld [tilespmem:s0+$0x73A0]  }
0x268: {  	[tilespmem:s0+$0x13200] =	vst.add.f32.msk $0xffff, v1  }
0x269: {  	[tilespmem:s0+$0x13210] =	vst.add.f32.msk $0xffff, v2  }
0x26a: {  	[tilespmem:s0+$0x13220] =	vst.add.f32.msk $0xffff, v3  }
0x26b: {  	[tilespmem:s0+$0x13230] =	vst.add.f32.msk $0xffff, v4  }
0x26c: {  	[tilespmem:s0+$0x13280] =	vst.add.f32.msk $0xffff, v5  }
0x26d: {  	[tilespmem:s0+$0x13290] =	vst.add.f32.msk $0xffff, v6  }
0x26e: {  	[tilespmem:s0+$0x132A0] =	vst.add.f32.msk $0xffff, v7  }
0x26f: {  	[tilespmem:s0+$0x132B0] =	vst.add.f32.msk $0xffff, v8  }
0x270: {  	[tilespmem:s0+$0x13300] =	vst.add.f32.msk $0xffff, v9  }
.Ltmp18:
0x271: {  	[tilespmem:s0+$0x13310] =	vst.add.f32.msk $0xffff, v10;
	(pc) =	sbr.rel @p0 .LBB2_26-.Ltmp18, $4  }
0x272: {  	[tilespmem:s0+$0x13320] =	vst.add.f32.msk $0xffff, v11  }
0x273: {  	[tilespmem:s0+$0x13330] =	vst.add.f32.msk $0xffff, v12  }
0x274: {  	[tilespmem:s0+$0x13380] =	vst.add.f32.msk $0xffff, v13  }
0x275: {  	s7 =	sadd.s32 $0x800, s7;
	[tilespmem:s0+$0x13390] =	vst.add.f32.msk $0xffff, v14  }
.Ltmp19:
0x276: {  	s1 =	sshll.u32 s31, $0xE;
	(pc) =	sbr.rel @!p1 .LBB2_31-.Ltmp19, $4  }
.Ltmp20:
0x277: {  	s1 =	sadd.s32 s8, s1;
	(pc) =	sbr.rel @p1 .LBB2_28-.Ltmp20, $4  }
0x278: {  	s1 =	sshrl.u32 s1, $0x3  }
0x279: {  	[tilespmem:s0+$0x133A0] =	vst.add.f32.msk $0xffff, v0;
	s30 =	simm.s32 $0x13200;
	s29 =	sadd.s32 s5, s1  }
0x27a: {  	[hbm4b:s29+s3] =	stream.linear.scatter [tilespmem:s30], [sflag:$0x8], $0x4000, $0x38;
	[tilespmem:$0x1B200] =	vst v63  }
0x27b: {  	_ = 	snop  }
.LBB2_20:
.Ltmp21:
0x27c: {  	(pc) =	sbr.rel @!p1 .LBB2_31-.Ltmp21, $1  }
0x27d: {  	_ =	sdelay $0x3  }
.LBB2_28:
0x27e: {  	_ =	swait.ge [sflag:s23], $0x4000  }
0x27f: {  	[sflag:s23] =	ssyncset.done $0x0  }
0x280: {  	[sflag:s23] =	ssyncadd.s32 $0xFFFFC000  }
0x281: {  	_ =	swait.ge [sflag:s24], $0x4000  }
0x282: {  	[sflag:s24] =	ssyncset.done $0x0  }
0x283: {  	s0 =	simm.s32 $0x0;
	[sflag:s24] =	ssyncadd.s32 $0xFFFFC000  }
0x284: {  	v0 =	vld [tilespmem:s0+$0xB3B0]  }
0x285: {  	v1 =	vld [tilespmem:s0+$0xB200]  }
0x286: {  	v2 =	vld [tilespmem:s0+$0xB210]  }
0x287: {  	v3 =	vld [tilespmem:s0+$0xB220]  }
0x288: {  	v4 =	vld [tilespmem:s0+$0xB230]  }
0x289: {  	v5 =	vld [tilespmem:s0+$0xB280]  }
0x28a: {  	v6 =	vld [tilespmem:s0+$0xB290]  }
0x28b: {  	v7 =	vld [tilespmem:s0+$0xB2A0]  }
0x28c: {  	v8 =	vld [tilespmem:s0+$0xB2B0]  }
0x28d: {  	v9 =	vld [tilespmem:s0+$0xB300]  }
0x28e: {  	v10 =	vld [tilespmem:s0+$0xB310]  }
0x28f: {  	v11 =	vld [tilespmem:s0+$0xB320]  }
0x290: {  	v12 =	vld [tilespmem:s0+$0xB330]  }
0x291: {  	v13 =	vld [tilespmem:s0+$0xB380]  }
0x292: {  	v14 =	vld [tilespmem:s0+$0xB390]  }
0x293: {  	[tilespmem:s0+$0x173B0] =	vst.add.f32.msk $0xffff, v0  }
0x294: {  	v0 =	vld [tilespmem:s0+$0xB3A0]  }
0x295: {  	[tilespmem:s0+$0x17200] =	vst.add.f32.msk $0xffff, v1  }
0x296: {  	[tilespmem:s0+$0x17210] =	vst.add.f32.msk $0xffff, v2  }
0x297: {  	[tilespmem:s0+$0x17220] =	vst.add.f32.msk $0xffff, v3  }
0x298: {  	[tilespmem:s0+$0x17230] =	vst.add.f32.msk $0xffff, v4  }
0x299: {  	[tilespmem:s0+$0x17280] =	vst.add.f32.msk $0xffff, v5  }
0x29a: {  	[tilespmem:s0+$0x17290] =	vst.add.f32.msk $0xffff, v6  }
0x29b: {  	[tilespmem:s0+$0x172A0] =	vst.add.f32.msk $0xffff, v7  }
0x29c: {  	[tilespmem:s0+$0x172B0] =	vst.add.f32.msk $0xffff, v8  }
0x29d: {  	[tilespmem:s0+$0x17300] =	vst.add.f32.msk $0xffff, v9  }
0x29e: {  	[tilespmem:s0+$0x17310] =	vst.add.f32.msk $0xffff, v10  }
0x29f: {  	[tilespmem:s0+$0x17320] =	vst.add.f32.msk $0xffff, v11  }
0x2a0: {  	[tilespmem:s0+$0x17330] =	vst.add.f32.msk $0xffff, v12  }
0x2a1: {  	[tilespmem:s0+$0x17380] =	vst.add.f32.msk $0xffff, v13  }
0x2a2: {  	s1 =	simm.s32 $0x0;
	s7 =	simm.s32 $0x800;
	[tilespmem:s0+$0x17390] =	vst.add.f32.msk $0xffff, v14  }
.LBB2_29:
0x2a3: {  	s1 =	sadd.s32 $0x4, s1;
	[tilespmem:s0+$0x173A0] =	vst.add.f32.msk $0xffff, v0;
	s0 =	sshra.s32 s7, $0x2  }
0x2a4: {  	v0 =	vld [tilespmem:s0+$0xB3B0];
	p0 =	slt.u32 s1, $0x7C  }
0x2a5: {  	v1 =	vld [tilespmem:s0+$0xB200]  }
0x2a6: {  	v2 =	vld [tilespmem:s0+$0xB210]  }
0x2a7: {  	v3 =	vld [tilespmem:s0+$0xB220]  }
0x2a8: {  	v4 =	vld [tilespmem:s0+$0xB230]  }
0x2a9: {  	[tilespmem:s0+$0x173B0] =	vst.add.f32.msk $0xffff, v0  }
0x2aa: {  	v5 =	vld [tilespmem:s0+$0xB280]  }
0x2ab: {  	v6 =	vld [tilespmem:s0+$0xB290]  }
0x2ac: {  	v7 =	vld [tilespmem:s0+$0xB2A0]  }
0x2ad: {  	v8 =	vld [tilespmem:s0+$0xB2B0]  }
0x2ae: {  	v9 =	vld [tilespmem:s0+$0xB300]  }
0x2af: {  	v10 =	vld [tilespmem:s0+$0xB310]  }
0x2b0: {  	v11 =	vld [tilespmem:s0+$0xB320]  }
0x2b1: {  	v12 =	vld [tilespmem:s0+$0xB330]  }
0x2b2: {  	v13 =	vld [tilespmem:s0+$0xB380]  }
0x2b3: {  	v14 =	vld [tilespmem:s0+$0xB390]  }
0x2b4: {  	v0 =	vld [tilespmem:s0+$0xB3A0]  }
0x2b5: {  	[tilespmem:s0+$0x17200] =	vst.add.f32.msk $0xffff, v1  }
0x2b6: {  	[tilespmem:s0+$0x17210] =	vst.add.f32.msk $0xffff, v2  }
0x2b7: {  	[tilespmem:s0+$0x17220] =	vst.add.f32.msk $0xffff, v3  }
0x2b8: {  	[tilespmem:s0+$0x17230] =	vst.add.f32.msk $0xffff, v4  }
0x2b9: {  	[tilespmem:s0+$0x17280] =	vst.add.f32.msk $0xffff, v5  }
0x2ba: {  	[tilespmem:s0+$0x17290] =	vst.add.f32.msk $0xffff, v6  }
0x2bb: {  	[tilespmem:s0+$0x172A0] =	vst.add.f32.msk $0xffff, v7  }
0x2bc: {  	[tilespmem:s0+$0x172B0] =	vst.add.f32.msk $0xffff, v8  }
0x2bd: {  	[tilespmem:s0+$0x17300] =	vst.add.f32.msk $0xffff, v9  }
.Ltmp22:
0x2be: {  	[tilespmem:s0+$0x17310] =	vst.add.f32.msk $0xffff, v10;
	(pc) =	sbr.rel @p0 .LBB2_29-.Ltmp22, $4  }
0x2bf: {  	[tilespmem:s0+$0x17320] =	vst.add.f32.msk $0xffff, v11  }
0x2c0: {  	[tilespmem:s0+$0x17330] =	vst.add.f32.msk $0xffff, v12  }
0x2c1: {  	[tilespmem:s0+$0x17380] =	vst.add.f32.msk $0xffff, v13  }
0x2c2: {  	s7 =	sadd.s32 $0x800, s7;
	[tilespmem:s0+$0x17390] =	vst.add.f32.msk $0xffff, v14  }
.Ltmp23:
0x2c3: {  	s1 =	sshll.u32 s31, $0xE;
	(pc) =	sbr.rel .LBB2_31-.Ltmp23, $4  }
0x2c4: {  	s1 =	sadd.s32 s8, s1  }
0x2c5: {  	s1 =	sshrl.u32 s1, $0x3  }
0x2c6: {  	[tilespmem:s0+$0x173A0] =	vst.add.f32.msk $0xffff, v0;
	s30 =	simm.s32 $0x17200;
	s29 =	sadd.s32 s5, s1  }
0x2c7: {  	[hbm4b:s29+s3] =	stream.linear.scatter [tilespmem:s30], [sflag:$0x9], $0x4000, $0x38;
	[tilespmem:$0x1B200] =	vst v63  }
.LBB2_14:
0x2c8: {  	p0 =	sne.s32 @!p2 s7, $0x2  }
0x2c9: {  	p1 =	por p2, p0  }
.Ltmp24:
0x2ca: {  	_ = 	snop;
	(pc) =	sbr.rel @p1 .LBB2_15-.Ltmp24, $3  }
0x2cb: {  	_ =	sdelay $0x1  }
0x2cc: {  	s7 =	sand.u32 $0xFF, s1  }
0x2cd: {  	p0 =	seq.s32 s7, $0x1  }
0x2ce: {  	s1 =	simm.s32 $0x8  }
0x2cf: {  	_ =	swait.ge [sflag:s1], $0x4000  }
0x2d0: {  	s0 =	sshll.u32 s0, $0x7;
	[sflag:s1] =	ssyncset.done $0x0  }
0x2d1: {  	s2 =	simm.s32 $0x80;
	s0 =	sand.u32 $0x3FFFFF80, s0;
	[sflag:s1] =	ssyncadd.s32 $0xFFFFC000  }
0x2d2: {  	s7 =	simm.s32 $0x7200;
	s0 =	sadd.s32 $0x1900, s0;
	s1 =	rddreg [dreg:$0x3]  }
0x2d3: {  	[tilespmem:s7], [sflag:$0x2] =	stream.indirect.gather [hbm4b:s1+s2], $0x80, s0, s2, $0xb8;
	[tilespmem:$0x1B200] =	vst v63  }
0x2d4: {  	v0 =	vld [tilespmem:s6+$0x0];
	_ =	sdelay $0x4  }
0x2d5: {  	v0 =	vshll.u32 v0, $0x4  }
0x2d6: {  	(v2sf) =	vpush v0, $0x0  }
0x2d7: {  	(v2sf) =	vpush v0, $0x1  }
0x2d8: {  	(v2sf) =	vpush v0, $0x2;
	_ =	sdelay $0x1  }
0x2d9: {  	(v2sf) =	vpush v0, $0x4;
	_ =	sdelay $0x1  }
0x2da: {  	(v2sf) =	vpush v0, $0x3  }
0x2db: {  	(v2sf) =	vpush v0, $0x5  }
0x2dc: {  	s11 =	simm.s32 $0x2000;
	s1 =	simm.s32 $0x0;
	s0 =	smov.u32 s6;
	(v2sf) =	vpush v0, $0x6  }
.LBB2_22:
0x2dd: {  	p1 =	sne.s32 s11, $0xE000  }
0x2de: {  	s2 =	sadd.s32 $0x13280, s1;
	s29 =	sadd.s32 $0x13780, s1;
	s14 =	smov.u32 s11  }
0x2df: {  	s11 =	sadd.s32 $0x2000, s11;
	s13 =	sadd.s32 $0x13580, s1;
	s7 =	sadd.s32 $0x13800, s1;
	(v2sf) =	vpush v0, $0x7  }
0x2e0: {  	s19 =	sadd.s32 $0x13480, s1;
	s10 =	sadd.s32 $0x13600, s1;
	s9 =	sadd.s32 $0x13880, s1  }
0x2e1: {  	s12 =	sadd.s32 $0x13200, s1;
	s16 =	sadd.s32 $0x13400, s1;
	(v2sf) =	vpush v0, $0x8  }
0x2e2: {  	s17 =	sadd.s32 $0x13500, s1;
	s0 =	sadd.s32 $0x10, s0  }
0x2e3: {  	s18 =	sadd.s32 $0x13300, s1;
	s15 =	sadd.s32 $0x13700, s1;
	s22 =	spop (v2sf);
	(v2sf) =	vpush v0, $0x9  }
0x2e4: {  	s28 =	sadd.s32 $0x13680, s1;
	s22 =	sand.u32 $0x1FFFFFF0, s22;
	s25 =	spop (v2sf)  }
0x2e5: {  	s22 =	sadd.s32 s4, s22;
	s25 =	sand.u32 $0x1FFFFFF0, s25;
	s26 =	spop (v2sf);
	(v2sf) =	vpush v0, $0xA  }
0x2e6: {  	[tilespmem:s12], [sflag:$0x5] =	stream.linear.gather [hbm4b:s22+s3], $0x80, $0x38;
	[tilespmem:$0x1B200] =	vst v63  }
0x2e7: {  	s12 =	sadd.s32 s4, s25;
	s22 =	sadd.s32 $0x13380, s1;
	s25 =	spop (v2sf);
	(v2sf) =	vpush v0, $0xB  }
0x2e8: {  	[tilespmem:s2], [sflag:$0x5] =	stream.linear.gather [hbm4b:s12+s3], $0x80, $0x38;
	[tilespmem:$0x1B200] =	vst v63  }
0x2e9: {  	s2 =	sand.u32 $0x1FFFFFF0, s26;
	s12 =	sand.u32 $0x1FFFFFF0, s25;
	s25 =	spop (v2sf);
	(v2sf) =	vpush v0, $0xC  }
0x2ea: {  	s2 =	sadd.s32 s4, s2;
	s25 =	sand.u32 $0x1FFFFFF0, s25;
	s26 =	spop (v2sf)  }
0x2eb: {  	[tilespmem:s18], [sflag:$0x5] =	stream.linear.gather [hbm4b:s2+s3], $0x80, $0x38;
	(v2sf) =	vpush v0, $0xD;
	[tilespmem:$0x1B200] =	vst v63  }
0x2ec: {  	s2 =	sadd.s32 s4, s25;
	s18 =	sand.u32 $0x1FFFFFF0, s26;
	s25 =	spop (v2sf)  }
0x2ed: {  	[tilespmem:s22], [sflag:$0x5] =	stream.linear.gather [hbm4b:s2+s3], $0x80, $0x38;
	(v2sf) =	vpush v0, $0xE;
	[tilespmem:$0x1B200] =	vst v63  }
0x2ee: {  	s2 =	sadd.s32 s4, s12;
	s12 =	sand.u32 $0x1FFFFFF0, s25;
	s22 =	spop (v2sf)  }
0x2ef: {  	[tilespmem:s16], [sflag:$0x5] =	stream.linear.gather [hbm4b:s2+s3], $0x80, $0x38;
	(v2sf) =	vpush v0, $0xF;
	[tilespmem:$0x1B200] =	vst v63  }
0x2f0: {  	s2 =	sadd.s32 s4, s18;
	s16 =	sand.u32 $0x1FFFFFF0, s22;
	s18 =	spop (v2sf)  }
0x2f1: {  	[tilespmem:s19], [sflag:$0x5] =	stream.linear.gather [hbm4b:s2+s3], $0x80, $0x38;
	[tilespmem:$0x1B200] =	vst v63  }
0x2f2: {  	s2 =	sadd.s32 s4, s12;
	s12 =	sand.u32 $0x1FFFFFF0, s18;
	s18 =	spop (v2sf)  }
0x2f3: {  	[tilespmem:s17], [sflag:$0x5] =	stream.linear.gather [hbm4b:s2+s3], $0x80, $0x38;
	[tilespmem:$0x1B200] =	vst v63  }
0x2f4: {  	s2 =	sadd.s32 s4, s16;
	s16 =	sand.u32 $0x1FFFFFF0, s18;
	s17 =	spop (v2sf)  }
0x2f5: {  	[tilespmem:s13], [sflag:$0x5] =	stream.linear.gather [hbm4b:s2+s3], $0x80, $0x38;
	[tilespmem:$0x1B200] =	vst v63  }
0x2f6: {  	s2 =	sadd.s32 s4, s12;
	s12 =	sand.u32 $0x1FFFFFF0, s17;
	s13 =	spop (v2sf)  }
0x2f7: {  	[tilespmem:s10], [sflag:$0x5] =	stream.linear.gather [hbm4b:s2+s3], $0x80, $0x38;
	[tilespmem:$0x1B200] =	vst v63  }
0x2f8: {  	s2 =	sadd.s32 s4, s16;
	s10 =	sand.u32 $0x1FFFFFF0, s13;
	s13 =	spop (v2sf)  }
0x2f9: {  	[tilespmem:s28], [sflag:$0x5] =	stream.linear.gather [hbm4b:s2+s3], $0x80, $0x38;
	[tilespmem:$0x1B200] =	vst v63  }
0x2fa: {  	s2 =	sadd.s32 s4, s12;
	s12 =	sand.u32 $0x1FFFFFF0, s13;
	s13 =	spop (v2sf)  }
0x2fb: {  	[tilespmem:s15], [sflag:$0x5] =	stream.linear.gather [hbm4b:s2+s3], $0x80, $0x38;
	[tilespmem:$0x1B200] =	vst v63  }
0x2fc: {  	s2 =	sadd.s32 s4, s10;
	s10 =	sand.u32 $0x1FFFFFF0, s13;
	s13 =	spop (v2sf)  }
0x2fd: {  	[tilespmem:s29], [sflag:$0x5] =	stream.linear.gather [hbm4b:s2+s3], $0x80, $0x38;
	[tilespmem:$0x1B200] =	vst v63  }
0x2fe: {  	s2 =	sadd.s32 s4, s12;
	s12 =	sand.u32 $0x1FFFFFF0, s13;
	s13 =	spop (v2sf)  }
0x2ff: {  	[tilespmem:s7], [sflag:$0x5] =	stream.linear.gather [hbm4b:s2+s3], $0x80, $0x38;
	[tilespmem:$0x1B200] =	vst v63  }
0x300: {  	s2 =	sadd.s32 s4, s10;
	s7 =	sand.u32 $0x1FFFFFF0, s13  }
0x301: {  	[tilespmem:s9], [sflag:$0x5] =	stream.linear.gather [hbm4b:s2+s3], $0x80, $0x38;
	[tilespmem:$0x1B200] =	vst v63  }
0x302: {  	s2 =	sadd.s32 $0x13900, s1;
	s9 =	sadd.s32 s4, s12  }
0x303: {  	[tilespmem:s2], [sflag:$0x5] =	stream.linear.gather [hbm4b:s9+s3], $0x80, $0x38;
	[tilespmem:$0x1B200] =	vst v63  }
0x304: {  	s1 =	sadd.s32 $0x13980, s1;
	s2 =	sadd.s32 s4, s7  }
0x305: {  	[tilespmem:s1], [sflag:$0x5] =	stream.linear.gather [hbm4b:s2+s3], $0x80, $0x38;
	[tilespmem:$0x1B200] =	vst v63  }
0x306: {  	v0 =	vld [tilespmem:s0+$0x0];
	_ =	sdelay $0x4  }
0x307: {  	v0 =	vshll.u32 v0, $0x4  }
0x308: {  	(v2sf) =	vpush v0, $0x0  }
0x309: {  	(v2sf) =	vpush v0, $0x1  }
0x30a: {  	(v2sf) =	vpush v0, $0x2;
	_ =	sdelay $0x1  }
0x30b: {  	(v2sf) =	vpush v0, $0x4  }
.Ltmp25:
0x30c: {  	(pc) =	sbr.rel @p1 .LBB2_22-.Ltmp25, $3  }
0x30d: {  	(v2sf) =	vpush v0, $0x3  }
0x30e: {  	(v2sf) =	vpush v0, $0x5;
	_ =	sdelay $0x1  }
0x30f: {  	s1 =	sshra.s32 s14, $0x2;
	(v2sf) =	vpush v0, $0x6  }
0x310: {  	_ =	sdelay $0x1  }
0x311: {  	s2 =	sadd.s32 $0x13280, s1  }
0x312: {  	s9 =	sadd.s32 $0x13780, s1;
	s10 =	sadd.s32 $0x13580, s1;
	s0 =	sadd.s32 $0x13800, s1;
	(v2sf) =	vpush v0, $0x7  }
0x313: {  	s11 =	sadd.s32 $0x13480, s1;
	s12 =	sadd.s32 $0x13600, s1;
	s13 =	sadd.s32 $0x13200, s1  }
0x314: {  	s14 =	sadd.s32 $0x13400, s1;
	s15 =	sadd.s32 $0x13500, s1;
	(v2sf) =	vpush v0, $0x8;
	s16 =	spop (v2sf)  }
0x315: {  	s17 =	sadd.s32 $0x13300, s1;
	s16 =	sand.u32 $0x1FFFFFF0, s16;
	s18 =	spop (v2sf)  }
0x316: {  	(v2sf) =	vpush v0, $0x9;
	s16 =	sadd.s32 s4, s16;
	s18 =	sand.u32 $0x1FFFFFF0, s18;
	s19 =	spop (v2sf)  }
0x317: {  	[tilespmem:s13], [sflag:$0x5] =	stream.linear.gather [hbm4b:s16+s3], $0x80, $0x38;
	[tilespmem:$0x1B200] =	vst v63  }
0x318: {  	s22 =	sadd.s32 $0x13380, s1;
	(v2sf) =	vpush v0, $0xA;
	s29 =	sadd.s32 s4, s18;
	s30 =	spop (v2sf)  }
0x319: {  	[tilespmem:s2], [sflag:$0x5] =	stream.linear.gather [hbm4b:s29+s3], $0x80, $0x38;
	[tilespmem:$0x1B200] =	vst v63  }
0x31a: {  	s13 =	sadd.s32 $0x13700, s1;
	s19 =	sand.u32 $0x1FFFFFF0, s19;
	(v2sf) =	vpush v0, $0xB;
	s25 =	spop (v2sf)  }
0x31b: {  	s16 =	sadd.s32 s4, s19;
	s2 =	sadd.s32 $0x13680, s1;
	s19 =	sand.u32 $0x1FFFFFF0, s25  }
0x31c: {  	(v2sf) =	vpush v0, $0xC;
	[tilespmem:s17], [sflag:$0x5] =	stream.linear.gather [hbm4b:s16+s3], $0x80, $0x38;
	[tilespmem:$0x1B200] =	vst v63  }
0x31d: {  	s26 =	sand.u32 $0x1FFFFFF0, s30;
	s28 =	spop (v2sf);
	s29 =	sadd.s32 s4, s19  }
0x31e: {  	(v2sf) =	vpush v0, $0xD;
	[tilespmem:s22], [sflag:$0x5] =	stream.linear.gather [hbm4b:s29+s3], $0x80, $0x38;
	[tilespmem:$0x1B200] =	vst v63  }
0x31f: {  	s16 =	sadd.s32 s4, s26;
	s17 =	sand.u32 $0x1FFFFFF0, s28;
	s30 =	spop (v2sf)  }
0x320: {  	[tilespmem:s14], [sflag:$0x5] =	stream.linear.gather [hbm4b:s16+s3], $0x80, $0x38;
	[tilespmem:$0x1B200] =	vst v63  }
0x321: {  	s17 =	sadd.s32 s4, s17;
	s18 =	sand.u32 $0x1FFFFFF0, s30;
	s19 =	spop (v2sf)  }
0x322: {  	(v2sf) =	vpush v0, $0xE;
	[tilespmem:s11], [sflag:$0x5] =	stream.linear.gather [hbm4b:s17+s3], $0x80, $0x38;
	[tilespmem:$0x1B200] =	vst v63  }
0x323: {  	s22 =	sand.u32 $0x1FFFFFF0, s19;
	s25 =	spop (v2sf);
	s14 =	sadd.s32 s4, s18  }
0x324: {  	(v2sf) =	vpush v0, $0xF;
	[tilespmem:s15], [sflag:$0x5] =	stream.linear.gather [hbm4b:s14+s3], $0x80, $0x38;
	[tilespmem:$0x1B200] =	vst v63  }
0x325: {  	s26 =	sand.u32 $0x1FFFFFF0, s25;
	s11 =	sadd.s32 s4, s22;
	s28 =	spop (v2sf)  }
0x326: {  	[tilespmem:s10], [sflag:$0x5] =	stream.linear.gather [hbm4b:s11+s3], $0x80, $0x38;
	[tilespmem:$0x1B200] =	vst v63  }
0x327: {  	s14 =	sadd.s32 s4, s26;
	s29 =	sand.u32 $0x1FFFFFF0, s28;
	s30 =	spop (v2sf)  }
0x328: {  	[tilespmem:s12], [sflag:$0x5] =	stream.linear.gather [hbm4b:s14+s3], $0x80, $0x38;
	[tilespmem:$0x1B200] =	vst v63  }
0x329: {  	s11 =	sand.u32 $0x1FFFFFF0, s30;
	s10 =	sadd.s32 s4, s29;
	s14 =	spop (v2sf)  }
0x32a: {  	[tilespmem:s2], [sflag:$0x5] =	stream.linear.gather [hbm4b:s10+s3], $0x80, $0x38;
	[tilespmem:$0x1B200] =	vst v63  }
0x32b: {  	s11 =	sadd.s32 s4, s11;
	s15 =	sand.u32 $0x1FFFFFF0, s14;
	s16 =	spop (v2sf)  }
0x32c: {  	[tilespmem:s13], [sflag:$0x5] =	stream.linear.gather [hbm4b:s11+s3], $0x80, $0x38;
	[tilespmem:$0x1B200] =	vst v63  }
0x32d: {  	s2 =	sadd.s32 s4, s15;
	s10 =	sand.u32 $0x1FFFFFF0, s16;
	s17 =	spop (v2sf)  }
0x32e: {  	[tilespmem:s9], [sflag:$0x5] =	stream.linear.gather [hbm4b:s2+s3], $0x80, $0x38;
	[tilespmem:$0x1B200] =	vst v63  }
0x32f: {  	s7 =	sadd.s32 $0x13880, s1;
	s18 =	sand.u32 $0x1FFFFFF0, s17;
	s10 =	sadd.s32 s4, s10  }
0x330: {  	[tilespmem:s0], [sflag:$0x5] =	stream.linear.gather [hbm4b:s10+s3], $0x80, $0x38;
	[tilespmem:$0x1B200] =	vst v63  }
0x331: {  	s28 =	sadd.s32 $0x13900, s1;
	s19 =	spop (v2sf);
	s2 =	sadd.s32 s4, s18  }
0x332: {  	[tilespmem:s7], [sflag:$0x5] =	stream.linear.gather [hbm4b:s2+s3], $0x80, $0x38;
	[tilespmem:$0x1B200] =	vst v63  }
.Ltmp26:
0x333: {  	s22 =	sand.u32 $0x1FFFFFF0, s19;
	s25 =	spop (v2sf);
	(pc) =	sbr.rel @p0 .LBB2_25-.Ltmp26, $4  }
.Ltmp27:
0x334: {  	s26 =	sand.u32 $0x1FFFFFF0, s25;
	s0 =	sadd.s32 s4, s22;
	(pc) =	sbr.rel @!p0 .LBB2_28-.Ltmp27, $4  }
0x335: {  	[tilespmem:s28], [sflag:$0x5] =	stream.linear.gather [hbm4b:s0+s3], $0x80, $0x38;
	[tilespmem:$0x1B200] =	vst v63  }
0x336: {  	p1 =	por $0x1, $0x1;
	s29 =	sadd.s32 $0x13980, s1;
	s30 =	sadd.s32 s4, s26  }
0x337: {  	[tilespmem:s29], [sflag:$0x5] =	stream.linear.gather [hbm4b:s30+s3], $0x80, $0x38;
	[tilespmem:$0x1B200] =	vst v63  }
0x338: {  	_ = 	snop  }
.LBB2_15:
.Ltmp28:
0x339: {  	(pc) =	sbr.rel .LBB2_16-.Ltmp28, $3  }
0x33a: {  	_ =	sdelay $0x1  }
0x33b: {  	p1 =	seq.s32 s7, $0x2  }
0x33c: {  	p0 =	por @!p2 p0, p0;
	p1 =	por @!p2 p1, p1  }
.LBB2_33:
0x33d: {  	_ =	sfence.sel $0x180000  }
0x33e: {  	[bflag:$0x0] =	sbarrier.arrive $0xFFFF  }
0x33f: {  	_ =	strace $0x90000047  }
0x340: {  	s0 =	stileid.u32;
	[bflag:$0x2] =	sbarrier.arrive $0xFFFF  }
0x341: {  	p0 =	sne.s32 s0, $0x0;
	s0 =	rddreg [dreg:$0x4]  }
0x342: {  	s0 =	sadd.s32 @!p0 $0x100000, s0  }
0x343: {  	[sflag:s0] =	ssyncadd.tile.s32 @!p0 $0x1;
	_ =	shalt  }
.Lfunc_end2:
_tile_overlayer_lowered:
.L_overlay_start_2:
0x344: {  	(tag) =	ssettag $0x2  }
0x345: {  	s0 =	rddreg [dreg:$0x0];
	s2 =	stileid.u32  }
0x346: {  	s1 =	rddreg [dreg:$0x1];
	p0 =	sne.s32 s2, $0x0  }
0x347: {  	s3 =	rddreg [dreg:$0x2];
	[bflag:$0x3] =	sbarrier.arrive $0xFFFF;
	s2 =	simm.s32 @!p0 $0x1C0A  }
0x348: {  	[timem:s3], [sflag:s2] =	dma.local @!p0 [hbm:s0], s1  }
0x349: {  	s0 =	simm.s32 @!p0 $0xA  }
0x34a: {  	_ =	swait.ge @!p0 [sflag:s0], s1  }
0x34b: {  	s1 =	ssub.s32 @!p0 $0x0, s1;
	[sflag:s0] =	ssyncset.done @!p0 $0x0  }
0x34c: {  	[sflag:s0] =	ssyncadd.s32 @!p0 s1  }
0x34d: {  	[bflag:$0x3] =	sbarrier.arrive $0xFFFF  }
0x34e: {  	_ =	shalt  }

</sc_bundles>
